<compile_context>
chip_gen: v7x
topology: tpu7x:2x2x1
jax: 0.10.2.dev20260603
libtpu: 0.0.44.dev20260713+nightly
codegen_flags: <defaults>
</compile_context>

<pallas_src>
import functools

import jax
import jax.numpy as jnp
import numpy as np
from jax import lax
from jax.experimental import pallas as pl
from jax.experimental.pallas import tpu as pltpu
from jax.experimental.pallas import tpu_sc as plsc

B, S, C, H, W = 8, 8, 8, 128, 128
HW = H * W
SHW = S * HW
N = B * SHW

NC, NS = 2, 16
NW = NC * NS
PER_TILE = N // NW
CH = 1024
CHUNKS = PER_TILE // CH

_GAMMA = np.float32(0.454545)

def _fry_mix(k0, k1, x0, x1):
    rots = ((13, 15, 26, 6), (17, 29, 16, 24))
    ks = (k0, k1, np.uint32(k0 ^ k1 ^ np.uint32(0x1BD11BDA)))
    x0 = x0 + ks[0]
    x1 = x1 + ks[1]
    for i in range(5):
        for r in rots[i % 2]:
            x0 = x0 + x1
            x1 = ((x1 << np.uint32(r)) | (x1 >> np.uint32(32 - r))) ^ x0
        x0 = x0 + ks[(i + 1) % 3]
        x1 = x1 + ks[(i + 2) % 3] + np.uint32(i + 1)
    return x0, x1


def _fry_permutation(seed, n):
    key = (np.uint32(0), np.uint32(seed))
    x = np.arange(n, dtype=np.int32)
    num_rounds = int(np.ceil(3 * np.log(max(1, n)) / np.log(np.iinfo(np.uint32).max)))
    with np.errstate(over='ignore'):
        for _ in range(num_rounds):
            b0, b1 = _fry_mix(key[0], key[1],
                              np.zeros(2, np.uint32), np.arange(2, dtype=np.uint32))
            key, sub = (b0[0], b1[0]), (b0[1], b1[1])
            s0, s1 = _fry_mix(sub[0], sub[1],
                              np.zeros(n, np.uint32), np.arange(n, dtype=np.uint32))
            x = x[np.argsort(s0 ^ s1, kind='stable')]
    return x


def _make_consts():
    sp = _fry_permutation(1, SHW).astype(np.int32)
    sb = _fry_permutation(2, N).astype(np.int32)
    return sp, sb


_CONSTS = _make_consts()



def _tonemap_body(x_ref, o_ref):
    x = jnp.maximum(x_ref[...], 0.0)
    y = x / (1.0 + x)
    t = jnp.exp(_GAMMA * jnp.log(y))
    o_ref[...] = jnp.where(y > 0.0, t, 0.0)


def _tonemap(ref24):
    return pl.pallas_call(
        _tonemap_body,
        out_shape=jax.ShapeDtypeStruct((B * 3, HW), jnp.float32),
    )(ref24)



PC = 2048
PR = 2048


def _sc_prep_body(pflat, rpl, ptab_o, r4_o, ch_v, out_v, r3_v, r8_v,
                  sem_i, sem_o, sem_r):
    cid = lax.axis_index("c")
    sid = lax.axis_index("s")
    wid = sid * NC + cid

    i16 = lax.iota(jnp.int32, 16)
    i8 = i16 * 8

    NCHUNK = 2 * (HW // PC)

    def in_off(c, ch):
        b = c // (HW // PC)
        cc = c % (HW // PC)
        return (wid * 2 + b) * (C * HW) + ch * HW + cc * PC

    def out_off(c):
        b = c // (HW // PC)
        cc = c % (HW // PC)
        return (wid * 2 + b) * HW * C + cc * PC * 8

    def issue_in(c, s):
        for ch in range(C):
            pltpu.async_copy(pflat.at[pl.ds(in_off(c, ch), PC)],
                             ch_v[s].at[ch], sem_i[s])

    def wait_in(s):
        for ch in range(C):
            pltpu.make_async_copy(pflat.at[pl.ds(0, PC)],
                                  ch_v[s].at[ch], sem_i[s]).wait()

    def interleave(s):
        def step(t, _):
            for ch in range(C):
                v = ch_v[s][ch, pl.ds(t * 16, 16)]
                plsc.store_scatter(out_v[s], [i8 + (t * 128 + ch)], v)
            return 0

        lax.fori_loop(0, PC // 16, step, 0)

    def issue_out(c, s):
        pltpu.async_copy(out_v[s], ptab_o.at[pl.ds(out_off(c), PC * 8)],
                         sem_o[s])

    def wait_out(s):
        pltpu.make_async_copy(out_v[s], ptab_o.at[pl.ds(0, PC * 8)],
                              sem_o[s]).wait()

    issue_in(0, 0)

    def pair_body(gg, _):
        for sub in (0, 1):
            c = gg * 2 + sub
            s = sub

            @pl.when(c + 1 < NCHUNK)
            def _():
                issue_in(c + 1, 1 - s)

            wait_in(s)

            @pl.when(c >= 2)
            def _():
                wait_out(s)

            interleave(s)
            issue_out(c, s)
        return 0

    lax.fori_loop(0, NCHUNK // 2, pair_body, 0)
    wait_out(0)
    wait_out(1)

    bq = wid // 4
    pr0 = (wid % 4) * (HW // 4)

    def r_chunk(c, _):
        p0 = pr0 + c * PR
        cps = [pltpu.async_copy(rpl.at[bq * 3 + ch, pl.ds(p0, PR)],
                                r3_v.at[ch], sem_r) for ch in range(3)]
        for cp in cps:
            cp.wait()

        def step(t, _):
            for ch in range(3):
                v = r3_v[ch, pl.ds(t * 16, 16)]
                plsc.store_scatter(r8_v, [i8 + (t * 128 + ch)], v)
            return 0

        lax.fori_loop(0, PR // 16, step, 0)
        pltpu.sync_copy(r8_v, r4_o.at[pl.ds((bq * HW + p0) * 8, PR * 8)])
        return 0

    lax.fori_loop(0, (HW // 4) // PR, r_chunk, 0)


@functools.partial(pl.kernel,
                   out_type=(jax.ShapeDtypeStruct((N * C,), jnp.float32),
                             jax.ShapeDtypeStruct((B * HW * 8,), jnp.float32)),
                   mesh=plsc.VectorSubcoreMesh(core_axis_name="c",
                                               subcore_axis_name="s"),
                   compiler_params=pltpu.CompilerParams(
                       needs_layout_passes=False,
                       use_tc_tiling_on_sc=False),
                   scratch_types=[
                       pltpu.VMEM((C, PC), jnp.float32),
                       pltpu.VMEM((C, PC), jnp.float32),
                       pltpu.VMEM((PC * 8,), jnp.float32),
                       pltpu.VMEM((PC * 8,), jnp.float32),
                       pltpu.VMEM((3, PR), jnp.float32),
                       pltpu.VMEM((PR * 8,), jnp.float32),
                       pltpu.SemaphoreType.DMA,
                       pltpu.SemaphoreType.DMA,
                       pltpu.SemaphoreType.DMA,
                       pltpu.SemaphoreType.DMA,
                       pltpu.SemaphoreType.DMA,
                   ])
def _sc_prep(pflat, rpl, ptab_o, r4_o,
             cva, cvb, ova, ovb, r3v, r8v, sia, sib, soa, sob, sr):
    _sc_prep_body(pflat, rpl, ptab_o, r4_o,
                  (cva, cvb), (ova, ovb), r3v, r8v,
                  (sia, sib), (soa, sob), sr)



def _sc_body(ptab, r4, rpl, sp_c, sb_c, out,
             plane_r, plane_g, plane_b,
             p1_v, p2p_v, p2b_v, rb4_v,
             sp_v, sb_v, gp_f, sb_f, rb_f, acc_v,
             sem_i, sem_d):
    cid = lax.axis_index("c")
    sid = lax.axis_index("s")
    wid = sid * NC + cid
    k0 = wid * PER_TILE
    bb = wid // (SHW // PER_TILE)
    j0 = (wid % (SHW // PER_TILE)) * PER_TILE
    bb_shw = bb * SHW

    pltpu.sync_copy(rpl.at[bb * 3 + 0], plane_r)
    pltpu.sync_copy(rpl.at[bb * 3 + 1], plane_g)
    pltpu.sync_copy(rpl.at[bb * 3 + 2], plane_b)

    i16 = lax.iota(jnp.int32, 16)
    i16d8 = i16 // 8
    i16m8 = i16 & 7
    c_p = [jnp.full((16,), ch, jnp.int32) for ch in range(C)]
    c_r = [jnp.full((16,), ch, jnp.int32) for ch in range(3)]

    def issue_idx(g, s):
        rk = (k0 + g * CH) // 8
        rj = (j0 + g * CH) // 8
        pltpu.async_copy(sp_c.at[pl.ds(rj, CH // 8)], sp_v[s], sem_i[s])
        pltpu.async_copy(sb_c.at[pl.ds(rk, CH // 8)], sb_v[s], sem_i[s])

    def wait_idx(s):
        pltpu.make_async_copy(sp_c.at[pl.ds(0, CH // 8)], sp_v[s], sem_i[s]).wait()
        pltpu.make_async_copy(sb_c.at[pl.ds(0, CH // 8)], sb_v[s], sem_i[s]).wait()

    def build_idx(s):
        def step(t, _):
            r0 = t * 16
            rhi = r0 // 8 + i16d8
            spv = plsc.load_gather(sp_v[s], [rhi, i16m8])
            sbv = plsc.load_gather(sb_v[s], [rhi, i16m8])
            gp_f[s][pl.ds(r0, 16)] = spv + bb_shw
            sb_f[s][pl.ds(r0, 16)] = sbv
            rb_f[s][pl.ds(r0, 16)] = (((sbv >> 17) << 14) | (sbv & (HW - 1)))
            return 0

        lax.fori_loop(0, CH // 16, step, 0)

    def issue_data(g, s):
        base_k = k0 + g * CH
        pltpu.async_copy(ptab.at[gp_f[s]], p2p_v[s], sem_d[s])
        pltpu.async_copy(ptab.at[sb_f[s]], p2b_v[s], sem_d[s])
        pltpu.async_copy(r4.at[rb_f[s]], rb4_v[s], sem_d[s])
        pltpu.async_copy(ptab.at[pl.ds(base_k, CH)], p1_v[s], sem_d[s])

    def wait_data(s):
        pltpu.make_async_copy(ptab.at[pl.ds(0, CH)], p2p_v[s], sem_d[s]).wait()
        pltpu.make_async_copy(ptab.at[pl.ds(0, CH)], p2b_v[s], sem_d[s]).wait()
        pltpu.make_async_copy(r4.at[pl.ds(0, CH)], rb4_v[s], sem_d[s]).wait()
        pltpu.make_async_copy(ptab.at[pl.ds(0, CH)], p1_v[s], sem_d[s]).wait()

    def compute(g, s, acc):
        base_j = j0 + g * CH
        pixbase = base_j & (HW - 1)

        def step(t, acc):
            r0 = t * 16
            ridx = r0 + i16
            rp16 = plsc.load_gather(sp_v[s], [r0 // 8 + i16d8, i16m8]) & (HW - 1)
            ra_r = plane_r[pl.ds(pixbase + r0, 16)]
            ra_g = plane_g[pl.ds(pixbase + r0, 16)]
            ra_b = plane_b[pl.ds(pixbase + r0, 16)]
            rpr = plsc.load_gather(plane_r, [rp16])
            rpg = plsc.load_gather(plane_g, [rp16])
            rpb = plsc.load_gather(plane_b, [rp16])
            rbr = plsc.load_gather(rb4_v[s], [ridx, c_r[0]])
            rbg = plsc.load_gather(rb4_v[s], [ridx, c_r[1]])
            rbb = plsc.load_gather(rb4_v[s], [ridx, c_r[2]])
            srp = ((ra_r - rpr) * (ra_r - rpr)
                   + (ra_g - rpg) * (ra_g - rpg)
                   + (ra_b - rpb) * (ra_b - rpb))
            srb = ((ra_r - rbr) * (ra_r - rbr)
                   + (ra_g - rbg) * (ra_g - rbg)
                   + (ra_b - rbb) * (ra_b - rbb))
            spp = jnp.zeros((16,), jnp.float32)
            spb = jnp.zeros((16,), jnp.float32)
            for ch in range(C):
                a = plsc.load_gather(p1_v[s], [ridx, c_p[ch]])
                bp = plsc.load_gather(p2p_v[s], [ridx, c_p[ch]])
                bq = plsc.load_gather(p2b_v[s], [ridx, c_p[ch]])
                dp = a - bp
                db = a - bq
                spp = spp + dp * dp
                spb = spb + db * db
            e1 = spp - srp
            e2 = spb - srb
            return acc + (e1 * e1 + e2 * e2)

        return lax.fori_loop(0, CH // 16, step, acc)

    issue_idx(0, 0)
    wait_idx(0)
    build_idx(0)
    issue_data(0, 0)
    issue_idx(1, 1)

    def pair_body(gg, acc):
        for sub in (0, 1):
            g = gg * 2 + sub
            s = sub
            o = 1 - sub

            @pl.when(g + 1 < CHUNKS)
            def _():
                wait_idx(o)
                build_idx(o)
                issue_data(g + 1, o)

            @pl.when(g + 2 < CHUNKS)
            def _():
                issue_idx(g + 2, s)

            wait_data(s)
            acc = compute(g, s, acc)
        return acc

    acc = lax.fori_loop(0, CHUNKS // 2, pair_body,
                        jnp.zeros((16,), jnp.float32))
    acc_v[...] = acc
    pltpu.sync_copy(acc_v, out.at[wid])


_MAIN_SCRATCH = (
    [pltpu.VMEM((HW,), jnp.float32)] * 3
    + [pltpu.VMEM((CH, C), jnp.float32)] * 8
    + [pltpu.VMEM((CH // 8, 8), jnp.int32)] * 4
    + [pltpu.VMEM((CH,), jnp.int32)] * 6
    + [pltpu.VMEM((16,), jnp.float32)]
    + [pltpu.SemaphoreType.DMA] * 4
)


@functools.partial(pl.kernel,
                   out_type=jax.ShapeDtypeStruct((NW, 16), jnp.float32),
                   mesh=plsc.VectorSubcoreMesh(core_axis_name="c",
                                               subcore_axis_name="s"),
                   compiler_params=pltpu.CompilerParams(
                       needs_layout_passes=False,
                       use_tc_tiling_on_sc=False),
                   scratch_types=_MAIN_SCRATCH)
def _sc_pass(ptab, r4, rpl, sp_c, sb_c, out,
             pr, pg, pb,
             p1a, p1b, p2pa, p2pb, p2ba, p2bb, rb4a, rb4b,
             spa, spb2, sba, sbb,
             gpfa, gpfb, sbfa, sbfb, rbfa, rbfb,
             accv, si0, si1, sd0, sd1):
    _sc_body(ptab, r4, rpl, sp_c, sb_c, out,
             pr, pg, pb,
             (p1a, p1b), (p2pa, p2pb), (p2ba, p2bb), (rb4a, rb4b),
             (spa, spb2), (sba, sbb),
             (gpfa, gpfb), (sbfa, sbfb), (rbfa, rbfb),
             accv, (si0, si1), (sd0, sd1))



def kernel(p_buffer, ref):
    sp, sb = _CONSTS

    rpl = _tonemap(ref.reshape(B * 3, HW))
    ptabflat, r4flat = _sc_prep(p_buffer.reshape(-1), rpl)
    ptab = ptabflat.reshape(N, C)
    r4 = r4flat.reshape(B * HW, 8)

    out = _sc_pass(ptab, r4, rpl,
                   jnp.asarray(sp.reshape(-1, 8)), jnp.asarray(sb.reshape(-1, 8)))
    return (np.float32(0.125) / np.float32(N)) * jnp.sum(out)

# --- scband reference (transcript-rebuilt; emitter-appended) ---
"""Pipeline reference for scband-feature-mse-31825707663427 (READ-ONLY COPY).

The authoritative reference and input builder live on the scoring server;
editing this copy changes nothing except your own understanding.
"""

import jax, jax.numpy as jnp
import numpy as np


def _tonemap_gamma(img):
    img = jnp.clip(img, 0.0)
    return (img / (1.0 + img)) ** 0.454545


def setup_inputs(seed: int = 0) -> dict:
    key = jax.random.key(seed)
    k1, k2 = jax.random.split(key)
    p_buffer = jax.random.normal(k1, (8, 8, 8, 128, 128), dtype=jnp.float32)
    ref = jax.random.uniform(k2, (8, 3, 128, 128), dtype=jnp.float32)
    return {"p_buffer": p_buffer, "ref": ref}


def _forward(p_buffer, ref):
    b, s, c, h, w = p_buffer.shape
    # color == 'rgb': only tonemap the reference
    ref_t = _tonemap_gamma(ref)
    # stack ref S times along new dim 1 -> (b, s, 3, h, w)
    ref_s = jnp.broadcast_to(ref_t[:, None, :, :, :], (b, s, 3, h, w))

    # fixed permutations (torch.randperm analogue, deterministic keys)
    idx_patch = jax.random.permutation(jax.random.key(1), s * h * w)
    idx_batch = jax.random.permutation(jax.random.key(2), b * s * h * w)

    # ---- intra_patch_dist ----
    ref_1 = jnp.transpose(ref_s, (0, 1, 3, 4, 2)).reshape(b, s * h * w, 3)
    ref_2 = jnp.take(ref_1, idx_patch, axis=1)
    mse_rad_inter = 0.5 * jnp.sum((ref_1 - ref_2) ** 2, axis=2)
    p_1 = jnp.transpose(p_buffer, (0, 1, 3, 4, 2)).reshape(b, s * h * w, c)
    p_2 = jnp.take(p_1, idx_patch, axis=1)
    mse_p_inter = 0.5 * jnp.sum((p_1 - p_2) ** 2, axis=2)
    loss_p = 0.5 * jnp.mean((mse_p_inter - mse_rad_inter) ** 2)

    # ---- intra_batch_dist (non_local=True) ----
    ref_1b = ref_1.reshape(-1, 3)
    ref_2b = jnp.take(ref_1b, idx_batch, axis=0)
    mse_rad_b = 0.5 * jnp.sum((ref_1b - ref_2b) ** 2, axis=1)
    p_1b = p_1.reshape(-1, c)
    p_2b = jnp.take(p_1b, idx_batch, axis=0)
    mse_p_b = 0.5 * jnp.sum((p_1b - p_2b) ** 2, axis=1)
    loss_b = 0.5 * jnp.mean((mse_p_b - mse_rad_b) ** 2)

    return loss_p + loss_b


def reference(p_buffer, ref):
    return _forward(p_buffer, ref)

if __name__ == "__main__":
    import jax
    _d = setup_inputs()
    print(jax.jit(kernel)(*tuple(_d.values())))

</pallas_src>

<mosaic_0001>
#map = affine_map<(d0, d1) -> (0)>
#map1 = affine_map<(d0, d1) -> (0, 0)>
module attributes {stable_mosaic.version = 14 : i64} {
  func.func @_sc_prep(%arg0: i32, %arg1: i32, %arg2: memref<8388608xf32, #tpu.memory_space<hbm>>, %arg3: memref<24x16384xf32, #tpu.memory_space<hbm>>, %arg4: memref<8388608xf32, #tpu.memory_space<hbm>>, %arg5: memref<1048576xf32, #tpu.memory_space<hbm>>, %arg6: memref<8x2048xf32, #tpu.memory_space<vmem>>, %arg7: memref<8x2048xf32, #tpu.memory_space<vmem>>, %arg8: memref<16384xf32, #tpu.memory_space<vmem>>, %arg9: memref<16384xf32, #tpu.memory_space<vmem>>, %arg10: memref<3x2048xf32, #tpu.memory_space<vmem>>, %arg11: memref<16384xf32, #tpu.memory_space<vmem>>, %arg12: memref<!tpu.dma_semaphore, #tpu.memory_space<semaphore_mem>>, %arg13: memref<!tpu.dma_semaphore, #tpu.memory_space<semaphore_mem>>, %arg14: memref<!tpu.dma_semaphore, #tpu.memory_space<semaphore_mem>>, %arg15: memref<!tpu.dma_semaphore, #tpu.memory_space<semaphore_mem>>, %arg16: memref<!tpu.dma_semaphore, #tpu.memory_space<semaphore_mem>>) attributes {dimension_semantics = [#tpu.dimension_semantics<core_parallel>, #tpu.dimension_semantics<subcore_parallel>], iteration_bounds = array<i64: 2, 16>, scalar_prefetch = 0 : i64, scratch_operands = 11 : i64, tpu.core_type = #tpu.core_type<sc_vector_subcore>, window_params = [{transform_indices = #map}, {transform_indices = #map1}, {transform_indices = #map}, {transform_indices = #map}]} {
    %mul3A = arith.constant 2 : i32
    %mul3A_0 = arith.muli %arg1, %mul3A : i32
    %add3A = arith.addi %mul3A_0, %arg0 : i32
    %iota3A = tpu.iota {dimensions = array<i32: 0>} : vector<16xi32>
    %mul3A_1 = arith.constant 8 : i32
    %mul3A_2 = vector.broadcast %mul3A_1 : i32 to vector<16xi32>
    %mul3A_3 = arith.muli %iota3A, %mul3A_2 : vector<16xi32>
    %mul3A_4 = arith.constant 2 : i32
    %mul3A_5 = arith.muli %add3A, %mul3A_4 : i32
    %add3A_6 = arith.constant 0 : i32
    %add3A_7 = arith.addi %mul3A_5, %add3A_6 : i32
    %mul3A_8 = arith.constant 131072 : i32
    %mul3A_9 = arith.muli %add3A_7, %mul3A_8 : i32
    %add3A_10 = arith.constant 0 : i32
    %add3A_11 = arith.addi %mul3A_9, %add3A_10 : i32
    %add3A_12 = arith.constant 0 : i32
    %add3A_13 = arith.addi %add3A_11, %add3A_12 : i32
    %dma_start3A = arith.constant 0 : i32
    %dma_start3A_14 = arith.constant 0 : i32
    %dma_start3A_15 = tpu.memref_slice %arg6[%dma_start3A, %dma_start3A_14] : memref<8x2048xf32, #tpu.memory_space<vmem>> -> memref<1x2048xf32, #tpu.memory_space<vmem>>
    %dma_start3A_16 = tpu.memref_squeeze %dma_start3A_15 : memref<1x2048xf32, #tpu.memory_space<vmem>> -> memref<2048xf32, #tpu.memory_space<vmem>>
    %dma_start3A_17 = tpu.memref_slice %arg2[%add3A_13] : memref<8388608xf32, #tpu.memory_space<hbm>> -> memref<2048xf32, #tpu.memory_space<hbm>>
    %dma_start3A_18 = arith.constant 0 : i32
    %dma_start3A_19 = tpu.memref_slice %arg6[%dma_start3A, %dma_start3A_18] : memref<8x2048xf32, #tpu.memory_space<vmem>> -> memref<1x2048xf32, #tpu.memory_space<vmem>>
    %dma_start3A_20 = tpu.memref_squeeze %dma_start3A_19 : memref<1x2048xf32, #tpu.memory_space<vmem>> -> memref<2048xf32, #tpu.memory_space<vmem>>
    %dma_start3A_21 = tpu.memref_slice %arg2[%add3A_13] : memref<8388608xf32, #tpu.memory_space<hbm>> -> memref<2048xf32, #tpu.memory_space<hbm>>
    tpu.enqueue_dma source(%dma_start3A_21 : memref<2048xf32, #tpu.memory_space<hbm>>) target(%dma_start3A_20 : memref<2048xf32, #tpu.memory_space<vmem>>) target_semaphore(%arg12 : memref<!tpu.dma_semaphore, #tpu.memory_space<semaphore_mem>>)
    %mul3A_22 = arith.constant 2 : i32
    %mul3A_23 = arith.muli %add3A, %mul3A_22 : i32
    %add3A_24 = arith.constant 0 : i32
    %add3A_25 = arith.addi %mul3A_23, %add3A_24 : i32
    %mul3A_26 = arith.constant 131072 : i32
    %mul3A_27 = arith.muli %add3A_25, %mul3A_26 : i32
    %add3A_28 = arith.constant 16384 : i32
    %add3A_29 = arith.addi %mul3A_27, %add3A_28 : i32
    %add3A_30 = arith.constant 0 : i32
    %add3A_31 = arith.addi %add3A_29, %add3A_30 : i32
    %dma_start3A_32 = arith.constant 1 : i32
    %dma_start3A_33 = arith.constant 0 : i32
    %dma_start3A_34 = tpu.memref_slice %arg6[%dma_start3A_32, %dma_start3A_33] : memref<8x2048xf32, #tpu.memory_space<vmem>> -> memref<1x2048xf32, #tpu.memory_space<vmem>>
    %dma_start3A_35 = tpu.memref_squeeze %dma_start3A_34 : memref<1x2048xf32, #tpu.memory_space<vmem>> -> memref<2048xf32, #tpu.memory_space<vmem>>
    %dma_start3A_36 = tpu.memref_slice %arg2[%add3A_31] : memref<8388608xf32, #tpu.memory_space<hbm>> -> memref<2048xf32, #tpu.memory_space<hbm>>
    %dma_start3A_37 = arith.constant 0 : i32
    %dma_start3A_38 = tpu.memref_slice %arg6[%dma_start3A_32, %dma_start3A_37] : memref<8x2048xf32, #tpu.memory_space<vmem>> -> memref<1x2048xf32, #tpu.memory_space<vmem>>
    %dma_start3A_39 = tpu.memref_squeeze %dma_start3A_38 : memref<1x2048xf32, #tpu.memory_space<vmem>> -> memref<2048xf32, #tpu.memory_space<vmem>>
    %dma_start3A_40 = tpu.memref_slice %arg2[%add3A_31] : memref<8388608xf32, #tpu.memory_space<hbm>> -> memref<2048xf32, #tpu.memory_space<hbm>>
    tpu.enqueue_dma source(%dma_start3A_40 : memref<2048xf32, #tpu.memory_space<hbm>>) target(%dma_start3A_39 : memref<2048xf32, #tpu.memory_space<vmem>>) target_semaphore(%arg12 : memref<!tpu.dma_semaphore, #tpu.memory_space<semaphore_mem>>)
    %mul3A_41 = arith.constant 2 : i32
    %mul3A_42 = arith.muli %add3A, %mul3A_41 : i32
    %add3A_43 = arith.constant 0 : i32
    %add3A_44 = arith.addi %mul3A_42, %add3A_43 : i32
    %mul3A_45 = arith.constant 131072 : i32
    %mul3A_46 = arith.muli %add3A_44, %mul3A_45 : i32
    %add3A_47 = arith.constant 32768 : i32
    %add3A_48 = arith.addi %mul3A_46, %add3A_47 : i32
    %add3A_49 = arith.constant 0 : i32
    %add3A_50 = arith.addi %add3A_48, %add3A_49 : i32
    %dma_start3A_51 = arith.constant 2 : i32
    %dma_start3A_52 = arith.constant 0 : i32
    %dma_start3A_53 = tpu.memref_slice %arg6[%dma_start3A_51, %dma_start3A_52] : memref<8x2048xf32, #tpu.memory_space<vmem>> -> memref<1x2048xf32, #tpu.memory_space<vmem>>
    %dma_start3A_54 = tpu.memref_squeeze %dma_start3A_53 : memref<1x2048xf32, #tpu.memory_space<vmem>> -> memref<2048xf32, #tpu.memory_space<vmem>>
    %dma_start3A_55 = tpu.memref_slice %arg2[%add3A_50] : memref<8388608xf32, #tpu.memory_space<hbm>> -> memref<2048xf32, #tpu.memory_space<hbm>>
    %dma_start3A_56 = arith.constant 0 : i32
    %dma_start3A_57 = tpu.memref_slice %arg6[%dma_start3A_51, %dma_start3A_56] : memref<8x2048xf32, #tpu.memory_space<vmem>> -> memref<1x2048xf32, #tpu.memory_space<vmem>>
    %dma_start3A_58 = tpu.memref_squeeze %dma_start3A_57 : memref<1x2048xf32, #tpu.memory_space<vmem>> -> memref<2048xf32, #tpu.memory_space<vmem>>
    %dma_start3A_59 = tpu.memref_slice %arg2[%add3A_50] : memref<8388608xf32, #tpu.memory_space<hbm>> -> memref<2048xf32, #tpu.memory_space<hbm>>
    tpu.enqueue_dma source(%dma_start3A_59 : memref<2048xf32, #tpu.memory_space<hbm>>) target(%dma_start3A_58 : memref<2048xf32, #tpu.memory_space<vmem>>) target_semaphore(%arg12 : memref<!tpu.dma_semaphore, #tpu.memory_space<semaphore_mem>>)
    %mul3A_60 = arith.constant 2 : i32
    %mul3A_61 = arith.muli %add3A, %mul3A_60 : i32
    %add3A_62 = arith.constant 0 : i32
    %add3A_63 = arith.addi %mul3A_61, %add3A_62 : i32
    %mul3A_64 = arith.constant 131072 : i32
    %mul3A_65 = arith.muli %add3A_63, %mul3A_64 : i32
    %add3A_66 = arith.constant 49152 : i32
    %add3A_67 = arith.addi %mul3A_65, %add3A_66 : i32
    %add3A_68 = arith.constant 0 : i32
    %add3A_69 = arith.addi %add3A_67, %add3A_68 : i32
    %dma_start3A_70 = arith.constant 3 : i32
    %dma_start3A_71 = arith.constant 0 : i32
    %dma_start3A_72 = tpu.memref_slice %arg6[%dma_start3A_70, %dma_start3A_71] : memref<8x2048xf32, #tpu.memory_space<vmem>> -> memref<1x2048xf32, #tpu.memory_space<vmem>>
    %dma_start3A_73 = tpu.memref_squeeze %dma_start3A_72 : memref<1x2048xf32, #tpu.memory_space<vmem>> -> memref<2048xf32, #tpu.memory_space<vmem>>
    %dma_start3A_74 = tpu.memref_slice %arg2[%add3A_69] : memref<8388608xf32, #tpu.memory_space<hbm>> -> memref<2048xf32, #tpu.memory_space<hbm>>
    %dma_start3A_75 = arith.constant 0 : i32
    %dma_start3A_76 = tpu.memref_slice %arg6[%dma_start3A_70, %dma_start3A_75] : memref<8x2048xf32, #tpu.memory_space<vmem>> -> memref<1x2048xf32, #tpu.memory_space<vmem>>
    %dma_start3A_77 = tpu.memref_squeeze %dma_start3A_76 : memref<1x2048xf32, #tpu.memory_space<vmem>> -> memref<2048xf32, #tpu.memory_space<vmem>>
    %dma_start3A_78 = tpu.memref_slice %arg2[%add3A_69] : memref<8388608xf32, #tpu.memory_space<hbm>> -> memref<2048xf32, #tpu.memory_space<hbm>>
    tpu.enqueue_dma source(%dma_start3A_78 : memref<2048xf32, #tpu.memory_space<hbm>>) target(%dma_start3A_77 : memref<2048xf32, #tpu.memory_space<vmem>>) target_semaphore(%arg12 : memref<!tpu.dma_semaphore, #tpu.memory_space<semaphore_mem>>)
    %mul3A_79 = arith.constant 2 : i32
    %mul3A_80 = arith.muli %add3A, %mul3A_79 : i32
    %add3A_81 = arith.constant 0 : i32
    %add3A_82 = arith.addi %mul3A_80, %add3A_81 : i32
    %mul3A_83 = arith.constant 131072 : i32
    %mul3A_84 = arith.muli %add3A_82, %mul3A_83 : i32
    %add3A_85 = arith.constant 65536 : i32
    %add3A_86 = arith.addi %mul3A_84, %add3A_85 : i32
    %add3A_87 = arith.constant 0 : i32
    %add3A_88 = arith.addi %add3A_86, %add3A_87 : i32
    %dma_start3A_89 = arith.constant 4 : i32
    %dma_start3A_90 = arith.constant 0 : i32
    %dma_start3A_91 = tpu.memref_slice %arg6[%dma_start3A_89, %dma_start3A_90] : memref<8x2048xf32, #tpu.memory_space<vmem>> -> memref<1x2048xf32, #tpu.memory_space<vmem>>
    %dma_start3A_92 = tpu.memref_squeeze %dma_start3A_91 : memref<1x2048xf32, #tpu.memory_space<vmem>> -> memref<2048xf32, #tpu.memory_space<vmem>>
    %dma_start3A_93 = tpu.memref_slice %arg2[%add3A_88] : memref<8388608xf32, #tpu.memory_space<hbm>> -> memref<2048xf32, #tpu.memory_space<hbm>>
    %dma_start3A_94 = arith.constant 0 : i32
    %dma_start3A_95 = tpu.memref_slice %arg6[%dma_start3A_89, %dma_start3A_94] : memref<8x2048xf32, #tpu.memory_space<vmem>> -> memref<1x2048xf32, #tpu.memory_space<vmem>>
    %dma_start3A_96 = tpu.memref_squeeze %dma_start3A_95 : memref<1x2048xf32, #tpu.memory_space<vmem>> -> memref<2048xf32, #tpu.memory_space<vmem>>
    %dma_start3A_97 = tpu.memref_slice %arg2[%add3A_88] : memref<8388608xf32, #tpu.memory_space<hbm>> -> memref<2048xf32, #tpu.memory_space<hbm>>
    tpu.enqueue_dma source(%dma_start3A_97 : memref<2048xf32, #tpu.memory_space<hbm>>) target(%dma_start3A_96 : memref<2048xf32, #tpu.memory_space<vmem>>) target_semaphore(%arg12 : memref<!tpu.dma_semaphore, #tpu.memory_space<semaphore_mem>>)
    %mul3A_98 = arith.constant 2 : i32
    %mul3A_99 = arith.muli %add3A, %mul3A_98 : i32
    %add3A_100 = arith.constant 0 : i32
    %add3A_101 = arith.addi %mul3A_99, %add3A_100 : i32
    %mul3A_102 = arith.constant 131072 : i32
    %mul3A_103 = arith.muli %add3A_101, %mul3A_102 : i32
    %add3A_104 = arith.constant 81920 : i32
    %add3A_105 = arith.addi %mul3A_103, %add3A_104 : i32
    %add3A_106 = arith.constant 0 : i32
    %add3A_107 = arith.addi %add3A_105, %add3A_106 : i32
    %dma_start3A_108 = arith.constant 5 : i32
    %dma_start3A_109 = arith.constant 0 : i32
    %dma_start3A_110 = tpu.memref_slice %arg6[%dma_start3A_108, %dma_start3A_109] : memref<8x2048xf32, #tpu.memory_space<vmem>> -> memref<1x2048xf32, #tpu.memory_space<vmem>>
    %dma_start3A_111 = tpu.memref_squeeze %dma_start3A_110 : memref<1x2048xf32, #tpu.memory_space<vmem>> -> memref<2048xf32, #tpu.memory_space<vmem>>
    %dma_start3A_112 = tpu.memref_slice %arg2[%add3A_107] : memref<8388608xf32, #tpu.memory_space<hbm>> -> memref<2048xf32, #tpu.memory_space<hbm>>
    %dma_start3A_113 = arith.constant 0 : i32
    %dma_start3A_114 = tpu.memref_slice %arg6[%dma_start3A_108, %dma_start3A_113] : memref<8x2048xf32, #tpu.memory_space<vmem>> -> memref<1x2048xf32, #tpu.memory_space<vmem>>
    %dma_start3A_115 = tpu.memref_squeeze %dma_start3A_114 : memref<1x2048xf32, #tpu.memory_space<vmem>> -> memref<2048xf32, #tpu.memory_space<vmem>>
    %dma_start3A_116 = tpu.memref_slice %arg2[%add3A_107] : memref<8388608xf32, #tpu.memory_space<hbm>> -> memref<2048xf32, #tpu.memory_space<hbm>>
    tpu.enqueue_dma source(%dma_start3A_116 : memref<2048xf32, #tpu.memory_space<hbm>>) target(%dma_start3A_115 : memref<2048xf32, #tpu.memory_space<vmem>>) target_semaphore(%arg12 : memref<!tpu.dma_semaphore, #tpu.memory_space<semaphore_mem>>)
    %mul3A_117 = arith.constant 2 : i32
    %mul3A_118 = arith.muli %add3A, %mul3A_117 : i32
    %add3A_119 = arith.constant 0 : i32
    %add3A_120 = arith.addi %mul3A_118, %add3A_119 : i32
    %mul3A_121 = arith.constant 131072 : i32
    %mul3A_122 = arith.muli %add3A_120, %mul3A_121 : i32
    %add3A_123 = arith.constant 98304 : i32
    %add3A_124 = arith.addi %mul3A_122, %add3A_123 : i32
    %add3A_125 = arith.constant 0 : i32
    %add3A_126 = arith.addi %add3A_124, %add3A_125 : i32
    %dma_start3A_127 = arith.constant 6 : i32
    %dma_start3A_128 = arith.constant 0 : i32
    %dma_start3A_129 = tpu.memref_slice %arg6[%dma_start3A_127, %dma_start3A_128] : memref<8x2048xf32, #tpu.memory_space<vmem>> -> memref<1x2048xf32, #tpu.memory_space<vmem>>
    %dma_start3A_130 = tpu.memref_squeeze %dma_start3A_129 : memref<1x2048xf32, #tpu.memory_space<vmem>> -> memref<2048xf32, #tpu.memory_space<vmem>>
    %dma_start3A_131 = tpu.memref_slice %arg2[%add3A_126] : memref<8388608xf32, #tpu.memory_space<hbm>> -> memref<2048xf32, #tpu.memory_space<hbm>>
    %dma_start3A_132 = arith.constant 0 : i32
    %dma_start3A_133 = tpu.memref_slice %arg6[%dma_start3A_127, %dma_start3A_132] : memref<8x2048xf32, #tpu.memory_space<vmem>> -> memref<1x2048xf32, #tpu.memory_space<vmem>>
    %dma_start3A_134 = tpu.memref_squeeze %dma_start3A_133 : memref<1x2048xf32, #tpu.memory_space<vmem>> -> memref<2048xf32, #tpu.memory_space<vmem>>
    %dma_start3A_135 = tpu.memref_slice %arg2[%add3A_126] : memref<8388608xf32, #tpu.memory_space<hbm>> -> memref<2048xf32, #tpu.memory_space<hbm>>
    tpu.enqueue_dma source(%dma_start3A_135 : memref<2048xf32, #tpu.memory_space<hbm>>) target(%dma_start3A_134 : memref<2048xf32, #tpu.memory_space<vmem>>) target_semaphore(%arg12 : memref<!tpu.dma_semaphore, #tpu.memory_space<semaphore_mem>>)
    %mul3A_136 = arith.constant 2 : i32
    %mul3A_137 = arith.muli %add3A, %mul3A_136 : i32
    %add3A_138 = arith.constant 0 : i32
    %add3A_139 = arith.addi %mul3A_137, %add3A_138 : i32
    %mul3A_140 = arith.constant 131072 : i32
    %mul3A_141 = arith.muli %add3A_139, %mul3A_140 : i32
    %add3A_142 = arith.constant 114688 : i32
    %add3A_143 = arith.addi %mul3A_141, %add3A_142 : i32
    %add3A_144 = arith.constant 0 : i32
    %add3A_145 = arith.addi %add3A_143, %add3A_144 : i32
    %dma_start3A_146 = arith.constant 7 : i32
    %dma_start3A_147 = arith.constant 0 : i32
    %dma_start3A_148 = tpu.memref_slice %arg6[%dma_start3A_146, %dma_start3A_147] : memref<8x2048xf32, #tpu.memory_space<vmem>> -> memref<1x2048xf32, #tpu.memory_space<vmem>>
    %dma_start3A_149 = tpu.memref_squeeze %dma_start3A_148 : memref<1x2048xf32, #tpu.memory_space<vmem>> -> memref<2048xf32, #tpu.memory_space<vmem>>
    %dma_start3A_150 = tpu.memref_slice %arg2[%add3A_145] : memref<8388608xf32, #tpu.memory_space<hbm>> -> memref<2048xf32, #tpu.memory_space<hbm>>
    %dma_start3A_151 = arith.constant 0 : i32
    %dma_start3A_152 = tpu.memref_slice %arg6[%dma_start3A_146, %dma_start3A_151] : memref<8x2048xf32, #tpu.memory_space<vmem>> -> memref<1x2048xf32, #tpu.memory_space<vmem>>
    %dma_start3A_153 = tpu.memref_squeeze %dma_start3A_152 : memref<1x2048xf32, #tpu.memory_space<vmem>> -> memref<2048xf32, #tpu.memory_space<vmem>>
    %dma_start3A_154 = tpu.memref_slice %arg2[%add3A_145] : memref<8388608xf32, #tpu.memory_space<hbm>> -> memref<2048xf32, #tpu.memory_space<hbm>>
    tpu.enqueue_dma source(%dma_start3A_154 : memref<2048xf32, #tpu.memory_space<hbm>>) target(%dma_start3A_153 : memref<2048xf32, #tpu.memory_space<vmem>>) target_semaphore(%arg12 : memref<!tpu.dma_semaphore, #tpu.memory_space<semaphore_mem>>)
    %scan3A = arith.constant 0 : i32
    %scan3A_155 = arith.constant 0 : i32
    %scan3A_156 = arith.constant 8 : i32
    %scan3A_157 = arith.addi %scan3A_155, %scan3A_156 : i32
    %scan3A_158 = arith.constant 1 : i32
    %scan3A_159 = scf.for %scan3A_207 = %scan3A_155 to %scan3A_157 step %scan3A_158 iter_args(%scan3A_208 = %scan3A) -> (i32)  : i32 {
      %mul3A_209 = arith.constant 2 : i32
      %mul3A_210 = arith.muli %scan3A_207, %mul3A_209 : i32
      %add3A_211 = arith.constant 0 : i32
      %add3A_212 = arith.addi %mul3A_210, %add3A_211 : i32
      %add3A_213 = arith.constant 1 : i32
      %add3A_214 = arith.addi %add3A_212, %add3A_213 : i32
      %lt3A_215 = arith.constant 16 : i32
      %lt3A_216 = arith.cmpi slt, %add3A_214, %lt3A_215 : i32
      %convert_element_type3A = arith.extui %lt3A_216 : i1 to i32
      %cond3A = arith.constant 0 : i32
      %cond3A_217 = arith.cmpi ne, %convert_element_type3A, %cond3A : i32
      scf.if %cond3A_217 {
        %add3A_537 = arith.constant 1 : i32
        %add3A_538 = arith.addi %add3A_212, %add3A_537 : i32
        %jit3A_539 = arith.constant 8 : i32
        %div3A_540 = arith.divsi %add3A_538, %jit3A_539 : i32
        %sign3A_541 = arith.constant 0 : i32
        %sign3A_542 = arith.cmpi sgt, %add3A_538, %sign3A_541 : i32
        %sign3A_543 = arith.extui %sign3A_542 : i1 to i32
        %sign3A_544 = arith.constant 0 : i32
        %sign3A_545 = arith.cmpi slt, %add3A_538, %sign3A_544 : i32
        %sign3A_546 = arith.extui %sign3A_545 : i1 to i32
        %sign3A_547 = arith.subi %sign3A_543, %sign3A_546 : i32
        %sign3A_548 = arith.constant 0 : i32
        %sign3A_549 = arith.cmpi sgt, %jit3A_539, %sign3A_548 : i32
        %sign3A_550 = arith.extui %sign3A_549 : i1 to i32
        %sign3A_551 = arith.constant 0 : i32
        %sign3A_552 = arith.cmpi slt, %jit3A_539, %sign3A_551 : i32
        %sign3A_553 = arith.extui %sign3A_552 : i1 to i32
        %sign3A_554 = arith.subi %sign3A_550, %sign3A_553 : i32
        %ne3A_555 = arith.cmpi ne, %sign3A_547, %sign3A_554 : i32
        %rem3A_556 = arith.remsi %add3A_538, %jit3A_539 : i32
        %ne3A_557 = arith.constant 0 : i32
        %ne3A_558 = arith.cmpi ne, %rem3A_556, %ne3A_557 : i32
        %and3A_559 = arith.andi %ne3A_555, %ne3A_558 : i1
        %sub3A_560 = arith.constant 1 : i32
        %sub3A_561 = arith.subi %div3A_540, %sub3A_560 : i32
        %select_n3A_562 = arith.select %and3A_559, %sub3A_561, %div3A_540 : i32
        %jit3A_563 = arith.constant 8 : i32
        %eq3A_564 = arith.constant 0 : i32
        %eq3A_565 = arith.cmpi eq, %jit3A_563, %eq3A_564 : i32
        %jit3A_566 = arith.constant 1 : i32
        %select_n3A_567 = arith.select %eq3A_565, %jit3A_566, %jit3A_563 : i32
        %rem3A_568 = arith.remsi %add3A_538, %select_n3A_567 : i32
        %ne3A_569 = arith.constant 0 : i32
        %ne3A_570 = arith.cmpi ne, %rem3A_568, %ne3A_569 : i32
        %lt3A_571 = arith.constant 0 : i32
        %lt3A_572 = arith.cmpi slt, %rem3A_568, %lt3A_571 : i32
        %lt3A_573 = arith.constant 0 : i32
        %lt3A_574 = arith.cmpi slt, %select_n3A_567, %lt3A_573 : i32
        %ne3A_575 = arith.xori %lt3A_572, %lt3A_574 : i1
        %and3A_576 = arith.andi %ne3A_575, %ne3A_570 : i1
        %add3A_577 = arith.addi %rem3A_568, %select_n3A_567 : i32
        %select_n3A_578 = arith.select %and3A_576, %add3A_577, %rem3A_568 : i32
        %mul3A_579 = arith.constant 2 : i32
        %mul3A_580 = arith.muli %add3A, %mul3A_579 : i32
        %add3A_581 = arith.addi %mul3A_580, %select_n3A_562 : i32
        %mul3A_582 = arith.constant 131072 : i32
        %mul3A_583 = arith.muli %add3A_581, %mul3A_582 : i32
        %add3A_584 = arith.constant 0 : i32
        %add3A_585 = arith.addi %mul3A_583, %add3A_584 : i32
        %mul3A_586 = arith.constant 2048 : i32
        %mul3A_587 = arith.muli %select_n3A_578, %mul3A_586 : i32
        %add3A_588 = arith.addi %add3A_585, %mul3A_587 : i32
        %dma_start3A_589 = arith.constant 0 : i32
        %dma_start3A_590 = arith.constant 0 : i32
        %dma_start3A_591 = tpu.memref_slice %arg7[%dma_start3A_589, %dma_start3A_590] : memref<8x2048xf32, #tpu.memory_space<vmem>> -> memref<1x2048xf32, #tpu.memory_space<vmem>>
        %dma_start3A_592 = tpu.memref_squeeze %dma_start3A_591 : memref<1x2048xf32, #tpu.memory_space<vmem>> -> memref<2048xf32, #tpu.memory_space<vmem>>
        %dma_start3A_593 = tpu.memref_slice %arg2[%add3A_588] : memref<8388608xf32, #tpu.memory_space<hbm>> -> memref<2048xf32, #tpu.memory_space<hbm>>
        %dma_start3A_594 = arith.constant 0 : i32
        %dma_start3A_595 = tpu.memref_slice %arg7[%dma_start3A_589, %dma_start3A_594] : memref<8x2048xf32, #tpu.memory_space<vmem>> -> memref<1x2048xf32, #tpu.memory_space<vmem>>
        %dma_start3A_596 = tpu.memref_squeeze %dma_start3A_595 : memref<1x2048xf32, #tpu.memory_space<vmem>> -> memref<2048xf32, #tpu.memory_space<vmem>>
        %dma_start3A_597 = tpu.memref_slice %arg2[%add3A_588] : memref<8388608xf32, #tpu.memory_space<hbm>> -> memref<2048xf32, #tpu.memory_space<hbm>>
        tpu.enqueue_dma source(%dma_start3A_597 : memref<2048xf32, #tpu.memory_space<hbm>>) target(%dma_start3A_596 : memref<2048xf32, #tpu.memory_space<vmem>>) target_semaphore(%arg13 : memref<!tpu.dma_semaphore, #tpu.memory_space<semaphore_mem>>)
        %jit3A_598 = arith.constant 8 : i32
        %div3A_599 = arith.divsi %add3A_538, %jit3A_598 : i32
        %sign3A_600 = arith.constant 0 : i32
        %sign3A_601 = arith.cmpi sgt, %add3A_538, %sign3A_600 : i32
        %sign3A_602 = arith.extui %sign3A_601 : i1 to i32
        %sign3A_603 = arith.constant 0 : i32
        %sign3A_604 = arith.cmpi slt, %add3A_538, %sign3A_603 : i32
        %sign3A_605 = arith.extui %sign3A_604 : i1 to i32
        %sign3A_606 = arith.subi %sign3A_602, %sign3A_605 : i32
        %sign3A_607 = arith.constant 0 : i32
        %sign3A_608 = arith.cmpi sgt, %jit3A_598, %sign3A_607 : i32
        %sign3A_609 = arith.extui %sign3A_608 : i1 to i32
        %sign3A_610 = arith.constant 0 : i32
        %sign3A_611 = arith.cmpi slt, %jit3A_598, %sign3A_610 : i32
        %sign3A_612 = arith.extui %sign3A_611 : i1 to i32
        %sign3A_613 = arith.subi %sign3A_609, %sign3A_612 : i32
        %ne3A_614 = arith.cmpi ne, %sign3A_606, %sign3A_613 : i32
        %rem3A_615 = arith.remsi %add3A_538, %jit3A_598 : i32
        %ne3A_616 = arith.constant 0 : i32
        %ne3A_617 = arith.cmpi ne, %rem3A_615, %ne3A_616 : i32
        %and3A_618 = arith.andi %ne3A_614, %ne3A_617 : i1
        %sub3A_619 = arith.constant 1 : i32
        %sub3A_620 = arith.subi %div3A_599, %sub3A_619 : i32
        %select_n3A_621 = arith.select %and3A_618, %sub3A_620, %div3A_599 : i32
        %jit3A_622 = arith.constant 8 : i32
        %eq3A_623 = arith.constant 0 : i32
        %eq3A_624 = arith.cmpi eq, %jit3A_622, %eq3A_623 : i32
        %jit3A_625 = arith.constant 1 : i32
        %select_n3A_626 = arith.select %eq3A_624, %jit3A_625, %jit3A_622 : i32
        %rem3A_627 = arith.remsi %add3A_538, %select_n3A_626 : i32
        %ne3A_628 = arith.constant 0 : i32
        %ne3A_629 = arith.cmpi ne, %rem3A_627, %ne3A_628 : i32
        %lt3A_630 = arith.constant 0 : i32
        %lt3A_631 = arith.cmpi slt, %rem3A_627, %lt3A_630 : i32
        %lt3A_632 = arith.constant 0 : i32
        %lt3A_633 = arith.cmpi slt, %select_n3A_626, %lt3A_632 : i32
        %ne3A_634 = arith.xori %lt3A_631, %lt3A_633 : i1
        %and3A_635 = arith.andi %ne3A_634, %ne3A_629 : i1
        %add3A_636 = arith.addi %rem3A_627, %select_n3A_626 : i32
        %select_n3A_637 = arith.select %and3A_635, %add3A_636, %rem3A_627 : i32
        %mul3A_638 = arith.constant 2 : i32
        %mul3A_639 = arith.muli %add3A, %mul3A_638 : i32
        %add3A_640 = arith.addi %mul3A_639, %select_n3A_621 : i32
        %mul3A_641 = arith.constant 131072 : i32
        %mul3A_642 = arith.muli %add3A_640, %mul3A_641 : i32
        %add3A_643 = arith.constant 16384 : i32
        %add3A_644 = arith.addi %mul3A_642, %add3A_643 : i32
        %mul3A_645 = arith.constant 2048 : i32
        %mul3A_646 = arith.muli %select_n3A_637, %mul3A_645 : i32
        %add3A_647 = arith.addi %add3A_644, %mul3A_646 : i32
        %dma_start3A_648 = arith.constant 1 : i32
        %dma_start3A_649 = arith.constant 0 : i32
        %dma_start3A_650 = tpu.memref_slice %arg7[%dma_start3A_648, %dma_start3A_649] : memref<8x2048xf32, #tpu.memory_space<vmem>> -> memref<1x2048xf32, #tpu.memory_space<vmem>>
        %dma_start3A_651 = tpu.memref_squeeze %dma_start3A_650 : memref<1x2048xf32, #tpu.memory_space<vmem>> -> memref<2048xf32, #tpu.memory_space<vmem>>
        %dma_start3A_652 = tpu.memref_slice %arg2[%add3A_647] : memref<8388608xf32, #tpu.memory_space<hbm>> -> memref<2048xf32, #tpu.memory_space<hbm>>
        %dma_start3A_653 = arith.constant 0 : i32
        %dma_start3A_654 = tpu.memref_slice %arg7[%dma_start3A_648, %dma_start3A_653] : memref<8x2048xf32, #tpu.memory_space<vmem>> -> memref<1x2048xf32, #tpu.memory_space<vmem>>
        %dma_start3A_655 = tpu.memref_squeeze %dma_start3A_654 : memref<1x2048xf32, #tpu.memory_space<vmem>> -> memref<2048xf32, #tpu.memory_space<vmem>>
        %dma_start3A_656 = tpu.memref_slice %arg2[%add3A_647] : memref<8388608xf32, #tpu.memory_space<hbm>> -> memref<2048xf32, #tpu.memory_space<hbm>>
        tpu.enqueue_dma source(%dma_start3A_656 : memref<2048xf32, #tpu.memory_space<hbm>>) target(%dma_start3A_655 : memref<2048xf32, #tpu.memory_space<vmem>>) target_semaphore(%arg13 : memref<!tpu.dma_semaphore, #tpu.memory_space<semaphore_mem>>)
        %jit3A_657 = arith.constant 8 : i32
        %div3A_658 = arith.divsi %add3A_538, %jit3A_657 : i32
        %sign3A_659 = arith.constant 0 : i32
        %sign3A_660 = arith.cmpi sgt, %add3A_538, %sign3A_659 : i32
        %sign3A_661 = arith.extui %sign3A_660 : i1 to i32
        %sign3A_662 = arith.constant 0 : i32
        %sign3A_663 = arith.cmpi slt, %add3A_538, %sign3A_662 : i32
        %sign3A_664 = arith.extui %sign3A_663 : i1 to i32
        %sign3A_665 = arith.subi %sign3A_661, %sign3A_664 : i32
        %sign3A_666 = arith.constant 0 : i32
        %sign3A_667 = arith.cmpi sgt, %jit3A_657, %sign3A_666 : i32
        %sign3A_668 = arith.extui %sign3A_667 : i1 to i32
        %sign3A_669 = arith.constant 0 : i32
        %sign3A_670 = arith.cmpi slt, %jit3A_657, %sign3A_669 : i32
        %sign3A_671 = arith.extui %sign3A_670 : i1 to i32
        %sign3A_672 = arith.subi %sign3A_668, %sign3A_671 : i32
        %ne3A_673 = arith.cmpi ne, %sign3A_665, %sign3A_672 : i32
        %rem3A_674 = arith.remsi %add3A_538, %jit3A_657 : i32
        %ne3A_675 = arith.constant 0 : i32
        %ne3A_676 = arith.cmpi ne, %rem3A_674, %ne3A_675 : i32
        %and3A_677 = arith.andi %ne3A_673, %ne3A_676 : i1
        %sub3A_678 = arith.constant 1 : i32
        %sub3A_679 = arith.subi %div3A_658, %sub3A_678 : i32
        %select_n3A_680 = arith.select %and3A_677, %sub3A_679, %div3A_658 : i32
        %jit3A_681 = arith.constant 8 : i32
        %eq3A_682 = arith.constant 0 : i32
        %eq3A_683 = arith.cmpi eq, %jit3A_681, %eq3A_682 : i32
        %jit3A_684 = arith.constant 1 : i32
        %select_n3A_685 = arith.select %eq3A_683, %jit3A_684, %jit3A_681 : i32
        %rem3A_686 = arith.remsi %add3A_538, %select_n3A_685 : i32
        %ne3A_687 = arith.constant 0 : i32
        %ne3A_688 = arith.cmpi ne, %rem3A_686, %ne3A_687 : i32
        %lt3A_689 = arith.constant 0 : i32
        %lt3A_690 = arith.cmpi slt, %rem3A_686, %lt3A_689 : i32
        %lt3A_691 = arith.constant 0 : i32
        %lt3A_692 = arith.cmpi slt, %select_n3A_685, %lt3A_691 : i32
        %ne3A_693 = arith.xori %lt3A_690, %lt3A_692 : i1
        %and3A_694 = arith.andi %ne3A_693, %ne3A_688 : i1
        %add3A_695 = arith.addi %rem3A_686, %select_n3A_685 : i32
        %select_n3A_696 = arith.select %and3A_694, %add3A_695, %rem3A_686 : i32
        %mul3A_697 = arith.constant 2 : i32
        %mul3A_698 = arith.muli %add3A, %mul3A_697 : i32
        %add3A_699 = arith.addi %mul3A_698, %select_n3A_680 : i32
        %mul3A_700 = arith.constant 131072 : i32
        %mul3A_701 = arith.muli %add3A_699, %mul3A_700 : i32
        %add3A_702 = arith.constant 32768 : i32
        %add3A_703 = arith.addi %mul3A_701, %add3A_702 : i32
        %mul3A_704 = arith.constant 2048 : i32
        %mul3A_705 = arith.muli %select_n3A_696, %mul3A_704 : i32
        %add3A_706 = arith.addi %add3A_703, %mul3A_705 : i32
        %dma_start3A_707 = arith.constant 2 : i32
        %dma_start3A_708 = arith.constant 0 : i32
        %dma_start3A_709 = tpu.memref_slice %arg7[%dma_start3A_707, %dma_start3A_708] : memref<8x2048xf32, #tpu.memory_space<vmem>> -> memref<1x2048xf32, #tpu.memory_space<vmem>>
        %dma_start3A_710 = tpu.memref_squeeze %dma_start3A_709 : memref<1x2048xf32, #tpu.memory_space<vmem>> -> memref<2048xf32, #tpu.memory_space<vmem>>
        %dma_start3A_711 = tpu.memref_slice %arg2[%add3A_706] : memref<8388608xf32, #tpu.memory_space<hbm>> -> memref<2048xf32, #tpu.memory_space<hbm>>
        %dma_start3A_712 = arith.constant 0 : i32
        %dma_start3A_713 = tpu.memref_slice %arg7[%dma_start3A_707, %dma_start3A_712] : memref<8x2048xf32, #tpu.memory_space<vmem>> -> memref<1x2048xf32, #tpu.memory_space<vmem>>
        %dma_start3A_714 = tpu.memref_squeeze %dma_start3A_713 : memref<1x2048xf32, #tpu.memory_space<vmem>> -> memref<2048xf32, #tpu.memory_space<vmem>>
        %dma_start3A_715 = tpu.memref_slice %arg2[%add3A_706] : memref<8388608xf32, #tpu.memory_space<hbm>> -> memref<2048xf32, #tpu.memory_space<hbm>>
        tpu.enqueue_dma source(%dma_start3A_715 : memref<2048xf32, #tpu.memory_space<hbm>>) target(%dma_start3A_714 : memref<2048xf32, #tpu.memory_space<vmem>>) target_semaphore(%arg13 : memref<!tpu.dma_semaphore, #tpu.memory_space<semaphore_mem>>)
        %jit3A_716 = arith.constant 8 : i32
        %div3A_717 = arith.divsi %add3A_538, %jit3A_716 : i32
        %sign3A_718 = arith.constant 0 : i32
        %sign3A_719 = arith.cmpi sgt, %add3A_538, %sign3A_718 : i32
        %sign3A_720 = arith.extui %sign3A_719 : i1 to i32
        %sign3A_721 = arith.constant 0 : i32
        %sign3A_722 = arith.cmpi slt, %add3A_538, %sign3A_721 : i32
        %sign3A_723 = arith.extui %sign3A_722 : i1 to i32
        %sign3A_724 = arith.subi %sign3A_720, %sign3A_723 : i32
        %sign3A_725 = arith.constant 0 : i32
        %sign3A_726 = arith.cmpi sgt, %jit3A_716, %sign3A_725 : i32
        %sign3A_727 = arith.extui %sign3A_726 : i1 to i32
        %sign3A_728 = arith.constant 0 : i32
        %sign3A_729 = arith.cmpi slt, %jit3A_716, %sign3A_728 : i32
        %sign3A_730 = arith.extui %sign3A_729 : i1 to i32
        %sign3A_731 = arith.subi %sign3A_727, %sign3A_730 : i32
        %ne3A_732 = arith.cmpi ne, %sign3A_724, %sign3A_731 : i32
        %rem3A_733 = arith.remsi %add3A_538, %jit3A_716 : i32
        %ne3A_734 = arith.constant 0 : i32
        %ne3A_735 = arith.cmpi ne, %rem3A_733, %ne3A_734 : i32
        %and3A_736 = arith.andi %ne3A_732, %ne3A_735 : i1
        %sub3A_737 = arith.constant 1 : i32
        %sub3A_738 = arith.subi %div3A_717, %sub3A_737 : i32
        %select_n3A_739 = arith.select %and3A_736, %sub3A_738, %div3A_717 : i32
        %jit3A_740 = arith.constant 8 : i32
        %eq3A_741 = arith.constant 0 : i32
        %eq3A_742 = arith.cmpi eq, %jit3A_740, %eq3A_741 : i32
        %jit3A_743 = arith.constant 1 : i32
        %select_n3A_744 = arith.select %eq3A_742, %jit3A_743, %jit3A_740 : i32
        %rem3A_745 = arith.remsi %add3A_538, %select_n3A_744 : i32
        %ne3A_746 = arith.constant 0 : i32
        %ne3A_747 = arith.cmpi ne, %rem3A_745, %ne3A_746 : i32
        %lt3A_748 = arith.constant 0 : i32
        %lt3A_749 = arith.cmpi slt, %rem3A_745, %lt3A_748 : i32
        %lt3A_750 = arith.constant 0 : i32
        %lt3A_751 = arith.cmpi slt, %select_n3A_744, %lt3A_750 : i32
        %ne3A_752 = arith.xori %lt3A_749, %lt3A_751 : i1
        %and3A_753 = arith.andi %ne3A_752, %ne3A_747 : i1
        %add3A_754 = arith.addi %rem3A_745, %select_n3A_744 : i32
        %select_n3A_755 = arith.select %and3A_753, %add3A_754, %rem3A_745 : i32
        %mul3A_756 = arith.constant 2 : i32
        %mul3A_757 = arith.muli %add3A, %mul3A_756 : i32
        %add3A_758 = arith.addi %mul3A_757, %select_n3A_739 : i32
        %mul3A_759 = arith.constant 131072 : i32
        %mul3A_760 = arith.muli %add3A_758, %mul3A_759 : i32
        %add3A_761 = arith.constant 49152 : i32
        %add3A_762 = arith.addi %mul3A_760, %add3A_761 : i32
        %mul3A_763 = arith.constant 2048 : i32
        %mul3A_764 = arith.muli %select_n3A_755, %mul3A_763 : i32
        %add3A_765 = arith.addi %add3A_762, %mul3A_764 : i32
        %dma_start3A_766 = arith.constant 3 : i32
        %dma_start3A_767 = arith.constant 0 : i32
        %dma_start3A_768 = tpu.memref_slice %arg7[%dma_start3A_766, %dma_start3A_767] : memref<8x2048xf32, #tpu.memory_space<vmem>> -> memref<1x2048xf32, #tpu.memory_space<vmem>>
        %dma_start3A_769 = tpu.memref_squeeze %dma_start3A_768 : memref<1x2048xf32, #tpu.memory_space<vmem>> -> memref<2048xf32, #tpu.memory_space<vmem>>
        %dma_start3A_770 = tpu.memref_slice %arg2[%add3A_765] : memref<8388608xf32, #tpu.memory_space<hbm>> -> memref<2048xf32, #tpu.memory_space<hbm>>
        %dma_start3A_771 = arith.constant 0 : i32
        %dma_start3A_772 = tpu.memref_slice %arg7[%dma_start3A_766, %dma_start3A_771] : memref<8x2048xf32, #tpu.memory_space<vmem>> -> memref<1x2048xf32, #tpu.memory_space<vmem>>
        %dma_start3A_773 = tpu.memref_squeeze %dma_start3A_772 : memref<1x2048xf32, #tpu.memory_space<vmem>> -> memref<2048xf32, #tpu.memory_space<vmem>>
        %dma_start3A_774 = tpu.memref_slice %arg2[%add3A_765] : memref<8388608xf32, #tpu.memory_space<hbm>> -> memref<2048xf32, #tpu.memory_space<hbm>>
        tpu.enqueue_dma source(%dma_start3A_774 : memref<2048xf32, #tpu.memory_space<hbm>>) target(%dma_start3A_773 : memref<2048xf32, #tpu.memory_space<vmem>>) target_semaphore(%arg13 : memref<!tpu.dma_semaphore, #tpu.memory_space<semaphore_mem>>)
        %jit3A_775 = arith.constant 8 : i32
        %div3A_776 = arith.divsi %add3A_538, %jit3A_775 : i32
        %sign3A_777 = arith.constant 0 : i32
        %sign3A_778 = arith.cmpi sgt, %add3A_538, %sign3A_777 : i32
        %sign3A_779 = arith.extui %sign3A_778 : i1 to i32
        %sign3A_780 = arith.constant 0 : i32
        %sign3A_781 = arith.cmpi slt, %add3A_538, %sign3A_780 : i32
        %sign3A_782 = arith.extui %sign3A_781 : i1 to i32
        %sign3A_783 = arith.subi %sign3A_779, %sign3A_782 : i32
        %sign3A_784 = arith.constant 0 : i32
        %sign3A_785 = arith.cmpi sgt, %jit3A_775, %sign3A_784 : i32
        %sign3A_786 = arith.extui %sign3A_785 : i1 to i32
        %sign3A_787 = arith.constant 0 : i32
        %sign3A_788 = arith.cmpi slt, %jit3A_775, %sign3A_787 : i32
        %sign3A_789 = arith.extui %sign3A_788 : i1 to i32
        %sign3A_790 = arith.subi %sign3A_786, %sign3A_789 : i32
        %ne3A_791 = arith.cmpi ne, %sign3A_783, %sign3A_790 : i32
        %rem3A_792 = arith.remsi %add3A_538, %jit3A_775 : i32
        %ne3A_793 = arith.constant 0 : i32
        %ne3A_794 = arith.cmpi ne, %rem3A_792, %ne3A_793 : i32
        %and3A_795 = arith.andi %ne3A_791, %ne3A_794 : i1
        %sub3A_796 = arith.constant 1 : i32
        %sub3A_797 = arith.subi %div3A_776, %sub3A_796 : i32
        %select_n3A_798 = arith.select %and3A_795, %sub3A_797, %div3A_776 : i32
        %jit3A_799 = arith.constant 8 : i32
        %eq3A_800 = arith.constant 0 : i32
        %eq3A_801 = arith.cmpi eq, %jit3A_799, %eq3A_800 : i32
        %jit3A_802 = arith.constant 1 : i32
        %select_n3A_803 = arith.select %eq3A_801, %jit3A_802, %jit3A_799 : i32
        %rem3A_804 = arith.remsi %add3A_538, %select_n3A_803 : i32
        %ne3A_805 = arith.constant 0 : i32
        %ne3A_806 = arith.cmpi ne, %rem3A_804, %ne3A_805 : i32
        %lt3A_807 = arith.constant 0 : i32
        %lt3A_808 = arith.cmpi slt, %rem3A_804, %lt3A_807 : i32
        %lt3A_809 = arith.constant 0 : i32
        %lt3A_810 = arith.cmpi slt, %select_n3A_803, %lt3A_809 : i32
        %ne3A_811 = arith.xori %lt3A_808, %lt3A_810 : i1
        %and3A_812 = arith.andi %ne3A_811, %ne3A_806 : i1
        %add3A_813 = arith.addi %rem3A_804, %select_n3A_803 : i32
        %select_n3A_814 = arith.select %and3A_812, %add3A_813, %rem3A_804 : i32
        %mul3A_815 = arith.constant 2 : i32
        %mul3A_816 = arith.muli %add3A, %mul3A_815 : i32
        %add3A_817 = arith.addi %mul3A_816, %select_n3A_798 : i32
        %mul3A_818 = arith.constant 131072 : i32
        %mul3A_819 = arith.muli %add3A_817, %mul3A_818 : i32
        %add3A_820 = arith.constant 65536 : i32
        %add3A_821 = arith.addi %mul3A_819, %add3A_820 : i32
        %mul3A_822 = arith.constant 2048 : i32
        %mul3A_823 = arith.muli %select_n3A_814, %mul3A_822 : i32
        %add3A_824 = arith.addi %add3A_821, %mul3A_823 : i32
        %dma_start3A_825 = arith.constant 4 : i32
        %dma_start3A_826 = arith.constant 0 : i32
        %dma_start3A_827 = tpu.memref_slice %arg7[%dma_start3A_825, %dma_start3A_826] : memref<8x2048xf32, #tpu.memory_space<vmem>> -> memref<1x2048xf32, #tpu.memory_space<vmem>>
        %dma_start3A_828 = tpu.memref_squeeze %dma_start3A_827 : memref<1x2048xf32, #tpu.memory_space<vmem>> -> memref<2048xf32, #tpu.memory_space<vmem>>
        %dma_start3A_829 = tpu.memref_slice %arg2[%add3A_824] : memref<8388608xf32, #tpu.memory_space<hbm>> -> memref<2048xf32, #tpu.memory_space<hbm>>
        %dma_start3A_830 = arith.constant 0 : i32
        %dma_start3A_831 = tpu.memref_slice %arg7[%dma_start3A_825, %dma_start3A_830] : memref<8x2048xf32, #tpu.memory_space<vmem>> -> memref<1x2048xf32, #tpu.memory_space<vmem>>
        %dma_start3A_832 = tpu.memref_squeeze %dma_start3A_831 : memref<1x2048xf32, #tpu.memory_space<vmem>> -> memref<2048xf32, #tpu.memory_space<vmem>>
        %dma_start3A_833 = tpu.memref_slice %arg2[%add3A_824] : memref<8388608xf32, #tpu.memory_space<hbm>> -> memref<2048xf32, #tpu.memory_space<hbm>>
        tpu.enqueue_dma source(%dma_start3A_833 : memref<2048xf32, #tpu.memory_space<hbm>>) target(%dma_start3A_832 : memref<2048xf32, #tpu.memory_space<vmem>>) target_semaphore(%arg13 : memref<!tpu.dma_semaphore, #tpu.memory_space<semaphore_mem>>)
        %jit3A_834 = arith.constant 8 : i32
        %div3A_835 = arith.divsi %add3A_538, %jit3A_834 : i32
        %sign3A_836 = arith.constant 0 : i32
        %sign3A_837 = arith.cmpi sgt, %add3A_538, %sign3A_836 : i32
        %sign3A_838 = arith.extui %sign3A_837 : i1 to i32
        %sign3A_839 = arith.constant 0 : i32
        %sign3A_840 = arith.cmpi slt, %add3A_538, %sign3A_839 : i32
        %sign3A_841 = arith.extui %sign3A_840 : i1 to i32
        %sign3A_842 = arith.subi %sign3A_838, %sign3A_841 : i32
        %sign3A_843 = arith.constant 0 : i32
        %sign3A_844 = arith.cmpi sgt, %jit3A_834, %sign3A_843 : i32
        %sign3A_845 = arith.extui %sign3A_844 : i1 to i32
        %sign3A_846 = arith.constant 0 : i32
        %sign3A_847 = arith.cmpi slt, %jit3A_834, %sign3A_846 : i32
        %sign3A_848 = arith.extui %sign3A_847 : i1 to i32
        %sign3A_849 = arith.subi %sign3A_845, %sign3A_848 : i32
        %ne3A_850 = arith.cmpi ne, %sign3A_842, %sign3A_849 : i32
        %rem3A_851 = arith.remsi %add3A_538, %jit3A_834 : i32
        %ne3A_852 = arith.constant 0 : i32
        %ne3A_853 = arith.cmpi ne, %rem3A_851, %ne3A_852 : i32
        %and3A_854 = arith.andi %ne3A_850, %ne3A_853 : i1
        %sub3A_855 = arith.constant 1 : i32
        %sub3A_856 = arith.subi %div3A_835, %sub3A_855 : i32
        %select_n3A_857 = arith.select %and3A_854, %sub3A_856, %div3A_835 : i32
        %jit3A_858 = arith.constant 8 : i32
        %eq3A_859 = arith.constant 0 : i32
        %eq3A_860 = arith.cmpi eq, %jit3A_858, %eq3A_859 : i32
        %jit3A_861 = arith.constant 1 : i32
        %select_n3A_862 = arith.select %eq3A_860, %jit3A_861, %jit3A_858 : i32
        %rem3A_863 = arith.remsi %add3A_538, %select_n3A_862 : i32
        %ne3A_864 = arith.constant 0 : i32
        %ne3A_865 = arith.cmpi ne, %rem3A_863, %ne3A_864 : i32
        %lt3A_866 = arith.constant 0 : i32
        %lt3A_867 = arith.cmpi slt, %rem3A_863, %lt3A_866 : i32
        %lt3A_868 = arith.constant 0 : i32
        %lt3A_869 = arith.cmpi slt, %select_n3A_862, %lt3A_868 : i32
        %ne3A_870 = arith.xori %lt3A_867, %lt3A_869 : i1
        %and3A_871 = arith.andi %ne3A_870, %ne3A_865 : i1
        %add3A_872 = arith.addi %rem3A_863, %select_n3A_862 : i32
        %select_n3A_873 = arith.select %and3A_871, %add3A_872, %rem3A_863 : i32
        %mul3A_874 = arith.constant 2 : i32
        %mul3A_875 = arith.muli %add3A, %mul3A_874 : i32
        %add3A_876 = arith.addi %mul3A_875, %select_n3A_857 : i32
        %mul3A_877 = arith.constant 131072 : i32
        %mul3A_878 = arith.muli %add3A_876, %mul3A_877 : i32
        %add3A_879 = arith.constant 81920 : i32
        %add3A_880 = arith.addi %mul3A_878, %add3A_879 : i32
        %mul3A_881 = arith.constant 2048 : i32
        %mul3A_882 = arith.muli %select_n3A_873, %mul3A_881 : i32
        %add3A_883 = arith.addi %add3A_880, %mul3A_882 : i32
        %dma_start3A_884 = arith.constant 5 : i32
        %dma_start3A_885 = arith.constant 0 : i32
        %dma_start3A_886 = tpu.memref_slice %arg7[%dma_start3A_884, %dma_start3A_885] : memref<8x2048xf32, #tpu.memory_space<vmem>> -> memref<1x2048xf32, #tpu.memory_space<vmem>>
        %dma_start3A_887 = tpu.memref_squeeze %dma_start3A_886 : memref<1x2048xf32, #tpu.memory_space<vmem>> -> memref<2048xf32, #tpu.memory_space<vmem>>
        %dma_start3A_888 = tpu.memref_slice %arg2[%add3A_883] : memref<8388608xf32, #tpu.memory_space<hbm>> -> memref<2048xf32, #tpu.memory_space<hbm>>
        %dma_start3A_889 = arith.constant 0 : i32
        %dma_start3A_890 = tpu.memref_slice %arg7[%dma_start3A_884, %dma_start3A_889] : memref<8x2048xf32, #tpu.memory_space<vmem>> -> memref<1x2048xf32, #tpu.memory_space<vmem>>
        %dma_start3A_891 = tpu.memref_squeeze %dma_start3A_890 : memref<1x2048xf32, #tpu.memory_space<vmem>> -> memref<2048xf32, #tpu.memory_space<vmem>>
        %dma_start3A_892 = tpu.memref_slice %arg2[%add3A_883] : memref<8388608xf32, #tpu.memory_space<hbm>> -> memref<2048xf32, #tpu.memory_space<hbm>>
        tpu.enqueue_dma source(%dma_start3A_892 : memref<2048xf32, #tpu.memory_space<hbm>>) target(%dma_start3A_891 : memref<2048xf32, #tpu.memory_space<vmem>>) target_semaphore(%arg13 : memref<!tpu.dma_semaphore, #tpu.memory_space<semaphore_mem>>)
        %jit3A_893 = arith.constant 8 : i32
        %div3A_894 = arith.divsi %add3A_538, %jit3A_893 : i32
        %sign3A_895 = arith.constant 0 : i32
        %sign3A_896 = arith.cmpi sgt, %add3A_538, %sign3A_895 : i32
        %sign3A_897 = arith.extui %sign3A_896 : i1 to i32
        %sign3A_898 = arith.constant 0 : i32
        %sign3A_899 = arith.cmpi slt, %add3A_538, %sign3A_898 : i32
        %sign3A_900 = arith.extui %sign3A_899 : i1 to i32
        %sign3A_901 = arith.subi %sign3A_897, %sign3A_900 : i32
        %sign3A_902 = arith.constant 0 : i32
        %sign3A_903 = arith.cmpi sgt, %jit3A_893, %sign3A_902 : i32
        %sign3A_904 = arith.extui %sign3A_903 : i1 to i32
        %sign3A_905 = arith.constant 0 : i32
        %sign3A_906 = arith.cmpi slt, %jit3A_893, %sign3A_905 : i32
        %sign3A_907 = arith.extui %sign3A_906 : i1 to i32
        %sign3A_908 = arith.subi %sign3A_904, %sign3A_907 : i32
        %ne3A_909 = arith.cmpi ne, %sign3A_901, %sign3A_908 : i32
        %rem3A_910 = arith.remsi %add3A_538, %jit3A_893 : i32
        %ne3A_911 = arith.constant 0 : i32
        %ne3A_912 = arith.cmpi ne, %rem3A_910, %ne3A_911 : i32
        %and3A_913 = arith.andi %ne3A_909, %ne3A_912 : i1
        %sub3A_914 = arith.constant 1 : i32
        %sub3A_915 = arith.subi %div3A_894, %sub3A_914 : i32
        %select_n3A_916 = arith.select %and3A_913, %sub3A_915, %div3A_894 : i32
        %jit3A_917 = arith.constant 8 : i32
        %eq3A_918 = arith.constant 0 : i32
        %eq3A_919 = arith.cmpi eq, %jit3A_917, %eq3A_918 : i32
        %jit3A_920 = arith.constant 1 : i32
        %select_n3A_921 = arith.select %eq3A_919, %jit3A_920, %jit3A_917 : i32
        %rem3A_922 = arith.remsi %add3A_538, %select_n3A_921 : i32
        %ne3A_923 = arith.constant 0 : i32
        %ne3A_924 = arith.cmpi ne, %rem3A_922, %ne3A_923 : i32
        %lt3A_925 = arith.constant 0 : i32
        %lt3A_926 = arith.cmpi slt, %rem3A_922, %lt3A_925 : i32
        %lt3A_927 = arith.constant 0 : i32
        %lt3A_928 = arith.cmpi slt, %select_n3A_921, %lt3A_927 : i32
        %ne3A_929 = arith.xori %lt3A_926, %lt3A_928 : i1
        %and3A_930 = arith.andi %ne3A_929, %ne3A_924 : i1
        %add3A_931 = arith.addi %rem3A_922, %select_n3A_921 : i32
        %select_n3A_932 = arith.select %and3A_930, %add3A_931, %rem3A_922 : i32
        %mul3A_933 = arith.constant 2 : i32
        %mul3A_934 = arith.muli %add3A, %mul3A_933 : i32
        %add3A_935 = arith.addi %mul3A_934, %select_n3A_916 : i32
        %mul3A_936 = arith.constant 131072 : i32
        %mul3A_937 = arith.muli %add3A_935, %mul3A_936 : i32
        %add3A_938 = arith.constant 98304 : i32
        %add3A_939 = arith.addi %mul3A_937, %add3A_938 : i32
        %mul3A_940 = arith.constant 2048 : i32
        %mul3A_941 = arith.muli %select_n3A_932, %mul3A_940 : i32
        %add3A_942 = arith.addi %add3A_939, %mul3A_941 : i32
        %dma_start3A_943 = arith.constant 6 : i32
        %dma_start3A_944 = arith.constant 0 : i32
        %dma_start3A_945 = tpu.memref_slice %arg7[%dma_start3A_943, %dma_start3A_944] : memref<8x2048xf32, #tpu.memory_space<vmem>> -> memref<1x2048xf32, #tpu.memory_space<vmem>>
        %dma_start3A_946 = tpu.memref_squeeze %dma_start3A_945 : memref<1x2048xf32, #tpu.memory_space<vmem>> -> memref<2048xf32, #tpu.memory_space<vmem>>
        %dma_start3A_947 = tpu.memref_slice %arg2[%add3A_942] : memref<8388608xf32, #tpu.memory_space<hbm>> -> memref<2048xf32, #tpu.memory_space<hbm>>
        %dma_start3A_948 = arith.constant 0 : i32
        %dma_start3A_949 = tpu.memref_slice %arg7[%dma_start3A_943, %dma_start3A_948] : memref<8x2048xf32, #tpu.memory_space<vmem>> -> memref<1x2048xf32, #tpu.memory_space<vmem>>
        %dma_start3A_950 = tpu.memref_squeeze %dma_start3A_949 : memref<1x2048xf32, #tpu.memory_space<vmem>> -> memref<2048xf32, #tpu.memory_space<vmem>>
        %dma_start3A_951 = tpu.memref_slice %arg2[%add3A_942] : memref<8388608xf32, #tpu.memory_space<hbm>> -> memref<2048xf32, #tpu.memory_space<hbm>>
        tpu.enqueue_dma source(%dma_start3A_951 : memref<2048xf32, #tpu.memory_space<hbm>>) target(%dma_start3A_950 : memref<2048xf32, #tpu.memory_space<vmem>>) target_semaphore(%arg13 : memref<!tpu.dma_semaphore, #tpu.memory_space<semaphore_mem>>)
        %jit3A_952 = arith.constant 8 : i32
        %div3A_953 = arith.divsi %add3A_538, %jit3A_952 : i32
        %sign3A_954 = arith.constant 0 : i32
        %sign3A_955 = arith.cmpi sgt, %add3A_538, %sign3A_954 : i32
        %sign3A_956 = arith.extui %sign3A_955 : i1 to i32
        %sign3A_957 = arith.constant 0 : i32
        %sign3A_958 = arith.cmpi slt, %add3A_538, %sign3A_957 : i32
        %sign3A_959 = arith.extui %sign3A_958 : i1 to i32
        %sign3A_960 = arith.subi %sign3A_956, %sign3A_959 : i32
        %sign3A_961 = arith.constant 0 : i32
        %sign3A_962 = arith.cmpi sgt, %jit3A_952, %sign3A_961 : i32
        %sign3A_963 = arith.extui %sign3A_962 : i1 to i32
        %sign3A_964 = arith.constant 0 : i32
        %sign3A_965 = arith.cmpi slt, %jit3A_952, %sign3A_964 : i32
        %sign3A_966 = arith.extui %sign3A_965 : i1 to i32
        %sign3A_967 = arith.subi %sign3A_963, %sign3A_966 : i32
        %ne3A_968 = arith.cmpi ne, %sign3A_960, %sign3A_967 : i32
        %rem3A_969 = arith.remsi %add3A_538, %jit3A_952 : i32
        %ne3A_970 = arith.constant 0 : i32
        %ne3A_971 = arith.cmpi ne, %rem3A_969, %ne3A_970 : i32
        %and3A_972 = arith.andi %ne3A_968, %ne3A_971 : i1
        %sub3A_973 = arith.constant 1 : i32
        %sub3A_974 = arith.subi %div3A_953, %sub3A_973 : i32
        %select_n3A_975 = arith.select %and3A_972, %sub3A_974, %div3A_953 : i32
        %jit3A_976 = arith.constant 8 : i32
        %eq3A_977 = arith.constant 0 : i32
        %eq3A_978 = arith.cmpi eq, %jit3A_976, %eq3A_977 : i32
        %jit3A_979 = arith.constant 1 : i32
        %select_n3A_980 = arith.select %eq3A_978, %jit3A_979, %jit3A_976 : i32
        %rem3A_981 = arith.remsi %add3A_538, %select_n3A_980 : i32
        %ne3A_982 = arith.constant 0 : i32
        %ne3A_983 = arith.cmpi ne, %rem3A_981, %ne3A_982 : i32
        %lt3A_984 = arith.constant 0 : i32
        %lt3A_985 = arith.cmpi slt, %rem3A_981, %lt3A_984 : i32
        %lt3A_986 = arith.constant 0 : i32
        %lt3A_987 = arith.cmpi slt, %select_n3A_980, %lt3A_986 : i32
        %ne3A_988 = arith.xori %lt3A_985, %lt3A_987 : i1
        %and3A_989 = arith.andi %ne3A_988, %ne3A_983 : i1
        %add3A_990 = arith.addi %rem3A_981, %select_n3A_980 : i32
        %select_n3A_991 = arith.select %and3A_989, %add3A_990, %rem3A_981 : i32
        %mul3A_992 = arith.constant 2 : i32
        %mul3A_993 = arith.muli %add3A, %mul3A_992 : i32
        %add3A_994 = arith.addi %mul3A_993, %select_n3A_975 : i32
        %mul3A_995 = arith.constant 131072 : i32
        %mul3A_996 = arith.muli %add3A_994, %mul3A_995 : i32
        %add3A_997 = arith.constant 114688 : i32
        %add3A_998 = arith.addi %mul3A_996, %add3A_997 : i32
        %mul3A_999 = arith.constant 2048 : i32
        %mul3A_1000 = arith.muli %select_n3A_991, %mul3A_999 : i32
        %add3A_1001 = arith.addi %add3A_998, %mul3A_1000 : i32
        %dma_start3A_1002 = arith.constant 7 : i32
        %dma_start3A_1003 = arith.constant 0 : i32
        %dma_start3A_1004 = tpu.memref_slice %arg7[%dma_start3A_1002, %dma_start3A_1003] : memref<8x2048xf32, #tpu.memory_space<vmem>> -> memref<1x2048xf32, #tpu.memory_space<vmem>>
        %dma_start3A_1005 = tpu.memref_squeeze %dma_start3A_1004 : memref<1x2048xf32, #tpu.memory_space<vmem>> -> memref<2048xf32, #tpu.memory_space<vmem>>
        %dma_start3A_1006 = tpu.memref_slice %arg2[%add3A_1001] : memref<8388608xf32, #tpu.memory_space<hbm>> -> memref<2048xf32, #tpu.memory_space<hbm>>
        %dma_start3A_1007 = arith.constant 0 : i32
        %dma_start3A_1008 = tpu.memref_slice %arg7[%dma_start3A_1002, %dma_start3A_1007] : memref<8x2048xf32, #tpu.memory_space<vmem>> -> memref<1x2048xf32, #tpu.memory_space<vmem>>
        %dma_start3A_1009 = tpu.memref_squeeze %dma_start3A_1008 : memref<1x2048xf32, #tpu.memory_space<vmem>> -> memref<2048xf32, #tpu.memory_space<vmem>>
        %dma_start3A_1010 = tpu.memref_slice %arg2[%add3A_1001] : memref<8388608xf32, #tpu.memory_space<hbm>> -> memref<2048xf32, #tpu.memory_space<hbm>>
        tpu.enqueue_dma source(%dma_start3A_1010 : memref<2048xf32, #tpu.memory_space<hbm>>) target(%dma_start3A_1009 : memref<2048xf32, #tpu.memory_space<vmem>>) target_semaphore(%arg13 : memref<!tpu.dma_semaphore, #tpu.memory_space<semaphore_mem>>)
      } else {
      }
      %dma_wait3A_218 = arith.constant 0 : i32
      %dma_wait3A_219 = arith.constant 0 : i32
      %dma_wait3A_220 = tpu.memref_slice %arg6[%dma_wait3A_218, %dma_wait3A_219] : memref<8x2048xf32, #tpu.memory_space<vmem>> -> memref<1x2048xf32, #tpu.memory_space<vmem>>
      %dma_wait3A_221 = tpu.memref_squeeze %dma_wait3A_220 : memref<1x2048xf32, #tpu.memory_space<vmem>> -> memref<2048xf32, #tpu.memory_space<vmem>>
      %dma_wait3A_222 = arith.constant 0 : i32
      %dma_wait3A_223 = tpu.memref_slice %arg2[%dma_wait3A_222] : memref<8388608xf32, #tpu.memory_space<hbm>> -> memref<2048xf32, #tpu.memory_space<hbm>>
      %dma_wait3A_224 = arith.constant 0 : i32
      %dma_wait3A_225 = tpu.memref_slice %arg6[%dma_wait3A_218, %dma_wait3A_224] : memref<8x2048xf32, #tpu.memory_space<vmem>> -> memref<1x2048xf32, #tpu.memory_space<vmem>>
      %dma_wait3A_226 = tpu.memref_squeeze %dma_wait3A_225 : memref<1x2048xf32, #tpu.memory_space<vmem>> -> memref<2048xf32, #tpu.memory_space<vmem>>
      %dma_wait3A_227 = arith.constant 0 : i32
      %dma_wait3A_228 = tpu.memref_slice %arg2[%dma_wait3A_227] : memref<8388608xf32, #tpu.memory_space<hbm>> -> memref<2048xf32, #tpu.memory_space<hbm>>
      tpu.wait_dma2 semaphore(%arg12 : memref<!tpu.dma_semaphore, #tpu.memory_space<semaphore_mem>>) src(%dma_wait3A_228 : memref<2048xf32, #tpu.memory_space<hbm>>) dst(%dma_wait3A_226 : memref<2048xf32, #tpu.memory_space<vmem>>)
      %dma_wait3A_229 = arith.constant 1 : i32
      %dma_wait3A_230 = arith.constant 0 : i32
      %dma_wait3A_231 = tpu.memref_slice %arg6[%dma_wait3A_229, %dma_wait3A_230] : memref<8x2048xf32, #tpu.memory_space<vmem>> -> memref<1x2048xf32, #tpu.memory_space<vmem>>
      %dma_wait3A_232 = tpu.memref_squeeze %dma_wait3A_231 : memref<1x2048xf32, #tpu.memory_space<vmem>> -> memref<2048xf32, #tpu.memory_space<vmem>>
      %dma_wait3A_233 = arith.constant 0 : i32
      %dma_wait3A_234 = tpu.memref_slice %arg2[%dma_wait3A_233] : memref<8388608xf32, #tpu.memory_space<hbm>> -> memref<2048xf32, #tpu.memory_space<hbm>>
      %dma_wait3A_235 = arith.constant 0 : i32
      %dma_wait3A_236 = tpu.memref_slice %arg6[%dma_wait3A_229, %dma_wait3A_235] : memref<8x2048xf32, #tpu.memory_space<vmem>> -> memref<1x2048xf32, #tpu.memory_space<vmem>>
      %dma_wait3A_237 = tpu.memref_squeeze %dma_wait3A_236 : memref<1x2048xf32, #tpu.memory_space<vmem>> -> memref<2048xf32, #tpu.memory_space<vmem>>
      %dma_wait3A_238 = arith.constant 0 : i32
      %dma_wait3A_239 = tpu.memref_slice %arg2[%dma_wait3A_238] : memref<8388608xf32, #tpu.memory_space<hbm>> -> memref<2048xf32, #tpu.memory_space<hbm>>
      tpu.wait_dma2 semaphore(%arg12 : memref<!tpu.dma_semaphore, #tpu.memory_space<semaphore_mem>>) src(%dma_wait3A_239 : memref<2048xf32, #tpu.memory_space<hbm>>) dst(%dma_wait3A_237 : memref<2048xf32, #tpu.memory_space<vmem>>)
      %dma_wait3A_240 = arith.constant 2 : i32
      %dma_wait3A_241 = arith.constant 0 : i32
      %dma_wait3A_242 = tpu.memref_slice %arg6[%dma_wait3A_240, %dma_wait3A_241] : memref<8x2048xf32, #tpu.memory_space<vmem>> -> memref<1x2048xf32, #tpu.memory_space<vmem>>
      %dma_wait3A_243 = tpu.memref_squeeze %dma_wait3A_242 : memref<1x2048xf32, #tpu.memory_space<vmem>> -> memref<2048xf32, #tpu.memory_space<vmem>>
      %dma_wait3A_244 = arith.constant 0 : i32
      %dma_wait3A_245 = tpu.memref_slice %arg2[%dma_wait3A_244] : memref<8388608xf32, #tpu.memory_space<hbm>> -> memref<2048xf32, #tpu.memory_space<hbm>>
      %dma_wait3A_246 = arith.constant 0 : i32
      %dma_wait3A_247 = tpu.memref_slice %arg6[%dma_wait3A_240, %dma_wait3A_246] : memref<8x2048xf32, #tpu.memory_space<vmem>> -> memref<1x2048xf32, #tpu.memory_space<vmem>>
      %dma_wait3A_248 = tpu.memref_squeeze %dma_wait3A_247 : memref<1x2048xf32, #tpu.memory_space<vmem>> -> memref<2048xf32, #tpu.memory_space<vmem>>
      %dma_wait3A_249 = arith.constant 0 : i32
      %dma_wait3A_250 = tpu.memref_slice %arg2[%dma_wait3A_249] : memref<8388608xf32, #tpu.memory_space<hbm>> -> memref<2048xf32, #tpu.memory_space<hbm>>
      tpu.wait_dma2 semaphore(%arg12 : memref<!tpu.dma_semaphore, #tpu.memory_space<semaphore_mem>>) src(%dma_wait3A_250 : memref<2048xf32, #tpu.memory_space<hbm>>) dst(%dma_wait3A_248 : memref<2048xf32, #tpu.memory_space<vmem>>)
      %dma_wait3A_251 = arith.constant 3 : i32
      %dma_wait3A_252 = arith.constant 0 : i32
      %dma_wait3A_253 = tpu.memref_slice %arg6[%dma_wait3A_251, %dma_wait3A_252] : memref<8x2048xf32, #tpu.memory_space<vmem>> -> memref<1x2048xf32, #tpu.memory_space<vmem>>
      %dma_wait3A_254 = tpu.memref_squeeze %dma_wait3A_253 : memref<1x2048xf32, #tpu.memory_space<vmem>> -> memref<2048xf32, #tpu.memory_space<vmem>>
      %dma_wait3A_255 = arith.constant 0 : i32
      %dma_wait3A_256 = tpu.memref_slice %arg2[%dma_wait3A_255] : memref<8388608xf32, #tpu.memory_space<hbm>> -> memref<2048xf32, #tpu.memory_space<hbm>>
      %dma_wait3A_257 = arith.constant 0 : i32
      %dma_wait3A_258 = tpu.memref_slice %arg6[%dma_wait3A_251, %dma_wait3A_257] : memref<8x2048xf32, #tpu.memory_space<vmem>> -> memref<1x2048xf32, #tpu.memory_space<vmem>>
      %dma_wait3A_259 = tpu.memref_squeeze %dma_wait3A_258 : memref<1x2048xf32, #tpu.memory_space<vmem>> -> memref<2048xf32, #tpu.memory_space<vmem>>
      %dma_wait3A_260 = arith.constant 0 : i32
      %dma_wait3A_261 = tpu.memref_slice %arg2[%dma_wait3A_260] : memref<8388608xf32, #tpu.memory_space<hbm>> -> memref<2048xf32, #tpu.memory_space<hbm>>
      tpu.wait_dma2 semaphore(%arg12 : memref<!tpu.dma_semaphore, #tpu.memory_space<semaphore_mem>>) src(%dma_wait3A_261 : memref<2048xf32, #tpu.memory_space<hbm>>) dst(%dma_wait3A_259 : memref<2048xf32, #tpu.memory_space<vmem>>)
      %dma_wait3A_262 = arith.constant 4 : i32
      %dma_wait3A_263 = arith.constant 0 : i32
      %dma_wait3A_264 = tpu.memref_slice %arg6[%dma_wait3A_262, %dma_wait3A_263] : memref<8x2048xf32, #tpu.memory_space<vmem>> -> memref<1x2048xf32, #tpu.memory_space<vmem>>
      %dma_wait3A_265 = tpu.memref_squeeze %dma_wait3A_264 : memref<1x2048xf32, #tpu.memory_space<vmem>> -> memref<2048xf32, #tpu.memory_space<vmem>>
      %dma_wait3A_266 = arith.constant 0 : i32
      %dma_wait3A_267 = tpu.memref_slice %arg2[%dma_wait3A_266] : memref<8388608xf32, #tpu.memory_space<hbm>> -> memref<2048xf32, #tpu.memory_space<hbm>>
      %dma_wait3A_268 = arith.constant 0 : i32
      %dma_wait3A_269 = tpu.memref_slice %arg6[%dma_wait3A_262, %dma_wait3A_268] : memref<8x2048xf32, #tpu.memory_space<vmem>> -> memref<1x2048xf32, #tpu.memory_space<vmem>>
      %dma_wait3A_270 = tpu.memref_squeeze %dma_wait3A_269 : memref<1x2048xf32, #tpu.memory_space<vmem>> -> memref<2048xf32, #tpu.memory_space<vmem>>
      %dma_wait3A_271 = arith.constant 0 : i32
      %dma_wait3A_272 = tpu.memref_slice %arg2[%dma_wait3A_271] : memref<8388608xf32, #tpu.memory_space<hbm>> -> memref<2048xf32, #tpu.memory_space<hbm>>
      tpu.wait_dma2 semaphore(%arg12 : memref<!tpu.dma_semaphore, #tpu.memory_space<semaphore_mem>>) src(%dma_wait3A_272 : memref<2048xf32, #tpu.memory_space<hbm>>) dst(%dma_wait3A_270 : memref<2048xf32, #tpu.memory_space<vmem>>)
      %dma_wait3A_273 = arith.constant 5 : i32
      %dma_wait3A_274 = arith.constant 0 : i32
      %dma_wait3A_275 = tpu.memref_slice %arg6[%dma_wait3A_273, %dma_wait3A_274] : memref<8x2048xf32, #tpu.memory_space<vmem>> -> memref<1x2048xf32, #tpu.memory_space<vmem>>
      %dma_wait3A_276 = tpu.memref_squeeze %dma_wait3A_275 : memref<1x2048xf32, #tpu.memory_space<vmem>> -> memref<2048xf32, #tpu.memory_space<vmem>>
      %dma_wait3A_277 = arith.constant 0 : i32
      %dma_wait3A_278 = tpu.memref_slice %arg2[%dma_wait3A_277] : memref<8388608xf32, #tpu.memory_space<hbm>> -> memref<2048xf32, #tpu.memory_space<hbm>>
      %dma_wait3A_279 = arith.constant 0 : i32
      %dma_wait3A_280 = tpu.memref_slice %arg6[%dma_wait3A_273, %dma_wait3A_279] : memref<8x2048xf32, #tpu.memory_space<vmem>> -> memref<1x2048xf32, #tpu.memory_space<vmem>>
      %dma_wait3A_281 = tpu.memref_squeeze %dma_wait3A_280 : memref<1x2048xf32, #tpu.memory_space<vmem>> -> memref<2048xf32, #tpu.memory_space<vmem>>
      %dma_wait3A_282 = arith.constant 0 : i32
      %dma_wait3A_283 = tpu.memref_slice %arg2[%dma_wait3A_282] : memref<8388608xf32, #tpu.memory_space<hbm>> -> memref<2048xf32, #tpu.memory_space<hbm>>
      tpu.wait_dma2 semaphore(%arg12 : memref<!tpu.dma_semaphore, #tpu.memory_space<semaphore_mem>>) src(%dma_wait3A_283 : memref<2048xf32, #tpu.memory_space<hbm>>) dst(%dma_wait3A_281 : memref<2048xf32, #tpu.memory_space<vmem>>)
      %dma_wait3A_284 = arith.constant 6 : i32
      %dma_wait3A_285 = arith.constant 0 : i32
      %dma_wait3A_286 = tpu.memref_slice %arg6[%dma_wait3A_284, %dma_wait3A_285] : memref<8x2048xf32, #tpu.memory_space<vmem>> -> memref<1x2048xf32, #tpu.memory_space<vmem>>
      %dma_wait3A_287 = tpu.memref_squeeze %dma_wait3A_286 : memref<1x2048xf32, #tpu.memory_space<vmem>> -> memref<2048xf32, #tpu.memory_space<vmem>>
      %dma_wait3A_288 = arith.constant 0 : i32
      %dma_wait3A_289 = tpu.memref_slice %arg2[%dma_wait3A_288] : memref<8388608xf32, #tpu.memory_space<hbm>> -> memref<2048xf32, #tpu.memory_space<hbm>>
      %dma_wait3A_290 = arith.constant 0 : i32
      %dma_wait3A_291 = tpu.memref_slice %arg6[%dma_wait3A_284, %dma_wait3A_290] : memref<8x2048xf32, #tpu.memory_space<vmem>> -> memref<1x2048xf32, #tpu.memory_space<vmem>>
      %dma_wait3A_292 = tpu.memref_squeeze %dma_wait3A_291 : memref<1x2048xf32, #tpu.memory_space<vmem>> -> memref<2048xf32, #tpu.memory_space<vmem>>
      %dma_wait3A_293 = arith.constant 0 : i32
      %dma_wait3A_294 = tpu.memref_slice %arg2[%dma_wait3A_293] : memref<8388608xf32, #tpu.memory_space<hbm>> -> memref<2048xf32, #tpu.memory_space<hbm>>
      tpu.wait_dma2 semaphore(%arg12 : memref<!tpu.dma_semaphore, #tpu.memory_space<semaphore_mem>>) src(%dma_wait3A_294 : memref<2048xf32, #tpu.memory_space<hbm>>) dst(%dma_wait3A_292 : memref<2048xf32, #tpu.memory_space<vmem>>)
      %dma_wait3A_295 = arith.constant 7 : i32
      %dma_wait3A_296 = arith.constant 0 : i32
      %dma_wait3A_297 = tpu.memref_slice %arg6[%dma_wait3A_295, %dma_wait3A_296] : memref<8x2048xf32, #tpu.memory_space<vmem>> -> memref<1x2048xf32, #tpu.memory_space<vmem>>
      %dma_wait3A_298 = tpu.memref_squeeze %dma_wait3A_297 : memref<1x2048xf32, #tpu.memory_space<vmem>> -> memref<2048xf32, #tpu.memory_space<vmem>>
      %dma_wait3A_299 = arith.constant 0 : i32
      %dma_wait3A_300 = tpu.memref_slice %arg2[%dma_wait3A_299] : memref<8388608xf32, #tpu.memory_space<hbm>> -> memref<2048xf32, #tpu.memory_space<hbm>>
      %dma_wait3A_301 = arith.constant 0 : i32
      %dma_wait3A_302 = tpu.memref_slice %arg6[%dma_wait3A_295, %dma_wait3A_301] : memref<8x2048xf32, #tpu.memory_space<vmem>> -> memref<1x2048xf32, #tpu.memory_space<vmem>>
      %dma_wait3A_303 = tpu.memref_squeeze %dma_wait3A_302 : memref<1x2048xf32, #tpu.memory_space<vmem>> -> memref<2048xf32, #tpu.memory_space<vmem>>
      %dma_wait3A_304 = arith.constant 0 : i32
      %dma_wait3A_305 = tpu.memref_slice %arg2[%dma_wait3A_304] : memref<8388608xf32, #tpu.memory_space<hbm>> -> memref<2048xf32, #tpu.memory_space<hbm>>
      tpu.wait_dma2 semaphore(%arg12 : memref<!tpu.dma_semaphore, #tpu.memory_space<semaphore_mem>>) src(%dma_wait3A_305 : memref<2048xf32, #tpu.memory_space<hbm>>) dst(%dma_wait3A_303 : memref<2048xf32, #tpu.memory_space<vmem>>)
      %ge3A = arith.constant 2 : i32
      %ge3A_306 = arith.cmpi sge, %add3A_212, %ge3A : i32
      %convert_element_type3A_307 = arith.extui %ge3A_306 : i1 to i32
      %cond3A_308 = arith.constant 0 : i32
      %cond3A_309 = arith.cmpi ne, %convert_element_type3A_307, %cond3A_308 : i32
      scf.if %cond3A_309 {
        %dma_wait3A_537 = arith.constant 0 : i32
        %dma_wait3A_538 = tpu.memref_slice %arg4[%dma_wait3A_537] : memref<8388608xf32, #tpu.memory_space<hbm>> -> memref<16384xf32, #tpu.memory_space<hbm>>
        %dma_wait3A_539 = arith.constant 0 : i32
        %dma_wait3A_540 = tpu.memref_slice %arg4[%dma_wait3A_539] : memref<8388608xf32, #tpu.memory_space<hbm>> -> memref<16384xf32, #tpu.memory_space<hbm>>
        tpu.wait_dma2 semaphore(%arg14 : memref<!tpu.dma_semaphore, #tpu.memory_space<semaphore_mem>>) src(%arg8 : memref<16384xf32, #tpu.memory_space<vmem>>) dst(%dma_wait3A_540 : memref<16384xf32, #tpu.memory_space<hbm>>)
      } else {
      }
      %scan3A_310 = arith.constant 0 : i32
      %scan3A_311 = arith.constant 0 : i32
      %scan3A_312 = arith.constant 128 : i32
      %scan3A_313 = arith.addi %scan3A_311, %scan3A_312 : i32
      %scan3A_314 = arith.constant 1 : i32
      %scan3A_315 = scf.for %scan3A_537 = %scan3A_311 to %scan3A_313 step %scan3A_314 iter_args(%scan3A_538 = %scan3A_310) -> (i32)  : i32 {
        %mul3A_539 = arith.constant 16 : i32
        %mul3A_540 = arith.muli %scan3A_537, %mul3A_539 : i32
        %get3A = arith.constant 0 : i32
        %get3A_541 = arith.index_cast %get3A : i32 to index
        %get3A_542 = arith.index_cast %mul3A_540 : i32 to index
        %get3A_543 = tpu.vector_load %arg6[%get3A_541, %get3A_542] {strides = array<i32>} : memref<8x2048xf32, #tpu.memory_space<vmem>>, vector<16xf32>,
        %mul3A_544 = arith.constant 128 : i32
        %mul3A_545 = arith.muli %scan3A_537, %mul3A_544 : i32
        %add3A_546 = arith.constant 0 : i32
        %add3A_547 = arith.addi %mul3A_545, %add3A_546 : i32
        %add3A_548 = vector.broadcast %add3A_547 : i32 to vector<16xi32>
        %add3A_549 = arith.addi %mul3A_3, %add3A_548 : vector<16xi32>
        tpu.vector_store_idx %arg8[%add3A_549], %get3A_543 : memref<16384xf32, #tpu.memory_space<vmem>>[vector<16xi32>], vector<16xf32>,
        %mul3A_550 = arith.constant 16 : i32
        %mul3A_551 = arith.muli %scan3A_537, %mul3A_550 : i32
        %get3A_552 = arith.constant 1 : i32
        %get3A_553 = arith.index_cast %get3A_552 : i32 to index
        %get3A_554 = arith.index_cast %mul3A_551 : i32 to index
        %get3A_555 = tpu.vector_load %arg6[%get3A_553, %get3A_554] {strides = array<i32>} : memref<8x2048xf32, #tpu.memory_space<vmem>>, vector<16xf32>,
        %mul3A_556 = arith.constant 128 : i32
        %mul3A_557 = arith.muli %scan3A_537, %mul3A_556 : i32
        %add3A_558 = arith.constant 1 : i32
        %add3A_559 = arith.addi %mul3A_557, %add3A_558 : i32
        %add3A_560 = vector.broadcast %add3A_559 : i32 to vector<16xi32>
        %add3A_561 = arith.addi %mul3A_3, %add3A_560 : vector<16xi32>
        tpu.vector_store_idx %arg8[%add3A_561], %get3A_555 : memref<16384xf32, #tpu.memory_space<vmem>>[vector<16xi32>], vector<16xf32>,
        %mul3A_562 = arith.constant 16 : i32
        %mul3A_563 = arith.muli %scan3A_537, %mul3A_562 : i32
        %get3A_564 = arith.constant 2 : i32
        %get3A_565 = arith.index_cast %get3A_564 : i32 to index
        %get3A_566 = arith.index_cast %mul3A_563 : i32 to index
        %get3A_567 = tpu.vector_load %arg6[%get3A_565, %get3A_566] {strides = array<i32>} : memref<8x2048xf32, #tpu.memory_space<vmem>>, vector<16xf32>,
        %mul3A_568 = arith.constant 128 : i32
        %mul3A_569 = arith.muli %scan3A_537, %mul3A_568 : i32
        %add3A_570 = arith.constant 2 : i32
        %add3A_571 = arith.addi %mul3A_569, %add3A_570 : i32
        %add3A_572 = vector.broadcast %add3A_571 : i32 to vector<16xi32>
        %add3A_573 = arith.addi %mul3A_3, %add3A_572 : vector<16xi32>
        tpu.vector_store_idx %arg8[%add3A_573], %get3A_567 : memref<16384xf32, #tpu.memory_space<vmem>>[vector<16xi32>], vector<16xf32>,
        %mul3A_574 = arith.constant 16 : i32
        %mul3A_575 = arith.muli %scan3A_537, %mul3A_574 : i32
        %get3A_576 = arith.constant 3 : i32
        %get3A_577 = arith.index_cast %get3A_576 : i32 to index
        %get3A_578 = arith.index_cast %mul3A_575 : i32 to index
        %get3A_579 = tpu.vector_load %arg6[%get3A_577, %get3A_578] {strides = array<i32>} : memref<8x2048xf32, #tpu.memory_space<vmem>>, vector<16xf32>,
        %mul3A_580 = arith.constant 128 : i32
        %mul3A_581 = arith.muli %scan3A_537, %mul3A_580 : i32
        %add3A_582 = arith.constant 3 : i32
        %add3A_583 = arith.addi %mul3A_581, %add3A_582 : i32
        %add3A_584 = vector.broadcast %add3A_583 : i32 to vector<16xi32>
        %add3A_585 = arith.addi %mul3A_3, %add3A_584 : vector<16xi32>
        tpu.vector_store_idx %arg8[%add3A_585], %get3A_579 : memref<16384xf32, #tpu.memory_space<vmem>>[vector<16xi32>], vector<16xf32>,
        %mul3A_586 = arith.constant 16 : i32
        %mul3A_587 = arith.muli %scan3A_537, %mul3A_586 : i32
        %get3A_588 = arith.constant 4 : i32
        %get3A_589 = arith.index_cast %get3A_588 : i32 to index
        %get3A_590 = arith.index_cast %mul3A_587 : i32 to index
        %get3A_591 = tpu.vector_load %arg6[%get3A_589, %get3A_590] {strides = array<i32>} : memref<8x2048xf32, #tpu.memory_space<vmem>>, vector<16xf32>,
        %mul3A_592 = arith.constant 128 : i32
        %mul3A_593 = arith.muli %scan3A_537, %mul3A_592 : i32
        %add3A_594 = arith.constant 4 : i32
        %add3A_595 = arith.addi %mul3A_593, %add3A_594 : i32
        %add3A_596 = vector.broadcast %add3A_595 : i32 to vector<16xi32>
        %add3A_597 = arith.addi %mul3A_3, %add3A_596 : vector<16xi32>
        tpu.vector_store_idx %arg8[%add3A_597], %get3A_591 : memref<16384xf32, #tpu.memory_space<vmem>>[vector<16xi32>], vector<16xf32>,
        %mul3A_598 = arith.constant 16 : i32
        %mul3A_599 = arith.muli %scan3A_537, %mul3A_598 : i32
        %get3A_600 = arith.constant 5 : i32
        %get3A_601 = arith.index_cast %get3A_600 : i32 to index
        %get3A_602 = arith.index_cast %mul3A_599 : i32 to index
        %get3A_603 = tpu.vector_load %arg6[%get3A_601, %get3A_602] {strides = array<i32>} : memref<8x2048xf32, #tpu.memory_space<vmem>>, vector<16xf32>,
        %mul3A_604 = arith.constant 128 : i32
        %mul3A_605 = arith.muli %scan3A_537, %mul3A_604 : i32
        %add3A_606 = arith.constant 5 : i32
        %add3A_607 = arith.addi %mul3A_605, %add3A_606 : i32
        %add3A_608 = vector.broadcast %add3A_607 : i32 to vector<16xi32>
        %add3A_609 = arith.addi %mul3A_3, %add3A_608 : vector<16xi32>
        tpu.vector_store_idx %arg8[%add3A_609], %get3A_603 : memref<16384xf32, #tpu.memory_space<vmem>>[vector<16xi32>], vector<16xf32>,
        %mul3A_610 = arith.constant 16 : i32
        %mul3A_611 = arith.muli %scan3A_537, %mul3A_610 : i32
        %get3A_612 = arith.constant 6 : i32
        %get3A_613 = arith.index_cast %get3A_612 : i32 to index
        %get3A_614 = arith.index_cast %mul3A_611 : i32 to index
        %get3A_615 = tpu.vector_load %arg6[%get3A_613, %get3A_614] {strides = array<i32>} : memref<8x2048xf32, #tpu.memory_space<vmem>>, vector<16xf32>,
        %mul3A_616 = arith.constant 128 : i32
        %mul3A_617 = arith.muli %scan3A_537, %mul3A_616 : i32
        %add3A_618 = arith.constant 6 : i32
        %add3A_619 = arith.addi %mul3A_617, %add3A_618 : i32
        %add3A_620 = vector.broadcast %add3A_619 : i32 to vector<16xi32>
        %add3A_621 = arith.addi %mul3A_3, %add3A_620 : vector<16xi32>
        tpu.vector_store_idx %arg8[%add3A_621], %get3A_615 : memref<16384xf32, #tpu.memory_space<vmem>>[vector<16xi32>], vector<16xf32>,
        %mul3A_622 = arith.constant 16 : i32
        %mul3A_623 = arith.muli %scan3A_537, %mul3A_622 : i32
        %get3A_624 = arith.constant 7 : i32
        %get3A_625 = arith.index_cast %get3A_624 : i32 to index
        %get3A_626 = arith.index_cast %mul3A_623 : i32 to index
        %get3A_627 = tpu.vector_load %arg6[%get3A_625, %get3A_626] {strides = array<i32>} : memref<8x2048xf32, #tpu.memory_space<vmem>>, vector<16xf32>,
        %mul3A_628 = arith.constant 128 : i32
        %mul3A_629 = arith.muli %scan3A_537, %mul3A_628 : i32
        %add3A_630 = arith.constant 7 : i32
        %add3A_631 = arith.addi %mul3A_629, %add3A_630 : i32
        %add3A_632 = vector.broadcast %add3A_631 : i32 to vector<16xi32>
        %add3A_633 = arith.addi %mul3A_3, %add3A_632 : vector<16xi32>
        tpu.vector_store_idx %arg8[%add3A_633], %get3A_627 : memref<16384xf32, #tpu.memory_space<vmem>>[vector<16xi32>], vector<16xf32>,
        %scan3A_634 = arith.constant 0 : i32
        scf.yield %scan3A_634 : i32
      }
      %scan3A_316 = arith.constant 128 : i32
      %jit3A_317 = arith.constant 8 : i32
      %div3A_318 = arith.divsi %add3A_212, %jit3A_317 : i32
      %sign3A_319 = arith.constant 0 : i32
      %sign3A_320 = arith.cmpi sgt, %add3A_212, %sign3A_319 : i32
      %sign3A_321 = arith.extui %sign3A_320 : i1 to i32
      %sign3A_322 = arith.constant 0 : i32
      %sign3A_323 = arith.cmpi slt, %add3A_212, %sign3A_322 : i32
      %sign3A_324 = arith.extui %sign3A_323 : i1 to i32
      %sign3A_325 = arith.subi %sign3A_321, %sign3A_324 : i32
      %sign3A_326 = arith.constant 0 : i32
      %sign3A_327 = arith.cmpi sgt, %jit3A_317, %sign3A_326 : i32
      %sign3A_328 = arith.extui %sign3A_327 : i1 to i32
      %sign3A_329 = arith.constant 0 : i32
      %sign3A_330 = arith.cmpi slt, %jit3A_317, %sign3A_329 : i32
      %sign3A_331 = arith.extui %sign3A_330 : i1 to i32
      %sign3A_332 = arith.subi %sign3A_328, %sign3A_331 : i32
      %ne3A_333 = arith.cmpi ne, %sign3A_325, %sign3A_332 : i32
      %rem3A_334 = arith.remsi %add3A_212, %jit3A_317 : i32
      %ne3A_335 = arith.constant 0 : i32
      %ne3A_336 = arith.cmpi ne, %rem3A_334, %ne3A_335 : i32
      %and3A_337 = arith.andi %ne3A_333, %ne3A_336 : i1
      %sub3A_338 = arith.constant 1 : i32
      %sub3A_339 = arith.subi %div3A_318, %sub3A_338 : i32
      %select_n3A_340 = arith.select %and3A_337, %sub3A_339, %div3A_318 : i32
      %jit3A_341 = arith.constant 8 : i32
      %eq3A_342 = arith.constant 0 : i32
      %eq3A_343 = arith.cmpi eq, %jit3A_341, %eq3A_342 : i32
      %jit3A_344 = arith.constant 1 : i32
      %select_n3A_345 = arith.select %eq3A_343, %jit3A_344, %jit3A_341 : i32
      %rem3A_346 = arith.remsi %add3A_212, %select_n3A_345 : i32
      %ne3A_347 = arith.constant 0 : i32
      %ne3A_348 = arith.cmpi ne, %rem3A_346, %ne3A_347 : i32
      %lt3A_349 = arith.constant 0 : i32
      %lt3A_350 = arith.cmpi slt, %rem3A_346, %lt3A_349 : i32
      %lt3A_351 = arith.constant 0 : i32
      %lt3A_352 = arith.cmpi slt, %select_n3A_345, %lt3A_351 : i32
      %ne3A_353 = arith.xori %lt3A_350, %lt3A_352 : i1
      %and3A_354 = arith.andi %ne3A_353, %ne3A_348 : i1
      %add3A_355 = arith.addi %rem3A_346, %select_n3A_345 : i32
      %select_n3A_356 = arith.select %and3A_354, %add3A_355, %rem3A_346 : i32
      %mul3A_357 = arith.constant 2 : i32
      %mul3A_358 = arith.muli %add3A, %mul3A_357 : i32
      %add3A_359 = arith.addi %mul3A_358, %select_n3A_340 : i32
      %mul3A_360 = arith.constant 16384 : i32
      %mul3A_361 = arith.muli %add3A_359, %mul3A_360 : i32
      %mul3A_362 = arith.constant 8 : i32
      %mul3A_363 = arith.muli %mul3A_361, %mul3A_362 : i32
      %mul3A_364 = arith.constant 2048 : i32
      %mul3A_365 = arith.muli %select_n3A_356, %mul3A_364 : i32
      %mul3A_366 = arith.constant 8 : i32
      %mul3A_367 = arith.muli %mul3A_365, %mul3A_366 : i32
      %add3A_368 = arith.addi %mul3A_363, %mul3A_367 : i32
      %dma_start3A_369 = tpu.memref_slice %arg4[%add3A_368] : memref<8388608xf32, #tpu.memory_space<hbm>> -> memref<16384xf32, #tpu.memory_space<hbm>>
      %dma_start3A_370 = tpu.memref_slice %arg4[%add3A_368] : memref<8388608xf32, #tpu.memory_space<hbm>> -> memref<16384xf32, #tpu.memory_space<hbm>>
      tpu.enqueue_dma source(%arg8 : memref<16384xf32, #tpu.memory_space<vmem>>) target(%dma_start3A_370 : memref<16384xf32, #tpu.memory_space<hbm>>) target_semaphore(%arg14 : memref<!tpu.dma_semaphore, #tpu.memory_space<semaphore_mem>>)
      %mul3A_371 = arith.constant 2 : i32
      %mul3A_372 = arith.muli %scan3A_207, %mul3A_371 : i32
      %add3A_373 = arith.constant 1 : i32
      %add3A_374 = arith.addi %mul3A_372, %add3A_373 : i32
      %add3A_375 = arith.constant 1 : i32
      %add3A_376 = arith.addi %add3A_374, %add3A_375 : i32
      %lt3A_377 = arith.constant 16 : i32
      %lt3A_378 = arith.cmpi slt, %add3A_376, %lt3A_377 : i32
      %convert_element_type3A_379 = arith.extui %lt3A_378 : i1 to i32
      %cond3A_380 = arith.constant 0 : i32
      %cond3A_381 = arith.cmpi ne, %convert_element_type3A_379, %cond3A_380 : i32
      scf.if %cond3A_381 {
        %add3A_537 = arith.constant 1 : i32
        %add3A_538 = arith.addi %add3A_374, %add3A_537 : i32
        %jit3A_539 = arith.constant 8 : i32
        %div3A_540 = arith.divsi %add3A_538, %jit3A_539 : i32
        %sign3A_541 = arith.constant 0 : i32
        %sign3A_542 = arith.cmpi sgt, %add3A_538, %sign3A_541 : i32
        %sign3A_543 = arith.extui %sign3A_542 : i1 to i32
        %sign3A_544 = arith.constant 0 : i32
        %sign3A_545 = arith.cmpi slt, %add3A_538, %sign3A_544 : i32
        %sign3A_546 = arith.extui %sign3A_545 : i1 to i32
        %sign3A_547 = arith.subi %sign3A_543, %sign3A_546 : i32
        %sign3A_548 = arith.constant 0 : i32
        %sign3A_549 = arith.cmpi sgt, %jit3A_539, %sign3A_548 : i32
        %sign3A_550 = arith.extui %sign3A_549 : i1 to i32
        %sign3A_551 = arith.constant 0 : i32
        %sign3A_552 = arith.cmpi slt, %jit3A_539, %sign3A_551 : i32
        %sign3A_553 = arith.extui %sign3A_552 : i1 to i32
        %sign3A_554 = arith.subi %sign3A_550, %sign3A_553 : i32
        %ne3A_555 = arith.cmpi ne, %sign3A_547, %sign3A_554 : i32
        %rem3A_556 = arith.remsi %add3A_538, %jit3A_539 : i32
        %ne3A_557 = arith.constant 0 : i32
        %ne3A_558 = arith.cmpi ne, %rem3A_556, %ne3A_557 : i32
        %and3A_559 = arith.andi %ne3A_555, %ne3A_558 : i1
        %sub3A_560 = arith.constant 1 : i32
        %sub3A_561 = arith.subi %div3A_540, %sub3A_560 : i32
        %select_n3A_562 = arith.select %and3A_559, %sub3A_561, %div3A_540 : i32
        %jit3A_563 = arith.constant 8 : i32
        %eq3A_564 = arith.constant 0 : i32
        %eq3A_565 = arith.cmpi eq, %jit3A_563, %eq3A_564 : i32
        %jit3A_566 = arith.constant 1 : i32
        %select_n3A_567 = arith.select %eq3A_565, %jit3A_566, %jit3A_563 : i32
        %rem3A_568 = arith.remsi %add3A_538, %select_n3A_567 : i32
        %ne3A_569 = arith.constant 0 : i32
        %ne3A_570 = arith.cmpi ne, %rem3A_568, %ne3A_569 : i32
        %lt3A_571 = arith.constant 0 : i32
        %lt3A_572 = arith.cmpi slt, %rem3A_568, %lt3A_571 : i32
        %lt3A_573 = arith.constant 0 : i32
        %lt3A_574 = arith.cmpi slt, %select_n3A_567, %lt3A_573 : i32
        %ne3A_575 = arith.xori %lt3A_572, %lt3A_574 : i1
        %and3A_576 = arith.andi %ne3A_575, %ne3A_570 : i1
        %add3A_577 = arith.addi %rem3A_568, %select_n3A_567 : i32
        %select_n3A_578 = arith.select %and3A_576, %add3A_577, %rem3A_568 : i32
        %mul3A_579 = arith.constant 2 : i32
        %mul3A_580 = arith.muli %add3A, %mul3A_579 : i32
        %add3A_581 = arith.addi %mul3A_580, %select_n3A_562 : i32
        %mul3A_582 = arith.constant 131072 : i32
        %mul3A_583 = arith.muli %add3A_581, %mul3A_582 : i32
        %add3A_584 = arith.constant 0 : i32
        %add3A_585 = arith.addi %mul3A_583, %add3A_584 : i32
        %mul3A_586 = arith.constant 2048 : i32
        %mul3A_587 = arith.muli %select_n3A_578, %mul3A_586 : i32
        %add3A_588 = arith.addi %add3A_585, %mul3A_587 : i32
        %dma_start3A_589 = arith.constant 0 : i32
        %dma_start3A_590 = arith.constant 0 : i32
        %dma_start3A_591 = tpu.memref_slice %arg6[%dma_start3A_589, %dma_start3A_590] : memref<8x2048xf32, #tpu.memory_space<vmem>> -> memref<1x2048xf32, #tpu.memory_space<vmem>>
        %dma_start3A_592 = tpu.memref_squeeze %dma_start3A_591 : memref<1x2048xf32, #tpu.memory_space<vmem>> -> memref<2048xf32, #tpu.memory_space<vmem>>
        %dma_start3A_593 = tpu.memref_slice %arg2[%add3A_588] : memref<8388608xf32, #tpu.memory_space<hbm>> -> memref<2048xf32, #tpu.memory_space<hbm>>
        %dma_start3A_594 = arith.constant 0 : i32
        %dma_start3A_595 = tpu.memref_slice %arg6[%dma_start3A_589, %dma_start3A_594] : memref<8x2048xf32, #tpu.memory_space<vmem>> -> memref<1x2048xf32, #tpu.memory_space<vmem>>
        %dma_start3A_596 = tpu.memref_squeeze %dma_start3A_595 : memref<1x2048xf32, #tpu.memory_space<vmem>> -> memref<2048xf32, #tpu.memory_space<vmem>>
        %dma_start3A_597 = tpu.memref_slice %arg2[%add3A_588] : memref<8388608xf32, #tpu.memory_space<hbm>> -> memref<2048xf32, #tpu.memory_space<hbm>>
        tpu.enqueue_dma source(%dma_start3A_597 : memref<2048xf32, #tpu.memory_space<hbm>>) target(%dma_start3A_596 : memref<2048xf32, #tpu.memory_space<vmem>>) target_semaphore(%arg12 : memref<!tpu.dma_semaphore, #tpu.memory_space<semaphore_mem>>)
        %jit3A_598 = arith.constant 8 : i32
        %div3A_599 = arith.divsi %add3A_538, %jit3A_598 : i32
        %sign3A_600 = arith.constant 0 : i32
        %sign3A_601 = arith.cmpi sgt, %add3A_538, %sign3A_600 : i32
        %sign3A_602 = arith.extui %sign3A_601 : i1 to i32
        %sign3A_603 = arith.constant 0 : i32
        %sign3A_604 = arith.cmpi slt, %add3A_538, %sign3A_603 : i32
        %sign3A_605 = arith.extui %sign3A_604 : i1 to i32
        %sign3A_606 = arith.subi %sign3A_602, %sign3A_605 : i32
        %sign3A_607 = arith.constant 0 : i32
        %sign3A_608 = arith.cmpi sgt, %jit3A_598, %sign3A_607 : i32
        %sign3A_609 = arith.extui %sign3A_608 : i1 to i32
        %sign3A_610 = arith.constant 0 : i32
        %sign3A_611 = arith.cmpi slt, %jit3A_598, %sign3A_610 : i32
        %sign3A_612 = arith.extui %sign3A_611 : i1 to i32
        %sign3A_613 = arith.subi %sign3A_609, %sign3A_612 : i32
        %ne3A_614 = arith.cmpi ne, %sign3A_606, %sign3A_613 : i32
        %rem3A_615 = arith.remsi %add3A_538, %jit3A_598 : i32
        %ne3A_616 = arith.constant 0 : i32
        %ne3A_617 = arith.cmpi ne, %rem3A_615, %ne3A_616 : i32
        %and3A_618 = arith.andi %ne3A_614, %ne3A_617 : i1
        %sub3A_619 = arith.constant 1 : i32
        %sub3A_620 = arith.subi %div3A_599, %sub3A_619 : i32
        %select_n3A_621 = arith.select %and3A_618, %sub3A_620, %div3A_599 : i32
        %jit3A_622 = arith.constant 8 : i32
        %eq3A_623 = arith.constant 0 : i32
        %eq3A_624 = arith.cmpi eq, %jit3A_622, %eq3A_623 : i32
        %jit3A_625 = arith.constant 1 : i32
        %select_n3A_626 = arith.select %eq3A_624, %jit3A_625, %jit3A_622 : i32
        %rem3A_627 = arith.remsi %add3A_538, %select_n3A_626 : i32
        %ne3A_628 = arith.constant 0 : i32
        %ne3A_629 = arith.cmpi ne, %rem3A_627, %ne3A_628 : i32
        %lt3A_630 = arith.constant 0 : i32
        %lt3A_631 = arith.cmpi slt, %rem3A_627, %lt3A_630 : i32
        %lt3A_632 = arith.constant 0 : i32
        %lt3A_633 = arith.cmpi slt, %select_n3A_626, %lt3A_632 : i32
        %ne3A_634 = arith.xori %lt3A_631, %lt3A_633 : i1
        %and3A_635 = arith.andi %ne3A_634, %ne3A_629 : i1
        %add3A_636 = arith.addi %rem3A_627, %select_n3A_626 : i32
        %select_n3A_637 = arith.select %and3A_635, %add3A_636, %rem3A_627 : i32
        %mul3A_638 = arith.constant 2 : i32
        %mul3A_639 = arith.muli %add3A, %mul3A_638 : i32
        %add3A_640 = arith.addi %mul3A_639, %select_n3A_621 : i32
        %mul3A_641 = arith.constant 131072 : i32
        %mul3A_642 = arith.muli %add3A_640, %mul3A_641 : i32
        %add3A_643 = arith.constant 16384 : i32
        %add3A_644 = arith.addi %mul3A_642, %add3A_643 : i32
        %mul3A_645 = arith.constant 2048 : i32
        %mul3A_646 = arith.muli %select_n3A_637, %mul3A_645 : i32
        %add3A_647 = arith.addi %add3A_644, %mul3A_646 : i32
        %dma_start3A_648 = arith.constant 1 : i32
        %dma_start3A_649 = arith.constant 0 : i32
        %dma_start3A_650 = tpu.memref_slice %arg6[%dma_start3A_648, %dma_start3A_649] : memref<8x2048xf32, #tpu.memory_space<vmem>> -> memref<1x2048xf32, #tpu.memory_space<vmem>>
        %dma_start3A_651 = tpu.memref_squeeze %dma_start3A_650 : memref<1x2048xf32, #tpu.memory_space<vmem>> -> memref<2048xf32, #tpu.memory_space<vmem>>
        %dma_start3A_652 = tpu.memref_slice %arg2[%add3A_647] : memref<8388608xf32, #tpu.memory_space<hbm>> -> memref<2048xf32, #tpu.memory_space<hbm>>
        %dma_start3A_653 = arith.constant 0 : i32
        %dma_start3A_654 = tpu.memref_slice %arg6[%dma_start3A_648, %dma_start3A_653] : memref<8x2048xf32, #tpu.memory_space<vmem>> -> memref<1x2048xf32, #tpu.memory_space<vmem>>
        %dma_start3A_655 = tpu.memref_squeeze %dma_start3A_654 : memref<1x2048xf32, #tpu.memory_space<vmem>> -> memref<2048xf32, #tpu.memory_space<vmem>>
        %dma_start3A_656 = tpu.memref_slice %arg2[%add3A_647] : memref<8388608xf32, #tpu.memory_space<hbm>> -> memref<2048xf32, #tpu.memory_space<hbm>>
        tpu.enqueue_dma source(%dma_start3A_656 : memref<2048xf32, #tpu.memory_space<hbm>>) target(%dma_start3A_655 : memref<2048xf32, #tpu.memory_space<vmem>>) target_semaphore(%arg12 : memref<!tpu.dma_semaphore, #tpu.memory_space<semaphore_mem>>)
        %jit3A_657 = arith.constant 8 : i32
        %div3A_658 = arith.divsi %add3A_538, %jit3A_657 : i32
        %sign3A_659 = arith.constant 0 : i32
        %sign3A_660 = arith.cmpi sgt, %add3A_538, %sign3A_659 : i32
        %sign3A_661 = arith.extui %sign3A_660 : i1 to i32
        %sign3A_662 = arith.constant 0 : i32
        %sign3A_663 = arith.cmpi slt, %add3A_538, %sign3A_662 : i32
        %sign3A_664 = arith.extui %sign3A_663 : i1 to i32
        %sign3A_665 = arith.subi %sign3A_661, %sign3A_664 : i32
        %sign3A_666 = arith.constant 0 : i32
        %sign3A_667 = arith.cmpi sgt, %jit3A_657, %sign3A_666 : i32
        %sign3A_668 = arith.extui %sign3A_667 : i1 to i32
        %sign3A_669 = arith.constant 0 : i32
        %sign3A_670 = arith.cmpi slt, %jit3A_657, %sign3A_669 : i32
        %sign3A_671 = arith.extui %sign3A_670 : i1 to i32
        %sign3A_672 = arith.subi %sign3A_668, %sign3A_671 : i32
        %ne3A_673 = arith.cmpi ne, %sign3A_665, %sign3A_672 : i32
        %rem3A_674 = arith.remsi %add3A_538, %jit3A_657 : i32
        %ne3A_675 = arith.constant 0 : i32
        %ne3A_676 = arith.cmpi ne, %rem3A_674, %ne3A_675 : i32
        %and3A_677 = arith.andi %ne3A_673, %ne3A_676 : i1
        %sub3A_678 = arith.constant 1 : i32
        %sub3A_679 = arith.subi %div3A_658, %sub3A_678 : i32
        %select_n3A_680 = arith.select %and3A_677, %sub3A_679, %div3A_658 : i32
        %jit3A_681 = arith.constant 8 : i32
        %eq3A_682 = arith.constant 0 : i32
        %eq3A_683 = arith.cmpi eq, %jit3A_681, %eq3A_682 : i32
        %jit3A_684 = arith.constant 1 : i32
        %select_n3A_685 = arith.select %eq3A_683, %jit3A_684, %jit3A_681 : i32
        %rem3A_686 = arith.remsi %add3A_538, %select_n3A_685 : i32
        %ne3A_687 = arith.constant 0 : i32
        %ne3A_688 = arith.cmpi ne, %rem3A_686, %ne3A_687 : i32
        %lt3A_689 = arith.constant 0 : i32
        %lt3A_690 = arith.cmpi slt, %rem3A_686, %lt3A_689 : i32
        %lt3A_691 = arith.constant 0 : i32
        %lt3A_692 = arith.cmpi slt, %select_n3A_685, %lt3A_691 : i32
        %ne3A_693 = arith.xori %lt3A_690, %lt3A_692 : i1
        %and3A_694 = arith.andi %ne3A_693, %ne3A_688 : i1
        %add3A_695 = arith.addi %rem3A_686, %select_n3A_685 : i32
        %select_n3A_696 = arith.select %and3A_694, %add3A_695, %rem3A_686 : i32
        %mul3A_697 = arith.constant 2 : i32
        %mul3A_698 = arith.muli %add3A, %mul3A_697 : i32
        %add3A_699 = arith.addi %mul3A_698, %select_n3A_680 : i32
        %mul3A_700 = arith.constant 131072 : i32
        %mul3A_701 = arith.muli %add3A_699, %mul3A_700 : i32
        %add3A_702 = arith.constant 32768 : i32
        %add3A_703 = arith.addi %mul3A_701, %add3A_702 : i32
        %mul3A_704 = arith.constant 2048 : i32
        %mul3A_705 = arith.muli %select_n3A_696, %mul3A_704 : i32
        %add3A_706 = arith.addi %add3A_703, %mul3A_705 : i32
        %dma_start3A_707 = arith.constant 2 : i32
        %dma_start3A_708 = arith.constant 0 : i32
        %dma_start3A_709 = tpu.memref_slice %arg6[%dma_start3A_707, %dma_start3A_708] : memref<8x2048xf32, #tpu.memory_space<vmem>> -> memref<1x2048xf32, #tpu.memory_space<vmem>>
        %dma_start3A_710 = tpu.memref_squeeze %dma_start3A_709 : memref<1x2048xf32, #tpu.memory_space<vmem>> -> memref<2048xf32, #tpu.memory_space<vmem>>
        %dma_start3A_711 = tpu.memref_slice %arg2[%add3A_706] : memref<8388608xf32, #tpu.memory_space<hbm>> -> memref<2048xf32, #tpu.memory_space<hbm>>
        %dma_start3A_712 = arith.constant 0 : i32
        %dma_start3A_713 = tpu.memref_slice %arg6[%dma_start3A_707, %dma_start3A_712] : memref<8x2048xf32, #tpu.memory_space<vmem>> -> memref<1x2048xf32, #tpu.memory_space<vmem>>
        %dma_start3A_714 = tpu.memref_squeeze %dma_start3A_713 : memref<1x2048xf32, #tpu.memory_space<vmem>> -> memref<2048xf32, #tpu.memory_space<vmem>>
        %dma_start3A_715 = tpu.memref_slice %arg2[%add3A_706] : memref<8388608xf32, #tpu.memory_space<hbm>> -> memref<2048xf32, #tpu.memory_space<hbm>>
        tpu.enqueue_dma source(%dma_start3A_715 : memref<2048xf32, #tpu.memory_space<hbm>>) target(%dma_start3A_714 : memref<2048xf32, #tpu.memory_space<vmem>>) target_semaphore(%arg12 : memref<!tpu.dma_semaphore, #tpu.memory_space<semaphore_mem>>)
        %jit3A_716 = arith.constant 8 : i32
        %div3A_717 = arith.divsi %add3A_538, %jit3A_716 : i32
        %sign3A_718 = arith.constant 0 : i32
        %sign3A_719 = arith.cmpi sgt, %add3A_538, %sign3A_718 : i32
        %sign3A_720 = arith.extui %sign3A_719 : i1 to i32
        %sign3A_721 = arith.constant 0 : i32
        %sign3A_722 = arith.cmpi slt, %add3A_538, %sign3A_721 : i32
        %sign3A_723 = arith.extui %sign3A_722 : i1 to i32
        %sign3A_724 = arith.subi %sign3A_720, %sign3A_723 : i32
        %sign3A_725 = arith.constant 0 : i32
        %sign3A_726 = arith.cmpi sgt, %jit3A_716, %sign3A_725 : i32
        %sign3A_727 = arith.extui %sign3A_726 : i1 to i32
        %sign3A_728 = arith.constant 0 : i32
        %sign3A_729 = arith.cmpi slt, %jit3A_716, %sign3A_728 : i32
        %sign3A_730 = arith.extui %sign3A_729 : i1 to i32
        %sign3A_731 = arith.subi %sign3A_727, %sign3A_730 : i32
        %ne3A_732 = arith.cmpi ne, %sign3A_724, %sign3A_731 : i32
        %rem3A_733 = arith.remsi %add3A_538, %jit3A_716 : i32
        %ne3A_734 = arith.constant 0 : i32
        %ne3A_735 = arith.cmpi ne, %rem3A_733, %ne3A_734 : i32
        %and3A_736 = arith.andi %ne3A_732, %ne3A_735 : i1
        %sub3A_737 = arith.constant 1 : i32
        %sub3A_738 = arith.subi %div3A_717, %sub3A_737 : i32
        %select_n3A_739 = arith.select %and3A_736, %sub3A_738, %div3A_717 : i32
        %jit3A_740 = arith.constant 8 : i32
        %eq3A_741 = arith.constant 0 : i32
        %eq3A_742 = arith.cmpi eq, %jit3A_740, %eq3A_741 : i32
        %jit3A_743 = arith.constant 1 : i32
        %select_n3A_744 = arith.select %eq3A_742, %jit3A_743, %jit3A_740 : i32
        %rem3A_745 = arith.remsi %add3A_538, %select_n3A_744 : i32
        %ne3A_746 = arith.constant 0 : i32
        %ne3A_747 = arith.cmpi ne, %rem3A_745, %ne3A_746 : i32
        %lt3A_748 = arith.constant 0 : i32
        %lt3A_749 = arith.cmpi slt, %rem3A_745, %lt3A_748 : i32
        %lt3A_750 = arith.constant 0 : i32
        %lt3A_751 = arith.cmpi slt, %select_n3A_744, %lt3A_750 : i32
        %ne3A_752 = arith.xori %lt3A_749, %lt3A_751 : i1
        %and3A_753 = arith.andi %ne3A_752, %ne3A_747 : i1
        %add3A_754 = arith.addi %rem3A_745, %select_n3A_744 : i32
        %select_n3A_755 = arith.select %and3A_753, %add3A_754, %rem3A_745 : i32
        %mul3A_756 = arith.constant 2 : i32
        %mul3A_757 = arith.muli %add3A, %mul3A_756 : i32
        %add3A_758 = arith.addi %mul3A_757, %select_n3A_739 : i32
        %mul3A_759 = arith.constant 131072 : i32
        %mul3A_760 = arith.muli %add3A_758, %mul3A_759 : i32
        %add3A_761 = arith.constant 49152 : i32
        %add3A_762 = arith.addi %mul3A_760, %add3A_761 : i32
        %mul3A_763 = arith.constant 2048 : i32
        %mul3A_764 = arith.muli %select_n3A_755, %mul3A_763 : i32
        %add3A_765 = arith.addi %add3A_762, %mul3A_764 : i32
        %dma_start3A_766 = arith.constant 3 : i32
        %dma_start3A_767 = arith.constant 0 : i32
        %dma_start3A_768 = tpu.memref_slice %arg6[%dma_start3A_766, %dma_start3A_767] : memref<8x2048xf32, #tpu.memory_space<vmem>> -> memref<1x2048xf32, #tpu.memory_space<vmem>>
        %dma_start3A_769 = tpu.memref_squeeze %dma_start3A_768 : memref<1x2048xf32, #tpu.memory_space<vmem>> -> memref<2048xf32, #tpu.memory_space<vmem>>
        %dma_start3A_770 = tpu.memref_slice %arg2[%add3A_765] : memref<8388608xf32, #tpu.memory_space<hbm>> -> memref<2048xf32, #tpu.memory_space<hbm>>
        %dma_start3A_771 = arith.constant 0 : i32
        %dma_start3A_772 = tpu.memref_slice %arg6[%dma_start3A_766, %dma_start3A_771] : memref<8x2048xf32, #tpu.memory_space<vmem>> -> memref<1x2048xf32, #tpu.memory_space<vmem>>
        %dma_start3A_773 = tpu.memref_squeeze %dma_start3A_772 : memref<1x2048xf32, #tpu.memory_space<vmem>> -> memref<2048xf32, #tpu.memory_space<vmem>>
        %dma_start3A_774 = tpu.memref_slice %arg2[%add3A_765] : memref<8388608xf32, #tpu.memory_space<hbm>> -> memref<2048xf32, #tpu.memory_space<hbm>>
        tpu.enqueue_dma source(%dma_start3A_774 : memref<2048xf32, #tpu.memory_space<hbm>>) target(%dma_start3A_773 : memref<2048xf32, #tpu.memory_space<vmem>>) target_semaphore(%arg12 : memref<!tpu.dma_semaphore, #tpu.memory_space<semaphore_mem>>)
        %jit3A_775 = arith.constant 8 : i32
        %div3A_776 = arith.divsi %add3A_538, %jit3A_775 : i32
        %sign3A_777 = arith.constant 0 : i32
        %sign3A_778 = arith.cmpi sgt, %add3A_538, %sign3A_777 : i32
        %sign3A_779 = arith.extui %sign3A_778 : i1 to i32
        %sign3A_780 = arith.constant 0 : i32
        %sign3A_781 = arith.cmpi slt, %add3A_538, %sign3A_780 : i32
        %sign3A_782 = arith.extui %sign3A_781 : i1 to i32
        %sign3A_783 = arith.subi %sign3A_779, %sign3A_782 : i32
        %sign3A_784 = arith.constant 0 : i32
        %sign3A_785 = arith.cmpi sgt, %jit3A_775, %sign3A_784 : i32
        %sign3A_786 = arith.extui %sign3A_785 : i1 to i32
        %sign3A_787 = arith.constant 0 : i32
        %sign3A_788 = arith.cmpi slt, %jit3A_775, %sign3A_787 : i32
        %sign3A_789 = arith.extui %sign3A_788 : i1 to i32
        %sign3A_790 = arith.subi %sign3A_786, %sign3A_789 : i32
        %ne3A_791 = arith.cmpi ne, %sign3A_783, %sign3A_790 : i32
        %rem3A_792 = arith.remsi %add3A_538, %jit3A_775 : i32
        %ne3A_793 = arith.constant 0 : i32
        %ne3A_794 = arith.cmpi ne, %rem3A_792, %ne3A_793 : i32
        %and3A_795 = arith.andi %ne3A_791, %ne3A_794 : i1
        %sub3A_796 = arith.constant 1 : i32
        %sub3A_797 = arith.subi %div3A_776, %sub3A_796 : i32
        %select_n3A_798 = arith.select %and3A_795, %sub3A_797, %div3A_776 : i32
        %jit3A_799 = arith.constant 8 : i32
        %eq3A_800 = arith.constant 0 : i32
        %eq3A_801 = arith.cmpi eq, %jit3A_799, %eq3A_800 : i32
        %jit3A_802 = arith.constant 1 : i32
        %select_n3A_803 = arith.select %eq3A_801, %jit3A_802, %jit3A_799 : i32
        %rem3A_804 = arith.remsi %add3A_538, %select_n3A_803 : i32
        %ne3A_805 = arith.constant 0 : i32
        %ne3A_806 = arith.cmpi ne, %rem3A_804, %ne3A_805 : i32
        %lt3A_807 = arith.constant 0 : i32
        %lt3A_808 = arith.cmpi slt, %rem3A_804, %lt3A_807 : i32
        %lt3A_809 = arith.constant 0 : i32
        %lt3A_810 = arith.cmpi slt, %select_n3A_803, %lt3A_809 : i32
        %ne3A_811 = arith.xori %lt3A_808, %lt3A_810 : i1
        %and3A_812 = arith.andi %ne3A_811, %ne3A_806 : i1
        %add3A_813 = arith.addi %rem3A_804, %select_n3A_803 : i32
        %select_n3A_814 = arith.select %and3A_812, %add3A_813, %rem3A_804 : i32
        %mul3A_815 = arith.constant 2 : i32
        %mul3A_816 = arith.muli %add3A, %mul3A_815 : i32
        %add3A_817 = arith.addi %mul3A_816, %select_n3A_798 : i32
        %mul3A_818 = arith.constant 131072 : i32
        %mul3A_819 = arith.muli %add3A_817, %mul3A_818 : i32
        %add3A_820 = arith.constant 65536 : i32
        %add3A_821 = arith.addi %mul3A_819, %add3A_820 : i32
        %mul3A_822 = arith.constant 2048 : i32
        %mul3A_823 = arith.muli %select_n3A_814, %mul3A_822 : i32
        %add3A_824 = arith.addi %add3A_821, %mul3A_823 : i32
        %dma_start3A_825 = arith.constant 4 : i32
        %dma_start3A_826 = arith.constant 0 : i32
        %dma_start3A_827 = tpu.memref_slice %arg6[%dma_start3A_825, %dma_start3A_826] : memref<8x2048xf32, #tpu.memory_space<vmem>> -> memref<1x2048xf32, #tpu.memory_space<vmem>>
        %dma_start3A_828 = tpu.memref_squeeze %dma_start3A_827 : memref<1x2048xf32, #tpu.memory_space<vmem>> -> memref<2048xf32, #tpu.memory_space<vmem>>
        %dma_start3A_829 = tpu.memref_slice %arg2[%add3A_824] : memref<8388608xf32, #tpu.memory_space<hbm>> -> memref<2048xf32, #tpu.memory_space<hbm>>
        %dma_start3A_830 = arith.constant 0 : i32
        %dma_start3A_831 = tpu.memref_slice %arg6[%dma_start3A_825, %dma_start3A_830] : memref<8x2048xf32, #tpu.memory_space<vmem>> -> memref<1x2048xf32, #tpu.memory_space<vmem>>
        %dma_start3A_832 = tpu.memref_squeeze %dma_start3A_831 : memref<1x2048xf32, #tpu.memory_space<vmem>> -> memref<2048xf32, #tpu.memory_space<vmem>>
        %dma_start3A_833 = tpu.memref_slice %arg2[%add3A_824] : memref<8388608xf32, #tpu.memory_space<hbm>> -> memref<2048xf32, #tpu.memory_space<hbm>>
        tpu.enqueue_dma source(%dma_start3A_833 : memref<2048xf32, #tpu.memory_space<hbm>>) target(%dma_start3A_832 : memref<2048xf32, #tpu.memory_space<vmem>>) target_semaphore(%arg12 : memref<!tpu.dma_semaphore, #tpu.memory_space<semaphore_mem>>)
        %jit3A_834 = arith.constant 8 : i32
        %div3A_835 = arith.divsi %add3A_538, %jit3A_834 : i32
        %sign3A_836 = arith.constant 0 : i32
        %sign3A_837 = arith.cmpi sgt, %add3A_538, %sign3A_836 : i32
        %sign3A_838 = arith.extui %sign3A_837 : i1 to i32
        %sign3A_839 = arith.constant 0 : i32
        %sign3A_840 = arith.cmpi slt, %add3A_538, %sign3A_839 : i32
        %sign3A_841 = arith.extui %sign3A_840 : i1 to i32
        %sign3A_842 = arith.subi %sign3A_838, %sign3A_841 : i32
        %sign3A_843 = arith.constant 0 : i32
        %sign3A_844 = arith.cmpi sgt, %jit3A_834, %sign3A_843 : i32
        %sign3A_845 = arith.extui %sign3A_844 : i1 to i32
        %sign3A_846 = arith.constant 0 : i32
        %sign3A_847 = arith.cmpi slt, %jit3A_834, %sign3A_846 : i32
        %sign3A_848 = arith.extui %sign3A_847 : i1 to i32
        %sign3A_849 = arith.subi %sign3A_845, %sign3A_848 : i32
        %ne3A_850 = arith.cmpi ne, %sign3A_842, %sign3A_849 : i32
        %rem3A_851 = arith.remsi %add3A_538, %jit3A_834 : i32
        %ne3A_852 = arith.constant 0 : i32
        %ne3A_853 = arith.cmpi ne, %rem3A_851, %ne3A_852 : i32
        %and3A_854 = arith.andi %ne3A_850, %ne3A_853 : i1
        %sub3A_855 = arith.constant 1 : i32
        %sub3A_856 = arith.subi %div3A_835, %sub3A_855 : i32
        %select_n3A_857 = arith.select %and3A_854, %sub3A_856, %div3A_835 : i32
        %jit3A_858 = arith.constant 8 : i32
        %eq3A_859 = arith.constant 0 : i32
        %eq3A_860 = arith.cmpi eq, %jit3A_858, %eq3A_859 : i32
        %jit3A_861 = arith.constant 1 : i32
        %select_n3A_862 = arith.select %eq3A_860, %jit3A_861, %jit3A_858 : i32
        %rem3A_863 = arith.remsi %add3A_538, %select_n3A_862 : i32
        %ne3A_864 = arith.constant 0 : i32
        %ne3A_865 = arith.cmpi ne, %rem3A_863, %ne3A_864 : i32
        %lt3A_866 = arith.constant 0 : i32
        %lt3A_867 = arith.cmpi slt, %rem3A_863, %lt3A_866 : i32
        %lt3A_868 = arith.constant 0 : i32
        %lt3A_869 = arith.cmpi slt, %select_n3A_862, %lt3A_868 : i32
        %ne3A_870 = arith.xori %lt3A_867, %lt3A_869 : i1
        %and3A_871 = arith.andi %ne3A_870, %ne3A_865 : i1
        %add3A_872 = arith.addi %rem3A_863, %select_n3A_862 : i32
        %select_n3A_873 = arith.select %and3A_871, %add3A_872, %rem3A_863 : i32
        %mul3A_874 = arith.constant 2 : i32
        %mul3A_875 = arith.muli %add3A, %mul3A_874 : i32
        %add3A_876 = arith.addi %mul3A_875, %select_n3A_857 : i32
        %mul3A_877 = arith.constant 131072 : i32
        %mul3A_878 = arith.muli %add3A_876, %mul3A_877 : i32
        %add3A_879 = arith.constant 81920 : i32
        %add3A_880 = arith.addi %mul3A_878, %add3A_879 : i32
        %mul3A_881 = arith.constant 2048 : i32
        %mul3A_882 = arith.muli %select_n3A_873, %mul3A_881 : i32
        %add3A_883 = arith.addi %add3A_880, %mul3A_882 : i32
        %dma_start3A_884 = arith.constant 5 : i32
        %dma_start3A_885 = arith.constant 0 : i32
        %dma_start3A_886 = tpu.memref_slice %arg6[%dma_start3A_884, %dma_start3A_885] : memref<8x2048xf32, #tpu.memory_space<vmem>> -> memref<1x2048xf32, #tpu.memory_space<vmem>>
        %dma_start3A_887 = tpu.memref_squeeze %dma_start3A_886 : memref<1x2048xf32, #tpu.memory_space<vmem>> -> memref<2048xf32, #tpu.memory_space<vmem>>
        %dma_start3A_888 = tpu.memref_slice %arg2[%add3A_883] : memref<8388608xf32, #tpu.memory_space<hbm>> -> memref<2048xf32, #tpu.memory_space<hbm>>
        %dma_start3A_889 = arith.constant 0 : i32
        %dma_start3A_890 = tpu.memref_slice %arg6[%dma_start3A_884, %dma_start3A_889] : memref<8x2048xf32, #tpu.memory_space<vmem>> -> memref<1x2048xf32, #tpu.memory_space<vmem>>
        %dma_start3A_891 = tpu.memref_squeeze %dma_start3A_890 : memref<1x2048xf32, #tpu.memory_space<vmem>> -> memref<2048xf32, #tpu.memory_space<vmem>>
        %dma_start3A_892 = tpu.memref_slice %arg2[%add3A_883] : memref<8388608xf32, #tpu.memory_space<hbm>> -> memref<2048xf32, #tpu.memory_space<hbm>>
        tpu.enqueue_dma source(%dma_start3A_892 : memref<2048xf32, #tpu.memory_space<hbm>>) target(%dma_start3A_891 : memref<2048xf32, #tpu.memory_space<vmem>>) target_semaphore(%arg12 : memref<!tpu.dma_semaphore, #tpu.memory_space<semaphore_mem>>)
        %jit3A_893 = arith.constant 8 : i32
        %div3A_894 = arith.divsi %add3A_538, %jit3A_893 : i32
        %sign3A_895 = arith.constant 0 : i32
        %sign3A_896 = arith.cmpi sgt, %add3A_538, %sign3A_895 : i32
        %sign3A_897 = arith.extui %sign3A_896 : i1 to i32
        %sign3A_898 = arith.constant 0 : i32
        %sign3A_899 = arith.cmpi slt, %add3A_538, %sign3A_898 : i32
        %sign3A_900 = arith.extui %sign3A_899 : i1 to i32
        %sign3A_901 = arith.subi %sign3A_897, %sign3A_900 : i32
        %sign3A_902 = arith.constant 0 : i32
        %sign3A_903 = arith.cmpi sgt, %jit3A_893, %sign3A_902 : i32
        %sign3A_904 = arith.extui %sign3A_903 : i1 to i32
        %sign3A_905 = arith.constant 0 : i32
        %sign3A_906 = arith.cmpi slt, %jit3A_893, %sign3A_905 : i32
        %sign3A_907 = arith.extui %sign3A_906 : i1 to i32
        %sign3A_908 = arith.subi %sign3A_904, %sign3A_907 : i32
        %ne3A_909 = arith.cmpi ne, %sign3A_901, %sign3A_908 : i32
        %rem3A_910 = arith.remsi %add3A_538, %jit3A_893 : i32
        %ne3A_911 = arith.constant 0 : i32
        %ne3A_912 = arith.cmpi ne, %rem3A_910, %ne3A_911 : i32
        %and3A_913 = arith.andi %ne3A_909, %ne3A_912 : i1
        %sub3A_914 = arith.constant 1 : i32
        %sub3A_915 = arith.subi %div3A_894, %sub3A_914 : i32
        %select_n3A_916 = arith.select %and3A_913, %sub3A_915, %div3A_894 : i32
        %jit3A_917 = arith.constant 8 : i32
        %eq3A_918 = arith.constant 0 : i32
        %eq3A_919 = arith.cmpi eq, %jit3A_917, %eq3A_918 : i32
        %jit3A_920 = arith.constant 1 : i32
        %select_n3A_921 = arith.select %eq3A_919, %jit3A_920, %jit3A_917 : i32
        %rem3A_922 = arith.remsi %add3A_538, %select_n3A_921 : i32
        %ne3A_923 = arith.constant 0 : i32
        %ne3A_924 = arith.cmpi ne, %rem3A_922, %ne3A_923 : i32
        %lt3A_925 = arith.constant 0 : i32
        %lt3A_926 = arith.cmpi slt, %rem3A_922, %lt3A_925 : i32
        %lt3A_927 = arith.constant 0 : i32
        %lt3A_928 = arith.cmpi slt, %select_n3A_921, %lt3A_927 : i32
        %ne3A_929 = arith.xori %lt3A_926, %lt3A_928 : i1
        %and3A_930 = arith.andi %ne3A_929, %ne3A_924 : i1
        %add3A_931 = arith.addi %rem3A_922, %select_n3A_921 : i32
        %select_n3A_932 = arith.select %and3A_930, %add3A_931, %rem3A_922 : i32
        %mul3A_933 = arith.constant 2 : i32
        %mul3A_934 = arith.muli %add3A, %mul3A_933 : i32
        %add3A_935 = arith.addi %mul3A_934, %select_n3A_916 : i32
        %mul3A_936 = arith.constant 131072 : i32
        %mul3A_937 = arith.muli %add3A_935, %mul3A_936 : i32
        %add3A_938 = arith.constant 98304 : i32
        %add3A_939 = arith.addi %mul3A_937, %add3A_938 : i32
        %mul3A_940 = arith.constant 2048 : i32
        %mul3A_941 = arith.muli %select_n3A_932, %mul3A_940 : i32
        %add3A_942 = arith.addi %add3A_939, %mul3A_941 : i32
        %dma_start3A_943 = arith.constant 6 : i32
        %dma_start3A_944 = arith.constant 0 : i32
        %dma_start3A_945 = tpu.memref_slice %arg6[%dma_start3A_943, %dma_start3A_944] : memref<8x2048xf32, #tpu.memory_space<vmem>> -> memref<1x2048xf32, #tpu.memory_space<vmem>>
        %dma_start3A_946 = tpu.memref_squeeze %dma_start3A_945 : memref<1x2048xf32, #tpu.memory_space<vmem>> -> memref<2048xf32, #tpu.memory_space<vmem>>
        %dma_start3A_947 = tpu.memref_slice %arg2[%add3A_942] : memref<8388608xf32, #tpu.memory_space<hbm>> -> memref<2048xf32, #tpu.memory_space<hbm>>
        %dma_start3A_948 = arith.constant 0 : i32
        %dma_start3A_949 = tpu.memref_slice %arg6[%dma_start3A_943, %dma_start3A_948] : memref<8x2048xf32, #tpu.memory_space<vmem>> -> memref<1x2048xf32, #tpu.memory_space<vmem>>
        %dma_start3A_950 = tpu.memref_squeeze %dma_start3A_949 : memref<1x2048xf32, #tpu.memory_space<vmem>> -> memref<2048xf32, #tpu.memory_space<vmem>>
        %dma_start3A_951 = tpu.memref_slice %arg2[%add3A_942] : memref<8388608xf32, #tpu.memory_space<hbm>> -> memref<2048xf32, #tpu.memory_space<hbm>>
        tpu.enqueue_dma source(%dma_start3A_951 : memref<2048xf32, #tpu.memory_space<hbm>>) target(%dma_start3A_950 : memref<2048xf32, #tpu.memory_space<vmem>>) target_semaphore(%arg12 : memref<!tpu.dma_semaphore, #tpu.memory_space<semaphore_mem>>)
        %jit3A_952 = arith.constant 8 : i32
        %div3A_953 = arith.divsi %add3A_538, %jit3A_952 : i32
        %sign3A_954 = arith.constant 0 : i32
        %sign3A_955 = arith.cmpi sgt, %add3A_538, %sign3A_954 : i32
        %sign3A_956 = arith.extui %sign3A_955 : i1 to i32
        %sign3A_957 = arith.constant 0 : i32
        %sign3A_958 = arith.cmpi slt, %add3A_538, %sign3A_957 : i32
        %sign3A_959 = arith.extui %sign3A_958 : i1 to i32
        %sign3A_960 = arith.subi %sign3A_956, %sign3A_959 : i32
        %sign3A_961 = arith.constant 0 : i32
        %sign3A_962 = arith.cmpi sgt, %jit3A_952, %sign3A_961 : i32
        %sign3A_963 = arith.extui %sign3A_962 : i1 to i32
        %sign3A_964 = arith.constant 0 : i32
        %sign3A_965 = arith.cmpi slt, %jit3A_952, %sign3A_964 : i32
        %sign3A_966 = arith.extui %sign3A_965 : i1 to i32
        %sign3A_967 = arith.subi %sign3A_963, %sign3A_966 : i32
        %ne3A_968 = arith.cmpi ne, %sign3A_960, %sign3A_967 : i32
        %rem3A_969 = arith.remsi %add3A_538, %jit3A_952 : i32
        %ne3A_970 = arith.constant 0 : i32
        %ne3A_971 = arith.cmpi ne, %rem3A_969, %ne3A_970 : i32
        %and3A_972 = arith.andi %ne3A_968, %ne3A_971 : i1
        %sub3A_973 = arith.constant 1 : i32
        %sub3A_974 = arith.subi %div3A_953, %sub3A_973 : i32
        %select_n3A_975 = arith.select %and3A_972, %sub3A_974, %div3A_953 : i32
        %jit3A_976 = arith.constant 8 : i32
        %eq3A_977 = arith.constant 0 : i32
        %eq3A_978 = arith.cmpi eq, %jit3A_976, %eq3A_977 : i32
        %jit3A_979 = arith.constant 1 : i32
        %select_n3A_980 = arith.select %eq3A_978, %jit3A_979, %jit3A_976 : i32
        %rem3A_981 = arith.remsi %add3A_538, %select_n3A_980 : i32
        %ne3A_982 = arith.constant 0 : i32
        %ne3A_983 = arith.cmpi ne, %rem3A_981, %ne3A_982 : i32
        %lt3A_984 = arith.constant 0 : i32
        %lt3A_985 = arith.cmpi slt, %rem3A_981, %lt3A_984 : i32
        %lt3A_986 = arith.constant 0 : i32
        %lt3A_987 = arith.cmpi slt, %select_n3A_980, %lt3A_986 : i32
        %ne3A_988 = arith.xori %lt3A_985, %lt3A_987 : i1
        %and3A_989 = arith.andi %ne3A_988, %ne3A_983 : i1
        %add3A_990 = arith.addi %rem3A_981, %select_n3A_980 : i32
        %select_n3A_991 = arith.select %and3A_989, %add3A_990, %rem3A_981 : i32
        %mul3A_992 = arith.constant 2 : i32
        %mul3A_993 = arith.muli %add3A, %mul3A_992 : i32
        %add3A_994 = arith.addi %mul3A_993, %select_n3A_975 : i32
        %mul3A_995 = arith.constant 131072 : i32
        %mul3A_996 = arith.muli %add3A_994, %mul3A_995 : i32
        %add3A_997 = arith.constant 114688 : i32
        %add3A_998 = arith.addi %mul3A_996, %add3A_997 : i32
        %mul3A_999 = arith.constant 2048 : i32
        %mul3A_1000 = arith.muli %select_n3A_991, %mul3A_999 : i32
        %add3A_1001 = arith.addi %add3A_998, %mul3A_1000 : i32
        %dma_start3A_1002 = arith.constant 7 : i32
        %dma_start3A_1003 = arith.constant 0 : i32
        %dma_start3A_1004 = tpu.memref_slice %arg6[%dma_start3A_1002, %dma_start3A_1003] : memref<8x2048xf32, #tpu.memory_space<vmem>> -> memref<1x2048xf32, #tpu.memory_space<vmem>>
        %dma_start3A_1005 = tpu.memref_squeeze %dma_start3A_1004 : memref<1x2048xf32, #tpu.memory_space<vmem>> -> memref<2048xf32, #tpu.memory_space<vmem>>
        %dma_start3A_1006 = tpu.memref_slice %arg2[%add3A_1001] : memref<8388608xf32, #tpu.memory_space<hbm>> -> memref<2048xf32, #tpu.memory_space<hbm>>
        %dma_start3A_1007 = arith.constant 0 : i32
        %dma_start3A_1008 = tpu.memref_slice %arg6[%dma_start3A_1002, %dma_start3A_1007] : memref<8x2048xf32, #tpu.memory_space<vmem>> -> memref<1x2048xf32, #tpu.memory_space<vmem>>
        %dma_start3A_1009 = tpu.memref_squeeze %dma_start3A_1008 : memref<1x2048xf32, #tpu.memory_space<vmem>> -> memref<2048xf32, #tpu.memory_space<vmem>>
        %dma_start3A_1010 = tpu.memref_slice %arg2[%add3A_1001] : memref<8388608xf32, #tpu.memory_space<hbm>> -> memref<2048xf32, #tpu.memory_space<hbm>>
        tpu.enqueue_dma source(%dma_start3A_1010 : memref<2048xf32, #tpu.memory_space<hbm>>) target(%dma_start3A_1009 : memref<2048xf32, #tpu.memory_space<vmem>>) target_semaphore(%arg12 : memref<!tpu.dma_semaphore, #tpu.memory_space<semaphore_mem>>)
      } else {
      }
      %dma_wait3A_382 = arith.constant 0 : i32
      %dma_wait3A_383 = arith.constant 0 : i32
      %dma_wait3A_384 = tpu.memref_slice %arg7[%dma_wait3A_382, %dma_wait3A_383] : memref<8x2048xf32, #tpu.memory_space<vmem>> -> memref<1x2048xf32, #tpu.memory_space<vmem>>
      %dma_wait3A_385 = tpu.memref_squeeze %dma_wait3A_384 : memref<1x2048xf32, #tpu.memory_space<vmem>> -> memref<2048xf32, #tpu.memory_space<vmem>>
      %dma_wait3A_386 = arith.constant 0 : i32
      %dma_wait3A_387 = tpu.memref_slice %arg2[%dma_wait3A_386] : memref<8388608xf32, #tpu.memory_space<hbm>> -> memref<2048xf32, #tpu.memory_space<hbm>>
      %dma_wait3A_388 = arith.constant 0 : i32
      %dma_wait3A_389 = tpu.memref_slice %arg7[%dma_wait3A_382, %dma_wait3A_388] : memref<8x2048xf32, #tpu.memory_space<vmem>> -> memref<1x2048xf32, #tpu.memory_space<vmem>>
      %dma_wait3A_390 = tpu.memref_squeeze %dma_wait3A_389 : memref<1x2048xf32, #tpu.memory_space<vmem>> -> memref<2048xf32, #tpu.memory_space<vmem>>
      %dma_wait3A_391 = arith.constant 0 : i32
      %dma_wait3A_392 = tpu.memref_slice %arg2[%dma_wait3A_391] : memref<8388608xf32, #tpu.memory_space<hbm>> -> memref<2048xf32, #tpu.memory_space<hbm>>
      tpu.wait_dma2 semaphore(%arg13 : memref<!tpu.dma_semaphore, #tpu.memory_space<semaphore_mem>>) src(%dma_wait3A_392 : memref<2048xf32, #tpu.memory_space<hbm>>) dst(%dma_wait3A_390 : memref<2048xf32, #tpu.memory_space<vmem>>)
      %dma_wait3A_393 = arith.constant 1 : i32
      %dma_wait3A_394 = arith.constant 0 : i32
      %dma_wait3A_395 = tpu.memref_slice %arg7[%dma_wait3A_393, %dma_wait3A_394] : memref<8x2048xf32, #tpu.memory_space<vmem>> -> memref<1x2048xf32, #tpu.memory_space<vmem>>
      %dma_wait3A_396 = tpu.memref_squeeze %dma_wait3A_395 : memref<1x2048xf32, #tpu.memory_space<vmem>> -> memref<2048xf32, #tpu.memory_space<vmem>>
      %dma_wait3A_397 = arith.constant 0 : i32
      %dma_wait3A_398 = tpu.memref_slice %arg2[%dma_wait3A_397] : memref<8388608xf32, #tpu.memory_space<hbm>> -> memref<2048xf32, #tpu.memory_space<hbm>>
      %dma_wait3A_399 = arith.constant 0 : i32
      %dma_wait3A_400 = tpu.memref_slice %arg7[%dma_wait3A_393, %dma_wait3A_399] : memref<8x2048xf32, #tpu.memory_space<vmem>> -> memref<1x2048xf32, #tpu.memory_space<vmem>>
      %dma_wait3A_401 = tpu.memref_squeeze %dma_wait3A_400 : memref<1x2048xf32, #tpu.memory_space<vmem>> -> memref<2048xf32, #tpu.memory_space<vmem>>
      %dma_wait3A_402 = arith.constant 0 : i32
      %dma_wait3A_403 = tpu.memref_slice %arg2[%dma_wait3A_402] : memref<8388608xf32, #tpu.memory_space<hbm>> -> memref<2048xf32, #tpu.memory_space<hbm>>
      tpu.wait_dma2 semaphore(%arg13 : memref<!tpu.dma_semaphore, #tpu.memory_space<semaphore_mem>>) src(%dma_wait3A_403 : memref<2048xf32, #tpu.memory_space<hbm>>) dst(%dma_wait3A_401 : memref<2048xf32, #tpu.memory_space<vmem>>)
      %dma_wait3A_404 = arith.constant 2 : i32
      %dma_wait3A_405 = arith.constant 0 : i32
      %dma_wait3A_406 = tpu.memref_slice %arg7[%dma_wait3A_404, %dma_wait3A_405] : memref<8x2048xf32, #tpu.memory_space<vmem>> -> memref<1x2048xf32, #tpu.memory_space<vmem>>
      %dma_wait3A_407 = tpu.memref_squeeze %dma_wait3A_406 : memref<1x2048xf32, #tpu.memory_space<vmem>> -> memref<2048xf32, #tpu.memory_space<vmem>>
      %dma_wait3A_408 = arith.constant 0 : i32
      %dma_wait3A_409 = tpu.memref_slice %arg2[%dma_wait3A_408] : memref<8388608xf32, #tpu.memory_space<hbm>> -> memref<2048xf32, #tpu.memory_space<hbm>>
      %dma_wait3A_410 = arith.constant 0 : i32
      %dma_wait3A_411 = tpu.memref_slice %arg7[%dma_wait3A_404, %dma_wait3A_410] : memref<8x2048xf32, #tpu.memory_space<vmem>> -> memref<1x2048xf32, #tpu.memory_space<vmem>>
      %dma_wait3A_412 = tpu.memref_squeeze %dma_wait3A_411 : memref<1x2048xf32, #tpu.memory_space<vmem>> -> memref<2048xf32, #tpu.memory_space<vmem>>
      %dma_wait3A_413 = arith.constant 0 : i32
      %dma_wait3A_414 = tpu.memref_slice %arg2[%dma_wait3A_413] : memref<8388608xf32, #tpu.memory_space<hbm>> -> memref<2048xf32, #tpu.memory_space<hbm>>
      tpu.wait_dma2 semaphore(%arg13 : memref<!tpu.dma_semaphore, #tpu.memory_space<semaphore_mem>>) src(%dma_wait3A_414 : memref<2048xf32, #tpu.memory_space<hbm>>) dst(%dma_wait3A_412 : memref<2048xf32, #tpu.memory_space<vmem>>)
      %dma_wait3A_415 = arith.constant 3 : i32
      %dma_wait3A_416 = arith.constant 0 : i32
      %dma_wait3A_417 = tpu.memref_slice %arg7[%dma_wait3A_415, %dma_wait3A_416] : memref<8x2048xf32, #tpu.memory_space<vmem>> -> memref<1x2048xf32, #tpu.memory_space<vmem>>
      %dma_wait3A_418 = tpu.memref_squeeze %dma_wait3A_417 : memref<1x2048xf32, #tpu.memory_space<vmem>> -> memref<2048xf32, #tpu.memory_space<vmem>>
      %dma_wait3A_419 = arith.constant 0 : i32
      %dma_wait3A_420 = tpu.memref_slice %arg2[%dma_wait3A_419] : memref<8388608xf32, #tpu.memory_space<hbm>> -> memref<2048xf32, #tpu.memory_space<hbm>>
      %dma_wait3A_421 = arith.constant 0 : i32
      %dma_wait3A_422 = tpu.memref_slice %arg7[%dma_wait3A_415, %dma_wait3A_421] : memref<8x2048xf32, #tpu.memory_space<vmem>> -> memref<1x2048xf32, #tpu.memory_space<vmem>>
      %dma_wait3A_423 = tpu.memref_squeeze %dma_wait3A_422 : memref<1x2048xf32, #tpu.memory_space<vmem>> -> memref<2048xf32, #tpu.memory_space<vmem>>
      %dma_wait3A_424 = arith.constant 0 : i32
      %dma_wait3A_425 = tpu.memref_slice %arg2[%dma_wait3A_424] : memref<8388608xf32, #tpu.memory_space<hbm>> -> memref<2048xf32, #tpu.memory_space<hbm>>
      tpu.wait_dma2 semaphore(%arg13 : memref<!tpu.dma_semaphore, #tpu.memory_space<semaphore_mem>>) src(%dma_wait3A_425 : memref<2048xf32, #tpu.memory_space<hbm>>) dst(%dma_wait3A_423 : memref<2048xf32, #tpu.memory_space<vmem>>)
      %dma_wait3A_426 = arith.constant 4 : i32
      %dma_wait3A_427 = arith.constant 0 : i32
      %dma_wait3A_428 = tpu.memref_slice %arg7[%dma_wait3A_426, %dma_wait3A_427] : memref<8x2048xf32, #tpu.memory_space<vmem>> -> memref<1x2048xf32, #tpu.memory_space<vmem>>
      %dma_wait3A_429 = tpu.memref_squeeze %dma_wait3A_428 : memref<1x2048xf32, #tpu.memory_space<vmem>> -> memref<2048xf32, #tpu.memory_space<vmem>>
      %dma_wait3A_430 = arith.constant 0 : i32
      %dma_wait3A_431 = tpu.memref_slice %arg2[%dma_wait3A_430] : memref<8388608xf32, #tpu.memory_space<hbm>> -> memref<2048xf32, #tpu.memory_space<hbm>>
      %dma_wait3A_432 = arith.constant 0 : i32
      %dma_wait3A_433 = tpu.memref_slice %arg7[%dma_wait3A_426, %dma_wait3A_432] : memref<8x2048xf32, #tpu.memory_space<vmem>> -> memref<1x2048xf32, #tpu.memory_space<vmem>>
      %dma_wait3A_434 = tpu.memref_squeeze %dma_wait3A_433 : memref<1x2048xf32, #tpu.memory_space<vmem>> -> memref<2048xf32, #tpu.memory_space<vmem>>
      %dma_wait3A_435 = arith.constant 0 : i32
      %dma_wait3A_436 = tpu.memref_slice %arg2[%dma_wait3A_435] : memref<8388608xf32, #tpu.memory_space<hbm>> -> memref<2048xf32, #tpu.memory_space<hbm>>
      tpu.wait_dma2 semaphore(%arg13 : memref<!tpu.dma_semaphore, #tpu.memory_space<semaphore_mem>>) src(%dma_wait3A_436 : memref<2048xf32, #tpu.memory_space<hbm>>) dst(%dma_wait3A_434 : memref<2048xf32, #tpu.memory_space<vmem>>)
      %dma_wait3A_437 = arith.constant 5 : i32
      %dma_wait3A_438 = arith.constant 0 : i32
      %dma_wait3A_439 = tpu.memref_slice %arg7[%dma_wait3A_437, %dma_wait3A_438] : memref<8x2048xf32, #tpu.memory_space<vmem>> -> memref<1x2048xf32, #tpu.memory_space<vmem>>
      %dma_wait3A_440 = tpu.memref_squeeze %dma_wait3A_439 : memref<1x2048xf32, #tpu.memory_space<vmem>> -> memref<2048xf32, #tpu.memory_space<vmem>>
      %dma_wait3A_441 = arith.constant 0 : i32
      %dma_wait3A_442 = tpu.memref_slice %arg2[%dma_wait3A_441] : memref<8388608xf32, #tpu.memory_space<hbm>> -> memref<2048xf32, #tpu.memory_space<hbm>>
      %dma_wait3A_443 = arith.constant 0 : i32
      %dma_wait3A_444 = tpu.memref_slice %arg7[%dma_wait3A_437, %dma_wait3A_443] : memref<8x2048xf32, #tpu.memory_space<vmem>> -> memref<1x2048xf32, #tpu.memory_space<vmem>>
      %dma_wait3A_445 = tpu.memref_squeeze %dma_wait3A_444 : memref<1x2048xf32, #tpu.memory_space<vmem>> -> memref<2048xf32, #tpu.memory_space<vmem>>
      %dma_wait3A_446 = arith.constant 0 : i32
      %dma_wait3A_447 = tpu.memref_slice %arg2[%dma_wait3A_446] : memref<8388608xf32, #tpu.memory_space<hbm>> -> memref<2048xf32, #tpu.memory_space<hbm>>
      tpu.wait_dma2 semaphore(%arg13 : memref<!tpu.dma_semaphore, #tpu.memory_space<semaphore_mem>>) src(%dma_wait3A_447 : memref<2048xf32, #tpu.memory_space<hbm>>) dst(%dma_wait3A_445 : memref<2048xf32, #tpu.memory_space<vmem>>)
      %dma_wait3A_448 = arith.constant 6 : i32
      %dma_wait3A_449 = arith.constant 0 : i32
      %dma_wait3A_450 = tpu.memref_slice %arg7[%dma_wait3A_448, %dma_wait3A_449] : memref<8x2048xf32, #tpu.memory_space<vmem>> -> memref<1x2048xf32, #tpu.memory_space<vmem>>
      %dma_wait3A_451 = tpu.memref_squeeze %dma_wait3A_450 : memref<1x2048xf32, #tpu.memory_space<vmem>> -> memref<2048xf32, #tpu.memory_space<vmem>>
      %dma_wait3A_452 = arith.constant 0 : i32
      %dma_wait3A_453 = tpu.memref_slice %arg2[%dma_wait3A_452] : memref<8388608xf32, #tpu.memory_space<hbm>> -> memref<2048xf32, #tpu.memory_space<hbm>>
      %dma_wait3A_454 = arith.constant 0 : i32
      %dma_wait3A_455 = tpu.memref_slice %arg7[%dma_wait3A_448, %dma_wait3A_454] : memref<8x2048xf32, #tpu.memory_space<vmem>> -> memref<1x2048xf32, #tpu.memory_space<vmem>>
      %dma_wait3A_456 = tpu.memref_squeeze %dma_wait3A_455 : memref<1x2048xf32, #tpu.memory_space<vmem>> -> memref<2048xf32, #tpu.memory_space<vmem>>
      %dma_wait3A_457 = arith.constant 0 : i32
      %dma_wait3A_458 = tpu.memref_slice %arg2[%dma_wait3A_457] : memref<8388608xf32, #tpu.memory_space<hbm>> -> memref<2048xf32, #tpu.memory_space<hbm>>
      tpu.wait_dma2 semaphore(%arg13 : memref<!tpu.dma_semaphore, #tpu.memory_space<semaphore_mem>>) src(%dma_wait3A_458 : memref<2048xf32, #tpu.memory_space<hbm>>) dst(%dma_wait3A_456 : memref<2048xf32, #tpu.memory_space<vmem>>)
      %dma_wait3A_459 = arith.constant 7 : i32
      %dma_wait3A_460 = arith.constant 0 : i32
      %dma_wait3A_461 = tpu.memref_slice %arg7[%dma_wait3A_459, %dma_wait3A_460] : memref<8x2048xf32, #tpu.memory_space<vmem>> -> memref<1x2048xf32, #tpu.memory_space<vmem>>
      %dma_wait3A_462 = tpu.memref_squeeze %dma_wait3A_461 : memref<1x2048xf32, #tpu.memory_space<vmem>> -> memref<2048xf32, #tpu.memory_space<vmem>>
      %dma_wait3A_463 = arith.constant 0 : i32
      %dma_wait3A_464 = tpu.memref_slice %arg2[%dma_wait3A_463] : memref<8388608xf32, #tpu.memory_space<hbm>> -> memref<2048xf32, #tpu.memory_space<hbm>>
      %dma_wait3A_465 = arith.constant 0 : i32
      %dma_wait3A_466 = tpu.memref_slice %arg7[%dma_wait3A_459, %dma_wait3A_465] : memref<8x2048xf32, #tpu.memory_space<vmem>> -> memref<1x2048xf32, #tpu.memory_space<vmem>>
      %dma_wait3A_467 = tpu.memref_squeeze %dma_wait3A_466 : memref<1x2048xf32, #tpu.memory_space<vmem>> -> memref<2048xf32, #tpu.memory_space<vmem>>
      %dma_wait3A_468 = arith.constant 0 : i32
      %dma_wait3A_469 = tpu.memref_slice %arg2[%dma_wait3A_468] : memref<8388608xf32, #tpu.memory_space<hbm>> -> memref<2048xf32, #tpu.memory_space<hbm>>
      tpu.wait_dma2 semaphore(%arg13 : memref<!tpu.dma_semaphore, #tpu.memory_space<semaphore_mem>>) src(%dma_wait3A_469 : memref<2048xf32, #tpu.memory_space<hbm>>) dst(%dma_wait3A_467 : memref<2048xf32, #tpu.memory_space<vmem>>)
      %ge3A_470 = arith.constant 2 : i32
      %ge3A_471 = arith.cmpi sge, %add3A_374, %ge3A_470 : i32
      %convert_element_type3A_472 = arith.extui %ge3A_471 : i1 to i32
      %cond3A_473 = arith.constant 0 : i32
      %cond3A_474 = arith.cmpi ne, %convert_element_type3A_472, %cond3A_473 : i32
      scf.if %cond3A_474 {
        %dma_wait3A_537 = arith.constant 0 : i32
        %dma_wait3A_538 = tpu.memref_slice %arg4[%dma_wait3A_537] : memref<8388608xf32, #tpu.memory_space<hbm>> -> memref<16384xf32, #tpu.memory_space<hbm>>
        %dma_wait3A_539 = arith.constant 0 : i32
        %dma_wait3A_540 = tpu.memref_slice %arg4[%dma_wait3A_539] : memref<8388608xf32, #tpu.memory_space<hbm>> -> memref<16384xf32, #tpu.memory_space<hbm>>
        tpu.wait_dma2 semaphore(%arg15 : memref<!tpu.dma_semaphore, #tpu.memory_space<semaphore_mem>>) src(%arg9 : memref<16384xf32, #tpu.memory_space<vmem>>) dst(%dma_wait3A_540 : memref<16384xf32, #tpu.memory_space<hbm>>)
      } else {
      }
      %scan3A_475 = arith.constant 0 : i32
      %scan3A_476 = arith.constant 0 : i32
      %scan3A_477 = arith.constant 128 : i32
      %scan3A_478 = arith.addi %scan3A_476, %scan3A_477 : i32
      %scan3A_479 = arith.constant 1 : i32
      %scan3A_480 = scf.for %scan3A_537 = %scan3A_476 to %scan3A_478 step %scan3A_479 iter_args(%scan3A_538 = %scan3A_475) -> (i32)  : i32 {
        %mul3A_539 = arith.constant 16 : i32
        %mul3A_540 = arith.muli %scan3A_537, %mul3A_539 : i32
        %get3A = arith.constant 0 : i32
        %get3A_541 = arith.index_cast %get3A : i32 to index
        %get3A_542 = arith.index_cast %mul3A_540 : i32 to index
        %get3A_543 = tpu.vector_load %arg7[%get3A_541, %get3A_542] {strides = array<i32>} : memref<8x2048xf32, #tpu.memory_space<vmem>>, vector<16xf32>,
        %mul3A_544 = arith.constant 128 : i32
        %mul3A_545 = arith.muli %scan3A_537, %mul3A_544 : i32
        %add3A_546 = arith.constant 0 : i32
        %add3A_547 = arith.addi %mul3A_545, %add3A_546 : i32
        %add3A_548 = vector.broadcast %add3A_547 : i32 to vector<16xi32>
        %add3A_549 = arith.addi %mul3A_3, %add3A_548 : vector<16xi32>
        tpu.vector_store_idx %arg9[%add3A_549], %get3A_543 : memref<16384xf32, #tpu.memory_space<vmem>>[vector<16xi32>], vector<16xf32>,
        %mul3A_550 = arith.constant 16 : i32
        %mul3A_551 = arith.muli %scan3A_537, %mul3A_550 : i32
        %get3A_552 = arith.constant 1 : i32
        %get3A_553 = arith.index_cast %get3A_552 : i32 to index
        %get3A_554 = arith.index_cast %mul3A_551 : i32 to index
        %get3A_555 = tpu.vector_load %arg7[%get3A_553, %get3A_554] {strides = array<i32>} : memref<8x2048xf32, #tpu.memory_space<vmem>>, vector<16xf32>,
        %mul3A_556 = arith.constant 128 : i32
        %mul3A_557 = arith.muli %scan3A_537, %mul3A_556 : i32
        %add3A_558 = arith.constant 1 : i32
        %add3A_559 = arith.addi %mul3A_557, %add3A_558 : i32
        %add3A_560 = vector.broadcast %add3A_559 : i32 to vector<16xi32>
        %add3A_561 = arith.addi %mul3A_3, %add3A_560 : vector<16xi32>
        tpu.vector_store_idx %arg9[%add3A_561], %get3A_555 : memref<16384xf32, #tpu.memory_space<vmem>>[vector<16xi32>], vector<16xf32>,
        %mul3A_562 = arith.constant 16 : i32
        %mul3A_563 = arith.muli %scan3A_537, %mul3A_562 : i32
        %get3A_564 = arith.constant 2 : i32
        %get3A_565 = arith.index_cast %get3A_564 : i32 to index
        %get3A_566 = arith.index_cast %mul3A_563 : i32 to index
        %get3A_567 = tpu.vector_load %arg7[%get3A_565, %get3A_566] {strides = array<i32>} : memref<8x2048xf32, #tpu.memory_space<vmem>>, vector<16xf32>,
        %mul3A_568 = arith.constant 128 : i32
        %mul3A_569 = arith.muli %scan3A_537, %mul3A_568 : i32
        %add3A_570 = arith.constant 2 : i32
        %add3A_571 = arith.addi %mul3A_569, %add3A_570 : i32
        %add3A_572 = vector.broadcast %add3A_571 : i32 to vector<16xi32>
        %add3A_573 = arith.addi %mul3A_3, %add3A_572 : vector<16xi32>
        tpu.vector_store_idx %arg9[%add3A_573], %get3A_567 : memref<16384xf32, #tpu.memory_space<vmem>>[vector<16xi32>], vector<16xf32>,
        %mul3A_574 = arith.constant 16 : i32
        %mul3A_575 = arith.muli %scan3A_537, %mul3A_574 : i32
        %get3A_576 = arith.constant 3 : i32
        %get3A_577 = arith.index_cast %get3A_576 : i32 to index
        %get3A_578 = arith.index_cast %mul3A_575 : i32 to index
        %get3A_579 = tpu.vector_load %arg7[%get3A_577, %get3A_578] {strides = array<i32>} : memref<8x2048xf32, #tpu.memory_space<vmem>>, vector<16xf32>,
        %mul3A_580 = arith.constant 128 : i32
        %mul3A_581 = arith.muli %scan3A_537, %mul3A_580 : i32
        %add3A_582 = arith.constant 3 : i32
        %add3A_583 = arith.addi %mul3A_581, %add3A_582 : i32
        %add3A_584 = vector.broadcast %add3A_583 : i32 to vector<16xi32>
        %add3A_585 = arith.addi %mul3A_3, %add3A_584 : vector<16xi32>
        tpu.vector_store_idx %arg9[%add3A_585], %get3A_579 : memref<16384xf32, #tpu.memory_space<vmem>>[vector<16xi32>], vector<16xf32>,
        %mul3A_586 = arith.constant 16 : i32
        %mul3A_587 = arith.muli %scan3A_537, %mul3A_586 : i32
        %get3A_588 = arith.constant 4 : i32
        %get3A_589 = arith.index_cast %get3A_588 : i32 to index
        %get3A_590 = arith.index_cast %mul3A_587 : i32 to index
        %get3A_591 = tpu.vector_load %arg7[%get3A_589, %get3A_590] {strides = array<i32>} : memref<8x2048xf32, #tpu.memory_space<vmem>>, vector<16xf32>,
        %mul3A_592 = arith.constant 128 : i32
        %mul3A_593 = arith.muli %scan3A_537, %mul3A_592 : i32
        %add3A_594 = arith.constant 4 : i32
        %add3A_595 = arith.addi %mul3A_593, %add3A_594 : i32
        %add3A_596 = vector.broadcast %add3A_595 : i32 to vector<16xi32>
        %add3A_597 = arith.addi %mul3A_3, %add3A_596 : vector<16xi32>
        tpu.vector_store_idx %arg9[%add3A_597], %get3A_591 : memref<16384xf32, #tpu.memory_space<vmem>>[vector<16xi32>], vector<16xf32>,
        %mul3A_598 = arith.constant 16 : i32
        %mul3A_599 = arith.muli %scan3A_537, %mul3A_598 : i32
        %get3A_600 = arith.constant 5 : i32
        %get3A_601 = arith.index_cast %get3A_600 : i32 to index
        %get3A_602 = arith.index_cast %mul3A_599 : i32 to index
        %get3A_603 = tpu.vector_load %arg7[%get3A_601, %get3A_602] {strides = array<i32>} : memref<8x2048xf32, #tpu.memory_space<vmem>>, vector<16xf32>,
        %mul3A_604 = arith.constant 128 : i32
        %mul3A_605 = arith.muli %scan3A_537, %mul3A_604 : i32
        %add3A_606 = arith.constant 5 : i32
        %add3A_607 = arith.addi %mul3A_605, %add3A_606 : i32
        %add3A_608 = vector.broadcast %add3A_607 : i32 to vector<16xi32>
        %add3A_609 = arith.addi %mul3A_3, %add3A_608 : vector<16xi32>
        tpu.vector_store_idx %arg9[%add3A_609], %get3A_603 : memref<16384xf32, #tpu.memory_space<vmem>>[vector<16xi32>], vector<16xf32>,
        %mul3A_610 = arith.constant 16 : i32
        %mul3A_611 = arith.muli %scan3A_537, %mul3A_610 : i32
        %get3A_612 = arith.constant 6 : i32
        %get3A_613 = arith.index_cast %get3A_612 : i32 to index
        %get3A_614 = arith.index_cast %mul3A_611 : i32 to index
        %get3A_615 = tpu.vector_load %arg7[%get3A_613, %get3A_614] {strides = array<i32>} : memref<8x2048xf32, #tpu.memory_space<vmem>>, vector<16xf32>,
        %mul3A_616 = arith.constant 128 : i32
        %mul3A_617 = arith.muli %scan3A_537, %mul3A_616 : i32
        %add3A_618 = arith.constant 6 : i32
        %add3A_619 = arith.addi %mul3A_617, %add3A_618 : i32
        %add3A_620 = vector.broadcast %add3A_619 : i32 to vector<16xi32>
        %add3A_621 = arith.addi %mul3A_3, %add3A_620 : vector<16xi32>
        tpu.vector_store_idx %arg9[%add3A_621], %get3A_615 : memref<16384xf32, #tpu.memory_space<vmem>>[vector<16xi32>], vector<16xf32>,
        %mul3A_622 = arith.constant 16 : i32
        %mul3A_623 = arith.muli %scan3A_537, %mul3A_622 : i32
        %get3A_624 = arith.constant 7 : i32
        %get3A_625 = arith.index_cast %get3A_624 : i32 to index
        %get3A_626 = arith.index_cast %mul3A_623 : i32 to index
        %get3A_627 = tpu.vector_load %arg7[%get3A_625, %get3A_626] {strides = array<i32>} : memref<8x2048xf32, #tpu.memory_space<vmem>>, vector<16xf32>,
        %mul3A_628 = arith.constant 128 : i32
        %mul3A_629 = arith.muli %scan3A_537, %mul3A_628 : i32
        %add3A_630 = arith.constant 7 : i32
        %add3A_631 = arith.addi %mul3A_629, %add3A_630 : i32
        %add3A_632 = vector.broadcast %add3A_631 : i32 to vector<16xi32>
        %add3A_633 = arith.addi %mul3A_3, %add3A_632 : vector<16xi32>
        tpu.vector_store_idx %arg9[%add3A_633], %get3A_627 : memref<16384xf32, #tpu.memory_space<vmem>>[vector<16xi32>], vector<16xf32>,
        %scan3A_634 = arith.constant 0 : i32
        scf.yield %scan3A_634 : i32
      }
      %scan3A_481 = arith.constant 128 : i32
      %jit3A_482 = arith.constant 8 : i32
      %div3A_483 = arith.divsi %add3A_374, %jit3A_482 : i32
      %sign3A_484 = arith.constant 0 : i32
      %sign3A_485 = arith.cmpi sgt, %add3A_374, %sign3A_484 : i32
      %sign3A_486 = arith.extui %sign3A_485 : i1 to i32
      %sign3A_487 = arith.constant 0 : i32
      %sign3A_488 = arith.cmpi slt, %add3A_374, %sign3A_487 : i32
      %sign3A_489 = arith.extui %sign3A_488 : i1 to i32
      %sign3A_490 = arith.subi %sign3A_486, %sign3A_489 : i32
      %sign3A_491 = arith.constant 0 : i32
      %sign3A_492 = arith.cmpi sgt, %jit3A_482, %sign3A_491 : i32
      %sign3A_493 = arith.extui %sign3A_492 : i1 to i32
      %sign3A_494 = arith.constant 0 : i32
      %sign3A_495 = arith.cmpi slt, %jit3A_482, %sign3A_494 : i32
      %sign3A_496 = arith.extui %sign3A_495 : i1 to i32
      %sign3A_497 = arith.subi %sign3A_493, %sign3A_496 : i32
      %ne3A_498 = arith.cmpi ne, %sign3A_490, %sign3A_497 : i32
      %rem3A_499 = arith.remsi %add3A_374, %jit3A_482 : i32
      %ne3A_500 = arith.constant 0 : i32
      %ne3A_501 = arith.cmpi ne, %rem3A_499, %ne3A_500 : i32
      %and3A_502 = arith.andi %ne3A_498, %ne3A_501 : i1
      %sub3A_503 = arith.constant 1 : i32
      %sub3A_504 = arith.subi %div3A_483, %sub3A_503 : i32
      %select_n3A_505 = arith.select %and3A_502, %sub3A_504, %div3A_483 : i32
      %jit3A_506 = arith.constant 8 : i32
      %eq3A_507 = arith.constant 0 : i32
      %eq3A_508 = arith.cmpi eq, %jit3A_506, %eq3A_507 : i32
      %jit3A_509 = arith.constant 1 : i32
      %select_n3A_510 = arith.select %eq3A_508, %jit3A_509, %jit3A_506 : i32
      %rem3A_511 = arith.remsi %add3A_374, %select_n3A_510 : i32
      %ne3A_512 = arith.constant 0 : i32
      %ne3A_513 = arith.cmpi ne, %rem3A_511, %ne3A_512 : i32
      %lt3A_514 = arith.constant 0 : i32
      %lt3A_515 = arith.cmpi slt, %rem3A_511, %lt3A_514 : i32
      %lt3A_516 = arith.constant 0 : i32
      %lt3A_517 = arith.cmpi slt, %select_n3A_510, %lt3A_516 : i32
      %ne3A_518 = arith.xori %lt3A_515, %lt3A_517 : i1
      %and3A_519 = arith.andi %ne3A_518, %ne3A_513 : i1
      %add3A_520 = arith.addi %rem3A_511, %select_n3A_510 : i32
      %select_n3A_521 = arith.select %and3A_519, %add3A_520, %rem3A_511 : i32
      %mul3A_522 = arith.constant 2 : i32
      %mul3A_523 = arith.muli %add3A, %mul3A_522 : i32
      %add3A_524 = arith.addi %mul3A_523, %select_n3A_505 : i32
      %mul3A_525 = arith.constant 16384 : i32
      %mul3A_526 = arith.muli %add3A_524, %mul3A_525 : i32
      %mul3A_527 = arith.constant 8 : i32
      %mul3A_528 = arith.muli %mul3A_526, %mul3A_527 : i32
      %mul3A_529 = arith.constant 2048 : i32
      %mul3A_530 = arith.muli %select_n3A_521, %mul3A_529 : i32
      %mul3A_531 = arith.constant 8 : i32
      %mul3A_532 = arith.muli %mul3A_530, %mul3A_531 : i32
      %add3A_533 = arith.addi %mul3A_528, %mul3A_532 : i32
      %dma_start3A_534 = tpu.memref_slice %arg4[%add3A_533] : memref<8388608xf32, #tpu.memory_space<hbm>> -> memref<16384xf32, #tpu.memory_space<hbm>>
      %dma_start3A_535 = tpu.memref_slice %arg4[%add3A_533] : memref<8388608xf32, #tpu.memory_space<hbm>> -> memref<16384xf32, #tpu.memory_space<hbm>>
      tpu.enqueue_dma source(%arg9 : memref<16384xf32, #tpu.memory_space<vmem>>) target(%dma_start3A_535 : memref<16384xf32, #tpu.memory_space<hbm>>) target_semaphore(%arg15 : memref<!tpu.dma_semaphore, #tpu.memory_space<semaphore_mem>>)
      %scan3A_536 = arith.constant 0 : i32
      scf.yield %scan3A_536 : i32
    }
    %scan3A_160 = arith.constant 8 : i32
    %dma_wait3A = arith.constant 0 : i32
    %dma_wait3A_161 = tpu.memref_slice %arg4[%dma_wait3A] : memref<8388608xf32, #tpu.memory_space<hbm>> -> memref<16384xf32, #tpu.memory_space<hbm>>
    %dma_wait3A_162 = arith.constant 0 : i32
    %dma_wait3A_163 = tpu.memref_slice %arg4[%dma_wait3A_162] : memref<8388608xf32, #tpu.memory_space<hbm>> -> memref<16384xf32, #tpu.memory_space<hbm>>
    tpu.wait_dma2 semaphore(%arg14 : memref<!tpu.dma_semaphore, #tpu.memory_space<semaphore_mem>>) src(%arg8 : memref<16384xf32, #tpu.memory_space<vmem>>) dst(%dma_wait3A_163 : memref<16384xf32, #tpu.memory_space<hbm>>)
    %dma_wait3A_164 = arith.constant 0 : i32
    %dma_wait3A_165 = tpu.memref_slice %arg4[%dma_wait3A_164] : memref<8388608xf32, #tpu.memory_space<hbm>> -> memref<16384xf32, #tpu.memory_space<hbm>>
    %dma_wait3A_166 = arith.constant 0 : i32
    %dma_wait3A_167 = tpu.memref_slice %arg4[%dma_wait3A_166] : memref<8388608xf32, #tpu.memory_space<hbm>> -> memref<16384xf32, #tpu.memory_space<hbm>>
    tpu.wait_dma2 semaphore(%arg15 : memref<!tpu.dma_semaphore, #tpu.memory_space<semaphore_mem>>) src(%arg9 : memref<16384xf32, #tpu.memory_space<vmem>>) dst(%dma_wait3A_167 : memref<16384xf32, #tpu.memory_space<hbm>>)
    %jit3A = arith.constant 4 : i32
    %div3A = arith.divsi %add3A, %jit3A : i32
    %sign3A = arith.constant 0 : i32
    %sign3A_168 = arith.cmpi sgt, %add3A, %sign3A : i32
    %sign3A_169 = arith.extui %sign3A_168 : i1 to i32
    %sign3A_170 = arith.constant 0 : i32
    %sign3A_171 = arith.cmpi slt, %add3A, %sign3A_170 : i32
    %sign3A_172 = arith.extui %sign3A_171 : i1 to i32
    %sign3A_173 = arith.subi %sign3A_169, %sign3A_172 : i32
    %sign3A_174 = arith.constant 0 : i32
    %sign3A_175 = arith.cmpi sgt, %jit3A, %sign3A_174 : i32
    %sign3A_176 = arith.extui %sign3A_175 : i1 to i32
    %sign3A_177 = arith.constant 0 : i32
    %sign3A_178 = arith.cmpi slt, %jit3A, %sign3A_177 : i32
    %sign3A_179 = arith.extui %sign3A_178 : i1 to i32
    %sign3A_180 = arith.subi %sign3A_176, %sign3A_179 : i32
    %ne3A = arith.cmpi ne, %sign3A_173, %sign3A_180 : i32
    %rem3A = arith.remsi %add3A, %jit3A : i32
    %ne3A_181 = arith.constant 0 : i32
    %ne3A_182 = arith.cmpi ne, %rem3A, %ne3A_181 : i32
    %and3A = arith.andi %ne3A, %ne3A_182 : i1
    %sub3A = arith.constant 1 : i32
    %sub3A_183 = arith.subi %div3A, %sub3A : i32
    %select_n3A = arith.select %and3A, %sub3A_183, %div3A : i32
    %jit3A_184 = arith.constant 4 : i32
    %eq3A = arith.constant 0 : i32
    %eq3A_185 = arith.cmpi eq, %jit3A_184, %eq3A : i32
    %jit3A_186 = arith.constant 1 : i32
    %select_n3A_187 = arith.select %eq3A_185, %jit3A_186, %jit3A_184 : i32
    %rem3A_188 = arith.remsi %add3A, %select_n3A_187 : i32
    %ne3A_189 = arith.constant 0 : i32
    %ne3A_190 = arith.cmpi ne, %rem3A_188, %ne3A_189 : i32
    %lt3A = arith.constant 0 : i32
    %lt3A_191 = arith.cmpi slt, %rem3A_188, %lt3A : i32
    %lt3A_192 = arith.constant 0 : i32
    %lt3A_193 = arith.cmpi slt, %select_n3A_187, %lt3A_192 : i32
    %ne3A_194 = arith.xori %lt3A_191, %lt3A_193 : i1
    %and3A_195 = arith.andi %ne3A_194, %ne3A_190 : i1
    %add3A_196 = arith.addi %rem3A_188, %select_n3A_187 : i32
    %select_n3A_197 = arith.select %and3A_195, %add3A_196, %rem3A_188 : i32
    %mul3A_198 = arith.constant 4096 : i32
    %mul3A_199 = arith.muli %select_n3A_197, %mul3A_198 : i32
    %scan3A_200 = arith.constant 0 : i32
    %scan3A_201 = arith.constant 0 : i32
    %scan3A_202 = arith.constant 2 : i32
    %scan3A_203 = arith.addi %scan3A_201, %scan3A_202 : i32
    %scan3A_204 = arith.constant 1 : i32
    %scan3A_205 = scf.for %scan3A_207 = %scan3A_201 to %scan3A_203 step %scan3A_204 iter_args(%scan3A_208 = %scan3A_200) -> (i32)  : i32 {
      %mul3A_209 = arith.constant 2048 : i32
      %mul3A_210 = arith.muli %scan3A_207, %mul3A_209 : i32
      %add3A_211 = arith.addi %mul3A_199, %mul3A_210 : i32
      %mul3A_212 = arith.constant 3 : i32
      %mul3A_213 = arith.muli %select_n3A, %mul3A_212 : i32
      %add3A_214 = arith.constant 0 : i32
      %add3A_215 = arith.addi %mul3A_213, %add3A_214 : i32
      %dma_start3A_216 = arith.constant 0 : i32
      %dma_start3A_217 = arith.constant 0 : i32
      %dma_start3A_218 = tpu.memref_slice %arg10[%dma_start3A_216, %dma_start3A_217] : memref<3x2048xf32, #tpu.memory_space<vmem>> -> memref<1x2048xf32, #tpu.memory_space<vmem>>
      %dma_start3A_219 = tpu.memref_squeeze %dma_start3A_218 : memref<1x2048xf32, #tpu.memory_space<vmem>> -> memref<2048xf32, #tpu.memory_space<vmem>>
      %dma_start3A_220 = tpu.memref_slice %arg3[%add3A_215, %add3A_211] : memref<24x16384xf32, #tpu.memory_space<hbm>> -> memref<1x2048xf32, #tpu.memory_space<hbm>>
      %dma_start3A_221 = tpu.memref_squeeze %dma_start3A_220 : memref<1x2048xf32, #tpu.memory_space<hbm>> -> memref<2048xf32, #tpu.memory_space<hbm>>
      %dma_start3A_222 = arith.constant 0 : i32
      %dma_start3A_223 = tpu.memref_slice %arg10[%dma_start3A_216, %dma_start3A_222] : memref<3x2048xf32, #tpu.memory_space<vmem>> -> memref<1x2048xf32, #tpu.memory_space<vmem>>
      %dma_start3A_224 = tpu.memref_squeeze %dma_start3A_223 : memref<1x2048xf32, #tpu.memory_space<vmem>> -> memref<2048xf32, #tpu.memory_space<vmem>>
      %dma_start3A_225 = tpu.memref_slice %arg3[%add3A_215, %add3A_211] : memref<24x16384xf32, #tpu.memory_space<hbm>> -> memref<1x2048xf32, #tpu.memory_space<hbm>>
      %dma_start3A_226 = tpu.memref_squeeze %dma_start3A_225 : memref<1x2048xf32, #tpu.memory_space<hbm>> -> memref<2048xf32, #tpu.memory_space<hbm>>
      tpu.enqueue_dma source(%dma_start3A_226 : memref<2048xf32, #tpu.memory_space<hbm>>) target(%dma_start3A_224 : memref<2048xf32, #tpu.memory_space<vmem>>) target_semaphore(%arg16 : memref<!tpu.dma_semaphore, #tpu.memory_space<semaphore_mem>>)
      %mul3A_227 = arith.constant 3 : i32
      %mul3A_228 = arith.muli %select_n3A, %mul3A_227 : i32
      %add3A_229 = arith.constant 1 : i32
      %add3A_230 = arith.addi %mul3A_228, %add3A_229 : i32
      %dma_start3A_231 = arith.constant 1 : i32
      %dma_start3A_232 = arith.constant 0 : i32
      %dma_start3A_233 = tpu.memref_slice %arg10[%dma_start3A_231, %dma_start3A_232] : memref<3x2048xf32, #tpu.memory_space<vmem>> -> memref<1x2048xf32, #tpu.memory_space<vmem>>
      %dma_start3A_234 = tpu.memref_squeeze %dma_start3A_233 : memref<1x2048xf32, #tpu.memory_space<vmem>> -> memref<2048xf32, #tpu.memory_space<vmem>>
      %dma_start3A_235 = tpu.memref_slice %arg3[%add3A_230, %add3A_211] : memref<24x16384xf32, #tpu.memory_space<hbm>> -> memref<1x2048xf32, #tpu.memory_space<hbm>>
      %dma_start3A_236 = tpu.memref_squeeze %dma_start3A_235 : memref<1x2048xf32, #tpu.memory_space<hbm>> -> memref<2048xf32, #tpu.memory_space<hbm>>
      %dma_start3A_237 = arith.constant 0 : i32
      %dma_start3A_238 = tpu.memref_slice %arg10[%dma_start3A_231, %dma_start3A_237] : memref<3x2048xf32, #tpu.memory_space<vmem>> -> memref<1x2048xf32, #tpu.memory_space<vmem>>
      %dma_start3A_239 = tpu.memref_squeeze %dma_start3A_238 : memref<1x2048xf32, #tpu.memory_space<vmem>> -> memref<2048xf32, #tpu.memory_space<vmem>>
      %dma_start3A_240 = tpu.memref_slice %arg3[%add3A_230, %add3A_211] : memref<24x16384xf32, #tpu.memory_space<hbm>> -> memref<1x2048xf32, #tpu.memory_space<hbm>>
      %dma_start3A_241 = tpu.memref_squeeze %dma_start3A_240 : memref<1x2048xf32, #tpu.memory_space<hbm>> -> memref<2048xf32, #tpu.memory_space<hbm>>
      tpu.enqueue_dma source(%dma_start3A_241 : memref<2048xf32, #tpu.memory_space<hbm>>) target(%dma_start3A_239 : memref<2048xf32, #tpu.memory_space<vmem>>) target_semaphore(%arg16 : memref<!tpu.dma_semaphore, #tpu.memory_space<semaphore_mem>>)
      %mul3A_242 = arith.constant 3 : i32
      %mul3A_243 = arith.muli %select_n3A, %mul3A_242 : i32
      %add3A_244 = arith.constant 2 : i32
      %add3A_245 = arith.addi %mul3A_243, %add3A_244 : i32
      %dma_start3A_246 = arith.constant 2 : i32
      %dma_start3A_247 = arith.constant 0 : i32
      %dma_start3A_248 = tpu.memref_slice %arg10[%dma_start3A_246, %dma_start3A_247] : memref<3x2048xf32, #tpu.memory_space<vmem>> -> memref<1x2048xf32, #tpu.memory_space<vmem>>
      %dma_start3A_249 = tpu.memref_squeeze %dma_start3A_248 : memref<1x2048xf32, #tpu.memory_space<vmem>> -> memref<2048xf32, #tpu.memory_space<vmem>>
      %dma_start3A_250 = tpu.memref_slice %arg3[%add3A_245, %add3A_211] : memref<24x16384xf32, #tpu.memory_space<hbm>> -> memref<1x2048xf32, #tpu.memory_space<hbm>>
      %dma_start3A_251 = tpu.memref_squeeze %dma_start3A_250 : memref<1x2048xf32, #tpu.memory_space<hbm>> -> memref<2048xf32, #tpu.memory_space<hbm>>
      %dma_start3A_252 = arith.constant 0 : i32
      %dma_start3A_253 = tpu.memref_slice %arg10[%dma_start3A_246, %dma_start3A_252] : memref<3x2048xf32, #tpu.memory_space<vmem>> -> memref<1x2048xf32, #tpu.memory_space<vmem>>
      %dma_start3A_254 = tpu.memref_squeeze %dma_start3A_253 : memref<1x2048xf32, #tpu.memory_space<vmem>> -> memref<2048xf32, #tpu.memory_space<vmem>>
      %dma_start3A_255 = tpu.memref_slice %arg3[%add3A_245, %add3A_211] : memref<24x16384xf32, #tpu.memory_space<hbm>> -> memref<1x2048xf32, #tpu.memory_space<hbm>>
      %dma_start3A_256 = tpu.memref_squeeze %dma_start3A_255 : memref<1x2048xf32, #tpu.memory_space<hbm>> -> memref<2048xf32, #tpu.memory_space<hbm>>
      tpu.enqueue_dma source(%dma_start3A_256 : memref<2048xf32, #tpu.memory_space<hbm>>) target(%dma_start3A_254 : memref<2048xf32, #tpu.memory_space<vmem>>) target_semaphore(%arg16 : memref<!tpu.dma_semaphore, #tpu.memory_space<semaphore_mem>>)
      %dma_wait3A_257 = arith.constant 0 : i32
      %dma_wait3A_258 = arith.constant 0 : i32
      %dma_wait3A_259 = tpu.memref_slice %arg10[%dma_wait3A_257, %dma_wait3A_258] : memref<3x2048xf32, #tpu.memory_space<vmem>> -> memref<1x2048xf32, #tpu.memory_space<vmem>>
      %dma_wait3A_260 = tpu.memref_squeeze %dma_wait3A_259 : memref<1x2048xf32, #tpu.memory_space<vmem>> -> memref<2048xf32, #tpu.memory_space<vmem>>
      %dma_wait3A_261 = tpu.memref_slice %arg3[%add3A_215, %add3A_211] : memref<24x16384xf32, #tpu.memory_space<hbm>> -> memref<1x2048xf32, #tpu.memory_space<hbm>>
      %dma_wait3A_262 = tpu.memref_squeeze %dma_wait3A_261 : memref<1x2048xf32, #tpu.memory_space<hbm>> -> memref<2048xf32, #tpu.memory_space<hbm>>
      %dma_wait3A_263 = arith.constant 0 : i32
      %dma_wait3A_264 = tpu.memref_slice %arg10[%dma_wait3A_257, %dma_wait3A_263] : memref<3x2048xf32, #tpu.memory_space<vmem>> -> memref<1x2048xf32, #tpu.memory_space<vmem>>
      %dma_wait3A_265 = tpu.memref_squeeze %dma_wait3A_264 : memref<1x2048xf32, #tpu.memory_space<vmem>> -> memref<2048xf32, #tpu.memory_space<vmem>>
      %dma_wait3A_266 = tpu.memref_slice %arg3[%add3A_215, %add3A_211] : memref<24x16384xf32, #tpu.memory_space<hbm>> -> memref<1x2048xf32, #tpu.memory_space<hbm>>
      %dma_wait3A_267 = tpu.memref_squeeze %dma_wait3A_266 : memref<1x2048xf32, #tpu.memory_space<hbm>> -> memref<2048xf32, #tpu.memory_space<hbm>>
      tpu.wait_dma2 semaphore(%arg16 : memref<!tpu.dma_semaphore, #tpu.memory_space<semaphore_mem>>) src(%dma_wait3A_267 : memref<2048xf32, #tpu.memory_space<hbm>>) dst(%dma_wait3A_265 : memref<2048xf32, #tpu.memory_space<vmem>>)
      %dma_wait3A_268 = arith.constant 1 : i32
      %dma_wait3A_269 = arith.constant 0 : i32
      %dma_wait3A_270 = tpu.memref_slice %arg10[%dma_wait3A_268, %dma_wait3A_269] : memref<3x2048xf32, #tpu.memory_space<vmem>> -> memref<1x2048xf32, #tpu.memory_space<vmem>>
      %dma_wait3A_271 = tpu.memref_squeeze %dma_wait3A_270 : memref<1x2048xf32, #tpu.memory_space<vmem>> -> memref<2048xf32, #tpu.memory_space<vmem>>
      %dma_wait3A_272 = tpu.memref_slice %arg3[%add3A_230, %add3A_211] : memref<24x16384xf32, #tpu.memory_space<hbm>> -> memref<1x2048xf32, #tpu.memory_space<hbm>>
      %dma_wait3A_273 = tpu.memref_squeeze %dma_wait3A_272 : memref<1x2048xf32, #tpu.memory_space<hbm>> -> memref<2048xf32, #tpu.memory_space<hbm>>
      %dma_wait3A_274 = arith.constant 0 : i32
      %dma_wait3A_275 = tpu.memref_slice %arg10[%dma_wait3A_268, %dma_wait3A_274] : memref<3x2048xf32, #tpu.memory_space<vmem>> -> memref<1x2048xf32, #tpu.memory_space<vmem>>
      %dma_wait3A_276 = tpu.memref_squeeze %dma_wait3A_275 : memref<1x2048xf32, #tpu.memory_space<vmem>> -> memref<2048xf32, #tpu.memory_space<vmem>>
      %dma_wait3A_277 = tpu.memref_slice %arg3[%add3A_230, %add3A_211] : memref<24x16384xf32, #tpu.memory_space<hbm>> -> memref<1x2048xf32, #tpu.memory_space<hbm>>
      %dma_wait3A_278 = tpu.memref_squeeze %dma_wait3A_277 : memref<1x2048xf32, #tpu.memory_space<hbm>> -> memref<2048xf32, #tpu.memory_space<hbm>>
      tpu.wait_dma2 semaphore(%arg16 : memref<!tpu.dma_semaphore, #tpu.memory_space<semaphore_mem>>) src(%dma_wait3A_278 : memref<2048xf32, #tpu.memory_space<hbm>>) dst(%dma_wait3A_276 : memref<2048xf32, #tpu.memory_space<vmem>>)
      %dma_wait3A_279 = arith.constant 2 : i32
      %dma_wait3A_280 = arith.constant 0 : i32
      %dma_wait3A_281 = tpu.memref_slice %arg10[%dma_wait3A_279, %dma_wait3A_280] : memref<3x2048xf32, #tpu.memory_space<vmem>> -> memref<1x2048xf32, #tpu.memory_space<vmem>>
      %dma_wait3A_282 = tpu.memref_squeeze %dma_wait3A_281 : memref<1x2048xf32, #tpu.memory_space<vmem>> -> memref<2048xf32, #tpu.memory_space<vmem>>
      %dma_wait3A_283 = tpu.memref_slice %arg3[%add3A_245, %add3A_211] : memref<24x16384xf32, #tpu.memory_space<hbm>> -> memref<1x2048xf32, #tpu.memory_space<hbm>>
      %dma_wait3A_284 = tpu.memref_squeeze %dma_wait3A_283 : memref<1x2048xf32, #tpu.memory_space<hbm>> -> memref<2048xf32, #tpu.memory_space<hbm>>
      %dma_wait3A_285 = arith.constant 0 : i32
      %dma_wait3A_286 = tpu.memref_slice %arg10[%dma_wait3A_279, %dma_wait3A_285] : memref<3x2048xf32, #tpu.memory_space<vmem>> -> memref<1x2048xf32, #tpu.memory_space<vmem>>
      %dma_wait3A_287 = tpu.memref_squeeze %dma_wait3A_286 : memref<1x2048xf32, #tpu.memory_space<vmem>> -> memref<2048xf32, #tpu.memory_space<vmem>>
      %dma_wait3A_288 = tpu.memref_slice %arg3[%add3A_245, %add3A_211] : memref<24x16384xf32, #tpu.memory_space<hbm>> -> memref<1x2048xf32, #tpu.memory_space<hbm>>
      %dma_wait3A_289 = tpu.memref_squeeze %dma_wait3A_288 : memref<1x2048xf32, #tpu.memory_space<hbm>> -> memref<2048xf32, #tpu.memory_space<hbm>>
      tpu.wait_dma2 semaphore(%arg16 : memref<!tpu.dma_semaphore, #tpu.memory_space<semaphore_mem>>) src(%dma_wait3A_289 : memref<2048xf32, #tpu.memory_space<hbm>>) dst(%dma_wait3A_287 : memref<2048xf32, #tpu.memory_space<vmem>>)
      %scan3A_290 = arith.constant 0 : i32
      %scan3A_291 = arith.constant 0 : i32
      %scan3A_292 = arith.constant 128 : i32
      %scan3A_293 = arith.addi %scan3A_291, %scan3A_292 : i32
      %scan3A_294 = arith.constant 1 : i32
      %scan3A_295 = scf.for %scan3A_303 = %scan3A_291 to %scan3A_293 step %scan3A_294 iter_args(%scan3A_304 = %scan3A_290) -> (i32)  : i32 {
        %mul3A_305 = arith.constant 16 : i32
        %mul3A_306 = arith.muli %scan3A_303, %mul3A_305 : i32
        %get3A = arith.constant 0 : i32
        %get3A_307 = arith.index_cast %get3A : i32 to index
        %get3A_308 = arith.index_cast %mul3A_306 : i32 to index
        %get3A_309 = tpu.vector_load %arg10[%get3A_307, %get3A_308] {strides = array<i32>} : memref<3x2048xf32, #tpu.memory_space<vmem>>, vector<16xf32>,
        %mul3A_310 = arith.constant 128 : i32
        %mul3A_311 = arith.muli %scan3A_303, %mul3A_310 : i32
        %add3A_312 = arith.constant 0 : i32
        %add3A_313 = arith.addi %mul3A_311, %add3A_312 : i32
        %add3A_314 = vector.broadcast %add3A_313 : i32 to vector<16xi32>
        %add3A_315 = arith.addi %mul3A_3, %add3A_314 : vector<16xi32>
        tpu.vector_store_idx %arg11[%add3A_315], %get3A_309 : memref<16384xf32, #tpu.memory_space<vmem>>[vector<16xi32>], vector<16xf32>,
        %mul3A_316 = arith.constant 16 : i32
        %mul3A_317 = arith.muli %scan3A_303, %mul3A_316 : i32
        %get3A_318 = arith.constant 1 : i32
        %get3A_319 = arith.index_cast %get3A_318 : i32 to index
        %get3A_320 = arith.index_cast %mul3A_317 : i32 to index
        %get3A_321 = tpu.vector_load %arg10[%get3A_319, %get3A_320] {strides = array<i32>} : memref<3x2048xf32, #tpu.memory_space<vmem>>, vector<16xf32>,
        %mul3A_322 = arith.constant 128 : i32
        %mul3A_323 = arith.muli %scan3A_303, %mul3A_322 : i32
        %add3A_324 = arith.constant 1 : i32
        %add3A_325 = arith.addi %mul3A_323, %add3A_324 : i32
        %add3A_326 = vector.broadcast %add3A_325 : i32 to vector<16xi32>
        %add3A_327 = arith.addi %mul3A_3, %add3A_326 : vector<16xi32>
        tpu.vector_store_idx %arg11[%add3A_327], %get3A_321 : memref<16384xf32, #tpu.memory_space<vmem>>[vector<16xi32>], vector<16xf32>,
        %mul3A_328 = arith.constant 16 : i32
        %mul3A_329 = arith.muli %scan3A_303, %mul3A_328 : i32
        %get3A_330 = arith.constant 2 : i32
        %get3A_331 = arith.index_cast %get3A_330 : i32 to index
        %get3A_332 = arith.index_cast %mul3A_329 : i32 to index
        %get3A_333 = tpu.vector_load %arg10[%get3A_331, %get3A_332] {strides = array<i32>} : memref<3x2048xf32, #tpu.memory_space<vmem>>, vector<16xf32>,
        %mul3A_334 = arith.constant 128 : i32
        %mul3A_335 = arith.muli %scan3A_303, %mul3A_334 : i32
        %add3A_336 = arith.constant 2 : i32
        %add3A_337 = arith.addi %mul3A_335, %add3A_336 : i32
        %add3A_338 = vector.broadcast %add3A_337 : i32 to vector<16xi32>
        %add3A_339 = arith.addi %mul3A_3, %add3A_338 : vector<16xi32>
        tpu.vector_store_idx %arg11[%add3A_339], %get3A_333 : memref<16384xf32, #tpu.memory_space<vmem>>[vector<16xi32>], vector<16xf32>,
        %scan3A_340 = arith.constant 0 : i32
        scf.yield %scan3A_340 : i32
      }
      %scan3A_296 = arith.constant 128 : i32
      %mul3A_297 = arith.constant 16384 : i32
      %mul3A_298 = arith.muli %select_n3A, %mul3A_297 : i32
      %add3A_299 = arith.addi %mul3A_298, %add3A_211 : i32
      %mul3A_300 = arith.constant 8 : i32
      %mul3A_301 = arith.muli %add3A_299, %mul3A_300 : i32
      "tpu.region"() ({
        %run_scoped3A = tpu.sem_alloc : memref<!tpu.dma_semaphore, #tpu.memory_space<semaphore_mem>>
        %dma_start3A_303 = tpu.memref_slice %arg5[%mul3A_301] : memref<1048576xf32, #tpu.memory_space<hbm>> -> memref<16384xf32, #tpu.memory_space<hbm>>
        %dma_start3A_304 = tpu.memref_slice %arg5[%mul3A_301] : memref<1048576xf32, #tpu.memory_space<hbm>> -> memref<16384xf32, #tpu.memory_space<hbm>>
        tpu.enqueue_dma source(%arg11 : memref<16384xf32, #tpu.memory_space<vmem>>) target(%dma_start3A_304 : memref<16384xf32, #tpu.memory_space<hbm>>) target_semaphore(%run_scoped3A : memref<!tpu.dma_semaphore, #tpu.memory_space<semaphore_mem>>)
        %dma_wait3A_305 = tpu.memref_slice %arg5[%mul3A_301] : memref<1048576xf32, #tpu.memory_space<hbm>> -> memref<16384xf32, #tpu.memory_space<hbm>>
        %dma_wait3A_306 = tpu.memref_slice %arg5[%mul3A_301] : memref<1048576xf32, #tpu.memory_space<hbm>> -> memref<16384xf32, #tpu.memory_space<hbm>>
        tpu.wait_dma2 semaphore(%run_scoped3A : memref<!tpu.dma_semaphore, #tpu.memory_space<semaphore_mem>>) src(%arg11 : memref<16384xf32, #tpu.memory_space<vmem>>) dst(%dma_wait3A_306 : memref<16384xf32, #tpu.memory_space<hbm>>)
        tpu.yield
      }) : () -> ()
      %scan3A_302 = arith.constant 0 : i32
      scf.yield %scan3A_302 : i32
    }
    %scan3A_206 = arith.constant 2 : i32
    return
  }
}

#map = affine_map<(d0, d1) -> (0, 0)>
module attributes {stable_mosaic.version = 14 : i64} {
  func.func @_sc_pass(%arg0: i32, %arg1: i32, %arg2: memref<1048576x8xf32, #tpu.memory_space<hbm>>, %arg3: memref<131072x8xf32, #tpu.memory_space<hbm>>, %arg4: memref<24x16384xf32, #tpu.memory_space<hbm>>, %arg5: memref<16384x8xi32, #tpu.memory_space<hbm>>, %arg6: memref<131072x8xi32, #tpu.memory_space<hbm>>, %arg7: memref<32x16xf32, #tpu.memory_space<hbm>>, %arg8: memref<16384xf32, #tpu.memory_space<vmem>>, %arg9: memref<16384xf32, #tpu.memory_space<vmem>>, %arg10: memref<16384xf32, #tpu.memory_space<vmem>>, %arg11: memref<1024x8xf32, #tpu.memory_space<vmem>>, %arg12: memref<1024x8xf32, #tpu.memory_space<vmem>>, %arg13: memref<1024x8xf32, #tpu.memory_space<vmem>>, %arg14: memref<1024x8xf32, #tpu.memory_space<vmem>>, %arg15: memref<1024x8xf32, #tpu.memory_space<vmem>>, %arg16: memref<1024x8xf32, #tpu.memory_space<vmem>>, %arg17: memref<1024x8xf32, #tpu.memory_space<vmem>>, %arg18: memref<1024x8xf32, #tpu.memory_space<vmem>>, %arg19: memref<128x8xi32, #tpu.memory_space<vmem>>, %arg20: memref<128x8xi32, #tpu.memory_space<vmem>>, %arg21: memref<128x8xi32, #tpu.memory_space<vmem>>, %arg22: memref<128x8xi32, #tpu.memory_space<vmem>>, %arg23: memref<1024xi32, #tpu.memory_space<vmem>>, %arg24: memref<1024xi32, #tpu.memory_space<vmem>>, %arg25: memref<1024xi32, #tpu.memory_space<vmem>>, %arg26: memref<1024xi32, #tpu.memory_space<vmem>>, %arg27: memref<1024xi32, #tpu.memory_space<vmem>>, %arg28: memref<1024xi32, #tpu.memory_space<vmem>>, %arg29: memref<16xf32, #tpu.memory_space<vmem>>, %arg30: memref<!tpu.dma_semaphore, #tpu.memory_space<semaphore_mem>>, %arg31: memref<!tpu.dma_semaphore, #tpu.memory_space<semaphore_mem>>, %arg32: memref<!tpu.dma_semaphore, #tpu.memory_space<semaphore_mem>>, %arg33: memref<!tpu.dma_semaphore, #tpu.memory_space<semaphore_mem>>) attributes {dimension_semantics = [#tpu.dimension_semantics<core_parallel>, #tpu.dimension_semantics<subcore_parallel>], iteration_bounds = array<i64: 2, 16>, scalar_prefetch = 0 : i64, scratch_operands = 26 : i64, tpu.core_type = #tpu.core_type<sc_vector_subcore>, window_params = [{transform_indices = #map}, {transform_indices = #map}, {transform_indices = #map}, {transform_indices = #map}, {transform_indices = #map}, {transform_indices = #map}]} {
    %mul3A = arith.constant 2 : i32
    %mul3A_0 = arith.muli %arg1, %mul3A : i32
    %add3A = arith.addi %mul3A_0, %arg0 : i32
    %mul3A_1 = arith.constant 32768 : i32
    %mul3A_2 = arith.muli %add3A, %mul3A_1 : i32
    %jit3A = arith.constant 4 : i32
    %div3A = arith.divsi %add3A, %jit3A : i32
    %sign3A = arith.constant 0 : i32
    %sign3A_3 = arith.cmpi sgt, %add3A, %sign3A : i32
    %sign3A_4 = arith.extui %sign3A_3 : i1 to i32
    %sign3A_5 = arith.constant 0 : i32
    %sign3A_6 = arith.cmpi slt, %add3A, %sign3A_5 : i32
    %sign3A_7 = arith.extui %sign3A_6 : i1 to i32
    %sign3A_8 = arith.subi %sign3A_4, %sign3A_7 : i32
    %sign3A_9 = arith.constant 0 : i32
    %sign3A_10 = arith.cmpi sgt, %jit3A, %sign3A_9 : i32
    %sign3A_11 = arith.extui %sign3A_10 : i1 to i32
    %sign3A_12 = arith.constant 0 : i32
    %sign3A_13 = arith.cmpi slt, %jit3A, %sign3A_12 : i32
    %sign3A_14 = arith.extui %sign3A_13 : i1 to i32
    %sign3A_15 = arith.subi %sign3A_11, %sign3A_14 : i32
    %ne3A = arith.cmpi ne, %sign3A_8, %sign3A_15 : i32
    %rem3A = arith.remsi %add3A, %jit3A : i32
    %ne3A_16 = arith.constant 0 : i32
    %ne3A_17 = arith.cmpi ne, %rem3A, %ne3A_16 : i32
    %and3A = arith.andi %ne3A, %ne3A_17 : i1
    %sub3A = arith.constant 1 : i32
    %sub3A_18 = arith.subi %div3A, %sub3A : i32
    %select_n3A = arith.select %and3A, %sub3A_18, %div3A : i32
    %jit3A_19 = arith.constant 4 : i32
    %eq3A = arith.constant 0 : i32
    %eq3A_20 = arith.cmpi eq, %jit3A_19, %eq3A : i32
    %jit3A_21 = arith.constant 1 : i32
    %select_n3A_22 = arith.select %eq3A_20, %jit3A_21, %jit3A_19 : i32
    %rem3A_23 = arith.remsi %add3A, %select_n3A_22 : i32
    %ne3A_24 = arith.constant 0 : i32
    %ne3A_25 = arith.cmpi ne, %rem3A_23, %ne3A_24 : i32
    %lt3A = arith.constant 0 : i32
    %lt3A_26 = arith.cmpi slt, %rem3A_23, %lt3A : i32
    %lt3A_27 = arith.constant 0 : i32
    %lt3A_28 = arith.cmpi slt, %select_n3A_22, %lt3A_27 : i32
    %ne3A_29 = arith.xori %lt3A_26, %lt3A_28 : i1
    %and3A_30 = arith.andi %ne3A_29, %ne3A_25 : i1
    %add3A_31 = arith.addi %rem3A_23, %select_n3A_22 : i32
    %select_n3A_32 = arith.select %and3A_30, %add3A_31, %rem3A_23 : i32
    %mul3A_33 = arith.constant 32768 : i32
    %mul3A_34 = arith.muli %select_n3A_32, %mul3A_33 : i32
    %mul3A_35 = arith.constant 131072 : i32
    %mul3A_36 = arith.muli %select_n3A, %mul3A_35 : i32
    %mul3A_37 = arith.constant 3 : i32
    %mul3A_38 = arith.muli %select_n3A, %mul3A_37 : i32
    %add3A_39 = arith.constant 0 : i32
    %add3A_40 = arith.addi %mul3A_38, %add3A_39 : i32
    "tpu.region"() ({
      %run_scoped3A = tpu.sem_alloc : memref<!tpu.dma_semaphore, #tpu.memory_space<semaphore_mem>>
      %dma_start3A_264 = arith.constant 0 : i32
      %dma_start3A_265 = tpu.memref_slice %arg4[%add3A_40, %dma_start3A_264] : memref<24x16384xf32, #tpu.memory_space<hbm>> -> memref<1x16384xf32, #tpu.memory_space<hbm>>
      %dma_start3A_266 = tpu.memref_squeeze %dma_start3A_265 : memref<1x16384xf32, #tpu.memory_space<hbm>> -> memref<16384xf32, #tpu.memory_space<hbm>>
      %dma_start3A_267 = arith.constant 0 : i32
      %dma_start3A_268 = tpu.memref_slice %arg4[%add3A_40, %dma_start3A_267] : memref<24x16384xf32, #tpu.memory_space<hbm>> -> memref<1x16384xf32, #tpu.memory_space<hbm>>
      %dma_start3A_269 = tpu.memref_squeeze %dma_start3A_268 : memref<1x16384xf32, #tpu.memory_space<hbm>> -> memref<16384xf32, #tpu.memory_space<hbm>>
      tpu.enqueue_dma source(%dma_start3A_269 : memref<16384xf32, #tpu.memory_space<hbm>>) target(%arg8 : memref<16384xf32, #tpu.memory_space<vmem>>) target_semaphore(%run_scoped3A : memref<!tpu.dma_semaphore, #tpu.memory_space<semaphore_mem>>)
      %dma_wait3A_270 = arith.constant 0 : i32
      %dma_wait3A_271 = tpu.memref_slice %arg4[%add3A_40, %dma_wait3A_270] : memref<24x16384xf32, #tpu.memory_space<hbm>> -> memref<1x16384xf32, #tpu.memory_space<hbm>>
      %dma_wait3A_272 = tpu.memref_squeeze %dma_wait3A_271 : memref<1x16384xf32, #tpu.memory_space<hbm>> -> memref<16384xf32, #tpu.memory_space<hbm>>
      %dma_wait3A_273 = arith.constant 0 : i32
      %dma_wait3A_274 = tpu.memref_slice %arg4[%add3A_40, %dma_wait3A_273] : memref<24x16384xf32, #tpu.memory_space<hbm>> -> memref<1x16384xf32, #tpu.memory_space<hbm>>
      %dma_wait3A_275 = tpu.memref_squeeze %dma_wait3A_274 : memref<1x16384xf32, #tpu.memory_space<hbm>> -> memref<16384xf32, #tpu.memory_space<hbm>>
      tpu.wait_dma2 semaphore(%run_scoped3A : memref<!tpu.dma_semaphore, #tpu.memory_space<semaphore_mem>>) src(%dma_wait3A_275 : memref<16384xf32, #tpu.memory_space<hbm>>) dst(%arg8 : memref<16384xf32, #tpu.memory_space<vmem>>)
      tpu.yield
    }) : () -> ()
    %mul3A_41 = arith.constant 3 : i32
    %mul3A_42 = arith.muli %select_n3A, %mul3A_41 : i32
    %add3A_43 = arith.constant 1 : i32
    %add3A_44 = arith.addi %mul3A_42, %add3A_43 : i32
    "tpu.region"() ({
      %run_scoped3A = tpu.sem_alloc : memref<!tpu.dma_semaphore, #tpu.memory_space<semaphore_mem>>
      %dma_start3A_264 = arith.constant 0 : i32
      %dma_start3A_265 = tpu.memref_slice %arg4[%add3A_44, %dma_start3A_264] : memref<24x16384xf32, #tpu.memory_space<hbm>> -> memref<1x16384xf32, #tpu.memory_space<hbm>>
      %dma_start3A_266 = tpu.memref_squeeze %dma_start3A_265 : memref<1x16384xf32, #tpu.memory_space<hbm>> -> memref<16384xf32, #tpu.memory_space<hbm>>
      %dma_start3A_267 = arith.constant 0 : i32
      %dma_start3A_268 = tpu.memref_slice %arg4[%add3A_44, %dma_start3A_267] : memref<24x16384xf32, #tpu.memory_space<hbm>> -> memref<1x16384xf32, #tpu.memory_space<hbm>>
      %dma_start3A_269 = tpu.memref_squeeze %dma_start3A_268 : memref<1x16384xf32, #tpu.memory_space<hbm>> -> memref<16384xf32, #tpu.memory_space<hbm>>
      tpu.enqueue_dma source(%dma_start3A_269 : memref<16384xf32, #tpu.memory_space<hbm>>) target(%arg9 : memref<16384xf32, #tpu.memory_space<vmem>>) target_semaphore(%run_scoped3A : memref<!tpu.dma_semaphore, #tpu.memory_space<semaphore_mem>>)
      %dma_wait3A_270 = arith.constant 0 : i32
      %dma_wait3A_271 = tpu.memref_slice %arg4[%add3A_44, %dma_wait3A_270] : memref<24x16384xf32, #tpu.memory_space<hbm>> -> memref<1x16384xf32, #tpu.memory_space<hbm>>
      %dma_wait3A_272 = tpu.memref_squeeze %dma_wait3A_271 : memref<1x16384xf32, #tpu.memory_space<hbm>> -> memref<16384xf32, #tpu.memory_space<hbm>>
      %dma_wait3A_273 = arith.constant 0 : i32
      %dma_wait3A_274 = tpu.memref_slice %arg4[%add3A_44, %dma_wait3A_273] : memref<24x16384xf32, #tpu.memory_space<hbm>> -> memref<1x16384xf32, #tpu.memory_space<hbm>>
      %dma_wait3A_275 = tpu.memref_squeeze %dma_wait3A_274 : memref<1x16384xf32, #tpu.memory_space<hbm>> -> memref<16384xf32, #tpu.memory_space<hbm>>
      tpu.wait_dma2 semaphore(%run_scoped3A : memref<!tpu.dma_semaphore, #tpu.memory_space<semaphore_mem>>) src(%dma_wait3A_275 : memref<16384xf32, #tpu.memory_space<hbm>>) dst(%arg9 : memref<16384xf32, #tpu.memory_space<vmem>>)
      tpu.yield
    }) : () -> ()
    %mul3A_45 = arith.constant 3 : i32
    %mul3A_46 = arith.muli %select_n3A, %mul3A_45 : i32
    %add3A_47 = arith.constant 2 : i32
    %add3A_48 = arith.addi %mul3A_46, %add3A_47 : i32
    "tpu.region"() ({
      %run_scoped3A = tpu.sem_alloc : memref<!tpu.dma_semaphore, #tpu.memory_space<semaphore_mem>>
      %dma_start3A_264 = arith.constant 0 : i32
      %dma_start3A_265 = tpu.memref_slice %arg4[%add3A_48, %dma_start3A_264] : memref<24x16384xf32, #tpu.memory_space<hbm>> -> memref<1x16384xf32, #tpu.memory_space<hbm>>
      %dma_start3A_266 = tpu.memref_squeeze %dma_start3A_265 : memref<1x16384xf32, #tpu.memory_space<hbm>> -> memref<16384xf32, #tpu.memory_space<hbm>>
      %dma_start3A_267 = arith.constant 0 : i32
      %dma_start3A_268 = tpu.memref_slice %arg4[%add3A_48, %dma_start3A_267] : memref<24x16384xf32, #tpu.memory_space<hbm>> -> memref<1x16384xf32, #tpu.memory_space<hbm>>
      %dma_start3A_269 = tpu.memref_squeeze %dma_start3A_268 : memref<1x16384xf32, #tpu.memory_space<hbm>> -> memref<16384xf32, #tpu.memory_space<hbm>>
      tpu.enqueue_dma source(%dma_start3A_269 : memref<16384xf32, #tpu.memory_space<hbm>>) target(%arg10 : memref<16384xf32, #tpu.memory_space<vmem>>) target_semaphore(%run_scoped3A : memref<!tpu.dma_semaphore, #tpu.memory_space<semaphore_mem>>)
      %dma_wait3A_270 = arith.constant 0 : i32
      %dma_wait3A_271 = tpu.memref_slice %arg4[%add3A_48, %dma_wait3A_270] : memref<24x16384xf32, #tpu.memory_space<hbm>> -> memref<1x16384xf32, #tpu.memory_space<hbm>>
      %dma_wait3A_272 = tpu.memref_squeeze %dma_wait3A_271 : memref<1x16384xf32, #tpu.memory_space<hbm>> -> memref<16384xf32, #tpu.memory_space<hbm>>
      %dma_wait3A_273 = arith.constant 0 : i32
      %dma_wait3A_274 = tpu.memref_slice %arg4[%add3A_48, %dma_wait3A_273] : memref<24x16384xf32, #tpu.memory_space<hbm>> -> memref<1x16384xf32, #tpu.memory_space<hbm>>
      %dma_wait3A_275 = tpu.memref_squeeze %dma_wait3A_274 : memref<1x16384xf32, #tpu.memory_space<hbm>> -> memref<16384xf32, #tpu.memory_space<hbm>>
      tpu.wait_dma2 semaphore(%run_scoped3A : memref<!tpu.dma_semaphore, #tpu.memory_space<semaphore_mem>>) src(%dma_wait3A_275 : memref<16384xf32, #tpu.memory_space<hbm>>) dst(%arg10 : memref<16384xf32, #tpu.memory_space<vmem>>)
      tpu.yield
    }) : () -> ()
    %iota3A = tpu.iota {dimensions = array<i32: 0>} : vector<16xi32>
    %jit3A_49 = arith.constant 8 : i32
    %div3A_50 = vector.broadcast %jit3A_49 : i32 to vector<16xi32>
    %div3A_51 = arith.divsi %iota3A, %div3A_50 : vector<16xi32>
    %sign3A_52 = arith.constant 0 : i32
    %sign3A_53 = vector.broadcast %sign3A_52 : i32 to vector<16xi32>
    %sign3A_54 = arith.cmpi sgt, %iota3A, %sign3A_53 : vector<16xi32>
    %sign3A_55 = arith.extui %sign3A_54 : vector<16xi1> to vector<16xi32>
    %sign3A_56 = arith.constant 0 : i32
    %sign3A_57 = vector.broadcast %sign3A_56 : i32 to vector<16xi32>
    %sign3A_58 = arith.cmpi slt, %iota3A, %sign3A_57 : vector<16xi32>
    %sign3A_59 = arith.extui %sign3A_58 : vector<16xi1> to vector<16xi32>
    %sign3A_60 = arith.subi %sign3A_55, %sign3A_59 : vector<16xi32>
    %sign3A_61 = arith.constant 0 : i32
    %sign3A_62 = arith.cmpi sgt, %jit3A_49, %sign3A_61 : i32
    %sign3A_63 = arith.extui %sign3A_62 : i1 to i32
    %sign3A_64 = arith.constant 0 : i32
    %sign3A_65 = arith.cmpi slt, %jit3A_49, %sign3A_64 : i32
    %sign3A_66 = arith.extui %sign3A_65 : i1 to i32
    %sign3A_67 = arith.subi %sign3A_63, %sign3A_66 : i32
    %ne3A_68 = vector.broadcast %sign3A_67 : i32 to vector<16xi32>
    %ne3A_69 = arith.cmpi ne, %sign3A_60, %ne3A_68 : vector<16xi32>
    %rem3A_70 = vector.broadcast %jit3A_49 : i32 to vector<16xi32>
    %rem3A_71 = arith.remsi %iota3A, %rem3A_70 : vector<16xi32>
    %ne3A_72 = arith.constant 0 : i32
    %ne3A_73 = vector.broadcast %ne3A_72 : i32 to vector<16xi32>
    %ne3A_74 = arith.cmpi ne, %rem3A_71, %ne3A_73 : vector<16xi32>
    %and3A_75 = arith.andi %ne3A_69, %ne3A_74 : vector<16xi1>
    %sub3A_76 = arith.constant 1 : i32
    %sub3A_77 = vector.broadcast %sub3A_76 : i32 to vector<16xi32>
    %sub3A_78 = arith.subi %div3A_51, %sub3A_77 : vector<16xi32>
    %select_n3A_79 = arith.select %and3A_75, %sub3A_78, %div3A_51 : vector<16xi1>, vector<16xi32>
    %and3A_80 = arith.constant 7 : i32
    %and3A_81 = vector.broadcast %and3A_80 : i32 to vector<16xi32>
    %and3A_82 = arith.andi %iota3A, %and3A_81 : vector<16xi32>
    %broadcast_in_dim3A = arith.constant 0 : i32
    %broadcast_in_dim3A_83 = vector.broadcast %broadcast_in_dim3A : i32 to vector<16xi32>
    %broadcast_in_dim3A_84 = arith.constant 1 : i32
    %broadcast_in_dim3A_85 = vector.broadcast %broadcast_in_dim3A_84 : i32 to vector<16xi32>
    %broadcast_in_dim3A_86 = arith.constant 2 : i32
    %broadcast_in_dim3A_87 = vector.broadcast %broadcast_in_dim3A_86 : i32 to vector<16xi32>
    %broadcast_in_dim3A_88 = arith.constant 3 : i32
    %broadcast_in_dim3A_89 = vector.broadcast %broadcast_in_dim3A_88 : i32 to vector<16xi32>
    %broadcast_in_dim3A_90 = arith.constant 4 : i32
    %broadcast_in_dim3A_91 = vector.broadcast %broadcast_in_dim3A_90 : i32 to vector<16xi32>
    %broadcast_in_dim3A_92 = arith.constant 5 : i32
    %broadcast_in_dim3A_93 = vector.broadcast %broadcast_in_dim3A_92 : i32 to vector<16xi32>
    %broadcast_in_dim3A_94 = arith.constant 6 : i32
    %broadcast_in_dim3A_95 = vector.broadcast %broadcast_in_dim3A_94 : i32 to vector<16xi32>
    %broadcast_in_dim3A_96 = arith.constant 7 : i32
    %broadcast_in_dim3A_97 = vector.broadcast %broadcast_in_dim3A_96 : i32 to vector<16xi32>
    %broadcast_in_dim3A_98 = arith.constant 0 : i32
    %broadcast_in_dim3A_99 = vector.broadcast %broadcast_in_dim3A_98 : i32 to vector<16xi32>
    %broadcast_in_dim3A_100 = arith.constant 1 : i32
    %broadcast_in_dim3A_101 = vector.broadcast %broadcast_in_dim3A_100 : i32 to vector<16xi32>
    %broadcast_in_dim3A_102 = arith.constant 2 : i32
    %broadcast_in_dim3A_103 = vector.broadcast %broadcast_in_dim3A_102 : i32 to vector<16xi32>
    %add3A_104 = arith.constant 0 : i32
    %add3A_105 = arith.addi %mul3A_2, %add3A_104 : i32
    %jit3A_106 = arith.constant 8 : i32
    %div3A_107 = arith.divsi %add3A_105, %jit3A_106 : i32
    %sign3A_108 = arith.constant 0 : i32
    %sign3A_109 = arith.cmpi sgt, %add3A_105, %sign3A_108 : i32
    %sign3A_110 = arith.extui %sign3A_109 : i1 to i32
    %sign3A_111 = arith.constant 0 : i32
    %sign3A_112 = arith.cmpi slt, %add3A_105, %sign3A_111 : i32
    %sign3A_113 = arith.extui %sign3A_112 : i1 to i32
    %sign3A_114 = arith.subi %sign3A_110, %sign3A_113 : i32
    %sign3A_115 = arith.constant 0 : i32
    %sign3A_116 = arith.cmpi sgt, %jit3A_106, %sign3A_115 : i32
    %sign3A_117 = arith.extui %sign3A_116 : i1 to i32
    %sign3A_118 = arith.constant 0 : i32
    %sign3A_119 = arith.cmpi slt, %jit3A_106, %sign3A_118 : i32
    %sign3A_120 = arith.extui %sign3A_119 : i1 to i32
    %sign3A_121 = arith.subi %sign3A_117, %sign3A_120 : i32
    %ne3A_122 = arith.cmpi ne, %sign3A_114, %sign3A_121 : i32
    %rem3A_123 = arith.remsi %add3A_105, %jit3A_106 : i32
    %ne3A_124 = arith.constant 0 : i32
    %ne3A_125 = arith.cmpi ne, %rem3A_123, %ne3A_124 : i32
    %and3A_126 = arith.andi %ne3A_122, %ne3A_125 : i1
    %sub3A_127 = arith.constant 1 : i32
    %sub3A_128 = arith.subi %div3A_107, %sub3A_127 : i32
    %select_n3A_129 = arith.select %and3A_126, %sub3A_128, %div3A_107 : i32
    %add3A_130 = arith.constant 0 : i32
    %add3A_131 = arith.addi %mul3A_34, %add3A_130 : i32
    %jit3A_132 = arith.constant 8 : i32
    %div3A_133 = arith.divsi %add3A_131, %jit3A_132 : i32
    %sign3A_134 = arith.constant 0 : i32
    %sign3A_135 = arith.cmpi sgt, %add3A_131, %sign3A_134 : i32
    %sign3A_136 = arith.extui %sign3A_135 : i1 to i32
    %sign3A_137 = arith.constant 0 : i32
    %sign3A_138 = arith.cmpi slt, %add3A_131, %sign3A_137 : i32
    %sign3A_139 = arith.extui %sign3A_138 : i1 to i32
    %sign3A_140 = arith.subi %sign3A_136, %sign3A_139 : i32
    %sign3A_141 = arith.constant 0 : i32
    %sign3A_142 = arith.cmpi sgt, %jit3A_132, %sign3A_141 : i32
    %sign3A_143 = arith.extui %sign3A_142 : i1 to i32
    %sign3A_144 = arith.constant 0 : i32
    %sign3A_145 = arith.cmpi slt, %jit3A_132, %sign3A_144 : i32
    %sign3A_146 = arith.extui %sign3A_145 : i1 to i32
    %sign3A_147 = arith.subi %sign3A_143, %sign3A_146 : i32
    %ne3A_148 = arith.cmpi ne, %sign3A_140, %sign3A_147 : i32
    %rem3A_149 = arith.remsi %add3A_131, %jit3A_132 : i32
    %ne3A_150 = arith.constant 0 : i32
    %ne3A_151 = arith.cmpi ne, %rem3A_149, %ne3A_150 : i32
    %and3A_152 = arith.andi %ne3A_148, %ne3A_151 : i1
    %sub3A_153 = arith.constant 1 : i32
    %sub3A_154 = arith.subi %div3A_133, %sub3A_153 : i32
    %select_n3A_155 = arith.select %and3A_152, %sub3A_154, %div3A_133 : i32
    %dma_start3A = arith.constant 0 : i32
    %dma_start3A_156 = tpu.memref_slice %arg5[%select_n3A_155, %dma_start3A] : memref<16384x8xi32, #tpu.memory_space<hbm>> -> memref<128x8xi32, #tpu.memory_space<hbm>>
    %dma_start3A_157 = arith.constant 0 : i32
    %dma_start3A_158 = tpu.memref_slice %arg5[%select_n3A_155, %dma_start3A_157] : memref<16384x8xi32, #tpu.memory_space<hbm>> -> memref<128x8xi32, #tpu.memory_space<hbm>>
    tpu.enqueue_dma source(%dma_start3A_158 : memref<128x8xi32, #tpu.memory_space<hbm>>) target(%arg19 : memref<128x8xi32, #tpu.memory_space<vmem>>) target_semaphore(%arg30 : memref<!tpu.dma_semaphore, #tpu.memory_space<semaphore_mem>>)
    %dma_start3A_159 = arith.constant 0 : i32
    %dma_start3A_160 = tpu.memref_slice %arg6[%select_n3A_129, %dma_start3A_159] : memref<131072x8xi32, #tpu.memory_space<hbm>> -> memref<128x8xi32, #tpu.memory_space<hbm>>
    %dma_start3A_161 = arith.constant 0 : i32
    %dma_start3A_162 = tpu.memref_slice %arg6[%select_n3A_129, %dma_start3A_161] : memref<131072x8xi32, #tpu.memory_space<hbm>> -> memref<128x8xi32, #tpu.memory_space<hbm>>
    tpu.enqueue_dma source(%dma_start3A_162 : memref<128x8xi32, #tpu.memory_space<hbm>>) target(%arg21 : memref<128x8xi32, #tpu.memory_space<vmem>>) target_semaphore(%arg30 : memref<!tpu.dma_semaphore, #tpu.memory_space<semaphore_mem>>)
    %dma_wait3A = arith.constant 0 : i32
    %dma_wait3A_163 = arith.constant 0 : i32
    %dma_wait3A_164 = tpu.memref_slice %arg5[%dma_wait3A, %dma_wait3A_163] : memref<16384x8xi32, #tpu.memory_space<hbm>> -> memref<128x8xi32, #tpu.memory_space<hbm>>
    %dma_wait3A_165 = arith.constant 0 : i32
    %dma_wait3A_166 = arith.constant 0 : i32
    %dma_wait3A_167 = tpu.memref_slice %arg5[%dma_wait3A_165, %dma_wait3A_166] : memref<16384x8xi32, #tpu.memory_space<hbm>> -> memref<128x8xi32, #tpu.memory_space<hbm>>
    tpu.wait_dma2 semaphore(%arg30 : memref<!tpu.dma_semaphore, #tpu.memory_space<semaphore_mem>>) src(%dma_wait3A_167 : memref<128x8xi32, #tpu.memory_space<hbm>>) dst(%arg19 : memref<128x8xi32, #tpu.memory_space<vmem>>)
    %dma_wait3A_168 = arith.constant 0 : i32
    %dma_wait3A_169 = arith.constant 0 : i32
    %dma_wait3A_170 = tpu.memref_slice %arg6[%dma_wait3A_168, %dma_wait3A_169] : memref<131072x8xi32, #tpu.memory_space<hbm>> -> memref<128x8xi32, #tpu.memory_space<hbm>>
    %dma_wait3A_171 = arith.constant 0 : i32
    %dma_wait3A_172 = arith.constant 0 : i32
    %dma_wait3A_173 = tpu.memref_slice %arg6[%dma_wait3A_171, %dma_wait3A_172] : memref<131072x8xi32, #tpu.memory_space<hbm>> -> memref<128x8xi32, #tpu.memory_space<hbm>>
    tpu.wait_dma2 semaphore(%arg30 : memref<!tpu.dma_semaphore, #tpu.memory_space<semaphore_mem>>) src(%dma_wait3A_173 : memref<128x8xi32, #tpu.memory_space<hbm>>) dst(%arg21 : memref<128x8xi32, #tpu.memory_space<vmem>>)
    %scan3A = arith.constant 0 : i32
    %scan3A_174 = arith.constant 0 : i32
    %scan3A_175 = arith.constant 64 : i32
    %scan3A_176 = arith.addi %scan3A_174, %scan3A_175 : i32
    %scan3A_177 = arith.constant 1 : i32
    %scan3A_178 = scf.for %scan3A_264 = %scan3A_174 to %scan3A_176 step %scan3A_177 iter_args(%scan3A_265 = %scan3A) -> (i32)  : i32 {
      %mul3A_266 = arith.constant 16 : i32
      %mul3A_267 = arith.muli %scan3A_264, %mul3A_266 : i32
      %jit3A_268 = arith.constant 8 : i32
      %div3A_269 = arith.divsi %mul3A_267, %jit3A_268 : i32
      %sign3A_270 = arith.constant 0 : i32
      %sign3A_271 = arith.cmpi sgt, %mul3A_267, %sign3A_270 : i32
      %sign3A_272 = arith.extui %sign3A_271 : i1 to i32
      %sign3A_273 = arith.constant 0 : i32
      %sign3A_274 = arith.cmpi slt, %mul3A_267, %sign3A_273 : i32
      %sign3A_275 = arith.extui %sign3A_274 : i1 to i32
      %sign3A_276 = arith.subi %sign3A_272, %sign3A_275 : i32
      %sign3A_277 = arith.constant 0 : i32
      %sign3A_278 = arith.cmpi sgt, %jit3A_268, %sign3A_277 : i32
      %sign3A_279 = arith.extui %sign3A_278 : i1 to i32
      %sign3A_280 = arith.constant 0 : i32
      %sign3A_281 = arith.cmpi slt, %jit3A_268, %sign3A_280 : i32
      %sign3A_282 = arith.extui %sign3A_281 : i1 to i32
      %sign3A_283 = arith.subi %sign3A_279, %sign3A_282 : i32
      %ne3A_284 = arith.cmpi ne, %sign3A_276, %sign3A_283 : i32
      %rem3A_285 = arith.remsi %mul3A_267, %jit3A_268 : i32
      %ne3A_286 = arith.constant 0 : i32
      %ne3A_287 = arith.cmpi ne, %rem3A_285, %ne3A_286 : i32
      %and3A_288 = arith.andi %ne3A_284, %ne3A_287 : i1
      %sub3A_289 = arith.constant 1 : i32
      %sub3A_290 = arith.subi %div3A_269, %sub3A_289 : i32
      %select_n3A_291 = arith.select %and3A_288, %sub3A_290, %div3A_269 : i32
      %add3A_292 = vector.broadcast %select_n3A_291 : i32 to vector<16xi32>
      %add3A_293 = arith.addi %add3A_292, %select_n3A_79 : vector<16xi32>
      %gather3A = tpu.vector_load_idx %arg19[%add3A_293, %and3A_82] : memref<128x8xi32, #tpu.memory_space<vmem>>[vector<16xi32>, vector<16xi32>], vector<16xi32>,
      %gather3A_294 = tpu.vector_load_idx %arg21[%add3A_293, %and3A_82] : memref<128x8xi32, #tpu.memory_space<vmem>>[vector<16xi32>, vector<16xi32>], vector<16xi32>,
      %add3A_295 = vector.broadcast %mul3A_36 : i32 to vector<16xi32>
      %add3A_296 = arith.addi %gather3A, %add3A_295 : vector<16xi32>
      %swap3A_297 = arith.index_cast %mul3A_267 : i32 to index
      %swap3A_298 = tpu.vector_load %arg23[%swap3A_297] {strides = array<i32>} : memref<1024xi32, #tpu.memory_space<vmem>>, vector<16xi32>,
      tpu.vector_store %arg23[%swap3A_297], %add3A_296 {strides = array<i32>} : memref<1024xi32, #tpu.memory_space<vmem>>, vector<16xi32>,
      %swap3A_299 = arith.index_cast %mul3A_267 : i32 to index
      %swap3A_300 = tpu.vector_load %arg25[%swap3A_299] {strides = array<i32>} : memref<1024xi32, #tpu.memory_space<vmem>>, vector<16xi32>,
      tpu.vector_store %arg25[%swap3A_299], %gather3A_294 {strides = array<i32>} : memref<1024xi32, #tpu.memory_space<vmem>>, vector<16xi32>,
      %shift_right_arithmetic3A = arith.constant 17 : i32
      %shift_right_arithmetic3A_301 = vector.broadcast %shift_right_arithmetic3A : i32 to vector<16xi32>
      %shift_right_arithmetic3A_302 = arith.shrsi %gather3A_294, %shift_right_arithmetic3A_301 : vector<16xi32>
      %shift_left3A = arith.constant 14 : i32
      %shift_left3A_303 = vector.broadcast %shift_left3A : i32 to vector<16xi32>
      %shift_left3A_304 = arith.shli %shift_right_arithmetic3A_302, %shift_left3A_303 : vector<16xi32>
      %and3A_305 = arith.constant 16383 : i32
      %and3A_306 = vector.broadcast %and3A_305 : i32 to vector<16xi32>
      %and3A_307 = arith.andi %gather3A_294, %and3A_306 : vector<16xi32>
      %or3A = arith.ori %shift_left3A_304, %and3A_307 : vector<16xi32>
      %swap3A_308 = arith.index_cast %mul3A_267 : i32 to index
      %swap3A_309 = tpu.vector_load %arg27[%swap3A_308] {strides = array<i32>} : memref<1024xi32, #tpu.memory_space<vmem>>, vector<16xi32>,
      tpu.vector_store %arg27[%swap3A_308], %or3A {strides = array<i32>} : memref<1024xi32, #tpu.memory_space<vmem>>, vector<16xi32>,
      %scan3A_310 = arith.constant 0 : i32
      scf.yield %scan3A_310 : i32
    }
    %scan3A_179 = arith.constant 64 : i32
    %add3A_180 = arith.constant 0 : i32
    %add3A_181 = arith.addi %mul3A_2, %add3A_180 : i32
    %dma_start3A_182 = arith.constant 0 : i32
    %dma_start3A_183 = arith.constant 0 : i32
    %dma_start3A_184 = tpu.memref_slice %arg2[%dma_start3A_182, %dma_start3A_183] : memref<1048576x8xf32, #tpu.memory_space<hbm>> -> memref<1048576x8xf32, #tpu.memory_space<hbm>>
    tpu.enqueue_indirect_dma source(%dma_start3A_184 : memref<1048576x8xf32, #tpu.memory_space<hbm>>) target(%arg13 : memref<1024x8xf32, #tpu.memory_space<vmem>>) offsets(%arg23 : memref<1024xi32, #tpu.memory_space<vmem>>) semaphore(%arg32 : memref<!tpu.dma_semaphore, #tpu.memory_space<semaphore_mem>>)
    %dma_start3A_185 = arith.constant 0 : i32
    %dma_start3A_186 = arith.constant 0 : i32
    %dma_start3A_187 = tpu.memref_slice %arg2[%dma_start3A_185, %dma_start3A_186] : memref<1048576x8xf32, #tpu.memory_space<hbm>> -> memref<1048576x8xf32, #tpu.memory_space<hbm>>
    tpu.enqueue_indirect_dma source(%dma_start3A_187 : memref<1048576x8xf32, #tpu.memory_space<hbm>>) target(%arg15 : memref<1024x8xf32, #tpu.memory_space<vmem>>) offsets(%arg25 : memref<1024xi32, #tpu.memory_space<vmem>>) semaphore(%arg32 : memref<!tpu.dma_semaphore, #tpu.memory_space<semaphore_mem>>)
    %dma_start3A_188 = arith.constant 0 : i32
    %dma_start3A_189 = arith.constant 0 : i32
    %dma_start3A_190 = tpu.memref_slice %arg3[%dma_start3A_188, %dma_start3A_189] : memref<131072x8xf32, #tpu.memory_space<hbm>> -> memref<131072x8xf32, #tpu.memory_space<hbm>>
    tpu.enqueue_indirect_dma source(%dma_start3A_190 : memref<131072x8xf32, #tpu.memory_space<hbm>>) target(%arg17 : memref<1024x8xf32, #tpu.memory_space<vmem>>) offsets(%arg27 : memref<1024xi32, #tpu.memory_space<vmem>>) semaphore(%arg32 : memref<!tpu.dma_semaphore, #tpu.memory_space<semaphore_mem>>)
    %dma_start3A_191 = arith.constant 0 : i32
    %dma_start3A_192 = tpu.memref_slice %arg2[%add3A_181, %dma_start3A_191] : memref<1048576x8xf32, #tpu.memory_space<hbm>> -> memref<1024x8xf32, #tpu.memory_space<hbm>>
    %dma_start3A_193 = arith.constant 0 : i32
    %dma_start3A_194 = tpu.memref_slice %arg2[%add3A_181, %dma_start3A_193] : memref<1048576x8xf32, #tpu.memory_space<hbm>> -> memref<1024x8xf32, #tpu.memory_space<hbm>>
    tpu.enqueue_dma source(%dma_start3A_194 : memref<1024x8xf32, #tpu.memory_space<hbm>>) target(%arg11 : memref<1024x8xf32, #tpu.memory_space<vmem>>) target_semaphore(%arg32 : memref<!tpu.dma_semaphore, #tpu.memory_space<semaphore_mem>>)
    %add3A_195 = arith.constant 1024 : i32
    %add3A_196 = arith.addi %mul3A_2, %add3A_195 : i32
    %jit3A_197 = arith.constant 8 : i32
    %div3A_198 = arith.divsi %add3A_196, %jit3A_197 : i32
    %sign3A_199 = arith.constant 0 : i32
    %sign3A_200 = arith.cmpi sgt, %add3A_196, %sign3A_199 : i32
    %sign3A_201 = arith.extui %sign3A_200 : i1 to i32
    %sign3A_202 = arith.constant 0 : i32
    %sign3A_203 = arith.cmpi slt, %add3A_196, %sign3A_202 : i32
    %sign3A_204 = arith.extui %sign3A_203 : i1 to i32
    %sign3A_205 = arith.subi %sign3A_201, %sign3A_204 : i32
    %sign3A_206 = arith.constant 0 : i32
    %sign3A_207 = arith.cmpi sgt, %jit3A_197, %sign3A_206 : i32
    %sign3A_208 = arith.extui %sign3A_207 : i1 to i32
    %sign3A_209 = arith.constant 0 : i32
    %sign3A_210 = arith.cmpi slt, %jit3A_197, %sign3A_209 : i32
    %sign3A_211 = arith.extui %sign3A_210 : i1 to i32
    %sign3A_212 = arith.subi %sign3A_208, %sign3A_211 : i32
    %ne3A_213 = arith.cmpi ne, %sign3A_205, %sign3A_212 : i32
    %rem3A_214 = arith.remsi %add3A_196, %jit3A_197 : i32
    %ne3A_215 = arith.constant 0 : i32
    %ne3A_216 = arith.cmpi ne, %rem3A_214, %ne3A_215 : i32
    %and3A_217 = arith.andi %ne3A_213, %ne3A_216 : i1
    %sub3A_218 = arith.constant 1 : i32
    %sub3A_219 = arith.subi %div3A_198, %sub3A_218 : i32
    %select_n3A_220 = arith.select %and3A_217, %sub3A_219, %div3A_198 : i32
    %add3A_221 = arith.constant 1024 : i32
    %add3A_222 = arith.addi %mul3A_34, %add3A_221 : i32
    %jit3A_223 = arith.constant 8 : i32
    %div3A_224 = arith.divsi %add3A_222, %jit3A_223 : i32
    %sign3A_225 = arith.constant 0 : i32
    %sign3A_226 = arith.cmpi sgt, %add3A_222, %sign3A_225 : i32
    %sign3A_227 = arith.extui %sign3A_226 : i1 to i32
    %sign3A_228 = arith.constant 0 : i32
    %sign3A_229 = arith.cmpi slt, %add3A_222, %sign3A_228 : i32
    %sign3A_230 = arith.extui %sign3A_229 : i1 to i32
    %sign3A_231 = arith.subi %sign3A_227, %sign3A_230 : i32
    %sign3A_232 = arith.constant 0 : i32
    %sign3A_233 = arith.cmpi sgt, %jit3A_223, %sign3A_232 : i32
    %sign3A_234 = arith.extui %sign3A_233 : i1 to i32
    %sign3A_235 = arith.constant 0 : i32
    %sign3A_236 = arith.cmpi slt, %jit3A_223, %sign3A_235 : i32
    %sign3A_237 = arith.extui %sign3A_236 : i1 to i32
    %sign3A_238 = arith.subi %sign3A_234, %sign3A_237 : i32
    %ne3A_239 = arith.cmpi ne, %sign3A_231, %sign3A_238 : i32
    %rem3A_240 = arith.remsi %add3A_222, %jit3A_223 : i32
    %ne3A_241 = arith.constant 0 : i32
    %ne3A_242 = arith.cmpi ne, %rem3A_240, %ne3A_241 : i32
    %and3A_243 = arith.andi %ne3A_239, %ne3A_242 : i1
    %sub3A_244 = arith.constant 1 : i32
    %sub3A_245 = arith.subi %div3A_224, %sub3A_244 : i32
    %select_n3A_246 = arith.select %and3A_243, %sub3A_245, %div3A_224 : i32
    %dma_start3A_247 = arith.constant 0 : i32
    %dma_start3A_248 = tpu.memref_slice %arg5[%select_n3A_246, %dma_start3A_247] : memref<16384x8xi32, #tpu.memory_space<hbm>> -> memref<128x8xi32, #tpu.memory_space<hbm>>
    %dma_start3A_249 = arith.constant 0 : i32
    %dma_start3A_250 = tpu.memref_slice %arg5[%select_n3A_246, %dma_start3A_249] : memref<16384x8xi32, #tpu.memory_space<hbm>> -> memref<128x8xi32, #tpu.memory_space<hbm>>
    tpu.enqueue_dma source(%dma_start3A_250 : memref<128x8xi32, #tpu.memory_space<hbm>>) target(%arg20 : memref<128x8xi32, #tpu.memory_space<vmem>>) target_semaphore(%arg31 : memref<!tpu.dma_semaphore, #tpu.memory_space<semaphore_mem>>)
    %dma_start3A_251 = arith.constant 0 : i32
    %dma_start3A_252 = tpu.memref_slice %arg6[%select_n3A_220, %dma_start3A_251] : memref<131072x8xi32, #tpu.memory_space<hbm>> -> memref<128x8xi32, #tpu.memory_space<hbm>>
    %dma_start3A_253 = arith.constant 0 : i32
    %dma_start3A_254 = tpu.memref_slice %arg6[%select_n3A_220, %dma_start3A_253] : memref<131072x8xi32, #tpu.memory_space<hbm>> -> memref<128x8xi32, #tpu.memory_space<hbm>>
    tpu.enqueue_dma source(%dma_start3A_254 : memref<128x8xi32, #tpu.memory_space<hbm>>) target(%arg22 : memref<128x8xi32, #tpu.memory_space<vmem>>) target_semaphore(%arg31 : memref<!tpu.dma_semaphore, #tpu.memory_space<semaphore_mem>>)
    %broadcast_in_dim3A_255 = arith.constant 0.000000e+00 : f32
    %broadcast_in_dim3A_256 = vector.broadcast %broadcast_in_dim3A_255 : f32 to vector<16xf32>
    %scan3A_257 = arith.constant 0 : i32
    %scan3A_258 = arith.constant 16 : i32
    %scan3A_259 = arith.addi %scan3A_257, %scan3A_258 : i32
    %scan3A_260 = arith.constant 1 : i32
    %scan3A_261 = scf.for %scan3A_264 = %scan3A_257 to %scan3A_259 step %scan3A_260 iter_args(%scan3A_265 = %broadcast_in_dim3A_256) -> (vector<16xf32>)  : i32 {
      %mul3A_266 = arith.constant 2 : i32
      %mul3A_267 = arith.muli %scan3A_264, %mul3A_266 : i32
      %add3A_268 = arith.constant 0 : i32
      %add3A_269 = arith.addi %mul3A_267, %add3A_268 : i32
      %add3A_270 = arith.constant 1 : i32
      %add3A_271 = arith.addi %add3A_269, %add3A_270 : i32
      %lt3A_272 = arith.constant 32 : i32
      %lt3A_273 = arith.cmpi slt, %add3A_271, %lt3A_272 : i32
      %convert_element_type3A = arith.extui %lt3A_273 : i1 to i32
      %cond3A = arith.constant 0 : i32
      %cond3A_274 = arith.cmpi ne, %convert_element_type3A, %cond3A : i32
      scf.if %cond3A_274 {
        %dma_wait3A_370 = arith.constant 0 : i32
        %dma_wait3A_371 = arith.constant 0 : i32
        %dma_wait3A_372 = tpu.memref_slice %arg5[%dma_wait3A_370, %dma_wait3A_371] : memref<16384x8xi32, #tpu.memory_space<hbm>> -> memref<128x8xi32, #tpu.memory_space<hbm>>
        %dma_wait3A_373 = arith.constant 0 : i32
        %dma_wait3A_374 = arith.constant 0 : i32
        %dma_wait3A_375 = tpu.memref_slice %arg5[%dma_wait3A_373, %dma_wait3A_374] : memref<16384x8xi32, #tpu.memory_space<hbm>> -> memref<128x8xi32, #tpu.memory_space<hbm>>
        tpu.wait_dma2 semaphore(%arg31 : memref<!tpu.dma_semaphore, #tpu.memory_space<semaphore_mem>>) src(%dma_wait3A_375 : memref<128x8xi32, #tpu.memory_space<hbm>>) dst(%arg20 : memref<128x8xi32, #tpu.memory_space<vmem>>)
        %dma_wait3A_376 = arith.constant 0 : i32
        %dma_wait3A_377 = arith.constant 0 : i32
        %dma_wait3A_378 = tpu.memref_slice %arg6[%dma_wait3A_376, %dma_wait3A_377] : memref<131072x8xi32, #tpu.memory_space<hbm>> -> memref<128x8xi32, #tpu.memory_space<hbm>>
        %dma_wait3A_379 = arith.constant 0 : i32
        %dma_wait3A_380 = arith.constant 0 : i32
        %dma_wait3A_381 = tpu.memref_slice %arg6[%dma_wait3A_379, %dma_wait3A_380] : memref<131072x8xi32, #tpu.memory_space<hbm>> -> memref<128x8xi32, #tpu.memory_space<hbm>>
        tpu.wait_dma2 semaphore(%arg31 : memref<!tpu.dma_semaphore, #tpu.memory_space<semaphore_mem>>) src(%dma_wait3A_381 : memref<128x8xi32, #tpu.memory_space<hbm>>) dst(%arg22 : memref<128x8xi32, #tpu.memory_space<vmem>>)
        %scan3A_382 = arith.constant 0 : i32
        %scan3A_383 = arith.constant 0 : i32
        %scan3A_384 = arith.constant 64 : i32
        %scan3A_385 = arith.addi %scan3A_383, %scan3A_384 : i32
        %scan3A_386 = arith.constant 1 : i32
        %scan3A_387 = scf.for %scan3A_407 = %scan3A_383 to %scan3A_385 step %scan3A_386 iter_args(%scan3A_408 = %scan3A_382) -> (i32)  : i32 {
          %mul3A_409 = arith.constant 16 : i32
          %mul3A_410 = arith.muli %scan3A_407, %mul3A_409 : i32
          %jit3A_411 = arith.constant 8 : i32
          %div3A_412 = arith.divsi %mul3A_410, %jit3A_411 : i32
          %sign3A_413 = arith.constant 0 : i32
          %sign3A_414 = arith.cmpi sgt, %mul3A_410, %sign3A_413 : i32
          %sign3A_415 = arith.extui %sign3A_414 : i1 to i32
          %sign3A_416 = arith.constant 0 : i32
          %sign3A_417 = arith.cmpi slt, %mul3A_410, %sign3A_416 : i32
          %sign3A_418 = arith.extui %sign3A_417 : i1 to i32
          %sign3A_419 = arith.subi %sign3A_415, %sign3A_418 : i32
          %sign3A_420 = arith.constant 0 : i32
          %sign3A_421 = arith.cmpi sgt, %jit3A_411, %sign3A_420 : i32
          %sign3A_422 = arith.extui %sign3A_421 : i1 to i32
          %sign3A_423 = arith.constant 0 : i32
          %sign3A_424 = arith.cmpi slt, %jit3A_411, %sign3A_423 : i32
          %sign3A_425 = arith.extui %sign3A_424 : i1 to i32
          %sign3A_426 = arith.subi %sign3A_422, %sign3A_425 : i32
          %ne3A_427 = arith.cmpi ne, %sign3A_419, %sign3A_426 : i32
          %rem3A_428 = arith.remsi %mul3A_410, %jit3A_411 : i32
          %ne3A_429 = arith.constant 0 : i32
          %ne3A_430 = arith.cmpi ne, %rem3A_428, %ne3A_429 : i32
          %and3A_431 = arith.andi %ne3A_427, %ne3A_430 : i1
          %sub3A_432 = arith.constant 1 : i32
          %sub3A_433 = arith.subi %div3A_412, %sub3A_432 : i32
          %select_n3A_434 = arith.select %and3A_431, %sub3A_433, %div3A_412 : i32
          %add3A_435 = vector.broadcast %select_n3A_434 : i32 to vector<16xi32>
          %add3A_436 = arith.addi %add3A_435, %select_n3A_79 : vector<16xi32>
          %gather3A = tpu.vector_load_idx %arg20[%add3A_436, %and3A_82] : memref<128x8xi32, #tpu.memory_space<vmem>>[vector<16xi32>, vector<16xi32>], vector<16xi32>,
          %gather3A_437 = tpu.vector_load_idx %arg22[%add3A_436, %and3A_82] : memref<128x8xi32, #tpu.memory_space<vmem>>[vector<16xi32>, vector<16xi32>], vector<16xi32>,
          %add3A_438 = vector.broadcast %mul3A_36 : i32 to vector<16xi32>
          %add3A_439 = arith.addi %gather3A, %add3A_438 : vector<16xi32>
          %swap3A_440 = arith.index_cast %mul3A_410 : i32 to index
          %swap3A_441 = tpu.vector_load %arg24[%swap3A_440] {strides = array<i32>} : memref<1024xi32, #tpu.memory_space<vmem>>, vector<16xi32>,
          tpu.vector_store %arg24[%swap3A_440], %add3A_439 {strides = array<i32>} : memref<1024xi32, #tpu.memory_space<vmem>>, vector<16xi32>,
          %swap3A_442 = arith.index_cast %mul3A_410 : i32 to index
          %swap3A_443 = tpu.vector_load %arg26[%swap3A_442] {strides = array<i32>} : memref<1024xi32, #tpu.memory_space<vmem>>, vector<16xi32>,
          tpu.vector_store %arg26[%swap3A_442], %gather3A_437 {strides = array<i32>} : memref<1024xi32, #tpu.memory_space<vmem>>, vector<16xi32>,
          %shift_right_arithmetic3A = arith.constant 17 : i32
          %shift_right_arithmetic3A_444 = vector.broadcast %shift_right_arithmetic3A : i32 to vector<16xi32>
          %shift_right_arithmetic3A_445 = arith.shrsi %gather3A_437, %shift_right_arithmetic3A_444 : vector<16xi32>
          %shift_left3A = arith.constant 14 : i32
          %shift_left3A_446 = vector.broadcast %shift_left3A : i32 to vector<16xi32>
          %shift_left3A_447 = arith.shli %shift_right_arithmetic3A_445, %shift_left3A_446 : vector<16xi32>
          %and3A_448 = arith.constant 16383 : i32
          %and3A_449 = vector.broadcast %and3A_448 : i32 to vector<16xi32>
          %and3A_450 = arith.andi %gather3A_437, %and3A_449 : vector<16xi32>
          %or3A = arith.ori %shift_left3A_447, %and3A_450 : vector<16xi32>
          %swap3A_451 = arith.index_cast %mul3A_410 : i32 to index
          %swap3A_452 = tpu.vector_load %arg28[%swap3A_451] {strides = array<i32>} : memref<1024xi32, #tpu.memory_space<vmem>>, vector<16xi32>,
          tpu.vector_store %arg28[%swap3A_451], %or3A {strides = array<i32>} : memref<1024xi32, #tpu.memory_space<vmem>>, vector<16xi32>,
          %scan3A_453 = arith.constant 0 : i32
          scf.yield %scan3A_453 : i32
        }
        %scan3A_388 = arith.constant 64 : i32
        %add3A_389 = arith.constant 1 : i32
        %add3A_390 = arith.addi %add3A_269, %add3A_389 : i32
        %mul3A_391 = arith.constant 1024 : i32
        %mul3A_392 = arith.muli %add3A_390, %mul3A_391 : i32
        %add3A_393 = arith.addi %mul3A_2, %mul3A_392 : i32
        %dma_start3A_394 = arith.constant 0 : i32
        %dma_start3A_395 = arith.constant 0 : i32
        %dma_start3A_396 = tpu.memref_slice %arg2[%dma_start3A_394, %dma_start3A_395] : memref<1048576x8xf32, #tpu.memory_space<hbm>> -> memref<1048576x8xf32, #tpu.memory_space<hbm>>
        tpu.enqueue_indirect_dma source(%dma_start3A_396 : memref<1048576x8xf32, #tpu.memory_space<hbm>>) target(%arg14 : memref<1024x8xf32, #tpu.memory_space<vmem>>) offsets(%arg24 : memref<1024xi32, #tpu.memory_space<vmem>>) semaphore(%arg33 : memref<!tpu.dma_semaphore, #tpu.memory_space<semaphore_mem>>)
        %dma_start3A_397 = arith.constant 0 : i32
        %dma_start3A_398 = arith.constant 0 : i32
        %dma_start3A_399 = tpu.memref_slice %arg2[%dma_start3A_397, %dma_start3A_398] : memref<1048576x8xf32, #tpu.memory_space<hbm>> -> memref<1048576x8xf32, #tpu.memory_space<hbm>>
        tpu.enqueue_indirect_dma source(%dma_start3A_399 : memref<1048576x8xf32, #tpu.memory_space<hbm>>) target(%arg16 : memref<1024x8xf32, #tpu.memory_space<vmem>>) offsets(%arg26 : memref<1024xi32, #tpu.memory_space<vmem>>) semaphore(%arg33 : memref<!tpu.dma_semaphore, #tpu.memory_space<semaphore_mem>>)
        %dma_start3A_400 = arith.constant 0 : i32
        %dma_start3A_401 = arith.constant 0 : i32
        %dma_start3A_402 = tpu.memref_slice %arg3[%dma_start3A_400, %dma_start3A_401] : memref<131072x8xf32, #tpu.memory_space<hbm>> -> memref<131072x8xf32, #tpu.memory_space<hbm>>
        tpu.enqueue_indirect_dma source(%dma_start3A_402 : memref<131072x8xf32, #tpu.memory_space<hbm>>) target(%arg18 : memref<1024x8xf32, #tpu.memory_space<vmem>>) offsets(%arg28 : memref<1024xi32, #tpu.memory_space<vmem>>) semaphore(%arg33 : memref<!tpu.dma_semaphore, #tpu.memory_space<semaphore_mem>>)
        %dma_start3A_403 = arith.constant 0 : i32
        %dma_start3A_404 = tpu.memref_slice %arg2[%add3A_393, %dma_start3A_403] : memref<1048576x8xf32, #tpu.memory_space<hbm>> -> memref<1024x8xf32, #tpu.memory_space<hbm>>
        %dma_start3A_405 = arith.constant 0 : i32
        %dma_start3A_406 = tpu.memref_slice %arg2[%add3A_393, %dma_start3A_405] : memref<1048576x8xf32, #tpu.memory_space<hbm>> -> memref<1024x8xf32, #tpu.memory_space<hbm>>
        tpu.enqueue_dma source(%dma_start3A_406 : memref<1024x8xf32, #tpu.memory_space<hbm>>) target(%arg12 : memref<1024x8xf32, #tpu.memory_space<vmem>>) target_semaphore(%arg33 : memref<!tpu.dma_semaphore, #tpu.memory_space<semaphore_mem>>)
      } else {
      }
      %add3A_275 = arith.constant 2 : i32
      %add3A_276 = arith.addi %add3A_269, %add3A_275 : i32
      %lt3A_277 = arith.constant 32 : i32
      %lt3A_278 = arith.cmpi slt, %add3A_276, %lt3A_277 : i32
      %convert_element_type3A_279 = arith.extui %lt3A_278 : i1 to i32
      %cond3A_280 = arith.constant 0 : i32
      %cond3A_281 = arith.cmpi ne, %convert_element_type3A_279, %cond3A_280 : i32
      scf.if %cond3A_281 {
        %add3A_370 = arith.constant 2 : i32
        %add3A_371 = arith.addi %add3A_269, %add3A_370 : i32
        %mul3A_372 = arith.constant 1024 : i32
        %mul3A_373 = arith.muli %add3A_371, %mul3A_372 : i32
        %add3A_374 = arith.addi %mul3A_2, %mul3A_373 : i32
        %jit3A_375 = arith.constant 8 : i32
        %div3A_376 = arith.divsi %add3A_374, %jit3A_375 : i32
        %sign3A_377 = arith.constant 0 : i32
        %sign3A_378 = arith.cmpi sgt, %add3A_374, %sign3A_377 : i32
        %sign3A_379 = arith.extui %sign3A_378 : i1 to i32
        %sign3A_380 = arith.constant 0 : i32
        %sign3A_381 = arith.cmpi slt, %add3A_374, %sign3A_380 : i32
        %sign3A_382 = arith.extui %sign3A_381 : i1 to i32
        %sign3A_383 = arith.subi %sign3A_379, %sign3A_382 : i32
        %sign3A_384 = arith.constant 0 : i32
        %sign3A_385 = arith.cmpi sgt, %jit3A_375, %sign3A_384 : i32
        %sign3A_386 = arith.extui %sign3A_385 : i1 to i32
        %sign3A_387 = arith.constant 0 : i32
        %sign3A_388 = arith.cmpi slt, %jit3A_375, %sign3A_387 : i32
        %sign3A_389 = arith.extui %sign3A_388 : i1 to i32
        %sign3A_390 = arith.subi %sign3A_386, %sign3A_389 : i32
        %ne3A_391 = arith.cmpi ne, %sign3A_383, %sign3A_390 : i32
        %rem3A_392 = arith.remsi %add3A_374, %jit3A_375 : i32
        %ne3A_393 = arith.constant 0 : i32
        %ne3A_394 = arith.cmpi ne, %rem3A_392, %ne3A_393 : i32
        %and3A_395 = arith.andi %ne3A_391, %ne3A_394 : i1
        %sub3A_396 = arith.constant 1 : i32
        %sub3A_397 = arith.subi %div3A_376, %sub3A_396 : i32
        %select_n3A_398 = arith.select %and3A_395, %sub3A_397, %div3A_376 : i32
        %mul3A_399 = arith.constant 1024 : i32
        %mul3A_400 = arith.muli %add3A_371, %mul3A_399 : i32
        %add3A_401 = arith.addi %mul3A_34, %mul3A_400 : i32
        %jit3A_402 = arith.constant 8 : i32
        %div3A_403 = arith.divsi %add3A_401, %jit3A_402 : i32
        %sign3A_404 = arith.constant 0 : i32
        %sign3A_405 = arith.cmpi sgt, %add3A_401, %sign3A_404 : i32
        %sign3A_406 = arith.extui %sign3A_405 : i1 to i32
        %sign3A_407 = arith.constant 0 : i32
        %sign3A_408 = arith.cmpi slt, %add3A_401, %sign3A_407 : i32
        %sign3A_409 = arith.extui %sign3A_408 : i1 to i32
        %sign3A_410 = arith.subi %sign3A_406, %sign3A_409 : i32
        %sign3A_411 = arith.constant 0 : i32
        %sign3A_412 = arith.cmpi sgt, %jit3A_402, %sign3A_411 : i32
        %sign3A_413 = arith.extui %sign3A_412 : i1 to i32
        %sign3A_414 = arith.constant 0 : i32
        %sign3A_415 = arith.cmpi slt, %jit3A_402, %sign3A_414 : i32
        %sign3A_416 = arith.extui %sign3A_415 : i1 to i32
        %sign3A_417 = arith.subi %sign3A_413, %sign3A_416 : i32
        %ne3A_418 = arith.cmpi ne, %sign3A_410, %sign3A_417 : i32
        %rem3A_419 = arith.remsi %add3A_401, %jit3A_402 : i32
        %ne3A_420 = arith.constant 0 : i32
        %ne3A_421 = arith.cmpi ne, %rem3A_419, %ne3A_420 : i32
        %and3A_422 = arith.andi %ne3A_418, %ne3A_421 : i1
        %sub3A_423 = arith.constant 1 : i32
        %sub3A_424 = arith.subi %div3A_403, %sub3A_423 : i32
        %select_n3A_425 = arith.select %and3A_422, %sub3A_424, %div3A_403 : i32
        %dma_start3A_426 = arith.constant 0 : i32
        %dma_start3A_427 = tpu.memref_slice %arg5[%select_n3A_425, %dma_start3A_426] : memref<16384x8xi32, #tpu.memory_space<hbm>> -> memref<128x8xi32, #tpu.memory_space<hbm>>
        %dma_start3A_428 = arith.constant 0 : i32
        %dma_start3A_429 = tpu.memref_slice %arg5[%select_n3A_425, %dma_start3A_428] : memref<16384x8xi32, #tpu.memory_space<hbm>> -> memref<128x8xi32, #tpu.memory_space<hbm>>
        tpu.enqueue_dma source(%dma_start3A_429 : memref<128x8xi32, #tpu.memory_space<hbm>>) target(%arg19 : memref<128x8xi32, #tpu.memory_space<vmem>>) target_semaphore(%arg30 : memref<!tpu.dma_semaphore, #tpu.memory_space<semaphore_mem>>)
        %dma_start3A_430 = arith.constant 0 : i32
        %dma_start3A_431 = tpu.memref_slice %arg6[%select_n3A_398, %dma_start3A_430] : memref<131072x8xi32, #tpu.memory_space<hbm>> -> memref<128x8xi32, #tpu.memory_space<hbm>>
        %dma_start3A_432 = arith.constant 0 : i32
        %dma_start3A_433 = tpu.memref_slice %arg6[%select_n3A_398, %dma_start3A_432] : memref<131072x8xi32, #tpu.memory_space<hbm>> -> memref<128x8xi32, #tpu.memory_space<hbm>>
        tpu.enqueue_dma source(%dma_start3A_433 : memref<128x8xi32, #tpu.memory_space<hbm>>) target(%arg21 : memref<128x8xi32, #tpu.memory_space<vmem>>) target_semaphore(%arg30 : memref<!tpu.dma_semaphore, #tpu.memory_space<semaphore_mem>>)
      } else {
      }
      %dma_wait3A_282 = arith.constant 0 : i32
      %dma_wait3A_283 = arith.constant 0 : i32
      %dma_wait3A_284 = tpu.memref_slice %arg2[%dma_wait3A_282, %dma_wait3A_283] : memref<1048576x8xf32, #tpu.memory_space<hbm>> -> memref<1024x8xf32, #tpu.memory_space<hbm>>
      %dma_wait3A_285 = arith.constant 0 : i32
      %dma_wait3A_286 = arith.constant 0 : i32
      %dma_wait3A_287 = tpu.memref_slice %arg2[%dma_wait3A_285, %dma_wait3A_286] : memref<1048576x8xf32, #tpu.memory_space<hbm>> -> memref<1024x8xf32, #tpu.memory_space<hbm>>
      tpu.wait_dma2 semaphore(%arg32 : memref<!tpu.dma_semaphore, #tpu.memory_space<semaphore_mem>>) src(%dma_wait3A_287 : memref<1024x8xf32, #tpu.memory_space<hbm>>) dst(%arg13 : memref<1024x8xf32, #tpu.memory_space<vmem>>)
      %dma_wait3A_288 = arith.constant 0 : i32
      %dma_wait3A_289 = arith.constant 0 : i32
      %dma_wait3A_290 = tpu.memref_slice %arg2[%dma_wait3A_288, %dma_wait3A_289] : memref<1048576x8xf32, #tpu.memory_space<hbm>> -> memref<1024x8xf32, #tpu.memory_space<hbm>>
      %dma_wait3A_291 = arith.constant 0 : i32
      %dma_wait3A_292 = arith.constant 0 : i32
      %dma_wait3A_293 = tpu.memref_slice %arg2[%dma_wait3A_291, %dma_wait3A_292] : memref<1048576x8xf32, #tpu.memory_space<hbm>> -> memref<1024x8xf32, #tpu.memory_space<hbm>>
      tpu.wait_dma2 semaphore(%arg32 : memref<!tpu.dma_semaphore, #tpu.memory_space<semaphore_mem>>) src(%dma_wait3A_293 : memref<1024x8xf32, #tpu.memory_space<hbm>>) dst(%arg15 : memref<1024x8xf32, #tpu.memory_space<vmem>>)
      %dma_wait3A_294 = arith.constant 0 : i32
      %dma_wait3A_295 = arith.constant 0 : i32
      %dma_wait3A_296 = tpu.memref_slice %arg3[%dma_wait3A_294, %dma_wait3A_295] : memref<131072x8xf32, #tpu.memory_space<hbm>> -> memref<1024x8xf32, #tpu.memory_space<hbm>>
      %dma_wait3A_297 = arith.constant 0 : i32
      %dma_wait3A_298 = arith.constant 0 : i32
      %dma_wait3A_299 = tpu.memref_slice %arg3[%dma_wait3A_297, %dma_wait3A_298] : memref<131072x8xf32, #tpu.memory_space<hbm>> -> memref<1024x8xf32, #tpu.memory_space<hbm>>
      tpu.wait_dma2 semaphore(%arg32 : memref<!tpu.dma_semaphore, #tpu.memory_space<semaphore_mem>>) src(%dma_wait3A_299 : memref<1024x8xf32, #tpu.memory_space<hbm>>) dst(%arg17 : memref<1024x8xf32, #tpu.memory_space<vmem>>)
      %dma_wait3A_300 = arith.constant 0 : i32
      %dma_wait3A_301 = arith.constant 0 : i32
      %dma_wait3A_302 = tpu.memref_slice %arg2[%dma_wait3A_300, %dma_wait3A_301] : memref<1048576x8xf32, #tpu.memory_space<hbm>> -> memref<1024x8xf32, #tpu.memory_space<hbm>>
      %dma_wait3A_303 = arith.constant 0 : i32
      %dma_wait3A_304 = arith.constant 0 : i32
      %dma_wait3A_305 = tpu.memref_slice %arg2[%dma_wait3A_303, %dma_wait3A_304] : memref<1048576x8xf32, #tpu.memory_space<hbm>> -> memref<1024x8xf32, #tpu.memory_space<hbm>>
      tpu.wait_dma2 semaphore(%arg32 : memref<!tpu.dma_semaphore, #tpu.memory_space<semaphore_mem>>) src(%dma_wait3A_305 : memref<1024x8xf32, #tpu.memory_space<hbm>>) dst(%arg11 : memref<1024x8xf32, #tpu.memory_space<vmem>>)
      %mul3A_306 = arith.constant 1024 : i32
      %mul3A_307 = arith.muli %add3A_269, %mul3A_306 : i32
      %add3A_308 = arith.addi %mul3A_34, %mul3A_307 : i32
      %and3A_309 = arith.constant 16383 : i32
      %and3A_310 = arith.andi %add3A_308, %and3A_309 : i32
      %scan3A_311 = arith.constant 0 : i32
      %scan3A_312 = arith.constant 64 : i32
      %scan3A_313 = arith.addi %scan3A_311, %scan3A_312 : i32
      %scan3A_314 = arith.constant 1 : i32
      %scan3A_315 = scf.for %scan3A_370 = %scan3A_311 to %scan3A_313 step %scan3A_314 iter_args(%scan3A_371 = %scan3A_265) -> (vector<16xf32>)  : i32 {
        %mul3A_372 = arith.constant 16 : i32
        %mul3A_373 = arith.muli %scan3A_370, %mul3A_372 : i32
        %add3A_374 = vector.broadcast %mul3A_373 : i32 to vector<16xi32>
        %add3A_375 = arith.addi %add3A_374, %iota3A : vector<16xi32>
        %jit3A_376 = arith.constant 8 : i32
        %div3A_377 = arith.divsi %mul3A_373, %jit3A_376 : i32
        %sign3A_378 = arith.constant 0 : i32
        %sign3A_379 = arith.cmpi sgt, %mul3A_373, %sign3A_378 : i32
        %sign3A_380 = arith.extui %sign3A_379 : i1 to i32
        %sign3A_381 = arith.constant 0 : i32
        %sign3A_382 = arith.cmpi slt, %mul3A_373, %sign3A_381 : i32
        %sign3A_383 = arith.extui %sign3A_382 : i1 to i32
        %sign3A_384 = arith.subi %sign3A_380, %sign3A_383 : i32
        %sign3A_385 = arith.constant 0 : i32
        %sign3A_386 = arith.cmpi sgt, %jit3A_376, %sign3A_385 : i32
        %sign3A_387 = arith.extui %sign3A_386 : i1 to i32
        %sign3A_388 = arith.constant 0 : i32
        %sign3A_389 = arith.cmpi slt, %jit3A_376, %sign3A_388 : i32
        %sign3A_390 = arith.extui %sign3A_389 : i1 to i32
        %sign3A_391 = arith.subi %sign3A_387, %sign3A_390 : i32
        %ne3A_392 = arith.cmpi ne, %sign3A_384, %sign3A_391 : i32
        %rem3A_393 = arith.remsi %mul3A_373, %jit3A_376 : i32
        %ne3A_394 = arith.constant 0 : i32
        %ne3A_395 = arith.cmpi ne, %rem3A_393, %ne3A_394 : i32
        %and3A_396 = arith.andi %ne3A_392, %ne3A_395 : i1
        %sub3A_397 = arith.constant 1 : i32
        %sub3A_398 = arith.subi %div3A_377, %sub3A_397 : i32
        %select_n3A_399 = arith.select %and3A_396, %sub3A_398, %div3A_377 : i32
        %add3A_400 = vector.broadcast %select_n3A_399 : i32 to vector<16xi32>
        %add3A_401 = arith.addi %add3A_400, %select_n3A_79 : vector<16xi32>
        %gather3A = tpu.vector_load_idx %arg19[%add3A_401, %and3A_82] : memref<128x8xi32, #tpu.memory_space<vmem>>[vector<16xi32>, vector<16xi32>], vector<16xi32>,
        %and3A_402 = arith.constant 16383 : i32
        %and3A_403 = vector.broadcast %and3A_402 : i32 to vector<16xi32>
        %and3A_404 = arith.andi %gather3A, %and3A_403 : vector<16xi32>
        %add3A_405 = arith.addi %and3A_310, %mul3A_373 : i32
        %get3A = arith.index_cast %add3A_405 : i32 to index
        %get3A_406 = tpu.vector_load %arg8[%get3A] {strides = array<i32>} : memref<16384xf32, #tpu.memory_space<vmem>>, vector<16xf32>,
        %add3A_407 = arith.addi %and3A_310, %mul3A_373 : i32
        %get3A_408 = arith.index_cast %add3A_407 : i32 to index
        %get3A_409 = tpu.vector_load %arg9[%get3A_408] {strides = array<i32>} : memref<16384xf32, #tpu.memory_space<vmem>>, vector<16xf32>,
        %add3A_410 = arith.addi %and3A_310, %mul3A_373 : i32
        %get3A_411 = arith.index_cast %add3A_410 : i32 to index
        %get3A_412 = tpu.vector_load %arg10[%get3A_411] {strides = array<i32>} : memref<16384xf32, #tpu.memory_space<vmem>>, vector<16xf32>,
        %gather3A_413 = tpu.vector_load_idx %arg8[%and3A_404] : memref<16384xf32, #tpu.memory_space<vmem>>[vector<16xi32>], vector<16xf32>,
        %gather3A_414 = tpu.vector_load_idx %arg9[%and3A_404] : memref<16384xf32, #tpu.memory_space<vmem>>[vector<16xi32>], vector<16xf32>,
        %gather3A_415 = tpu.vector_load_idx %arg10[%and3A_404] : memref<16384xf32, #tpu.memory_space<vmem>>[vector<16xi32>], vector<16xf32>,
        %gather3A_416 = tpu.vector_load_idx %arg17[%add3A_375, %broadcast_in_dim3A_99] : memref<1024x8xf32, #tpu.memory_space<vmem>>[vector<16xi32>, vector<16xi32>], vector<16xf32>,
        %gather3A_417 = tpu.vector_load_idx %arg17[%add3A_375, %broadcast_in_dim3A_101] : memref<1024x8xf32, #tpu.memory_space<vmem>>[vector<16xi32>, vector<16xi32>], vector<16xf32>,
        %gather3A_418 = tpu.vector_load_idx %arg17[%add3A_375, %broadcast_in_dim3A_103] : memref<1024x8xf32, #tpu.memory_space<vmem>>[vector<16xi32>, vector<16xi32>], vector<16xf32>,
        %sub3A_419 = arith.subf %get3A_406, %gather3A_413 : vector<16xf32>
        %sub3A_420 = arith.subf %get3A_406, %gather3A_413 : vector<16xf32>
        %mul3A_421 = arith.mulf %sub3A_419, %sub3A_420 : vector<16xf32>
        %sub3A_422 = arith.subf %get3A_409, %gather3A_414 : vector<16xf32>
        %sub3A_423 = arith.subf %get3A_409, %gather3A_414 : vector<16xf32>
        %mul3A_424 = arith.mulf %sub3A_422, %sub3A_423 : vector<16xf32>
        %add3A_425 = arith.addf %mul3A_421, %mul3A_424 : vector<16xf32>
        %sub3A_426 = arith.subf %get3A_412, %gather3A_415 : vector<16xf32>
        %sub3A_427 = arith.subf %get3A_412, %gather3A_415 : vector<16xf32>
        %mul3A_428 = arith.mulf %sub3A_426, %sub3A_427 : vector<16xf32>
        %add3A_429 = arith.addf %add3A_425, %mul3A_428 : vector<16xf32>
        %sub3A_430 = arith.subf %get3A_406, %gather3A_416 : vector<16xf32>
        %sub3A_431 = arith.subf %get3A_406, %gather3A_416 : vector<16xf32>
        %mul3A_432 = arith.mulf %sub3A_430, %sub3A_431 : vector<16xf32>
        %sub3A_433 = arith.subf %get3A_409, %gather3A_417 : vector<16xf32>
        %sub3A_434 = arith.subf %get3A_409, %gather3A_417 : vector<16xf32>
        %mul3A_435 = arith.mulf %sub3A_433, %sub3A_434 : vector<16xf32>
        %add3A_436 = arith.addf %mul3A_432, %mul3A_435 : vector<16xf32>
        %sub3A_437 = arith.subf %get3A_412, %gather3A_418 : vector<16xf32>
        %sub3A_438 = arith.subf %get3A_412, %gather3A_418 : vector<16xf32>
        %mul3A_439 = arith.mulf %sub3A_437, %sub3A_438 : vector<16xf32>
        %add3A_440 = arith.addf %add3A_436, %mul3A_439 : vector<16xf32>
        %broadcast_in_dim3A_441 = arith.constant 0.000000e+00 : f32
        %broadcast_in_dim3A_442 = vector.broadcast %broadcast_in_dim3A_441 : f32 to vector<16xf32>
        %broadcast_in_dim3A_443 = arith.constant 0.000000e+00 : f32
        %broadcast_in_dim3A_444 = vector.broadcast %broadcast_in_dim3A_443 : f32 to vector<16xf32>
        %gather3A_445 = tpu.vector_load_idx %arg11[%add3A_375, %broadcast_in_dim3A_83] : memref<1024x8xf32, #tpu.memory_space<vmem>>[vector<16xi32>, vector<16xi32>], vector<16xf32>,
        %gather3A_446 = tpu.vector_load_idx %arg13[%add3A_375, %broadcast_in_dim3A_83] : memref<1024x8xf32, #tpu.memory_space<vmem>>[vector<16xi32>, vector<16xi32>], vector<16xf32>,
        %gather3A_447 = tpu.vector_load_idx %arg15[%add3A_375, %broadcast_in_dim3A_83] : memref<1024x8xf32, #tpu.memory_space<vmem>>[vector<16xi32>, vector<16xi32>], vector<16xf32>,
        %sub3A_448 = arith.subf %gather3A_445, %gather3A_446 : vector<16xf32>
        %sub3A_449 = arith.subf %gather3A_445, %gather3A_447 : vector<16xf32>
        %mul3A_450 = arith.mulf %sub3A_448, %sub3A_448 : vector<16xf32>
        %add3A_451 = arith.addf %broadcast_in_dim3A_442, %mul3A_450 : vector<16xf32>
        %mul3A_452 = arith.mulf %sub3A_449, %sub3A_449 : vector<16xf32>
        %add3A_453 = arith.addf %broadcast_in_dim3A_444, %mul3A_452 : vector<16xf32>
        %gather3A_454 = tpu.vector_load_idx %arg11[%add3A_375, %broadcast_in_dim3A_85] : memref<1024x8xf32, #tpu.memory_space<vmem>>[vector<16xi32>, vector<16xi32>], vector<16xf32>,
        %gather3A_455 = tpu.vector_load_idx %arg13[%add3A_375, %broadcast_in_dim3A_85] : memref<1024x8xf32, #tpu.memory_space<vmem>>[vector<16xi32>, vector<16xi32>], vector<16xf32>,
        %gather3A_456 = tpu.vector_load_idx %arg15[%add3A_375, %broadcast_in_dim3A_85] : memref<1024x8xf32, #tpu.memory_space<vmem>>[vector<16xi32>, vector<16xi32>], vector<16xf32>,
        %sub3A_457 = arith.subf %gather3A_454, %gather3A_455 : vector<16xf32>
        %sub3A_458 = arith.subf %gather3A_454, %gather3A_456 : vector<16xf32>
        %mul3A_459 = arith.mulf %sub3A_457, %sub3A_457 : vector<16xf32>
        %add3A_460 = arith.addf %add3A_451, %mul3A_459 : vector<16xf32>
        %mul3A_461 = arith.mulf %sub3A_458, %sub3A_458 : vector<16xf32>
        %add3A_462 = arith.addf %add3A_453, %mul3A_461 : vector<16xf32>
        %gather3A_463 = tpu.vector_load_idx %arg11[%add3A_375, %broadcast_in_dim3A_87] : memref<1024x8xf32, #tpu.memory_space<vmem>>[vector<16xi32>, vector<16xi32>], vector<16xf32>,
        %gather3A_464 = tpu.vector_load_idx %arg13[%add3A_375, %broadcast_in_dim3A_87] : memref<1024x8xf32, #tpu.memory_space<vmem>>[vector<16xi32>, vector<16xi32>], vector<16xf32>,
        %gather3A_465 = tpu.vector_load_idx %arg15[%add3A_375, %broadcast_in_dim3A_87] : memref<1024x8xf32, #tpu.memory_space<vmem>>[vector<16xi32>, vector<16xi32>], vector<16xf32>,
        %sub3A_466 = arith.subf %gather3A_463, %gather3A_464 : vector<16xf32>
        %sub3A_467 = arith.subf %gather3A_463, %gather3A_465 : vector<16xf32>
        %mul3A_468 = arith.mulf %sub3A_466, %sub3A_466 : vector<16xf32>
        %add3A_469 = arith.addf %add3A_460, %mul3A_468 : vector<16xf32>
        %mul3A_470 = arith.mulf %sub3A_467, %sub3A_467 : vector<16xf32>
        %add3A_471 = arith.addf %add3A_462, %mul3A_470 : vector<16xf32>
        %gather3A_472 = tpu.vector_load_idx %arg11[%add3A_375, %broadcast_in_dim3A_89] : memref<1024x8xf32, #tpu.memory_space<vmem>>[vector<16xi32>, vector<16xi32>], vector<16xf32>,
        %gather3A_473 = tpu.vector_load_idx %arg13[%add3A_375, %broadcast_in_dim3A_89] : memref<1024x8xf32, #tpu.memory_space<vmem>>[vector<16xi32>, vector<16xi32>], vector<16xf32>,
        %gather3A_474 = tpu.vector_load_idx %arg15[%add3A_375, %broadcast_in_dim3A_89] : memref<1024x8xf32, #tpu.memory_space<vmem>>[vector<16xi32>, vector<16xi32>], vector<16xf32>,
        %sub3A_475 = arith.subf %gather3A_472, %gather3A_473 : vector<16xf32>
        %sub3A_476 = arith.subf %gather3A_472, %gather3A_474 : vector<16xf32>
        %mul3A_477 = arith.mulf %sub3A_475, %sub3A_475 : vector<16xf32>
        %add3A_478 = arith.addf %add3A_469, %mul3A_477 : vector<16xf32>
        %mul3A_479 = arith.mulf %sub3A_476, %sub3A_476 : vector<16xf32>
        %add3A_480 = arith.addf %add3A_471, %mul3A_479 : vector<16xf32>
        %gather3A_481 = tpu.vector_load_idx %arg11[%add3A_375, %broadcast_in_dim3A_91] : memref<1024x8xf32, #tpu.memory_space<vmem>>[vector<16xi32>, vector<16xi32>], vector<16xf32>,
        %gather3A_482 = tpu.vector_load_idx %arg13[%add3A_375, %broadcast_in_dim3A_91] : memref<1024x8xf32, #tpu.memory_space<vmem>>[vector<16xi32>, vector<16xi32>], vector<16xf32>,
        %gather3A_483 = tpu.vector_load_idx %arg15[%add3A_375, %broadcast_in_dim3A_91] : memref<1024x8xf32, #tpu.memory_space<vmem>>[vector<16xi32>, vector<16xi32>], vector<16xf32>,
        %sub3A_484 = arith.subf %gather3A_481, %gather3A_482 : vector<16xf32>
        %sub3A_485 = arith.subf %gather3A_481, %gather3A_483 : vector<16xf32>
        %mul3A_486 = arith.mulf %sub3A_484, %sub3A_484 : vector<16xf32>
        %add3A_487 = arith.addf %add3A_478, %mul3A_486 : vector<16xf32>
        %mul3A_488 = arith.mulf %sub3A_485, %sub3A_485 : vector<16xf32>
        %add3A_489 = arith.addf %add3A_480, %mul3A_488 : vector<16xf32>
        %gather3A_490 = tpu.vector_load_idx %arg11[%add3A_375, %broadcast_in_dim3A_93] : memref<1024x8xf32, #tpu.memory_space<vmem>>[vector<16xi32>, vector<16xi32>], vector<16xf32>,
        %gather3A_491 = tpu.vector_load_idx %arg13[%add3A_375, %broadcast_in_dim3A_93] : memref<1024x8xf32, #tpu.memory_space<vmem>>[vector<16xi32>, vector<16xi32>], vector<16xf32>,
        %gather3A_492 = tpu.vector_load_idx %arg15[%add3A_375, %broadcast_in_dim3A_93] : memref<1024x8xf32, #tpu.memory_space<vmem>>[vector<16xi32>, vector<16xi32>], vector<16xf32>,
        %sub3A_493 = arith.subf %gather3A_490, %gather3A_491 : vector<16xf32>
        %sub3A_494 = arith.subf %gather3A_490, %gather3A_492 : vector<16xf32>
        %mul3A_495 = arith.mulf %sub3A_493, %sub3A_493 : vector<16xf32>
        %add3A_496 = arith.addf %add3A_487, %mul3A_495 : vector<16xf32>
        %mul3A_497 = arith.mulf %sub3A_494, %sub3A_494 : vector<16xf32>
        %add3A_498 = arith.addf %add3A_489, %mul3A_497 : vector<16xf32>
        %gather3A_499 = tpu.vector_load_idx %arg11[%add3A_375, %broadcast_in_dim3A_95] : memref<1024x8xf32, #tpu.memory_space<vmem>>[vector<16xi32>, vector<16xi32>], vector<16xf32>,
        %gather3A_500 = tpu.vector_load_idx %arg13[%add3A_375, %broadcast_in_dim3A_95] : memref<1024x8xf32, #tpu.memory_space<vmem>>[vector<16xi32>, vector<16xi32>], vector<16xf32>,
        %gather3A_501 = tpu.vector_load_idx %arg15[%add3A_375, %broadcast_in_dim3A_95] : memref<1024x8xf32, #tpu.memory_space<vmem>>[vector<16xi32>, vector<16xi32>], vector<16xf32>,
        %sub3A_502 = arith.subf %gather3A_499, %gather3A_500 : vector<16xf32>
        %sub3A_503 = arith.subf %gather3A_499, %gather3A_501 : vector<16xf32>
        %mul3A_504 = arith.mulf %sub3A_502, %sub3A_502 : vector<16xf32>
        %add3A_505 = arith.addf %add3A_496, %mul3A_504 : vector<16xf32>
        %mul3A_506 = arith.mulf %sub3A_503, %sub3A_503 : vector<16xf32>
        %add3A_507 = arith.addf %add3A_498, %mul3A_506 : vector<16xf32>
        %gather3A_508 = tpu.vector_load_idx %arg11[%add3A_375, %broadcast_in_dim3A_97] : memref<1024x8xf32, #tpu.memory_space<vmem>>[vector<16xi32>, vector<16xi32>], vector<16xf32>,
        %gather3A_509 = tpu.vector_load_idx %arg13[%add3A_375, %broadcast_in_dim3A_97] : memref<1024x8xf32, #tpu.memory_space<vmem>>[vector<16xi32>, vector<16xi32>], vector<16xf32>,
        %gather3A_510 = tpu.vector_load_idx %arg15[%add3A_375, %broadcast_in_dim3A_97] : memref<1024x8xf32, #tpu.memory_space<vmem>>[vector<16xi32>, vector<16xi32>], vector<16xf32>,
        %sub3A_511 = arith.subf %gather3A_508, %gather3A_509 : vector<16xf32>
        %sub3A_512 = arith.subf %gather3A_508, %gather3A_510 : vector<16xf32>
        %mul3A_513 = arith.mulf %sub3A_511, %sub3A_511 : vector<16xf32>
        %add3A_514 = arith.addf %add3A_505, %mul3A_513 : vector<16xf32>
        %mul3A_515 = arith.mulf %sub3A_512, %sub3A_512 : vector<16xf32>
        %add3A_516 = arith.addf %add3A_507, %mul3A_515 : vector<16xf32>
        %sub3A_517 = arith.subf %add3A_514, %add3A_429 : vector<16xf32>
        %sub3A_518 = arith.subf %add3A_516, %add3A_440 : vector<16xf32>
        %mul3A_519 = arith.mulf %sub3A_517, %sub3A_517 : vector<16xf32>
        %mul3A_520 = arith.mulf %sub3A_518, %sub3A_518 : vector<16xf32>
        %add3A_521 = arith.addf %mul3A_519, %mul3A_520 : vector<16xf32>
        %add3A_522 = arith.addf %scan3A_371, %add3A_521 : vector<16xf32>
        scf.yield %add3A_522 : vector<16xf32>
      }
      %scan3A_316 = arith.constant 64 : i32
      %mul3A_317 = arith.constant 2 : i32
      %mul3A_318 = arith.muli %scan3A_264, %mul3A_317 : i32
      %add3A_319 = arith.constant 1 : i32
      %add3A_320 = arith.addi %mul3A_318, %add3A_319 : i32
      %add3A_321 = arith.constant 1 : i32
      %add3A_322 = arith.addi %add3A_320, %add3A_321 : i32
      %lt3A_323 = arith.constant 32 : i32
      %lt3A_324 = arith.cmpi slt, %add3A_322, %lt3A_323 : i32
      %convert_element_type3A_325 = arith.extui %lt3A_324 : i1 to i32
      %cond3A_326 = arith.constant 0 : i32
      %cond3A_327 = arith.cmpi ne, %convert_element_type3A_325, %cond3A_326 : i32
      scf.if %cond3A_327 {
        %dma_wait3A_370 = arith.constant 0 : i32
        %dma_wait3A_371 = arith.constant 0 : i32
        %dma_wait3A_372 = tpu.memref_slice %arg5[%dma_wait3A_370, %dma_wait3A_371] : memref<16384x8xi32, #tpu.memory_space<hbm>> -> memref<128x8xi32, #tpu.memory_space<hbm>>
        %dma_wait3A_373 = arith.constant 0 : i32
        %dma_wait3A_374 = arith.constant 0 : i32
        %dma_wait3A_375 = tpu.memref_slice %arg5[%dma_wait3A_373, %dma_wait3A_374] : memref<16384x8xi32, #tpu.memory_space<hbm>> -> memref<128x8xi32, #tpu.memory_space<hbm>>
        tpu.wait_dma2 semaphore(%arg30 : memref<!tpu.dma_semaphore, #tpu.memory_space<semaphore_mem>>) src(%dma_wait3A_375 : memref<128x8xi32, #tpu.memory_space<hbm>>) dst(%arg19 : memref<128x8xi32, #tpu.memory_space<vmem>>)
        %dma_wait3A_376 = arith.constant 0 : i32
        %dma_wait3A_377 = arith.constant 0 : i32
        %dma_wait3A_378 = tpu.memref_slice %arg6[%dma_wait3A_376, %dma_wait3A_377] : memref<131072x8xi32, #tpu.memory_space<hbm>> -> memref<128x8xi32, #tpu.memory_space<hbm>>
        %dma_wait3A_379 = arith.constant 0 : i32
        %dma_wait3A_380 = arith.constant 0 : i32
        %dma_wait3A_381 = tpu.memref_slice %arg6[%dma_wait3A_379, %dma_wait3A_380] : memref<131072x8xi32, #tpu.memory_space<hbm>> -> memref<128x8xi32, #tpu.memory_space<hbm>>
        tpu.wait_dma2 semaphore(%arg30 : memref<!tpu.dma_semaphore, #tpu.memory_space<semaphore_mem>>) src(%dma_wait3A_381 : memref<128x8xi32, #tpu.memory_space<hbm>>) dst(%arg21 : memref<128x8xi32, #tpu.memory_space<vmem>>)
        %scan3A_382 = arith.constant 0 : i32
        %scan3A_383 = arith.constant 0 : i32
        %scan3A_384 = arith.constant 64 : i32
        %scan3A_385 = arith.addi %scan3A_383, %scan3A_384 : i32
        %scan3A_386 = arith.constant 1 : i32
        %scan3A_387 = scf.for %scan3A_407 = %scan3A_383 to %scan3A_385 step %scan3A_386 iter_args(%scan3A_408 = %scan3A_382) -> (i32)  : i32 {
          %mul3A_409 = arith.constant 16 : i32
          %mul3A_410 = arith.muli %scan3A_407, %mul3A_409 : i32
          %jit3A_411 = arith.constant 8 : i32
          %div3A_412 = arith.divsi %mul3A_410, %jit3A_411 : i32
          %sign3A_413 = arith.constant 0 : i32
          %sign3A_414 = arith.cmpi sgt, %mul3A_410, %sign3A_413 : i32
          %sign3A_415 = arith.extui %sign3A_414 : i1 to i32
          %sign3A_416 = arith.constant 0 : i32
          %sign3A_417 = arith.cmpi slt, %mul3A_410, %sign3A_416 : i32
          %sign3A_418 = arith.extui %sign3A_417 : i1 to i32
          %sign3A_419 = arith.subi %sign3A_415, %sign3A_418 : i32
          %sign3A_420 = arith.constant 0 : i32
          %sign3A_421 = arith.cmpi sgt, %jit3A_411, %sign3A_420 : i32
          %sign3A_422 = arith.extui %sign3A_421 : i1 to i32
          %sign3A_423 = arith.constant 0 : i32
          %sign3A_424 = arith.cmpi slt, %jit3A_411, %sign3A_423 : i32
          %sign3A_425 = arith.extui %sign3A_424 : i1 to i32
          %sign3A_426 = arith.subi %sign3A_422, %sign3A_425 : i32
          %ne3A_427 = arith.cmpi ne, %sign3A_419, %sign3A_426 : i32
          %rem3A_428 = arith.remsi %mul3A_410, %jit3A_411 : i32
          %ne3A_429 = arith.constant 0 : i32
          %ne3A_430 = arith.cmpi ne, %rem3A_428, %ne3A_429 : i32
          %and3A_431 = arith.andi %ne3A_427, %ne3A_430 : i1
          %sub3A_432 = arith.constant 1 : i32
          %sub3A_433 = arith.subi %div3A_412, %sub3A_432 : i32
          %select_n3A_434 = arith.select %and3A_431, %sub3A_433, %div3A_412 : i32
          %add3A_435 = vector.broadcast %select_n3A_434 : i32 to vector<16xi32>
          %add3A_436 = arith.addi %add3A_435, %select_n3A_79 : vector<16xi32>
          %gather3A = tpu.vector_load_idx %arg19[%add3A_436, %and3A_82] : memref<128x8xi32, #tpu.memory_space<vmem>>[vector<16xi32>, vector<16xi32>], vector<16xi32>,
          %gather3A_437 = tpu.vector_load_idx %arg21[%add3A_436, %and3A_82] : memref<128x8xi32, #tpu.memory_space<vmem>>[vector<16xi32>, vector<16xi32>], vector<16xi32>,
          %add3A_438 = vector.broadcast %mul3A_36 : i32 to vector<16xi32>
          %add3A_439 = arith.addi %gather3A, %add3A_438 : vector<16xi32>
          %swap3A_440 = arith.index_cast %mul3A_410 : i32 to index
          %swap3A_441 = tpu.vector_load %arg23[%swap3A_440] {strides = array<i32>} : memref<1024xi32, #tpu.memory_space<vmem>>, vector<16xi32>,
          tpu.vector_store %arg23[%swap3A_440], %add3A_439 {strides = array<i32>} : memref<1024xi32, #tpu.memory_space<vmem>>, vector<16xi32>,
          %swap3A_442 = arith.index_cast %mul3A_410 : i32 to index
          %swap3A_443 = tpu.vector_load %arg25[%swap3A_442] {strides = array<i32>} : memref<1024xi32, #tpu.memory_space<vmem>>, vector<16xi32>,
          tpu.vector_store %arg25[%swap3A_442], %gather3A_437 {strides = array<i32>} : memref<1024xi32, #tpu.memory_space<vmem>>, vector<16xi32>,
          %shift_right_arithmetic3A = arith.constant 17 : i32
          %shift_right_arithmetic3A_444 = vector.broadcast %shift_right_arithmetic3A : i32 to vector<16xi32>
          %shift_right_arithmetic3A_445 = arith.shrsi %gather3A_437, %shift_right_arithmetic3A_444 : vector<16xi32>
          %shift_left3A = arith.constant 14 : i32
          %shift_left3A_446 = vector.broadcast %shift_left3A : i32 to vector<16xi32>
          %shift_left3A_447 = arith.shli %shift_right_arithmetic3A_445, %shift_left3A_446 : vector<16xi32>
          %and3A_448 = arith.constant 16383 : i32
          %and3A_449 = vector.broadcast %and3A_448 : i32 to vector<16xi32>
          %and3A_450 = arith.andi %gather3A_437, %and3A_449 : vector<16xi32>
          %or3A = arith.ori %shift_left3A_447, %and3A_450 : vector<16xi32>
          %swap3A_451 = arith.index_cast %mul3A_410 : i32 to index
          %swap3A_452 = tpu.vector_load %arg27[%swap3A_451] {strides = array<i32>} : memref<1024xi32, #tpu.memory_space<vmem>>, vector<16xi32>,
          tpu.vector_store %arg27[%swap3A_451], %or3A {strides = array<i32>} : memref<1024xi32, #tpu.memory_space<vmem>>, vector<16xi32>,
          %scan3A_453 = arith.constant 0 : i32
          scf.yield %scan3A_453 : i32
        }
        %scan3A_388 = arith.constant 64 : i32
        %add3A_389 = arith.constant 1 : i32
        %add3A_390 = arith.addi %add3A_320, %add3A_389 : i32
        %mul3A_391 = arith.constant 1024 : i32
        %mul3A_392 = arith.muli %add3A_390, %mul3A_391 : i32
        %add3A_393 = arith.addi %mul3A_2, %mul3A_392 : i32
        %dma_start3A_394 = arith.constant 0 : i32
        %dma_start3A_395 = arith.constant 0 : i32
        %dma_start3A_396 = tpu.memref_slice %arg2[%dma_start3A_394, %dma_start3A_395] : memref<1048576x8xf32, #tpu.memory_space<hbm>> -> memref<1048576x8xf32, #tpu.memory_space<hbm>>
        tpu.enqueue_indirect_dma source(%dma_start3A_396 : memref<1048576x8xf32, #tpu.memory_space<hbm>>) target(%arg13 : memref<1024x8xf32, #tpu.memory_space<vmem>>) offsets(%arg23 : memref<1024xi32, #tpu.memory_space<vmem>>) semaphore(%arg32 : memref<!tpu.dma_semaphore, #tpu.memory_space<semaphore_mem>>)
        %dma_start3A_397 = arith.constant 0 : i32
        %dma_start3A_398 = arith.constant 0 : i32
        %dma_start3A_399 = tpu.memref_slice %arg2[%dma_start3A_397, %dma_start3A_398] : memref<1048576x8xf32, #tpu.memory_space<hbm>> -> memref<1048576x8xf32, #tpu.memory_space<hbm>>
        tpu.enqueue_indirect_dma source(%dma_start3A_399 : memref<1048576x8xf32, #tpu.memory_space<hbm>>) target(%arg15 : memref<1024x8xf32, #tpu.memory_space<vmem>>) offsets(%arg25 : memref<1024xi32, #tpu.memory_space<vmem>>) semaphore(%arg32 : memref<!tpu.dma_semaphore, #tpu.memory_space<semaphore_mem>>)
        %dma_start3A_400 = arith.constant 0 : i32
        %dma_start3A_401 = arith.constant 0 : i32
        %dma_start3A_402 = tpu.memref_slice %arg3[%dma_start3A_400, %dma_start3A_401] : memref<131072x8xf32, #tpu.memory_space<hbm>> -> memref<131072x8xf32, #tpu.memory_space<hbm>>
        tpu.enqueue_indirect_dma source(%dma_start3A_402 : memref<131072x8xf32, #tpu.memory_space<hbm>>) target(%arg17 : memref<1024x8xf32, #tpu.memory_space<vmem>>) offsets(%arg27 : memref<1024xi32, #tpu.memory_space<vmem>>) semaphore(%arg32 : memref<!tpu.dma_semaphore, #tpu.memory_space<semaphore_mem>>)
        %dma_start3A_403 = arith.constant 0 : i32
        %dma_start3A_404 = tpu.memref_slice %arg2[%add3A_393, %dma_start3A_403] : memref<1048576x8xf32, #tpu.memory_space<hbm>> -> memref<1024x8xf32, #tpu.memory_space<hbm>>
        %dma_start3A_405 = arith.constant 0 : i32
        %dma_start3A_406 = tpu.memref_slice %arg2[%add3A_393, %dma_start3A_405] : memref<1048576x8xf32, #tpu.memory_space<hbm>> -> memref<1024x8xf32, #tpu.memory_space<hbm>>
        tpu.enqueue_dma source(%dma_start3A_406 : memref<1024x8xf32, #tpu.memory_space<hbm>>) target(%arg11 : memref<1024x8xf32, #tpu.memory_space<vmem>>) target_semaphore(%arg32 : memref<!tpu.dma_semaphore, #tpu.memory_space<semaphore_mem>>)
      } else {
      }
      %add3A_328 = arith.constant 2 : i32
      %add3A_329 = arith.addi %add3A_320, %add3A_328 : i32
      %lt3A_330 = arith.constant 32 : i32
      %lt3A_331 = arith.cmpi slt, %add3A_329, %lt3A_330 : i32
      %convert_element_type3A_332 = arith.extui %lt3A_331 : i1 to i32
      %cond3A_333 = arith.constant 0 : i32
      %cond3A_334 = arith.cmpi ne, %convert_element_type3A_332, %cond3A_333 : i32
      scf.if %cond3A_334 {
        %add3A_370 = arith.constant 2 : i32
        %add3A_371 = arith.addi %add3A_320, %add3A_370 : i32
        %mul3A_372 = arith.constant 1024 : i32
        %mul3A_373 = arith.muli %add3A_371, %mul3A_372 : i32
        %add3A_374 = arith.addi %mul3A_2, %mul3A_373 : i32
        %jit3A_375 = arith.constant 8 : i32
        %div3A_376 = arith.divsi %add3A_374, %jit3A_375 : i32
        %sign3A_377 = arith.constant 0 : i32
        %sign3A_378 = arith.cmpi sgt, %add3A_374, %sign3A_377 : i32
        %sign3A_379 = arith.extui %sign3A_378 : i1 to i32
        %sign3A_380 = arith.constant 0 : i32
        %sign3A_381 = arith.cmpi slt, %add3A_374, %sign3A_380 : i32
        %sign3A_382 = arith.extui %sign3A_381 : i1 to i32
        %sign3A_383 = arith.subi %sign3A_379, %sign3A_382 : i32
        %sign3A_384 = arith.constant 0 : i32
        %sign3A_385 = arith.cmpi sgt, %jit3A_375, %sign3A_384 : i32
        %sign3A_386 = arith.extui %sign3A_385 : i1 to i32
        %sign3A_387 = arith.constant 0 : i32
        %sign3A_388 = arith.cmpi slt, %jit3A_375, %sign3A_387 : i32
        %sign3A_389 = arith.extui %sign3A_388 : i1 to i32
        %sign3A_390 = arith.subi %sign3A_386, %sign3A_389 : i32
        %ne3A_391 = arith.cmpi ne, %sign3A_383, %sign3A_390 : i32
        %rem3A_392 = arith.remsi %add3A_374, %jit3A_375 : i32
        %ne3A_393 = arith.constant 0 : i32
        %ne3A_394 = arith.cmpi ne, %rem3A_392, %ne3A_393 : i32
        %and3A_395 = arith.andi %ne3A_391, %ne3A_394 : i1
        %sub3A_396 = arith.constant 1 : i32
        %sub3A_397 = arith.subi %div3A_376, %sub3A_396 : i32
        %select_n3A_398 = arith.select %and3A_395, %sub3A_397, %div3A_376 : i32
        %mul3A_399 = arith.constant 1024 : i32
        %mul3A_400 = arith.muli %add3A_371, %mul3A_399 : i32
        %add3A_401 = arith.addi %mul3A_34, %mul3A_400 : i32
        %jit3A_402 = arith.constant 8 : i32
        %div3A_403 = arith.divsi %add3A_401, %jit3A_402 : i32
        %sign3A_404 = arith.constant 0 : i32
        %sign3A_405 = arith.cmpi sgt, %add3A_401, %sign3A_404 : i32
        %sign3A_406 = arith.extui %sign3A_405 : i1 to i32
        %sign3A_407 = arith.constant 0 : i32
        %sign3A_408 = arith.cmpi slt, %add3A_401, %sign3A_407 : i32
        %sign3A_409 = arith.extui %sign3A_408 : i1 to i32
        %sign3A_410 = arith.subi %sign3A_406, %sign3A_409 : i32
        %sign3A_411 = arith.constant 0 : i32
        %sign3A_412 = arith.cmpi sgt, %jit3A_402, %sign3A_411 : i32
        %sign3A_413 = arith.extui %sign3A_412 : i1 to i32
        %sign3A_414 = arith.constant 0 : i32
        %sign3A_415 = arith.cmpi slt, %jit3A_402, %sign3A_414 : i32
        %sign3A_416 = arith.extui %sign3A_415 : i1 to i32
        %sign3A_417 = arith.subi %sign3A_413, %sign3A_416 : i32
        %ne3A_418 = arith.cmpi ne, %sign3A_410, %sign3A_417 : i32
        %rem3A_419 = arith.remsi %add3A_401, %jit3A_402 : i32
        %ne3A_420 = arith.constant 0 : i32
        %ne3A_421 = arith.cmpi ne, %rem3A_419, %ne3A_420 : i32
        %and3A_422 = arith.andi %ne3A_418, %ne3A_421 : i1
        %sub3A_423 = arith.constant 1 : i32
        %sub3A_424 = arith.subi %div3A_403, %sub3A_423 : i32
        %select_n3A_425 = arith.select %and3A_422, %sub3A_424, %div3A_403 : i32
        %dma_start3A_426 = arith.constant 0 : i32
        %dma_start3A_427 = tpu.memref_slice %arg5[%select_n3A_425, %dma_start3A_426] : memref<16384x8xi32, #tpu.memory_space<hbm>> -> memref<128x8xi32, #tpu.memory_space<hbm>>
        %dma_start3A_428 = arith.constant 0 : i32
        %dma_start3A_429 = tpu.memref_slice %arg5[%select_n3A_425, %dma_start3A_428] : memref<16384x8xi32, #tpu.memory_space<hbm>> -> memref<128x8xi32, #tpu.memory_space<hbm>>
        tpu.enqueue_dma source(%dma_start3A_429 : memref<128x8xi32, #tpu.memory_space<hbm>>) target(%arg20 : memref<128x8xi32, #tpu.memory_space<vmem>>) target_semaphore(%arg31 : memref<!tpu.dma_semaphore, #tpu.memory_space<semaphore_mem>>)
        %dma_start3A_430 = arith.constant 0 : i32
        %dma_start3A_431 = tpu.memref_slice %arg6[%select_n3A_398, %dma_start3A_430] : memref<131072x8xi32, #tpu.memory_space<hbm>> -> memref<128x8xi32, #tpu.memory_space<hbm>>
        %dma_start3A_432 = arith.constant 0 : i32
        %dma_start3A_433 = tpu.memref_slice %arg6[%select_n3A_398, %dma_start3A_432] : memref<131072x8xi32, #tpu.memory_space<hbm>> -> memref<128x8xi32, #tpu.memory_space<hbm>>
        tpu.enqueue_dma source(%dma_start3A_433 : memref<128x8xi32, #tpu.memory_space<hbm>>) target(%arg22 : memref<128x8xi32, #tpu.memory_space<vmem>>) target_semaphore(%arg31 : memref<!tpu.dma_semaphore, #tpu.memory_space<semaphore_mem>>)
      } else {
      }
      %dma_wait3A_335 = arith.constant 0 : i32
      %dma_wait3A_336 = arith.constant 0 : i32
      %dma_wait3A_337 = tpu.memref_slice %arg2[%dma_wait3A_335, %dma_wait3A_336] : memref<1048576x8xf32, #tpu.memory_space<hbm>> -> memref<1024x8xf32, #tpu.memory_space<hbm>>
      %dma_wait3A_338 = arith.constant 0 : i32
      %dma_wait3A_339 = arith.constant 0 : i32
      %dma_wait3A_340 = tpu.memref_slice %arg2[%dma_wait3A_338, %dma_wait3A_339] : memref<1048576x8xf32, #tpu.memory_space<hbm>> -> memref<1024x8xf32, #tpu.memory_space<hbm>>
      tpu.wait_dma2 semaphore(%arg33 : memref<!tpu.dma_semaphore, #tpu.memory_space<semaphore_mem>>) src(%dma_wait3A_340 : memref<1024x8xf32, #tpu.memory_space<hbm>>) dst(%arg14 : memref<1024x8xf32, #tpu.memory_space<vmem>>)
      %dma_wait3A_341 = arith.constant 0 : i32
      %dma_wait3A_342 = arith.constant 0 : i32
      %dma_wait3A_343 = tpu.memref_slice %arg2[%dma_wait3A_341, %dma_wait3A_342] : memref<1048576x8xf32, #tpu.memory_space<hbm>> -> memref<1024x8xf32, #tpu.memory_space<hbm>>
      %dma_wait3A_344 = arith.constant 0 : i32
      %dma_wait3A_345 = arith.constant 0 : i32
      %dma_wait3A_346 = tpu.memref_slice %arg2[%dma_wait3A_344, %dma_wait3A_345] : memref<1048576x8xf32, #tpu.memory_space<hbm>> -> memref<1024x8xf32, #tpu.memory_space<hbm>>
      tpu.wait_dma2 semaphore(%arg33 : memref<!tpu.dma_semaphore, #tpu.memory_space<semaphore_mem>>) src(%dma_wait3A_346 : memref<1024x8xf32, #tpu.memory_space<hbm>>) dst(%arg16 : memref<1024x8xf32, #tpu.memory_space<vmem>>)
      %dma_wait3A_347 = arith.constant 0 : i32
      %dma_wait3A_348 = arith.constant 0 : i32
      %dma_wait3A_349 = tpu.memref_slice %arg3[%dma_wait3A_347, %dma_wait3A_348] : memref<131072x8xf32, #tpu.memory_space<hbm>> -> memref<1024x8xf32, #tpu.memory_space<hbm>>
      %dma_wait3A_350 = arith.constant 0 : i32
      %dma_wait3A_351 = arith.constant 0 : i32
      %dma_wait3A_352 = tpu.memref_slice %arg3[%dma_wait3A_350, %dma_wait3A_351] : memref<131072x8xf32, #tpu.memory_space<hbm>> -> memref<1024x8xf32, #tpu.memory_space<hbm>>
      tpu.wait_dma2 semaphore(%arg33 : memref<!tpu.dma_semaphore, #tpu.memory_space<semaphore_mem>>) src(%dma_wait3A_352 : memref<1024x8xf32, #tpu.memory_space<hbm>>) dst(%arg18 : memref<1024x8xf32, #tpu.memory_space<vmem>>)
      %dma_wait3A_353 = arith.constant 0 : i32
      %dma_wait3A_354 = arith.constant 0 : i32
      %dma_wait3A_355 = tpu.memref_slice %arg2[%dma_wait3A_353, %dma_wait3A_354] : memref<1048576x8xf32, #tpu.memory_space<hbm>> -> memref<1024x8xf32, #tpu.memory_space<hbm>>
      %dma_wait3A_356 = arith.constant 0 : i32
      %dma_wait3A_357 = arith.constant 0 : i32
      %dma_wait3A_358 = tpu.memref_slice %arg2[%dma_wait3A_356, %dma_wait3A_357] : memref<1048576x8xf32, #tpu.memory_space<hbm>> -> memref<1024x8xf32, #tpu.memory_space<hbm>>
      tpu.wait_dma2 semaphore(%arg33 : memref<!tpu.dma_semaphore, #tpu.memory_space<semaphore_mem>>) src(%dma_wait3A_358 : memref<1024x8xf32, #tpu.memory_space<hbm>>) dst(%arg12 : memref<1024x8xf32, #tpu.memory_space<vmem>>)
      %mul3A_359 = arith.constant 1024 : i32
      %mul3A_360 = arith.muli %add3A_320, %mul3A_359 : i32
      %add3A_361 = arith.addi %mul3A_34, %mul3A_360 : i32
      %and3A_362 = arith.constant 16383 : i32
      %and3A_363 = arith.andi %add3A_361, %and3A_362 : i32
      %scan3A_364 = arith.constant 0 : i32
      %scan3A_365 = arith.constant 64 : i32
      %scan3A_366 = arith.addi %scan3A_364, %scan3A_365 : i32
      %scan3A_367 = arith.constant 1 : i32
      %scan3A_368 = scf.for %scan3A_370 = %scan3A_364 to %scan3A_366 step %scan3A_367 iter_args(%scan3A_371 = %scan3A_315) -> (vector<16xf32>)  : i32 {
        %mul3A_372 = arith.constant 16 : i32
        %mul3A_373 = arith.muli %scan3A_370, %mul3A_372 : i32
        %add3A_374 = vector.broadcast %mul3A_373 : i32 to vector<16xi32>
        %add3A_375 = arith.addi %add3A_374, %iota3A : vector<16xi32>
        %jit3A_376 = arith.constant 8 : i32
        %div3A_377 = arith.divsi %mul3A_373, %jit3A_376 : i32
        %sign3A_378 = arith.constant 0 : i32
        %sign3A_379 = arith.cmpi sgt, %mul3A_373, %sign3A_378 : i32
        %sign3A_380 = arith.extui %sign3A_379 : i1 to i32
        %sign3A_381 = arith.constant 0 : i32
        %sign3A_382 = arith.cmpi slt, %mul3A_373, %sign3A_381 : i32
        %sign3A_383 = arith.extui %sign3A_382 : i1 to i32
        %sign3A_384 = arith.subi %sign3A_380, %sign3A_383 : i32
        %sign3A_385 = arith.constant 0 : i32
        %sign3A_386 = arith.cmpi sgt, %jit3A_376, %sign3A_385 : i32
        %sign3A_387 = arith.extui %sign3A_386 : i1 to i32
        %sign3A_388 = arith.constant 0 : i32
        %sign3A_389 = arith.cmpi slt, %jit3A_376, %sign3A_388 : i32
        %sign3A_390 = arith.extui %sign3A_389 : i1 to i32
        %sign3A_391 = arith.subi %sign3A_387, %sign3A_390 : i32
        %ne3A_392 = arith.cmpi ne, %sign3A_384, %sign3A_391 : i32
        %rem3A_393 = arith.remsi %mul3A_373, %jit3A_376 : i32
        %ne3A_394 = arith.constant 0 : i32
        %ne3A_395 = arith.cmpi ne, %rem3A_393, %ne3A_394 : i32
        %and3A_396 = arith.andi %ne3A_392, %ne3A_395 : i1
        %sub3A_397 = arith.constant 1 : i32
        %sub3A_398 = arith.subi %div3A_377, %sub3A_397 : i32
        %select_n3A_399 = arith.select %and3A_396, %sub3A_398, %div3A_377 : i32
        %add3A_400 = vector.broadcast %select_n3A_399 : i32 to vector<16xi32>
        %add3A_401 = arith.addi %add3A_400, %select_n3A_79 : vector<16xi32>
        %gather3A = tpu.vector_load_idx %arg20[%add3A_401, %and3A_82] : memref<128x8xi32, #tpu.memory_space<vmem>>[vector<16xi32>, vector<16xi32>], vector<16xi32>,
        %and3A_402 = arith.constant 16383 : i32
        %and3A_403 = vector.broadcast %and3A_402 : i32 to vector<16xi32>
        %and3A_404 = arith.andi %gather3A, %and3A_403 : vector<16xi32>
        %add3A_405 = arith.addi %and3A_363, %mul3A_373 : i32
        %get3A = arith.index_cast %add3A_405 : i32 to index
        %get3A_406 = tpu.vector_load %arg8[%get3A] {strides = array<i32>} : memref<16384xf32, #tpu.memory_space<vmem>>, vector<16xf32>,
        %add3A_407 = arith.addi %and3A_363, %mul3A_373 : i32
        %get3A_408 = arith.index_cast %add3A_407 : i32 to index
        %get3A_409 = tpu.vector_load %arg9[%get3A_408] {strides = array<i32>} : memref<16384xf32, #tpu.memory_space<vmem>>, vector<16xf32>,
        %add3A_410 = arith.addi %and3A_363, %mul3A_373 : i32
        %get3A_411 = arith.index_cast %add3A_410 : i32 to index
        %get3A_412 = tpu.vector_load %arg10[%get3A_411] {strides = array<i32>} : memref<16384xf32, #tpu.memory_space<vmem>>, vector<16xf32>,
        %gather3A_413 = tpu.vector_load_idx %arg8[%and3A_404] : memref<16384xf32, #tpu.memory_space<vmem>>[vector<16xi32>], vector<16xf32>,
        %gather3A_414 = tpu.vector_load_idx %arg9[%and3A_404] : memref<16384xf32, #tpu.memory_space<vmem>>[vector<16xi32>], vector<16xf32>,
        %gather3A_415 = tpu.vector_load_idx %arg10[%and3A_404] : memref<16384xf32, #tpu.memory_space<vmem>>[vector<16xi32>], vector<16xf32>,
        %gather3A_416 = tpu.vector_load_idx %arg18[%add3A_375, %broadcast_in_dim3A_99] : memref<1024x8xf32, #tpu.memory_space<vmem>>[vector<16xi32>, vector<16xi32>], vector<16xf32>,
        %gather3A_417 = tpu.vector_load_idx %arg18[%add3A_375, %broadcast_in_dim3A_101] : memref<1024x8xf32, #tpu.memory_space<vmem>>[vector<16xi32>, vector<16xi32>], vector<16xf32>,
        %gather3A_418 = tpu.vector_load_idx %arg18[%add3A_375, %broadcast_in_dim3A_103] : memref<1024x8xf32, #tpu.memory_space<vmem>>[vector<16xi32>, vector<16xi32>], vector<16xf32>,
        %sub3A_419 = arith.subf %get3A_406, %gather3A_413 : vector<16xf32>
        %sub3A_420 = arith.subf %get3A_406, %gather3A_413 : vector<16xf32>
        %mul3A_421 = arith.mulf %sub3A_419, %sub3A_420 : vector<16xf32>
        %sub3A_422 = arith.subf %get3A_409, %gather3A_414 : vector<16xf32>
        %sub3A_423 = arith.subf %get3A_409, %gather3A_414 : vector<16xf32>
        %mul3A_424 = arith.mulf %sub3A_422, %sub3A_423 : vector<16xf32>
        %add3A_425 = arith.addf %mul3A_421, %mul3A_424 : vector<16xf32>
        %sub3A_426 = arith.subf %get3A_412, %gather3A_415 : vector<16xf32>
        %sub3A_427 = arith.subf %get3A_412, %gather3A_415 : vector<16xf32>
        %mul3A_428 = arith.mulf %sub3A_426, %sub3A_427 : vector<16xf32>
        %add3A_429 = arith.addf %add3A_425, %mul3A_428 : vector<16xf32>
        %sub3A_430 = arith.subf %get3A_406, %gather3A_416 : vector<16xf32>
        %sub3A_431 = arith.subf %get3A_406, %gather3A_416 : vector<16xf32>
        %mul3A_432 = arith.mulf %sub3A_430, %sub3A_431 : vector<16xf32>
        %sub3A_433 = arith.subf %get3A_409, %gather3A_417 : vector<16xf32>
        %sub3A_434 = arith.subf %get3A_409, %gather3A_417 : vector<16xf32>
        %mul3A_435 = arith.mulf %sub3A_433, %sub3A_434 : vector<16xf32>
        %add3A_436 = arith.addf %mul3A_432, %mul3A_435 : vector<16xf32>
        %sub3A_437 = arith.subf %get3A_412, %gather3A_418 : vector<16xf32>
        %sub3A_438 = arith.subf %get3A_412, %gather3A_418 : vector<16xf32>
        %mul3A_439 = arith.mulf %sub3A_437, %sub3A_438 : vector<16xf32>
        %add3A_440 = arith.addf %add3A_436, %mul3A_439 : vector<16xf32>
        %broadcast_in_dim3A_441 = arith.constant 0.000000e+00 : f32
        %broadcast_in_dim3A_442 = vector.broadcast %broadcast_in_dim3A_441 : f32 to vector<16xf32>
        %broadcast_in_dim3A_443 = arith.constant 0.000000e+00 : f32
        %broadcast_in_dim3A_444 = vector.broadcast %broadcast_in_dim3A_443 : f32 to vector<16xf32>
        %gather3A_445 = tpu.vector_load_idx %arg12[%add3A_375, %broadcast_in_dim3A_83] : memref<1024x8xf32, #tpu.memory_space<vmem>>[vector<16xi32>, vector<16xi32>], vector<16xf32>,
        %gather3A_446 = tpu.vector_load_idx %arg14[%add3A_375, %broadcast_in_dim3A_83] : memref<1024x8xf32, #tpu.memory_space<vmem>>[vector<16xi32>, vector<16xi32>], vector<16xf32>,
        %gather3A_447 = tpu.vector_load_idx %arg16[%add3A_375, %broadcast_in_dim3A_83] : memref<1024x8xf32, #tpu.memory_space<vmem>>[vector<16xi32>, vector<16xi32>], vector<16xf32>,
        %sub3A_448 = arith.subf %gather3A_445, %gather3A_446 : vector<16xf32>
        %sub3A_449 = arith.subf %gather3A_445, %gather3A_447 : vector<16xf32>
        %mul3A_450 = arith.mulf %sub3A_448, %sub3A_448 : vector<16xf32>
        %add3A_451 = arith.addf %broadcast_in_dim3A_442, %mul3A_450 : vector<16xf32>
        %mul3A_452 = arith.mulf %sub3A_449, %sub3A_449 : vector<16xf32>
        %add3A_453 = arith.addf %broadcast_in_dim3A_444, %mul3A_452 : vector<16xf32>
        %gather3A_454 = tpu.vector_load_idx %arg12[%add3A_375, %broadcast_in_dim3A_85] : memref<1024x8xf32, #tpu.memory_space<vmem>>[vector<16xi32>, vector<16xi32>], vector<16xf32>,
        %gather3A_455 = tpu.vector_load_idx %arg14[%add3A_375, %broadcast_in_dim3A_85] : memref<1024x8xf32, #tpu.memory_space<vmem>>[vector<16xi32>, vector<16xi32>], vector<16xf32>,
        %gather3A_456 = tpu.vector_load_idx %arg16[%add3A_375, %broadcast_in_dim3A_85] : memref<1024x8xf32, #tpu.memory_space<vmem>>[vector<16xi32>, vector<16xi32>], vector<16xf32>,
        %sub3A_457 = arith.subf %gather3A_454, %gather3A_455 : vector<16xf32>
        %sub3A_458 = arith.subf %gather3A_454, %gather3A_456 : vector<16xf32>
        %mul3A_459 = arith.mulf %sub3A_457, %sub3A_457 : vector<16xf32>
        %add3A_460 = arith.addf %add3A_451, %mul3A_459 : vector<16xf32>
        %mul3A_461 = arith.mulf %sub3A_458, %sub3A_458 : vector<16xf32>
        %add3A_462 = arith.addf %add3A_453, %mul3A_461 : vector<16xf32>
        %gather3A_463 = tpu.vector_load_idx %arg12[%add3A_375, %broadcast_in_dim3A_87] : memref<1024x8xf32, #tpu.memory_space<vmem>>[vector<16xi32>, vector<16xi32>], vector<16xf32>,
        %gather3A_464 = tpu.vector_load_idx %arg14[%add3A_375, %broadcast_in_dim3A_87] : memref<1024x8xf32, #tpu.memory_space<vmem>>[vector<16xi32>, vector<16xi32>], vector<16xf32>,
        %gather3A_465 = tpu.vector_load_idx %arg16[%add3A_375, %broadcast_in_dim3A_87] : memref<1024x8xf32, #tpu.memory_space<vmem>>[vector<16xi32>, vector<16xi32>], vector<16xf32>,
        %sub3A_466 = arith.subf %gather3A_463, %gather3A_464 : vector<16xf32>
        %sub3A_467 = arith.subf %gather3A_463, %gather3A_465 : vector<16xf32>
        %mul3A_468 = arith.mulf %sub3A_466, %sub3A_466 : vector<16xf32>
        %add3A_469 = arith.addf %add3A_460, %mul3A_468 : vector<16xf32>
        %mul3A_470 = arith.mulf %sub3A_467, %sub3A_467 : vector<16xf32>
        %add3A_471 = arith.addf %add3A_462, %mul3A_470 : vector<16xf32>
        %gather3A_472 = tpu.vector_load_idx %arg12[%add3A_375, %broadcast_in_dim3A_89] : memref<1024x8xf32, #tpu.memory_space<vmem>>[vector<16xi32>, vector<16xi32>], vector<16xf32>,
        %gather3A_473 = tpu.vector_load_idx %arg14[%add3A_375, %broadcast_in_dim3A_89] : memref<1024x8xf32, #tpu.memory_space<vmem>>[vector<16xi32>, vector<16xi32>], vector<16xf32>,
        %gather3A_474 = tpu.vector_load_idx %arg16[%add3A_375, %broadcast_in_dim3A_89] : memref<1024x8xf32, #tpu.memory_space<vmem>>[vector<16xi32>, vector<16xi32>], vector<16xf32>,
        %sub3A_475 = arith.subf %gather3A_472, %gather3A_473 : vector<16xf32>
        %sub3A_476 = arith.subf %gather3A_472, %gather3A_474 : vector<16xf32>
        %mul3A_477 = arith.mulf %sub3A_475, %sub3A_475 : vector<16xf32>
        %add3A_478 = arith.addf %add3A_469, %mul3A_477 : vector<16xf32>
        %mul3A_479 = arith.mulf %sub3A_476, %sub3A_476 : vector<16xf32>
        %add3A_480 = arith.addf %add3A_471, %mul3A_479 : vector<16xf32>
        %gather3A_481 = tpu.vector_load_idx %arg12[%add3A_375, %broadcast_in_dim3A_91] : memref<1024x8xf32, #tpu.memory_space<vmem>>[vector<16xi32>, vector<16xi32>], vector<16xf32>,
        %gather3A_482 = tpu.vector_load_idx %arg14[%add3A_375, %broadcast_in_dim3A_91] : memref<1024x8xf32, #tpu.memory_space<vmem>>[vector<16xi32>, vector<16xi32>], vector<16xf32>,
        %gather3A_483 = tpu.vector_load_idx %arg16[%add3A_375, %broadcast_in_dim3A_91] : memref<1024x8xf32, #tpu.memory_space<vmem>>[vector<16xi32>, vector<16xi32>], vector<16xf32>,
        %sub3A_484 = arith.subf %gather3A_481, %gather3A_482 : vector<16xf32>
        %sub3A_485 = arith.subf %gather3A_481, %gather3A_483 : vector<16xf32>
        %mul3A_486 = arith.mulf %sub3A_484, %sub3A_484 : vector<16xf32>
        %add3A_487 = arith.addf %add3A_478, %mul3A_486 : vector<16xf32>
        %mul3A_488 = arith.mulf %sub3A_485, %sub3A_485 : vector<16xf32>
        %add3A_489 = arith.addf %add3A_480, %mul3A_488 : vector<16xf32>
        %gather3A_490 = tpu.vector_load_idx %arg12[%add3A_375, %broadcast_in_dim3A_93] : memref<1024x8xf32, #tpu.memory_space<vmem>>[vector<16xi32>, vector<16xi32>], vector<16xf32>,
        %gather3A_491 = tpu.vector_load_idx %arg14[%add3A_375, %broadcast_in_dim3A_93] : memref<1024x8xf32, #tpu.memory_space<vmem>>[vector<16xi32>, vector<16xi32>], vector<16xf32>,
        %gather3A_492 = tpu.vector_load_idx %arg16[%add3A_375, %broadcast_in_dim3A_93] : memref<1024x8xf32, #tpu.memory_space<vmem>>[vector<16xi32>, vector<16xi32>], vector<16xf32>,
        %sub3A_493 = arith.subf %gather3A_490, %gather3A_491 : vector<16xf32>
        %sub3A_494 = arith.subf %gather3A_490, %gather3A_492 : vector<16xf32>
        %mul3A_495 = arith.mulf %sub3A_493, %sub3A_493 : vector<16xf32>
        %add3A_496 = arith.addf %add3A_487, %mul3A_495 : vector<16xf32>
        %mul3A_497 = arith.mulf %sub3A_494, %sub3A_494 : vector<16xf32>
        %add3A_498 = arith.addf %add3A_489, %mul3A_497 : vector<16xf32>
        %gather3A_499 = tpu.vector_load_idx %arg12[%add3A_375, %broadcast_in_dim3A_95] : memref<1024x8xf32, #tpu.memory_space<vmem>>[vector<16xi32>, vector<16xi32>], vector<16xf32>,
        %gather3A_500 = tpu.vector_load_idx %arg14[%add3A_375, %broadcast_in_dim3A_95] : memref<1024x8xf32, #tpu.memory_space<vmem>>[vector<16xi32>, vector<16xi32>], vector<16xf32>,
        %gather3A_501 = tpu.vector_load_idx %arg16[%add3A_375, %broadcast_in_dim3A_95] : memref<1024x8xf32, #tpu.memory_space<vmem>>[vector<16xi32>, vector<16xi32>], vector<16xf32>,
        %sub3A_502 = arith.subf %gather3A_499, %gather3A_500 : vector<16xf32>
        %sub3A_503 = arith.subf %gather3A_499, %gather3A_501 : vector<16xf32>
        %mul3A_504 = arith.mulf %sub3A_502, %sub3A_502 : vector<16xf32>
        %add3A_505 = arith.addf %add3A_496, %mul3A_504 : vector<16xf32>
        %mul3A_506 = arith.mulf %sub3A_503, %sub3A_503 : vector<16xf32>
        %add3A_507 = arith.addf %add3A_498, %mul3A_506 : vector<16xf32>
        %gather3A_508 = tpu.vector_load_idx %arg12[%add3A_375, %broadcast_in_dim3A_97] : memref<1024x8xf32, #tpu.memory_space<vmem>>[vector<16xi32>, vector<16xi32>], vector<16xf32>,
        %gather3A_509 = tpu.vector_load_idx %arg14[%add3A_375, %broadcast_in_dim3A_97] : memref<1024x8xf32, #tpu.memory_space<vmem>>[vector<16xi32>, vector<16xi32>], vector<16xf32>,
        %gather3A_510 = tpu.vector_load_idx %arg16[%add3A_375, %broadcast_in_dim3A_97] : memref<1024x8xf32, #tpu.memory_space<vmem>>[vector<16xi32>, vector<16xi32>], vector<16xf32>,
        %sub3A_511 = arith.subf %gather3A_508, %gather3A_509 : vector<16xf32>
        %sub3A_512 = arith.subf %gather3A_508, %gather3A_510 : vector<16xf32>
        %mul3A_513 = arith.mulf %sub3A_511, %sub3A_511 : vector<16xf32>
        %add3A_514 = arith.addf %add3A_505, %mul3A_513 : vector<16xf32>
        %mul3A_515 = arith.mulf %sub3A_512, %sub3A_512 : vector<16xf32>
        %add3A_516 = arith.addf %add3A_507, %mul3A_515 : vector<16xf32>
        %sub3A_517 = arith.subf %add3A_514, %add3A_429 : vector<16xf32>
        %sub3A_518 = arith.subf %add3A_516, %add3A_440 : vector<16xf32>
        %mul3A_519 = arith.mulf %sub3A_517, %sub3A_517 : vector<16xf32>
        %mul3A_520 = arith.mulf %sub3A_518, %sub3A_518 : vector<16xf32>
        %add3A_521 = arith.addf %mul3A_519, %mul3A_520 : vector<16xf32>
        %add3A_522 = arith.addf %scan3A_371, %add3A_521 : vector<16xf32>
        scf.yield %add3A_522 : vector<16xf32>
      }
      %scan3A_369 = arith.constant 64 : i32
      scf.yield %scan3A_368 : vector<16xf32>
    }
    %scan3A_262 = arith.constant 16 : i32
    %swap3A = arith.constant 0 : index
    %swap3A_263 = tpu.vector_load %arg29[%swap3A] {strides = array<i32>} : memref<16xf32, #tpu.memory_space<vmem>>, vector<16xf32>,
    tpu.vector_store %arg29[%swap3A], %scan3A_261 {strides = array<i32>} : memref<16xf32, #tpu.memory_space<vmem>>, vector<16xf32>,
    "tpu.region"() ({
      %run_scoped3A = tpu.sem_alloc : memref<!tpu.dma_semaphore, #tpu.memory_space<semaphore_mem>>
      %dma_start3A_264 = arith.constant 0 : i32
      %dma_start3A_265 = tpu.memref_slice %arg7[%add3A, %dma_start3A_264] : memref<32x16xf32, #tpu.memory_space<hbm>> -> memref<1x16xf32, #tpu.memory_space<hbm>>
      %dma_start3A_266 = tpu.memref_squeeze %dma_start3A_265 : memref<1x16xf32, #tpu.memory_space<hbm>> -> memref<16xf32, #tpu.memory_space<hbm>>
      %dma_start3A_267 = arith.constant 0 : i32
      %dma_start3A_268 = tpu.memref_slice %arg7[%add3A, %dma_start3A_267] : memref<32x16xf32, #tpu.memory_space<hbm>> -> memref<1x16xf32, #tpu.memory_space<hbm>>
      %dma_start3A_269 = tpu.memref_squeeze %dma_start3A_268 : memref<1x16xf32, #tpu.memory_space<hbm>> -> memref<16xf32, #tpu.memory_space<hbm>>
      tpu.enqueue_dma source(%arg29 : memref<16xf32, #tpu.memory_space<vmem>>) target(%dma_start3A_269 : memref<16xf32, #tpu.memory_space<hbm>>) target_semaphore(%run_scoped3A : memref<!tpu.dma_semaphore, #tpu.memory_space<semaphore_mem>>)
      %dma_wait3A_270 = arith.constant 0 : i32
      %dma_wait3A_271 = tpu.memref_slice %arg7[%add3A, %dma_wait3A_270] : memref<32x16xf32, #tpu.memory_space<hbm>> -> memref<1x16xf32, #tpu.memory_space<hbm>>
      %dma_wait3A_272 = tpu.memref_squeeze %dma_wait3A_271 : memref<1x16xf32, #tpu.memory_space<hbm>> -> memref<16xf32, #tpu.memory_space<hbm>>
      %dma_wait3A_273 = arith.constant 0 : i32
      %dma_wait3A_274 = tpu.memref_slice %arg7[%add3A, %dma_wait3A_273] : memref<32x16xf32, #tpu.memory_space<hbm>> -> memref<1x16xf32, #tpu.memory_space<hbm>>
      %dma_wait3A_275 = tpu.memref_squeeze %dma_wait3A_274 : memref<1x16xf32, #tpu.memory_space<hbm>> -> memref<16xf32, #tpu.memory_space<hbm>>
      tpu.wait_dma2 semaphore(%run_scoped3A : memref<!tpu.dma_semaphore, #tpu.memory_space<semaphore_mem>>) src(%arg29 : memref<16xf32, #tpu.memory_space<vmem>>) dst(%dma_wait3A_275 : memref<16xf32, #tpu.memory_space<hbm>>)
      tpu.yield
    }) : () -> ()
    return
  }
}

module attributes {stable_mosaic.version = 14 : i64} {
  func.func @_tonemap_body(%arg0: memref<24x16384xf32, #tpu.memory_space<vmem>>, %arg1: memref<24x16384xf32, #tpu.memory_space<vmem>>) attributes {dimension_semantics = [], scalar_prefetch = 0 : i64, scratch_operands = 0 : i64, tpu.core_type = #tpu.core_type<tc>} {
    %get3A = arith.constant 0 : index
    %get3A_0 = arith.constant 0 : index
    %get3A_1 = vector.load %arg0[%get3A, %get3A_0] : memref<24x16384xf32, #tpu.memory_space<vmem>>, vector<24x16384xf32>
    %max3A = arith.constant 0.000000e+00 : f32
    %max3A_2 = vector.broadcast %max3A : f32 to vector<24x16384xf32>
    %max3A_3 = arith.maximumf %get3A_1, %max3A_2 : vector<24x16384xf32>
    %add3A = arith.constant 1.000000e+00 : f32
    %add3A_4 = vector.broadcast %add3A : f32 to vector<24x16384xf32>
    %add3A_5 = arith.addf %add3A_4, %max3A_3 : vector<24x16384xf32>
    %div3A = arith.divf %max3A_3, %add3A_5 : vector<24x16384xf32>
    %log3A = math.log %div3A : vector<24x16384xf32>
    %mul3A = arith.constant 4.545450e-01 : f32
    %mul3A_6 = vector.broadcast %mul3A : f32 to vector<24x16384xf32>
    %mul3A_7 = arith.mulf %mul3A_6, %log3A : vector<24x16384xf32>
    %exp3A = math.exp %mul3A_7 : vector<24x16384xf32>
    %gt3A = arith.constant 0.000000e+00 : f32
    %gt3A_8 = vector.broadcast %gt3A : f32 to vector<24x16384xf32>
    %gt3A_9 = arith.cmpf ogt, %div3A, %gt3A_8 : vector<24x16384xf32>
    %jit3A = arith.constant 0.000000e+00 : f32
    %broadcast_in_dim3A = vector.broadcast %jit3A : f32 to vector<24x16384xf32>
    %select_n3A = arith.select %gt3A_9, %exp3A, %broadcast_in_dim3A : vector<24x16384xi1>, vector<24x16384xf32>
    %swap3A = arith.constant 0 : index
    %swap3A_10 = arith.constant 0 : index
    %swap3A_11 = vector.load %arg1[%swap3A, %swap3A_10] : memref<24x16384xf32, #tpu.memory_space<vmem>>, vector<24x16384xf32>
    tpu.vector_store %arg1[%swap3A, %swap3A_10], %select_n3A {strides = array<i32>} : memref<24x16384xf32, #tpu.memory_space<vmem>>, vector<24x16384xf32>,
    return
  }
}

</mosaic_0001>

<sc_bundles>
// kernel: kernel.5.cloned.1.call-start
scs
__scs_entry_jumppad:
0x0: {  	(pc) =	sbr.rel $0x88, $3  }
0x1: {  	(tag) =	ssettag $0x0;
	lr =	simm.s32 $0x1  }
0x2: {  	[smem:$0x3F9F] =	sst lr;
	_ =	strace $0xD0000000  }
0x3: {  	_ = 	snop  }
0x4: {  	_ = 	snop  }
0x5: {  	_ = 	snop  }
0x6: {  	_ = 	snop  }
0x7: {  	_ = 	snop  }
__scs_overlays_trampoline_lowered:
0x8: {  	[smem:$0x3FAE] =	sst s0  }
0x9: {  	[smem:$0x3FAF] =	sst s1  }
0xa: {  	[smem:$0x3FB0] =	sst s2  }
0xb: {  	[smem:$0x3FB1] =	sst s3  }
0xc: {  	[smem:$0x3FB2] =	sst s4  }
0xd: {  	[smem:$0x3FB3] =	sst s5  }
0xe: {  	[smem:$0x3FB4] =	sst s6  }
0xf: {  	[smem:$0x3FB5] =	sst s7  }
0x10: {  	[smem:$0x3FB6] =	sst s8  }
0x11: {  	[smem:$0x3FB7] =	sst s9;
	s0 =	simm.s32 @!p0 $0x0  }
0x12: {  	s1 =	sld [smem:$0x3F9D];
	s0 =	simm.s32 @p0 $0x1  }
0x13: {  	[smem:$0x3FB8] =	sst s0;
	s0 =	simm.s32 @!p1 $0x0  }
0x14: {  	s2 =	sld [smem:$0x3F9C];
	s0 =	simm.s32 @p1 $0x1  }
0x15: {  	[smem:$0x3FB9] =	sst s0;
	s0 =	simm.s32 @!p2 $0x0  }
0x16: {  	s3 =	sld [smem:$0x3FDB];
	s0 =	simm.s32 @p2 $0x1  }
0x17: {  	s4 =	simm.s32 $0x1BF5;
	[smem:$0x3FBB] =	sst s0  }
0x18: {  	s0 =	sld [smem:$0x3F9E];
	_ =	swait.ge [sflag:s4], $0x0  }
0x19: {  	s7 =	sld [smem:$0x3F9F]  }
0x1a: {  	s8 =	sadd.s32 $0xFFFFE003, lr  }
0x1b: {  	s9 =	sadd.s32 $0xFFFFFEF7, lr;
	s5 =	simm.s32 $0xFFFFFFFF;
	p2 =	slt.u32 s8, $0xFFFFF086  }
0x1c: {  	p1 =	slt.u32 s9, $0xF7A;
	s5 =	simm.s32 @!p2 $0x0  }
0x1d: {  	s5 =	simm.s32 @p1 $0x1;
	p0 =	seq.s32 s7, s2  }
0x1e: {  	s7 =	smul.u32 @!p0 $0xF7A, s2;
	p2 =	seq.s32 @!p0 s5, $0x0  }
0x1f: {  	s9 =	smul.u32 $0xF7A, s1;
	s8 =	simm.s32 @!p0 $0x1BF5;
	p2 =	por !p2, p0  }
0x20: {  	[sflag:s8] =	ssyncset.s32 @!p0 $0xFFFFF086;
	s6 =	sadd.s32 @!p0 s3, s7;
	s7 =	simm.s32 @!p0 $0x108  }
0x21: {  	s3 =	sadd.s32 s3, s9;
	s6 =	sadd.s32 @!p0 $0x88, s6;
	s7 =	simm.s32 @p2 $0x1082  }
0x22: {  	[simem:s7], [sflag:s8] =	dma.local @!p0 [hbm:s6], $0xF7A  }
0x23: {  	s9 =	sor.u32 $0xD0000000, s2;
	s6 =	simm.s32 $0x108;
	_ =	swait.ge @!p0 [sflag:s8], $0x0  }
0x24: {  	s3 =	sadd.s32 $0x88, s3;
	s6 =	simm.s32 @!p1 $0x1082;
	[sflag:s4] =	ssyncset.s32 $0xFFFFF086  }
0x25: {  	[simem:s6], [sflag:s4] =	dma.local [hbm:s3], $0xF7A  }
0x26: {  	[smem:$0x3F9F] =	sst s1;
	(tag) =	ssettag s2;
	_ =	strace s9  }
0x27: {  	s1 =	sld [smem:$0x3FAF]  }
0x28: {  	s2 =	sld [smem:$0x3FB0]  }
0x29: {  	s4 =	sld [smem:$0x3FB2]  }
0x2a: {  	p0 =	seq.s32 s5, $0x0;
	s5 =	sld [smem:$0x3FB3]  }
0x2b: {  	s6 =	sld [smem:$0x3FB4]  }
0x2c: {  	s7 =	sld [smem:$0x3FB5]  }
0x2d: {  	s3 =	simm.s32 $0x108;
	s8 =	sld [smem:$0x3FB6]  }
0x2e: {  	s3 =	simm.s32 @!p0 $0x1082;
	s9 =	sld [smem:$0x3FB7]  }
0x2f: {  	lr =	sadd.s32 s0, s3;
	s0 =	sld [smem:$0x3FAE]  }
0x30: {  	s3 =	sld [smem:$0x3FB1]  }
0x31: {  	[smem:$0x3FBA] =	sst s10  }
0x32: {  	s10 =	sld [smem:$0x3FB8];
	_ =	sdelay $0x3  }
0x33: {  	p0 =	seq.s32 s10, $0x1;
	s10 =	sld [smem:$0x3FBA];
	_ =	sdelay $0x3  }
0x34: {  	[smem:$0x3FBA] =	sst s10  }
0x35: {  	s10 =	sld [smem:$0x3FB9];
	_ =	sdelay $0x3  }
0x36: {  	p1 =	seq.s32 s10, $0x1;
	s10 =	sld [smem:$0x3FBA];
	_ =	sdelay $0x3  }
0x37: {  	[smem:$0x3FBA] =	sst s10  }
0x38: {  	s10 =	sld [smem:$0x3FBB]  }
0x39: {  	_ = 	snop;
	(pc) =	sbr.ind lr, $3  }
0x3a: {  	_ = 	snop  }
0x3b: {  	_ = 	snop  }
0x3c: {  	p2 =	seq.s32 s10, $0x1;
	s10 =	sld [smem:$0x3FBA]  }
0x3d: {  	_ =	shalt  }
0x3e: {  	_ =	shalt  }
0x3f: {  	_ =	shalt  }
0x40: {  	_ =	shalt  }
0x41: {  	_ =	shalt  }
0x42: {  	_ =	shalt  }
0x43: {  	_ =	shalt  }
0x44: {  	_ =	shalt  }
0x45: {  	_ =	shalt  }
0x46: {  	_ =	shalt  }
0x47: {  	_ =	shalt  }
0x48: {  	_ =	shalt  }
0x49: {  	_ =	shalt  }
0x4a: {  	_ =	shalt  }
0x4b: {  	_ =	shalt  }
0x4c: {  	_ =	shalt  }
0x4d: {  	_ =	shalt  }
0x4e: {  	_ =	shalt  }
0x4f: {  	_ =	shalt  }
0x50: {  	_ =	shalt  }
0x51: {  	_ =	shalt  }
0x52: {  	_ =	shalt  }
0x53: {  	_ =	shalt  }
0x54: {  	_ =	shalt  }
0x55: {  	_ =	shalt  }
0x56: {  	_ =	shalt  }
0x57: {  	_ =	shalt  }
0x58: {  	_ =	shalt  }
0x59: {  	_ =	shalt  }
0x5a: {  	_ =	shalt  }
0x5b: {  	_ =	shalt  }
0x5c: {  	_ =	shalt  }
0x5d: {  	_ =	shalt  }
0x5e: {  	_ =	shalt  }
0x5f: {  	_ =	shalt  }
0x60: {  	_ =	shalt  }
0x61: {  	_ =	shalt  }
0x62: {  	_ =	shalt  }
0x63: {  	_ =	shalt  }
0x64: {  	_ =	shalt  }
0x65: {  	_ =	shalt  }
0x66: {  	_ =	shalt  }
0x67: {  	_ =	shalt  }
0x68: {  	_ =	shalt  }
0x69: {  	_ =	shalt  }
0x6a: {  	_ =	shalt  }
0x6b: {  	_ =	shalt  }
0x6c: {  	_ =	shalt  }
0x6d: {  	_ =	shalt  }
0x6e: {  	_ =	shalt  }
0x6f: {  	_ =	shalt  }
0x70: {  	_ =	shalt  }
0x71: {  	_ =	shalt  }
0x72: {  	_ =	shalt  }
0x73: {  	_ =	shalt  }
0x74: {  	_ =	shalt  }
0x75: {  	_ =	shalt  }
0x76: {  	_ =	shalt  }
0x77: {  	_ =	shalt  }
0x78: {  	_ =	shalt  }
0x79: {  	_ =	shalt  }
0x7a: {  	_ =	shalt  }
0x7b: {  	_ =	shalt  }
0x7c: {  	_ =	shalt  }
0x7d: {  	_ =	shalt  }
0x7e: {  	_ =	shalt  }
0x7f: {  	_ =	shalt  }
0x80: {  	_ =	shalt  }
0x81: {  	_ =	shalt  }
0x82: {  	_ =	shalt  }
0x83: {  	_ =	shalt  }
0x84: {  	_ =	shalt  }
0x85: {  	_ =	shalt  }
0x86: {  	_ =	shalt  }
0x87: {  	_ =	shalt  }
.Lfunc_end0:
.L_simem_size_0:
called_computation_lowered:
.L_overlay_start_0:
0x88: {  	s2 =	sld [smem:$0x3FD9]  }
0x89: {  	s3 =	sld [smem:$0x3FFE];
	_ =	sdelay $0x1  }
0x8a: {  	s1 =	srdreg.scid  }
0x8b: {  	s0 =	sand.u32 $0x1, s1  }
0x8c: {  	s17 =	sshll.u32 s0, $0xA;
	s2 =	sadd.s32 s3, s2  }
0x8d: {  	s2 =	sadd.s32 s2, s17  }
0x8e: {  	[smem:$0x3FC6] =	sst s2  }
0x8f: {  	_ = 	snop  }
0x90: {  	s2 =	sld [smem:$0x3FC9];
	(tm) =	ssettm $0x1  }
0x91: {  	s18 =	sld [smem:$0x3FFB];
	_ =	sdelay $0x3  }
0x92: {  	_ =	strace s18  }
0x93: {  	s3 =	sld [smem:$0x3FFC];
	_ =	sdelay $0x3  }
0x94: {  	_ =	strace s3  }
0x95: {  	s3 =	sld [smem:$0x3FFD];
	_ =	sdelay $0x3  }
0x96: {  	_ =	strace s3  }
0x97: {  	_ =	strace $0x8FFFFFFF  }
0x98: {  	s19 =	sld [smem:$0x3FDB];
	_ =	sdelay $0x1  }
0x99: {  	s4 =	simm.s32 $_scs_section_size  }
0x9a: {  	s5 =	simm.s32 $_size__tile_overlayer_lowered;
	s6 =	simm.s32 $_tile_overlayer_lowered  }
0x9b: {  	s22 =	simm.s32 $0x1BFF;
	s21 =	sshll.u32 s6, $0x1;
	s3 =	sadd.s32 s4, s19  }
0x9c: {  	s7 =	simm.s32 $0x0;
	s20 =	sshll.u32 s5, $0x1;
	s5 =	sadd.s32 s21, s3  }
0x9d: {  	[timem:s7], [sflag:s22] =	dma.local [hbm:s5], s20  }
0x9e: {  	_ =	swait.ge [sflag:s22], s20  }
0x9f: {  	s4 =	ssub.s32 $0x0, s20;
	[sflag:s22] =	ssyncset.done $0x0  }
0xa0: {  	[sflag:s22] =	ssyncadd.s32 s4;
	_ =	sdelay $0x1  }
0xa1: {  	s23 =	simm.s32 $0x1B8B  }
0xa2: {  	_ =	swait.ge [sflag:s23], $0x1  }
0xa3: {  	[sflag:s23] =	ssyncset.done $0x0  }
0xa4: {  	s25 =	simm.s32 $0x1B8E;
	s24 =	sld [smem:$0x3FFE];
	[sflag:s23] =	ssyncadd.s32 $0xFFFFFFFF  }
0xa5: {  	s26 =	simm.s32 $execute0_lowered;
	[smem:$0x3FD2] =	sst s25  }
0xa6: {  	s5 =	sshll.u32 s26, $0x1;
	_ =	strace $0x80000046;
	[dreg:$0x1] =	wrdreg $0xFFFFFFFF  }
0xa7: {  	s28 =	simm.s32 $_size_execute0_lowered;
	s3 =	sadd.s32 s3, s5;
	[dreg:$0x0] =	wrdreg $0x0  }
0xa8: {  	s5 =	sshll.u32 s28, $0x1;
	[dreg:$0x2] =	wrdreg s3  }
0xa9: {  	[dreg:$0x3] =	wrdreg s5  }
0xaa: {  	[dreg:$0x4] =	wrdreg $0xC0  }
0xab: {  	_ =	task [dreg:s7], $0x5FFFF  }
0xac: {  	[dreg:$0x1] =	wrdreg $0xFFFFFFFF  }
0xad: {  	[dreg:$0x0] =	wrdreg $0x60  }
0xae: {  	[dreg:$0x2] =	wrdreg s2  }
0xaf: {  	[dreg:$0x3] =	wrdreg s24  }
0xb0: {  	[dreg:$0x4] =	wrdreg $0x9  }
0xb1: {  	_ =	task.clear_ibuf [dreg:s7], $0x5FFFF;
	_ =	strace $0x90000046  }
0xb2: {  	s29 =	simm.s32 $0x9;
	_ =	strace $0x80000048  }
0xb3: {  	_ =	swait.ge [sflag:s29], $0x1  }
0xb4: {  	[sflag:s29] =	ssyncadd.s32 $0xFFFFFFFF  }
0xb5: {  	_ =	strace $0x90000048  }
0xb6: {  	_ =	sfence  }
0xb7: {  	s30 =	sld [smem:$0x0];
	_ =	sdelay $0x2  }
0xb8: {  	s31 =	sshll.u32 s1, $0xD;
	s1 =	sshrl.u32 s1, $0x2  }
0xb9: {  	s3 =	sand.u32 $0x4000, s31;
	s1 =	sadd.s32 s1, s30  }
0xba: {  	s0 =	sor.u32 s3, s0;
	s1 =	sshll.u32 s1, $0x11  }
0xbb: {  	s0 =	sor.u32 s1, s0  }
0xbc: {  	s0 =	sadd.s32 $0x8F2B, s0  }
0xbd: {  	[sflag:s0] =	ssyncadd.remote.s32 $0x1  }
0xbe: {  	_ =	sfence.sel $0xFFFF  }
0xbf: {  	[dreg:$0x0] =	wrdreg $0xFFFFFFFF;
	(pc) =	sbr.abs _section_cstart, $3  }
0xc0: {  	[dreg:$0x1] =	wrdreg $0xFFFFFFFF  }
0xc1: {  	_ =	task.clear_ibuf [dreg:s7], $0x2FFFF;
	_ =	strace $0x9FFFFFFF  }
0xc2: {  	(tm) =	ssettm $0x7FFFFFFF  }
0xc3: {  	_ =	shalt  }
tec
execute0_lowered:
.L_overlay_start_1:
0x0: {  	(tag) =	ssettag $0x1  }
0x1: {  	s13 =	rddreg [dreg:$0x0]  }
0x2: {  	s0 =	rddreg [dreg:$0x1]  }
0x3: {  	s3 =	simm.s32 $0x0;
	s7 =	stileid.u32;
	s2 =	srdreg.scid  }
0x4: {  	s30 =	simm.s32 $0x5;
	s31 =	simm.s32 $0x11800;
	[smem:$0x7FF] =	sst s3  }
0x5: {  	s4 =	sadd.s32 $0x1000, s0;
	s5 =	sadd.s32 $0xD000, s0;
	s1 =	sshrl.u32 s7, $0x1  }
0x6: {  	s2 =	sand.u32 $0x1, s2;
	s7 =	sshll.u32 s7, $0x1;
	s9 =	sadd.s32 $0x1000, s13  }
0x7: {  	s10 =	sadd.s32 $0x1800, s13;
	s11 =	sadd.s32 $0x2000, s13;
	s21 =	smov.u32 s13  }
0x8: {  	_ =	strace $0x80000047;
	s6 =	sshll.u32 s1, $0xE;
	s8 =	ssub.s32 $0x2, s2  }
0x9: {  	s2 =	sor.u32 s2, s7;
	s0 =	sadd.s32 s6, s0;
	s14 =	sshrl.u32 s8, $0x1  }
0xa: {  	s12 =	sshll.u32 s2, $0xF;
	s6 =	sadd.s32 $0x800, s13;
	s24 =	sshll.u32 s2, $0x12  }
0xb: {  	s25 =	sshll.u32 s2, $0xC;
	s15 =	sadd.s32 s13, s12;
	[dreg:$0xb] =	wrdreg s24  }
0xc: {  	s7 =	ssub.s32 s8, s14;
	s16 =	sadd.s32 s12, s6;
	[dreg:$0x3] =	wrdreg s15  }
0xd: {  	s17 =	sadd.s32 s12, s9;
	s18 =	sadd.s32 s12, s10;
	[dreg:$0x4] =	wrdreg s16  }
0xe: {  	s19 =	sadd.s32 s12, s11;
	s24 =	sand.u32 $0x3000, s25;
	[dreg:$0x5] =	wrdreg s17  }
0xf: {  	s25 =	sadd.s32 $0x10D000, s0;
	s14 =	simm.s32 $0x1;
	[dreg:$0x6] =	wrdreg s18  }
0x10: {  	s0 =	simm.s32 $0x6;
	[dreg:$0x7] =	wrdreg s19;
	s15 =	sadd.s32 $0x2800, s13  }
0x11: {  	v0 =	vlaneseq.u32;
	s16 =	sadd.s32 $0x3000, s13;
	s17 =	sadd.s32 $0x3800, s13;
	s26 =	smax.u32 s7, $0x1  }
0x12: {  	v0 =	vmul.u32 $0x8, v0;
	s18 =	simm.s32 $0x8000;
	s20 =	sadd.s32 s12, s15;
	[dreg:$0xc] =	wrdreg s26  }
0x13: {  	s19 =	simm.s32 $0x2;
	s22 =	sadd.s32 s12, s16;
	[dreg:$0x8] =	wrdreg s20  }
0x14: {  	v1 =	vor.u32 $0x1, v0;
	s23 =	sadd.s32 s12, s17;
	[dreg:$0x9] =	wrdreg s22;
	s22 =	smul.u32 $0xC000, s1  }
0x15: {  	v2 =	vor.u32 $0x2, v0;
	v3 =	vor.u32 $0x3, v0;
	v4 =	vor.u32 $0x4, v0;
	[dreg:$0xa] =	wrdreg s23;
	s23 =	sshll.u32 s2, $0x1;
	s20 =	simm.s32 $0xC000  }
0x16: {  	v5 =	vor.u32 $0x5, v0;
	v6 =	vor.u32 $0x6, v0;
	v7 =	vor.u32 $0x7, v0;
	s2 =	simm.s32 $0x0;
	s28 =	sadd.s32 $0x4000, s22;
	s29 =	sadd.s32 $0x8000, s22  }
.LBB2_1:
0x17: {  	[dreg:$0xd] =	wrdreg s2  }
0x18: {  	s1 =	rddreg [dreg:$0x3]  }
0x19: {  	[tilespmem:s3], [sflag:$0x1] =	stream.linear.gather [hbm4b:s1+s3], $0x800, $0x38;
	[tilespmem:$0x15800] =	vst v63  }
0x1a: {  	s13 =	rddreg [dreg:$0x4];
	s26 =	simm.s32 $0x800  }
0x1b: {  	[tilespmem:s26], [sflag:$0x1] =	stream.linear.gather [hbm4b:s13+s3], $0x800, $0x38;
	[tilespmem:$0x15800] =	vst v63  }
0x1c: {  	s2 =	rddreg [dreg:$0x5];
	s7 =	simm.s32 $0x1000  }
0x1d: {  	[tilespmem:s7], [sflag:$0x1] =	stream.linear.gather [hbm4b:s2+s3], $0x800, $0x38;
	[tilespmem:$0x15800] =	vst v63  }
0x1e: {  	s8 =	rddreg [dreg:$0x6];
	s12 =	simm.s32 $0x1800  }
0x1f: {  	[tilespmem:s12], [sflag:$0x1] =	stream.linear.gather [hbm4b:s8+s3], $0x800, $0x38;
	[tilespmem:$0x15800] =	vst v63  }
0x20: {  	s13 =	rddreg [dreg:$0x7];
	s26 =	simm.s32 $0x2000  }
0x21: {  	[tilespmem:s26], [sflag:$0x1] =	stream.linear.gather [hbm4b:s13+s3], $0x800, $0x38;
	[tilespmem:$0x15800] =	vst v63  }
0x22: {  	s2 =	rddreg [dreg:$0x8];
	s7 =	simm.s32 $0x2800  }
0x23: {  	[tilespmem:s7], [sflag:$0x1] =	stream.linear.gather [hbm4b:s2+s3], $0x800, $0x38;
	[tilespmem:$0x15800] =	vst v63  }
0x24: {  	s8 =	rddreg [dreg:$0x9];
	s12 =	simm.s32 $0x3000  }
0x25: {  	[tilespmem:s12], [sflag:$0x1] =	stream.linear.gather [hbm4b:s8+s3], $0x800, $0x38;
	[tilespmem:$0x15800] =	vst v63  }
0x26: {  	s13 =	rddreg [dreg:$0xa];
	s26 =	simm.s32 $0x3800;
	s7 =	simm.s32 $0x0  }
0x27: {  	[tilespmem:s26], [sflag:$0x1] =	stream.linear.gather [hbm4b:s13+s3], $0x800, $0x38;
	[tilespmem:$0x15800] =	vst v63  }
.LBB2_2:
0x28: {  	s1 =	sshll.u32 s7, $0xF;
	s2 =	sshll.u32 s7, $0xC  }
0x29: {  	s12 =	rddreg [dreg:$0xb];
	s1 =	sand.u32 $0x20000, s1;
	s13 =	sand.u32 $0x3000, s2  }
0x2a: {  	s1 =	sor.u32 s12, s1;
	s8 =	sor.u32 $0x800, s13  }
0x2b: {  	s1 =	sor.u32 s8, s1  }
0x2c: {  	s1 =	sshrl.u32 s1, $0x3  }
0x2d: {  	s12 =	simm.s32 $0x4000;
	s26 =	sadd.s32 s21, s1  }
0x2e: {  	[tilespmem:s12], [sflag:$0x2] =	stream.linear.gather [hbm4b:s26+s3], $0x800, $0x38;
	[tilespmem:$0x15800] =	vst v63  }
0x2f: {  	s12 =	sadd.s32 s1, s6;
	s26 =	simm.s32 $0x4800  }
0x30: {  	[tilespmem:s26], [sflag:$0x2] =	stream.linear.gather [hbm4b:s12+s3], $0x800, $0x38;
	[tilespmem:$0x15800] =	vst v63  }
0x31: {  	s12 =	sadd.s32 s1, s9;
	s26 =	simm.s32 $0x5000  }
0x32: {  	[tilespmem:s26], [sflag:$0x2] =	stream.linear.gather [hbm4b:s12+s3], $0x800, $0x38;
	[tilespmem:$0x15800] =	vst v63  }
0x33: {  	s12 =	sadd.s32 s1, s10;
	s26 =	simm.s32 $0x5800  }
0x34: {  	[tilespmem:s26], [sflag:$0x2] =	stream.linear.gather [hbm4b:s12+s3], $0x800, $0x38;
	[tilespmem:$0x15800] =	vst v63  }
0x35: {  	s12 =	sadd.s32 s1, s11;
	s26 =	simm.s32 $0x6000  }
0x36: {  	[tilespmem:s26], [sflag:$0x2] =	stream.linear.gather [hbm4b:s12+s3], $0x800, $0x38;
	[tilespmem:$0x15800] =	vst v63  }
0x37: {  	s12 =	sadd.s32 s1, s15;
	s26 =	simm.s32 $0x6800  }
0x38: {  	[tilespmem:s26], [sflag:$0x2] =	stream.linear.gather [hbm4b:s12+s3], $0x800, $0x38;
	[tilespmem:$0x15800] =	vst v63  }
0x39: {  	s12 =	sadd.s32 s1, s16;
	s26 =	simm.s32 $0x7000  }
0x3a: {  	[tilespmem:s26], [sflag:$0x2] =	stream.linear.gather [hbm4b:s12+s3], $0x800, $0x38;
	[tilespmem:$0x15800] =	vst v63  }
0x3b: {  	s1 =	sadd.s32 s1, s17;
	s26 =	simm.s32 $0x7800  }
0x3c: {  	[tilespmem:s26], [sflag:$0x2] =	stream.linear.gather [hbm4b:s1+s3], $0x800, $0x38;
	[tilespmem:$0x15800] =	vst v63  }
0x3d: {  	_ =	swait.ge [sflag:s14], $0x800  }
0x3e: {  	[sflag:s14] =	ssyncset.done $0x0  }
0x3f: {  	[sflag:s14] =	ssyncadd.s32 $0xFFFFF800  }
0x40: {  	_ =	swait.ge [sflag:s14], $0x800  }
0x41: {  	[sflag:s14] =	ssyncset.done $0x0  }
0x42: {  	[sflag:s14] =	ssyncadd.s32 $0xFFFFF800  }
0x43: {  	_ =	swait.ge [sflag:s14], $0x800  }
0x44: {  	[sflag:s14] =	ssyncset.done $0x0  }
0x45: {  	[sflag:s14] =	ssyncadd.s32 $0xFFFFF800  }
0x46: {  	_ =	swait.ge [sflag:s14], $0x800  }
0x47: {  	[sflag:s14] =	ssyncset.done $0x0  }
0x48: {  	[sflag:s14] =	ssyncadd.s32 $0xFFFFF800  }
0x49: {  	_ =	swait.ge [sflag:s14], $0x800  }
0x4a: {  	[sflag:s14] =	ssyncset.done $0x0  }
0x4b: {  	[sflag:s14] =	ssyncadd.s32 $0xFFFFF800  }
0x4c: {  	_ =	swait.ge [sflag:s14], $0x800  }
0x4d: {  	[sflag:s14] =	ssyncset.done $0x0  }
0x4e: {  	[sflag:s14] =	ssyncadd.s32 $0xFFFFF800  }
0x4f: {  	_ =	swait.ge [sflag:s14], $0x800  }
0x50: {  	[sflag:s14] =	ssyncset.done $0x0  }
0x51: {  	[sflag:s14] =	ssyncadd.s32 $0xFFFFF800  }
0x52: {  	_ =	swait.ge [sflag:s14], $0x800  }
0x53: {  	p0 =	seq.s32 s7, $0x0;
	[sflag:s14] =	ssyncset.done $0x0  }
0x54: {  	s1 =	simm.s32 @!p0 $0x3;
	[sflag:s14] =	ssyncadd.s32 $0xFFFFF800  }
0x55: {  	_ =	swait.ge @!p0 [sflag:s1], $0x4000  }
0x56: {  	[sflag:s1] =	ssyncset.done @!p0 $0x0  }
0x57: {  	s2 =	simm.s32 $0x2000;
	s12 =	simm.s32 $0x0;
	[sflag:s1] =	ssyncadd.s32 @!p0 $0xFFFFC000  }
0x58: {  	v9 =	vor.u32 s12, v0;
	s26 =	sshll.u32 s7, $0x1;
	s1 =	simm.s32 $0x80;
	v8 =	vld [tilespmem:s2+$0xFFFFE000]  }
.LBB2_3:
0x59: {  	p1 =	sne.s32 s1, $0x3F80;
	_ =	sdelay $0x3  }
0x5a: {  	[tilespmem:v9+s18+$0x0] =	vst.idx.msk $0xffff, v8  }
0x5b: {  	v9 =	vor.u32 s12, v1;
	v8 =	vld [tilespmem:s2+$0xFFFFE800];
	_ =	sdelay $0x4  }
0x5c: {  	[tilespmem:v9+s18+$0x0] =	vst.idx.msk $0xffff, v8  }
0x5d: {  	v9 =	vor.u32 s12, v2;
	v8 =	vld [tilespmem:s2+$0xFFFFF000];
	_ =	sdelay $0x4  }
0x5e: {  	[tilespmem:v9+s18+$0x0] =	vst.idx.msk $0xffff, v8  }
0x5f: {  	v9 =	vor.u32 s12, v3;
	v8 =	vld [tilespmem:s2+$0xFFFFF800];
	_ =	sdelay $0x4  }
0x60: {  	[tilespmem:v9+s18+$0x0] =	vst.idx.msk $0xffff, v8  }
0x61: {  	v9 =	vor.u32 s12, v4;
	v8 =	vld [tilespmem:s2+$0x0];
	_ =	sdelay $0x4  }
0x62: {  	[tilespmem:v9+s18+$0x0] =	vst.idx.msk $0xffff, v8  }
0x63: {  	v9 =	vor.u32 s12, v5;
	v8 =	vld [tilespmem:s2+$0x800];
	_ =	sdelay $0x4  }
0x64: {  	[tilespmem:v9+s18+$0x0] =	vst.idx.msk $0xffff, v8  }
0x65: {  	v9 =	vor.u32 s12, v6;
	v8 =	vld [tilespmem:s2+$0x1000];
	_ =	sdelay $0x4  }
0x66: {  	[tilespmem:v9+s18+$0x0] =	vst.idx.msk $0xffff, v8  }
0x67: {  	v9 =	vor.u32 s12, v7;
	s12 =	smov.u32 s1;
	v8 =	vld [tilespmem:s2+$0x1800];
	_ =	sdelay $0x1  }
.Ltmp0:
0x68: {  	(pc) =	sbr.rel @p1 .LBB2_3-.Ltmp0, $3  }
0x69: {  	_ =	sdelay $0x1  }
0x6a: {  	s2 =	sadd.s32 $0x10, s2;
	[tilespmem:v9+s18+$0x0] =	vst.idx.msk $0xffff, v8  }
0x6b: {  	s1 =	sadd.s32 $0x80, s1;
	v9 =	vor.u32 s12, v0;
	v8 =	vld [tilespmem:s2+$0xFFFFE000]  }
0x6c: {  	_ =	sdelay $0x3  }
0x6d: {  	[tilespmem:v9+s18+$0x0] =	vst.idx.msk $0xffff, v8  }
0x6e: {  	v9 =	vor.u32 s12, v1;
	v8 =	vld [tilespmem:s2+$0xFFFFE800];
	_ =	sdelay $0x4  }
0x6f: {  	[tilespmem:v9+s18+$0x0] =	vst.idx.msk $0xffff, v8  }
0x70: {  	v9 =	vor.u32 s12, v2;
	v8 =	vld [tilespmem:s2+$0xFFFFF000];
	_ =	sdelay $0x4  }
0x71: {  	[tilespmem:v9+s18+$0x0] =	vst.idx.msk $0xffff, v8  }
0x72: {  	v9 =	vor.u32 s12, v3;
	v8 =	vld [tilespmem:s2+$0xFFFFF800];
	_ =	sdelay $0x4  }
0x73: {  	[tilespmem:v9+s18+$0x0] =	vst.idx.msk $0xffff, v8  }
0x74: {  	v9 =	vor.u32 s12, v4;
	v8 =	vld [tilespmem:s2+$0x0];
	_ =	sdelay $0x4  }
0x75: {  	[tilespmem:v9+s18+$0x0] =	vst.idx.msk $0xffff, v8  }
0x76: {  	v9 =	vor.u32 s12, v5;
	v8 =	vld [tilespmem:s2+$0x800];
	_ =	sdelay $0x4  }
0x77: {  	[tilespmem:v9+s18+$0x0] =	vst.idx.msk $0xffff, v8  }
0x78: {  	v9 =	vor.u32 s12, v6;
	v8 =	vld [tilespmem:s2+$0x1000];
	_ =	sdelay $0x4  }
0x79: {  	[tilespmem:v9+s18+$0x0] =	vst.idx.msk $0xffff, v8  }
0x7a: {  	v9 =	vor.u32 s12, v7;
	v8 =	vld [tilespmem:s2+$0x1800];
	_ =	sdelay $0x1  }
0x7b: {  	s1 =	sshrl.u32 s7, $0x2  }
0x7c: {  	s1 =	sor.u32 s23, s1  }
0x7d: {  	s13 =	sadd.s32 s5, s13;
	s12 =	sshll.u32 s1, $0xE  }
0x7e: {  	p1 =	seq.s32 s7, $0x7;
	s1 =	sadd.s32 s12, s13;
	[tilespmem:v9+s18+$0x0] =	vst.idx.msk $0xffff, v8  }
0x7f: {  	[hbm4b:s1+s3] =	stream.linear.scatter [tilespmem:s18], [sflag:$0x3], $0x4000, $0x38;
	[tilespmem:$0x15800] =	vst v63  }
0x80: {  	s1 =	sadd.s32 @!p1 $0x2, s26  }
0x81: {  	s2 =	sshrl.u32 @!p1 s1, $0x3  }
0x82: {  	s1 =	sshll.u32 @!p1 s1, $0x8;
	s2 =	sadd.s32 @!p1 s23, s2  }
0x83: {  	s1 =	sand.u32 @!p1 $0x600, s1;
	s2 =	sshll.u32 @!p1 s2, $0xE  }
0x84: {  	s1 =	sor.u32 @!p1 s1, s2  }
0x85: {  	s13 =	simm.s32 @!p1 $0x0;
	s2 =	sadd.s32 @!p1 s21, s1  }
0x86: {  	[tilespmem:s13], [sflag:$0x1] =	stream.linear.gather @!p1 [hbm4b:s2+s13], $0x800, $0x38;
	[tilespmem:$0x15800] =	vst v63  }
0x87: {  	s26 =	simm.s32 @!p1 $0x800;
	s2 =	sadd.s32 @!p1 s1, s6  }
0x88: {  	[tilespmem:s26], [sflag:$0x1] =	stream.linear.gather @!p1 [hbm4b:s2+s13], $0x800, $0x38;
	[tilespmem:$0x15800] =	vst v63  }
0x89: {  	s2 =	sadd.s32 @!p1 s1, s9;
	s26 =	simm.s32 @!p1 $0x1000  }
0x8a: {  	[tilespmem:s26], [sflag:$0x1] =	stream.linear.gather @!p1 [hbm4b:s2+s13], $0x800, $0x38;
	[tilespmem:$0x15800] =	vst v63  }
0x8b: {  	s2 =	sadd.s32 @!p1 s1, s10;
	s26 =	simm.s32 @!p1 $0x1800  }
0x8c: {  	[tilespmem:s26], [sflag:$0x1] =	stream.linear.gather @!p1 [hbm4b:s2+s13], $0x800, $0x38;
	[tilespmem:$0x15800] =	vst v63  }
0x8d: {  	s2 =	sadd.s32 @!p1 s1, s11;
	s26 =	simm.s32 @!p1 $0x2000  }
0x8e: {  	[tilespmem:s26], [sflag:$0x1] =	stream.linear.gather @!p1 [hbm4b:s2+s13], $0x800, $0x38;
	[tilespmem:$0x15800] =	vst v63  }
0x8f: {  	s2 =	sadd.s32 @!p1 s1, s15;
	s26 =	simm.s32 @!p1 $0x2800  }
0x90: {  	[tilespmem:s26], [sflag:$0x1] =	stream.linear.gather @!p1 [hbm4b:s2+s13], $0x800, $0x38;
	[tilespmem:$0x15800] =	vst v63  }
0x91: {  	s2 =	sadd.s32 @!p1 s1, s16;
	s26 =	simm.s32 @!p1 $0x3000  }
0x92: {  	[tilespmem:s26], [sflag:$0x1] =	stream.linear.gather @!p1 [hbm4b:s2+s13], $0x800, $0x38;
	[tilespmem:$0x15800] =	vst v63  }
0x93: {  	s1 =	sadd.s32 @!p1 s1, s17;
	s2 =	simm.s32 @!p1 $0x3800  }
0x94: {  	[tilespmem:s2], [sflag:$0x1] =	stream.linear.gather @!p1 [hbm4b:s1+s13], $0x800, $0x38;
	[tilespmem:$0x15800] =	vst v63  }
0x95: {  	_ =	swait.ge [sflag:s19], $0x800  }
0x96: {  	[sflag:s19] =	ssyncset.done $0x0  }
0x97: {  	[sflag:s19] =	ssyncadd.s32 $0xFFFFF800  }
0x98: {  	_ =	swait.ge [sflag:s19], $0x800  }
0x99: {  	[sflag:s19] =	ssyncset.done $0x0  }
0x9a: {  	[sflag:s19] =	ssyncadd.s32 $0xFFFFF800  }
0x9b: {  	_ =	swait.ge [sflag:s19], $0x800  }
0x9c: {  	[sflag:s19] =	ssyncset.done $0x0  }
0x9d: {  	[sflag:s19] =	ssyncadd.s32 $0xFFFFF800  }
0x9e: {  	_ =	swait.ge [sflag:s19], $0x800  }
0x9f: {  	[sflag:s19] =	ssyncset.done $0x0  }
0xa0: {  	[sflag:s19] =	ssyncadd.s32 $0xFFFFF800  }
0xa1: {  	_ =	swait.ge [sflag:s19], $0x800  }
0xa2: {  	[sflag:s19] =	ssyncset.done $0x0  }
0xa3: {  	[sflag:s19] =	ssyncadd.s32 $0xFFFFF800  }
0xa4: {  	_ =	swait.ge [sflag:s19], $0x800  }
0xa5: {  	[sflag:s19] =	ssyncset.done $0x0  }
0xa6: {  	[sflag:s19] =	ssyncadd.s32 $0xFFFFF800  }
0xa7: {  	_ =	swait.ge [sflag:s19], $0x800  }
0xa8: {  	[sflag:s19] =	ssyncset.done $0x0  }
0xa9: {  	[sflag:s19] =	ssyncadd.s32 $0xFFFFF800  }
0xaa: {  	_ =	swait.ge [sflag:s19], $0x800  }
0xab: {  	[sflag:s19] =	ssyncset.done $0x0  }
0xac: {  	s1 =	simm.s32 @!p0 $0x4;
	[sflag:s19] =	ssyncadd.s32 $0xFFFFF800  }
0xad: {  	_ =	swait.ge @!p0 [sflag:s1], $0x4000  }
0xae: {  	[sflag:s1] =	ssyncset.done @!p0 $0x0  }
0xaf: {  	s13 =	simm.s32 $0x0;
	s2 =	simm.s32 $0x6000;
	[sflag:s1] =	ssyncadd.s32 @!p0 $0xFFFFC000  }
0xb0: {  	v9 =	vor.u32 s13, v0;
	s1 =	simm.s32 $0x80;
	v8 =	vld [tilespmem:s2+$0xFFFFE000]  }
.LBB2_5:
0xb1: {  	p0 =	sne.s32 s1, $0x3F80;
	_ =	sdelay $0x3  }
0xb2: {  	[tilespmem:v9+s20+$0x0] =	vst.idx.msk $0xffff, v8  }
0xb3: {  	v9 =	vor.u32 s13, v1;
	v8 =	vld [tilespmem:s2+$0xFFFFE800];
	_ =	sdelay $0x4  }
0xb4: {  	[tilespmem:v9+s20+$0x0] =	vst.idx.msk $0xffff, v8  }
0xb5: {  	v9 =	vor.u32 s13, v2;
	v8 =	vld [tilespmem:s2+$0xFFFFF000];
	_ =	sdelay $0x4  }
0xb6: {  	[tilespmem:v9+s20+$0x0] =	vst.idx.msk $0xffff, v8  }
0xb7: {  	v9 =	vor.u32 s13, v3;
	v8 =	vld [tilespmem:s2+$0xFFFFF800];
	_ =	sdelay $0x4  }
0xb8: {  	[tilespmem:v9+s20+$0x0] =	vst.idx.msk $0xffff, v8  }
0xb9: {  	v9 =	vor.u32 s13, v4;
	v8 =	vld [tilespmem:s2+$0x0];
	_ =	sdelay $0x4  }
0xba: {  	[tilespmem:v9+s20+$0x0] =	vst.idx.msk $0xffff, v8  }
0xbb: {  	v9 =	vor.u32 s13, v5;
	v8 =	vld [tilespmem:s2+$0x800];
	_ =	sdelay $0x4  }
0xbc: {  	[tilespmem:v9+s20+$0x0] =	vst.idx.msk $0xffff, v8  }
0xbd: {  	v9 =	vor.u32 s13, v6;
	v8 =	vld [tilespmem:s2+$0x1000];
	_ =	sdelay $0x4  }
0xbe: {  	[tilespmem:v9+s20+$0x0] =	vst.idx.msk $0xffff, v8  }
0xbf: {  	v9 =	vor.u32 s13, v7;
	s13 =	smov.u32 s1;
	v8 =	vld [tilespmem:s2+$0x1800];
	_ =	sdelay $0x1  }
.Ltmp1:
0xc0: {  	(pc) =	sbr.rel @p0 .LBB2_5-.Ltmp1, $3  }
0xc1: {  	_ =	sdelay $0x1  }
0xc2: {  	s2 =	sadd.s32 $0x10, s2;
	[tilespmem:v9+s20+$0x0] =	vst.idx.msk $0xffff, v8  }
0xc3: {  	s1 =	sadd.s32 $0x80, s1;
	v9 =	vor.u32 s13, v0;
	v8 =	vld [tilespmem:s2+$0xFFFFE000]  }
0xc4: {  	_ =	sdelay $0x3  }
0xc5: {  	[tilespmem:v9+s20+$0x0] =	vst.idx.msk $0xffff, v8  }
0xc6: {  	v57 =	vor.u32 s13, v1;
	v8 =	vld [tilespmem:s2+$0xFFFFE800];
	_ =	sdelay $0x4  }
0xc7: {  	[tilespmem:v57+s20+$0x0] =	vst.idx.msk $0xffff, v8  }
0xc8: {  	v58 =	vor.u32 s13, v2;
	v8 =	vld [tilespmem:s2+$0xFFFFF000];
	_ =	sdelay $0x4  }
0xc9: {  	[tilespmem:v58+s20+$0x0] =	vst.idx.msk $0xffff, v8  }
0xca: {  	v59 =	vor.u32 s13, v3;
	v8 =	vld [tilespmem:s2+$0xFFFFF800];
	_ =	sdelay $0x4  }
0xcb: {  	[tilespmem:v59+s20+$0x0] =	vst.idx.msk $0xffff, v8  }
0xcc: {  	v60 =	vor.u32 s13, v4;
	v8 =	vld [tilespmem:s2+$0x0];
	_ =	sdelay $0x4  }
0xcd: {  	[tilespmem:v60+s20+$0x0] =	vst.idx.msk $0xffff, v8  }
0xce: {  	v61 =	vor.u32 s13, v5;
	v8 =	vld [tilespmem:s2+$0x800];
	_ =	sdelay $0x4  }
0xcf: {  	[tilespmem:v61+s20+$0x0] =	vst.idx.msk $0xffff, v8  }
0xd0: {  	v62 =	vor.u32 s13, v6;
	v8 =	vld [tilespmem:s2+$0x1000];
	_ =	sdelay $0x4  }
0xd1: {  	[tilespmem:v62+s20+$0x0] =	vst.idx.msk $0xffff, v8  }
0xd2: {  	v63 =	vor.u32 s13, v7;
	s7 =	sadd.s32 $0x1, s7;
	v8 =	vld [tilespmem:s2+$0x1800]  }
0xd3: {  	p0 =	sne.s32 s7, $0x8  }
.Ltmp2:
0xd4: {  	_ = 	snop;
	(pc) =	sbr.rel @p0 .LBB2_2-.Ltmp2, $4  }
0xd5: {  	_ = 	snop  }
0xd6: {  	s1 =	sadd.s32 s5, s8  }
0xd7: {  	s1 =	sadd.s32 s12, s1;
	[tilespmem:v63+s20+$0x0] =	vst.idx.msk $0xffff, v8  }
0xd8: {  	[hbm4b:s1+s3] =	stream.linear.scatter [tilespmem:s20], [sflag:$0x4], $0x4000, $0x38;
	[tilespmem:$0x15800] =	vst v63  }
0xd9: {  	s1 =	simm.s32 $0x3  }
0xda: {  	_ =	swait.ge [sflag:s1], $0x4000  }
0xdb: {  	[sflag:s1] =	ssyncset.done $0x0  }
0xdc: {  	s26 =	simm.s32 $0x4;
	[sflag:s1] =	ssyncadd.s32 $0xFFFFC000  }
0xdd: {  	s2 =	simm.s32 $0x0;
	_ =	swait.ge [sflag:s26], $0x4000  }
0xde: {  	p1 =	por $0x1, $0x1;
	s13 =	simm.s32 $0x10000;
	[sflag:s26] =	ssyncset.done $0x0  }
0xdf: {  	s1 =	simm.s32 $0x0;
	[sflag:s26] =	ssyncadd.s32 $0xFFFFC000;
	s26 =	simm.s32 $0x10800  }
.LBB2_8:
0xe0: {  	s1 =	sor.u32 s24, s1  }
0xe1: {  	s7 =	sor.u32 s22, s1  }
0xe2: {  	s7 =	sshrl.u32 s7, $0x3  }
0xe3: {  	s8 =	sor.u32 s28, s1;
	s7 =	sadd.s32 s4, s7  }
0xe4: {  	[tilespmem:s13], [sflag:$0x5] =	stream.linear.gather [hbm4b:s7+s2], $0x800, $0x38;
	[tilespmem:$0x15800] =	vst v63  }
0xe5: {  	s7 =	sshrl.u32 s8, $0x3  }
0xe6: {  	s12 =	sor.u32 s29, s1;
	s7 =	sadd.s32 s4, s7  }
0xe7: {  	[tilespmem:s26], [sflag:$0x5] =	stream.linear.gather [hbm4b:s7+s2], $0x800, $0x38;
	[tilespmem:$0x15800] =	vst v63  }
0xe8: {  	s7 =	sshrl.u32 s12, $0x3  }
0xe9: {  	s8 =	sadd.s32 s4, s7;
	s7 =	simm.s32 $0x11000  }
0xea: {  	[tilespmem:s7], [sflag:$0x5] =	stream.linear.gather [hbm4b:s8+s2], $0x800, $0x38;
	[tilespmem:$0x15800] =	vst v63  }
0xeb: {  	_ =	swait.ge [sflag:s30], $0x800  }
0xec: {  	[sflag:s30] =	ssyncset.done $0x0  }
0xed: {  	[sflag:s30] =	ssyncadd.s32 $0xFFFFF800  }
0xee: {  	_ =	swait.ge [sflag:s30], $0x800  }
0xef: {  	[sflag:s30] =	ssyncset.done $0x0  }
0xf0: {  	[sflag:s30] =	ssyncadd.s32 $0xFFFFF800  }
0xf1: {  	_ =	swait.ge [sflag:s30], $0x800  }
0xf2: {  	[sflag:s30] =	ssyncset.done $0x0  }
0xf3: {  	[sflag:s30] =	ssyncadd.s32 $0xFFFFF800  }
0xf4: {  	p0 =	por p1, p1;
	v9 =	vor.u32 s2, v0;
	s12 =	simm.s32 $0x80;
	s8 =	simm.s32 $0x0;
	v8 =	vld [tilespmem:s7+$0xFFFFF000]  }
.LBB2_9:
0xf5: {  	p1 =	sne.s32 s12, $0x3F80;
	_ =	sdelay $0x3  }
0xf6: {  	[tilespmem:v9+s31+$0x0] =	vst.idx.msk $0xffff, v8  }
0xf7: {  	v9 =	vor.u32 s8, v1;
	v8 =	vld [tilespmem:s7+$0xFFFFF800];
	_ =	sdelay $0x4  }
0xf8: {  	[tilespmem:v9+s31+$0x0] =	vst.idx.msk $0xffff, v8  }
0xf9: {  	v9 =	vor.u32 s8, v2;
	s8 =	smov.u32 s12;
	v8 =	vld [tilespmem:s7+$0x0];
	_ =	sdelay $0x1  }
.Ltmp3:
0xfa: {  	(pc) =	sbr.rel @p1 .LBB2_9-.Ltmp3, $3  }
0xfb: {  	_ =	sdelay $0x1  }
0xfc: {  	s7 =	sadd.s32 $0x10, s7;
	[tilespmem:v9+s31+$0x0] =	vst.idx.msk $0xffff, v8  }
0xfd: {  	s12 =	sadd.s32 $0x80, s12;
	v9 =	vor.u32 s8, v0;
	v8 =	vld [tilespmem:s7+$0xFFFFF000]  }
0xfe: {  	_ =	sdelay $0x3  }
0xff: {  	[tilespmem:v9+s31+$0x0] =	vst.idx.msk $0xffff, v8  }
0x100: {  	v62 =	vor.u32 s8, v1;
	v8 =	vld [tilespmem:s7+$0xFFFFF800];
	_ =	sdelay $0x4  }
0x101: {  	[tilespmem:v62+s31+$0x0] =	vst.idx.msk $0xffff, v8  }
0x102: {  	v63 =	vor.u32 s8, v2;
	v8 =	vld [tilespmem:s7+$0x0];
	_ =	sdelay $0x4  }
.Ltmp4:
0x103: {  	s1 =	sadd.s32 s1, s25;
	[tilespmem:v63+s31+$0x0] =	vst.idx.msk $0xffff, v8;
	(pc) =	sbr.rel @p0 .LBB2_8-.Ltmp4, $4  }
0x104: {  	[hbm4b:s1+s3] =	stream.linear.scatter [tilespmem:s31], [sflag:$0x6], $0x4000, $0x38;
	[tilespmem:$0x15800] =	vst v63  }
0x105: {  	_ =	swait.ge [sflag:s0], $0x4000  }
0x106: {  	[sflag:s0] =	ssyncset.done $0x0  }
0x107: {  	p1 =	por $0x0, $0x0;
	s1 =	simm.s32 $0x800;
	[sflag:s0] =	ssyncadd.s32 $0xFFFFC000  }
0x108: {  	s2 =	rddreg [dreg:$0xd]  }
0x109: {  	s1 =	rddreg [dreg:$0xc];
	s2 =	sadd.s32 $0x1, s2  }
0x10a: {  	p0 =	sne.s32 s2, s1  }
.Ltmp5:
0x10b: {  	_ = 	snop;
	(pc) =	sbr.rel @p0 .LBB2_1-.Ltmp5, $1  }
0x10c: {  	_ =	sdelay $0x3  }
0x10d: {  	_ =	sfence.sel $0x180000  }
0x10e: {  	[bflag:$0x0] =	sbarrier.arrive $0xFFFF  }
0x10f: {  	_ =	strace $0x90000047  }
0x110: {  	s0 =	stileid.u32;
	[bflag:$0x2] =	sbarrier.arrive $0xFFFF  }
0x111: {  	p0 =	sne.s32 s0, $0x0;
	s0 =	rddreg [dreg:$0x2]  }
0x112: {  	s0 =	sadd.s32 @!p0 $0x100000, s0  }
0x113: {  	[sflag:s0] =	ssyncadd.tile.s32 @!p0 $0x1;
	_ =	shalt  }
.Lfunc_end2:
_tile_overlayer_lowered:
.L_overlay_start_2:
0x114: {  	(tag) =	ssettag $0x2  }
0x115: {  	s0 =	rddreg [dreg:$0x0];
	s2 =	stileid.u32  }
0x116: {  	s1 =	rddreg [dreg:$0x1];
	p0 =	sne.s32 s2, $0x0  }
0x117: {  	s3 =	rddreg [dreg:$0x2];
	[bflag:$0x3] =	sbarrier.arrive $0xFFFF;
	s2 =	simm.s32 @!p0 $0x1C06  }
0x118: {  	[timem:s3], [sflag:s2] =	dma.local @!p0 [hbm:s0], s1  }
0x119: {  	s0 =	simm.s32 @!p0 $0x6  }
0x11a: {  	_ =	swait.ge @!p0 [sflag:s0], s1  }
0x11b: {  	s1 =	ssub.s32 @!p0 $0x0, s1;
	[sflag:s0] =	ssyncset.done @!p0 $0x0  }
0x11c: {  	[sflag:s0] =	ssyncadd.s32 @!p0 s1  }
0x11d: {  	[bflag:$0x3] =	sbarrier.arrive $0xFFFF  }
0x11e: {  	_ =	shalt  }

// kernel: kernel.8.cloned.1.call-start
scs
__scs_entry_jumppad:
0x0: {  	(pc) =	sbr.rel $0x88, $3  }
0x1: {  	(tag) =	ssettag $0x0;
	lr =	simm.s32 $0x1  }
0x2: {  	[smem:$0x3F9F] =	sst lr;
	_ =	strace $0xD0000000  }
0x3: {  	_ = 	snop  }
0x4: {  	_ = 	snop  }
0x5: {  	_ = 	snop  }
0x6: {  	_ = 	snop  }
0x7: {  	_ = 	snop  }
__scs_overlays_trampoline_lowered:
0x8: {  	[smem:$0x3FAE] =	sst s0  }
0x9: {  	[smem:$0x3FAF] =	sst s1  }
0xa: {  	[smem:$0x3FB0] =	sst s2  }
0xb: {  	[smem:$0x3FB1] =	sst s3  }
0xc: {  	[smem:$0x3FB2] =	sst s4  }
0xd: {  	[smem:$0x3FB3] =	sst s5  }
0xe: {  	[smem:$0x3FB4] =	sst s6  }
0xf: {  	[smem:$0x3FB5] =	sst s7  }
0x10: {  	[smem:$0x3FB6] =	sst s8  }
0x11: {  	[smem:$0x3FB7] =	sst s9;
	s0 =	simm.s32 @!p0 $0x0  }
0x12: {  	s1 =	sld [smem:$0x3F9D];
	s0 =	simm.s32 @p0 $0x1  }
0x13: {  	[smem:$0x3FB8] =	sst s0;
	s0 =	simm.s32 @!p1 $0x0  }
0x14: {  	s2 =	sld [smem:$0x3F9C];
	s0 =	simm.s32 @p1 $0x1  }
0x15: {  	[smem:$0x3FB9] =	sst s0;
	s0 =	simm.s32 @!p2 $0x0  }
0x16: {  	s3 =	sld [smem:$0x3FDB];
	s0 =	simm.s32 @p2 $0x1  }
0x17: {  	s4 =	simm.s32 $0x1BF5;
	[smem:$0x3FBB] =	sst s0  }
0x18: {  	s0 =	sld [smem:$0x3F9E];
	_ =	swait.ge [sflag:s4], $0x0  }
0x19: {  	s7 =	sld [smem:$0x3F9F]  }
0x1a: {  	s8 =	sadd.s32 $0xFFFFE003, lr  }
0x1b: {  	s9 =	sadd.s32 $0xFFFFFEF7, lr;
	s5 =	simm.s32 $0xFFFFFFFF;
	p2 =	slt.u32 s8, $0xFFFFF086  }
0x1c: {  	p1 =	slt.u32 s9, $0xF7A;
	s5 =	simm.s32 @!p2 $0x0  }
0x1d: {  	s5 =	simm.s32 @p1 $0x1;
	p0 =	seq.s32 s7, s2  }
0x1e: {  	s7 =	smul.u32 @!p0 $0xF7A, s2;
	p2 =	seq.s32 @!p0 s5, $0x0  }
0x1f: {  	s9 =	smul.u32 $0xF7A, s1;
	s8 =	simm.s32 @!p0 $0x1BF5;
	p2 =	por !p2, p0  }
0x20: {  	[sflag:s8] =	ssyncset.s32 @!p0 $0xFFFFF086;
	s6 =	sadd.s32 @!p0 s3, s7;
	s7 =	simm.s32 @!p0 $0x108  }
0x21: {  	s3 =	sadd.s32 s3, s9;
	s6 =	sadd.s32 @!p0 $0x88, s6;
	s7 =	simm.s32 @p2 $0x1082  }
0x22: {  	[simem:s7], [sflag:s8] =	dma.local @!p0 [hbm:s6], $0xF7A  }
0x23: {  	s9 =	sor.u32 $0xD0000000, s2;
	s6 =	simm.s32 $0x108;
	_ =	swait.ge @!p0 [sflag:s8], $0x0  }
0x24: {  	s3 =	sadd.s32 $0x88, s3;
	s6 =	simm.s32 @!p1 $0x1082;
	[sflag:s4] =	ssyncset.s32 $0xFFFFF086  }
0x25: {  	[simem:s6], [sflag:s4] =	dma.local [hbm:s3], $0xF7A  }
0x26: {  	[smem:$0x3F9F] =	sst s1;
	(tag) =	ssettag s2;
	_ =	strace s9  }
0x27: {  	s1 =	sld [smem:$0x3FAF]  }
0x28: {  	s2 =	sld [smem:$0x3FB0]  }
0x29: {  	s4 =	sld [smem:$0x3FB2]  }
0x2a: {  	p0 =	seq.s32 s5, $0x0;
	s5 =	sld [smem:$0x3FB3]  }
0x2b: {  	s6 =	sld [smem:$0x3FB4]  }
0x2c: {  	s7 =	sld [smem:$0x3FB5]  }
0x2d: {  	s3 =	simm.s32 $0x108;
	s8 =	sld [smem:$0x3FB6]  }
0x2e: {  	s3 =	simm.s32 @!p0 $0x1082;
	s9 =	sld [smem:$0x3FB7]  }
0x2f: {  	lr =	sadd.s32 s0, s3;
	s0 =	sld [smem:$0x3FAE]  }
0x30: {  	s3 =	sld [smem:$0x3FB1]  }
0x31: {  	[smem:$0x3FBA] =	sst s10  }
0x32: {  	s10 =	sld [smem:$0x3FB8];
	_ =	sdelay $0x3  }
0x33: {  	p0 =	seq.s32 s10, $0x1;
	s10 =	sld [smem:$0x3FBA];
	_ =	sdelay $0x3  }
0x34: {  	[smem:$0x3FBA] =	sst s10  }
0x35: {  	s10 =	sld [smem:$0x3FB9];
	_ =	sdelay $0x3  }
0x36: {  	p1 =	seq.s32 s10, $0x1;
	s10 =	sld [smem:$0x3FBA];
	_ =	sdelay $0x3  }
0x37: {  	[smem:$0x3FBA] =	sst s10  }
0x38: {  	s10 =	sld [smem:$0x3FBB]  }
0x39: {  	_ = 	snop;
	(pc) =	sbr.ind lr, $3  }
0x3a: {  	_ = 	snop  }
0x3b: {  	_ = 	snop  }
0x3c: {  	p2 =	seq.s32 s10, $0x1;
	s10 =	sld [smem:$0x3FBA]  }
0x3d: {  	_ =	shalt  }
0x3e: {  	_ =	shalt  }
0x3f: {  	_ =	shalt  }
0x40: {  	_ =	shalt  }
0x41: {  	_ =	shalt  }
0x42: {  	_ =	shalt  }
0x43: {  	_ =	shalt  }
0x44: {  	_ =	shalt  }
0x45: {  	_ =	shalt  }
0x46: {  	_ =	shalt  }
0x47: {  	_ =	shalt  }
0x48: {  	_ =	shalt  }
0x49: {  	_ =	shalt  }
0x4a: {  	_ =	shalt  }
0x4b: {  	_ =	shalt  }
0x4c: {  	_ =	shalt  }
0x4d: {  	_ =	shalt  }
0x4e: {  	_ =	shalt  }
0x4f: {  	_ =	shalt  }
0x50: {  	_ =	shalt  }
0x51: {  	_ =	shalt  }
0x52: {  	_ =	shalt  }
0x53: {  	_ =	shalt  }
0x54: {  	_ =	shalt  }
0x55: {  	_ =	shalt  }
0x56: {  	_ =	shalt  }
0x57: {  	_ =	shalt  }
0x58: {  	_ =	shalt  }
0x59: {  	_ =	shalt  }
0x5a: {  	_ =	shalt  }
0x5b: {  	_ =	shalt  }
0x5c: {  	_ =	shalt  }
0x5d: {  	_ =	shalt  }
0x5e: {  	_ =	shalt  }
0x5f: {  	_ =	shalt  }
0x60: {  	_ =	shalt  }
0x61: {  	_ =	shalt  }
0x62: {  	_ =	shalt  }
0x63: {  	_ =	shalt  }
0x64: {  	_ =	shalt  }
0x65: {  	_ =	shalt  }
0x66: {  	_ =	shalt  }
0x67: {  	_ =	shalt  }
0x68: {  	_ =	shalt  }
0x69: {  	_ =	shalt  }
0x6a: {  	_ =	shalt  }
0x6b: {  	_ =	shalt  }
0x6c: {  	_ =	shalt  }
0x6d: {  	_ =	shalt  }
0x6e: {  	_ =	shalt  }
0x6f: {  	_ =	shalt  }
0x70: {  	_ =	shalt  }
0x71: {  	_ =	shalt  }
0x72: {  	_ =	shalt  }
0x73: {  	_ =	shalt  }
0x74: {  	_ =	shalt  }
0x75: {  	_ =	shalt  }
0x76: {  	_ =	shalt  }
0x77: {  	_ =	shalt  }
0x78: {  	_ =	shalt  }
0x79: {  	_ =	shalt  }
0x7a: {  	_ =	shalt  }
0x7b: {  	_ =	shalt  }
0x7c: {  	_ =	shalt  }
0x7d: {  	_ =	shalt  }
0x7e: {  	_ =	shalt  }
0x7f: {  	_ =	shalt  }
0x80: {  	_ =	shalt  }
0x81: {  	_ =	shalt  }
0x82: {  	_ =	shalt  }
0x83: {  	_ =	shalt  }
0x84: {  	_ =	shalt  }
0x85: {  	_ =	shalt  }
0x86: {  	_ =	shalt  }
0x87: {  	_ =	shalt  }
.Lfunc_end0:
.L_simem_size_0:
called_computation.1_lowered:
.L_overlay_start_0:
0x88: {  	s2 =	sld [smem:$0x3FD9]  }
0x89: {  	s3 =	sld [smem:$0x3FFE];
	_ =	sdelay $0x1  }
0x8a: {  	s1 =	srdreg.scid  }
0x8b: {  	s0 =	sand.u32 $0x1, s1  }
0x8c: {  	s16 =	sshll.u32 s0, $0xA;
	s2 =	sadd.s32 s3, s2  }
0x8d: {  	s2 =	sadd.s32 s2, s16  }
0x8e: {  	[smem:$0x3FC6] =	sst s2  }
0x8f: {  	_ = 	snop  }
0x90: {  	(tm) =	ssettm $0x1  }
0x91: {  	s17 =	sld [smem:$0x3FFB];
	_ =	sdelay $0x3  }
0x92: {  	_ =	strace s17  }
0x93: {  	s2 =	sld [smem:$0x3FFC];
	_ =	sdelay $0x3  }
0x94: {  	_ =	strace s2  }
0x95: {  	s2 =	sld [smem:$0x3FFD];
	_ =	sdelay $0x3  }
0x96: {  	_ =	strace s2  }
0x97: {  	_ =	strace $0x8FFFFFFF  }
0x98: {  	s18 =	sld [smem:$0x3FDB];
	_ =	sdelay $0x1  }
0x99: {  	s19 =	simm.s32 $_scs_section_size  }
0x9a: {  	s4 =	simm.s32 $_size__tile_overlayer_lowered;
	s5 =	simm.s32 $_tile_overlayer_lowered  }
0x9b: {  	s22 =	simm.s32 $0x1BFF;
	s21 =	sshll.u32 s5, $0x1;
	s2 =	sadd.s32 s19, s18  }
0x9c: {  	s6 =	simm.s32 $0x0;
	s20 =	sshll.u32 s4, $0x1;
	s4 =	sadd.s32 s21, s2  }
0x9d: {  	[timem:s6], [sflag:s22] =	dma.local [hbm:s4], s20  }
0x9e: {  	_ =	swait.ge [sflag:s22], s20  }
0x9f: {  	s3 =	ssub.s32 $0x0, s20;
	[sflag:s22] =	ssyncset.done $0x0  }
0xa0: {  	[sflag:s22] =	ssyncadd.s32 s3;
	_ =	sdelay $0x1  }
0xa1: {  	s23 =	simm.s32 $0x1B8B  }
0xa2: {  	_ =	swait.ge [sflag:s23], $0x1  }
0xa3: {  	[sflag:s23] =	ssyncset.done $0x0  }
0xa4: {  	s25 =	simm.s32 $0x1B8E;
	s24 =	sld [smem:$0x3FFE];
	[sflag:s23] =	ssyncadd.s32 $0xFFFFFFFF  }
0xa5: {  	s26 =	simm.s32 $execute0_lowered;
	[smem:$0x3FD2] =	sst s25  }
0xa6: {  	s4 =	sshll.u32 s26, $0x1;
	_ =	strace $0x80000049;
	[dreg:$0x1] =	wrdreg $0xFFFFFFFF  }
0xa7: {  	s28 =	simm.s32 $_size_execute0_lowered;
	s2 =	sadd.s32 s2, s4;
	[dreg:$0x0] =	wrdreg $0x0  }
0xa8: {  	s4 =	sshll.u32 s28, $0x1;
	[dreg:$0x2] =	wrdreg s2  }
0xa9: {  	[dreg:$0x3] =	wrdreg s4  }
0xaa: {  	[dreg:$0x4] =	wrdreg $0xC0  }
0xab: {  	_ =	task [dreg:s6], $0x5FFFF  }
0xac: {  	[dreg:$0x1] =	wrdreg $0xFFFFFFFF  }
0xad: {  	[dreg:$0x0] =	wrdreg $0x60  }
0xae: {  	[dreg:$0x2] =	wrdreg s24  }
0xaf: {  	[dreg:$0x3] =	wrdreg $0x9  }
0xb0: {  	_ =	task.clear_ibuf [dreg:s6], $0x4FFFF;
	_ =	strace $0x90000049  }
0xb1: {  	s29 =	simm.s32 $0x9;
	_ =	strace $0x8000004B  }
0xb2: {  	_ =	swait.ge [sflag:s29], $0x1  }
0xb3: {  	[sflag:s29] =	ssyncadd.s32 $0xFFFFFFFF  }
0xb4: {  	_ =	strace $0x9000004B  }
0xb5: {  	_ =	sfence  }
0xb6: {  	s30 =	sld [smem:$0x0];
	_ =	sdelay $0x2  }
0xb7: {  	s31 =	sshll.u32 s1, $0xD;
	s1 =	sshrl.u32 s1, $0x2  }
0xb8: {  	s3 =	sand.u32 $0x4000, s31;
	s1 =	sadd.s32 s1, s30  }
0xb9: {  	s0 =	sor.u32 s3, s0;
	s1 =	sshll.u32 s1, $0x11  }
0xba: {  	s0 =	sor.u32 s1, s0  }
0xbb: {  	s0 =	sadd.s32 $0x8F2B, s0  }
0xbc: {  	[sflag:s0] =	ssyncadd.remote.s32 $0x1  }
0xbd: {  	_ =	sfence.sel $0xFFFF  }
0xbe: {  	[dreg:$0x0] =	wrdreg $0xFFFFFFFF;
	(pc) =	sbr.abs _section_cstart, $3  }
0xbf: {  	[dreg:$0x1] =	wrdreg $0xFFFFFFFF  }
0xc0: {  	_ =	task.clear_ibuf [dreg:s6], $0x2FFFF;
	_ =	strace $0x9FFFFFFF  }
0xc1: {  	(tm) =	ssettm $0x7FFFFFFF  }
tec
execute0_lowered:
.L_overlay_start_1:
0x0: {  	(tag) =	ssettag $0x1  }
0x1: {  	s0 =	rddreg [dreg:$0x0];
	s1 =	simm.s32 $0x0  }
0x2: {  	s21 =	srdreg.scid;
	s6 =	stileid.u32;
	s20 =	simm.s32 $0x4000  }
0x3: {  	s28 =	simm.s32 $0x10000;
	s30 =	simm.s32 $0x14000;
	s16 =	simm.s32 $0x12000  }
0x4: {  	s18 =	simm.s32 $0x16000;
	s19 =	simm.s32 $0xE000;
	s31 =	simm.s32 $0x3  }
0x5: {  	[smem:$0x7FF] =	sst s1;
	s9 =	sadd.s32 $0xD000, s0;
	s2 =	sadd.s32 $0x10D000, s0  }
0x6: {  	s3 =	sadd.s32 $0x1000, s0;
	s4 =	sshll.u32 s6, $0x1;
	s10 =	sadd.s32 $0x12D000, s0  }
0x7: {  	s6 =	sshrl.u32 s6, $0x1;
	_ =	strace $0x8000004A;
	[dreg:$0x3] =	wrdreg s2  }
0x8: {  	s11 =	sadd.s32 $0x131000, s0;
	s7 =	smul.u32 $0xC000, s6;
	[dreg:$0x4] =	wrdreg s10  }
0x9: {  	s2 =	sand.u32 $0x1, s21;
	s8 =	smul.u32 $0x1800, s6;
	[dreg:$0x5] =	wrdreg s11  }
0xa: {  	s6 =	sshll.u32 s6, $0x11;
	[dreg:$0x2] =	wrdreg s9;
	s4 =	sor.u32 s2, s4  }
0xb: {  	s21 =	simm.s32 $0x8000;
	s2 =	ssub.s32 $0x2, s2;
	s5 =	sshll.u32 s4, $0x1  }
0xc: {  	s22 =	sshrl.u32 s2, $0x1;
	s23 =	sand.u32 $0x3, s4;
	s12 =	sshll.u32 s4, $0xF  }
0xd: {  	s7 =	sshrl.u32 s7, $0x3;
	s8 =	sadd.s32 s3, s8;
	s4 =	sshll.u32 s4, $0xC  }
0xe: {  	s0 =	sadd.s32 s5, s0;
	s2 =	ssub.s32 s2, s22;
	[dreg:$0x8] =	wrdreg s8  }
0xf: {  	s13 =	sshll.u32 s23, $0xF;
	s3 =	sadd.s32 s3, s7;
	[dreg:$0x6] =	wrdreg s12  }
0x10: {  	s5 =	sshll.u32 s23, $0xC;
	s25 =	sadd.s32 s9, s12;
	[dreg:$0x7] =	wrdreg s13  }
0x11: {  	s4 =	sadd.s32 s11, s4;
	s22 =	simm.s32 $0x1C000;
	[dreg:$0xd] =	wrdreg s25  }
0x12: {  	s23 =	simm.s32 $0x1C800;
	s7 =	sadd.s32 $0x800, s3;
	[dreg:$0xc] =	wrdreg s4  }
0x13: {  	s9 =	simm.s32 $0x1C400;
	s3 =	sadd.s32 $0x1000, s3;
	[dreg:$0x9] =	wrdreg s7  }
0x14: {  	s24 =	sadd.s32 s10, s5;
	s26 =	sadd.s32 $0x80, s4;
	[dreg:$0xa] =	wrdreg s3  }
0x15: {  	s0 =	sadd.s32 $0x151000, s0;
	s29 =	smax.u32 s2, $0x1;
	[dreg:$0xb] =	wrdreg s24  }
0x16: {  	s4 =	simm.s32 $0x5;
	s2 =	simm.s32 $0xC000;
	[dreg:$0xf] =	wrdreg s26  }
0x17: {  	v3 =	vlaneseq.u32;
	s10 =	simm.s32 $0x1CC00;
	s13 =	simm.s32 $0x1A000;
	[dreg:$0x10] =	wrdreg s0  }
0x18: {  	v1 =	vshrl.u32 v3, $0x3;
	v2 =	vand.u32 $0x7, v3;
	s5 =	simm.s32 $0x0;
	s3 =	sadd.s32 $0x80, s24;
	[dreg:$0x11] =	wrdreg s29  }
0x19: {  	v3 =	vmul.u32 $0x8, v3;
	v1 =	vmul.u32 $0x8, v1;
	v0 =	vmov s6;
	s0 =	simm.s32 $0x18000;
	s26 =	simm.s32 $0x4;
	[dreg:$0xe] =	wrdreg s3  }
.LBB2_1:
0x1a: {  	[dreg:$0x12] =	wrdreg s5  }
0x1b: {  	s3 =	rddreg [dreg:$0x8]  }
0x1c: {  	[tilespmem:s1], [sflag:$0x5] =	stream.linear.gather [hbm4b:s3+s1], $0x4000, $0x38;
	[tilespmem:$0x1E810] =	vst v63  }
0x1d: {  	_ =	swait.ge [sflag:s4], $0x4000  }
0x1e: {  	[sflag:s4] =	ssyncset.done $0x0  }
0x1f: {  	s11 =	rddreg [dreg:$0x9];
	[sflag:s4] =	ssyncadd.s32 $0xFFFFC000  }
0x20: {  	[tilespmem:s20], [sflag:$0x5] =	stream.linear.gather [hbm4b:s11+s1], $0x4000, $0x38;
	[tilespmem:$0x1E810] =	vst v63  }
0x21: {  	_ =	swait.ge [sflag:s4], $0x4000  }
0x22: {  	[sflag:s4] =	ssyncset.done $0x0  }
0x23: {  	s12 =	rddreg [dreg:$0xa];
	[sflag:s4] =	ssyncadd.s32 $0xFFFFC000  }
0x24: {  	[tilespmem:s21], [sflag:$0x5] =	stream.linear.gather [hbm4b:s12+s1], $0x4000, $0x38;
	[tilespmem:$0x1E810] =	vst v63  }
0x25: {  	_ =	swait.ge [sflag:s4], $0x4000  }
0x26: {  	[sflag:s4] =	ssyncset.done $0x0  }
0x27: {  	s14 =	rddreg [dreg:$0xb];
	[sflag:s4] =	ssyncadd.s32 $0xFFFFC000  }
0x28: {  	[tilespmem:s22], [sflag:$0x1] =	stream.linear.gather [hbm4b:s14+s1], $0x400, $0x38;
	[tilespmem:$0x1E810] =	vst v63  }
0x29: {  	v4 =	vmov s1;
	s17 =	simm.s32 $0x1;
	s15 =	rddreg [dreg:$0xc]  }
0x2a: {  	v4 =	vshll.u32 v4, $0x3;
	[tilespmem:s23], [sflag:$0x1] =	stream.linear.gather [hbm4b:s15+s1], $0x400, $0x38;
	[tilespmem:$0x1E810] =	vst v63  }
0x2b: {  	v4 =	vor.u32 v1, v4;
	_ =	swait.ge [sflag:s17], $0x400  }
0x2c: {  	v4 =	vor.u32 v2, v4;
	[sflag:s17] =	ssyncset.done $0x0  }
0x2d: {  	[sflag:s17] =	ssyncadd.s32 $0xFFFFFC00  }
0x2e: {  	_ =	swait.ge [sflag:s17], $0x400  }
0x2f: {  	[sflag:s17] =	ssyncset.done $0x0  }
0x30: {  	[sflag:s17] =	ssyncadd.s32 $0xFFFFFC00  }
0x31: {  	v5 =	vld.idx.msk [tilespmem:v4+s22+$0x0], $0xffff  }
0x32: {  	v6 =	vld.idx.msk [tilespmem:v4+s23+$0x0], $0xffff  }
0x33: {  	s24 =	simm.s32 $0x2  }
0x34: {  	v4 =	vmov s24  }
0x35: {  	v4 =	vshll.u32 v4, $0x3  }
0x36: {  	s25 =	simm.s32 $0x1D000;
	v4 =	vor.u32 v1, v4;
	v5 =	vadd.s32 v0, v5  }
0x37: {  	s7 =	simm.s32 $0x4;
	s29 =	simm.s32 $0x1D800;
	s5 =	simm.s32 $0x1D000;
	v4 =	vor.u32 v2, v4;
	v7 =	vshra.s32 v6, $0x3;
	[tilespmem:s25+$0x0] =	vst v5  }
0x38: {  	s6 =	simm.s32 $0x1E000;
	s3 =	simm.s32 $0x1E010;
	s4 =	simm.s32 $0x1D800;
	v5 =	vand.u32 $0x3FFF, v6;
	[tilespmem:s29+$0x0] =	vst v6;
	v6 =	vand.u32 $0xFFFFC000, v7  }
.LBB2_2:
0x39: {  	s5 =	sadd.s32 $0x10, s5  }
0x3a: {  	v5 =	vor.u32 v5, v6;
	s4 =	sadd.s32 $0x10, s4;
	s8 =	smov.u32 s7;
	s11 =	sadd.s32 $0x2, s7  }
0x3b: {  	p0 =	sne.s32 s7, $0x7E;
	[tilespmem:s6+$0x0] =	vst v5;
	s6 =	smov.u32 s3  }
0x3c: {  	v5 =	vld.idx.msk [tilespmem:v4+s22+$0x0], $0xffff  }
0x3d: {  	v6 =	vld.idx.msk [tilespmem:v4+s23+$0x0], $0xffff;
	_ =	sdelay $0x1  }
0x3e: {  	v4 =	vmov s8  }
.Ltmp0:
0x3f: {  	v4 =	vshll.u32 v4, $0x3;
	(pc) =	sbr.rel @p0 .LBB2_2-.Ltmp0, $4  }
0x40: {  	v4 =	vor.u32 v1, v4  }
0x41: {  	v4 =	vor.u32 v2, v4;
	v5 =	vadd.s32 v0, v5  }
0x42: {  	v7 =	vshra.s32 v6, $0x3;
	[tilespmem:s5+$0x0] =	vst v5;
	v5 =	vand.u32 $0x3FFF, v6  }
0x43: {  	s3 =	sadd.s32 $0x10, s3;
	s7 =	smov.u32 s11;
	[tilespmem:s4+$0x0] =	vst v6;
	v6 =	vand.u32 $0xFFFFC000, v7  }
0x44: {  	_ =	sdelay $0x1  }
0x45: {  	v5 =	vor.u32 v5, v6  }
0x46: {  	[tilespmem:s6+$0x0] =	vst v5  }
0x47: {  	v5 =	vld.idx.msk [tilespmem:v4+s22+$0x0], $0xffff  }
0x48: {  	v4 =	vld.idx.msk [tilespmem:v4+s23+$0x0], $0xffff;
	_ =	sdelay $0x4  }
0x49: {  	s5 =	sadd.s32 $0x10, s5;
	v5 =	vadd.s32 v0, v5;
	v6 =	vshra.s32 v4, $0x3  }
0x4a: {  	s4 =	sadd.s32 $0x10, s4;
	[tilespmem:s5+$0x0] =	vst v5;
	v5 =	vand.u32 $0x3FFF, v4;
	v6 =	vand.u32 $0xFFFFC000, v6  }
0x4b: {  	[tilespmem:s4+$0x0] =	vst v4;
	v4 =	vor.u32 v5, v6  }
0x4c: {  	s7 =	rddreg [dreg:$0x2];
	s8 =	simm.s32 $0x400;
	s11 =	simm.s32 $0x1D000;
	[tilespmem:s3+$0x0] =	vst v4  }
0x4d: {  	[tilespmem:s28], [sflag:$0x3] =	stream.indirect.gather [hbm4b:s7+s8], $0x8, s11, s8, $0xb8;
	[tilespmem:$0x1E810] =	vst v63  }
0x4e: {  	s12 =	simm.s32 $0x1D800  }
0x4f: {  	[tilespmem:s30], [sflag:$0x3] =	stream.indirect.gather [hbm4b:s7+s8], $0x8, s12, s8, $0xb8;
	[tilespmem:$0x1E810] =	vst v63  }
0x50: {  	s14 =	rddreg [dreg:$0x3];
	s15 =	simm.s32 $0x1E000  }
0x51: {  	[tilespmem:s0], [sflag:$0x3] =	stream.indirect.gather [hbm4b:s14+s8], $0x8, s15, s8, $0xb8;
	[tilespmem:$0x1E810] =	vst v63  }
0x52: {  	s17 =	simm.s32 $0x0;
	s24 =	rddreg [dreg:$0xd]  }
0x53: {  	[tilespmem:s2], [sflag:$0x3] =	stream.linear.gather [hbm4b:s24+s17], $0x2000, $0x38;
	[tilespmem:$0x1E810] =	vst v63  }
0x54: {  	s25 =	rddreg [dreg:$0xe]  }
0x55: {  	[tilespmem:s9], [sflag:$0x2] =	stream.linear.gather [hbm4b:s25+s17], $0x400, $0x38;
	[tilespmem:$0x1E810] =	vst v63  }
0x56: {  	s29 =	rddreg [dreg:$0xf]  }
0x57: {  	[tilespmem:s10], [sflag:$0x2] =	stream.linear.gather [hbm4b:s29+s17], $0x400, $0x38;
	[tilespmem:$0x1E810] =	vst v63  }
0x58: {  	v4 =	vimm.f32 $0.0e+00;
	s12 =	simm.s32 $0x0;
	s15 =	simm.s32 $0x0;
	s17 =	simm.s32 $0x0  }
.LBB2_4:
0x59: {  	s3 =	simm.s32 $0x0  }
0x5a: {  	v5 =	vmov s3  }
0x5b: {  	s25 =	simm.s32 $0x2;
	v5 =	vshll.u32 v5, $0x3  }
0x5c: {  	_ =	swait.ge [sflag:s25], $0x400;
	v5 =	vor.u32 v1, v5  }
0x5d: {  	[sflag:s25] =	ssyncset.done $0x0;
	v5 =	vor.u32 v2, v5  }
0x5e: {  	[sflag:s25] =	ssyncadd.s32 $0xFFFFFC00  }
0x5f: {  	_ =	swait.ge [sflag:s25], $0x400  }
0x60: {  	[sflag:s25] =	ssyncset.done $0x0  }
0x61: {  	[sflag:s25] =	ssyncadd.s32 $0xFFFFFC00  }
0x62: {  	v6 =	vld.idx.msk [tilespmem:v5+s9+$0x0], $0xffff  }
0x63: {  	v7 =	vld.idx.msk [tilespmem:v5+s10+$0x0], $0xffff  }
0x64: {  	s29 =	sshll.u32 s15, $0xA;
	s4 =	simm.s32 $0x2  }
0x65: {  	s7 =	sshll.u32 s17, $0xB;
	s14 =	simm.s32 $0x1E400;
	s11 =	simm.s32 $0x4;
	v5 =	vmov s4  }
0x66: {  	s8 =	simm.s32 $0x1E410;
	s3 =	sand.u32 $0x3C00, s29;
	s24 =	sand.u32 $0x3800, s7;
	v5 =	vshll.u32 v5, $0x3  }
0x67: {  	s7 =	simm.s32 $0x1DC00;
	s5 =	sadd.s32 $0x4400, s3;
	s4 =	simm.s32 $0x1D400;
	v5 =	vor.u32 v1, v5;
	v6 =	vadd.s32 v0, v6  }
0x68: {  	s6 =	sadd.s32 $0x8400, s3;
	s3 =	sadd.s32 $0x400, s3;
	[dreg:$0x13] =	wrdreg s5;
	v5 =	vor.u32 v2, v5;
	v8 =	vshra.s32 v7, $0x3;
	[tilespmem:s4+$0x0] =	vst v6  }
0x69: {  	[dreg:$0x14] =	wrdreg s3;
	s3 =	sor.u32 $0x8000, s24;
	s25 =	sor.u32 $0x4000, s24;
	v6 =	vand.u32 $0x3FFF, v7;
	[tilespmem:s7+$0x0] =	vst v7;
	v7 =	vand.u32 $0xFFFFC000, v8  }
.LBB2_5:
0x6a: {  	s4 =	sadd.s32 $0x10, s4  }
0x6b: {  	v6 =	vor.u32 v6, v7;
	s7 =	sadd.s32 $0x10, s7;
	s29 =	smov.u32 s11;
	s5 =	sadd.s32 $0x2, s11  }
0x6c: {  	p0 =	sne.s32 s11, $0x7E;
	[tilespmem:s14+$0x0] =	vst v6;
	s14 =	smov.u32 s8  }
0x6d: {  	v6 =	vld.idx.msk [tilespmem:v5+s9+$0x0], $0xffff  }
0x6e: {  	v7 =	vld.idx.msk [tilespmem:v5+s10+$0x0], $0xffff;
	_ =	sdelay $0x1  }
0x6f: {  	v5 =	vmov s29  }
.Ltmp1:
0x70: {  	v5 =	vshll.u32 v5, $0x3;
	(pc) =	sbr.rel @p0 .LBB2_5-.Ltmp1, $4  }
0x71: {  	v5 =	vor.u32 v1, v5  }
0x72: {  	v5 =	vor.u32 v2, v5;
	v6 =	vadd.s32 v0, v6  }
0x73: {  	v8 =	vshra.s32 v7, $0x3;
	[tilespmem:s4+$0x0] =	vst v6;
	v6 =	vand.u32 $0x3FFF, v7  }
0x74: {  	s8 =	sadd.s32 $0x10, s8;
	s11 =	smov.u32 s5;
	[tilespmem:s7+$0x0] =	vst v7;
	v7 =	vand.u32 $0xFFFFC000, v8  }
0x75: {  	_ =	sdelay $0x1  }
0x76: {  	v6 =	vor.u32 v6, v7  }
0x77: {  	[tilespmem:s14+$0x0] =	vst v6  }
0x78: {  	v6 =	vld.idx.msk [tilespmem:v5+s9+$0x0], $0xffff  }
0x79: {  	v5 =	vld.idx.msk [tilespmem:v5+s10+$0x0], $0xffff;
	_ =	sdelay $0x4  }
0x7a: {  	s4 =	sadd.s32 $0x10, s4;
	v6 =	vadd.s32 v0, v6;
	v7 =	vshra.s32 v5, $0x3  }
0x7b: {  	s5 =	sadd.s32 $0x10, s7;
	[tilespmem:s4+$0x0] =	vst v6;
	v6 =	vand.u32 $0x3FFF, v5;
	v7 =	vand.u32 $0xFFFFC000, v7  }
0x7c: {  	s29 =	rddreg [dreg:$0x2];
	[tilespmem:s5+$0x0] =	vst v5;
	v5 =	vor.u32 v6, v7  }
0x7d: {  	s14 =	rddreg [dreg:$0x3];
	s5 =	simm.s32 $0x400;
	[tilespmem:s8+$0x0] =	vst v5;
	s8 =	simm.s32 $0x1D400  }
0x7e: {  	[tilespmem:s16], [sflag:$0x4] =	stream.indirect.gather [hbm4b:s29+s5], $0x8, s8, s5, $0xb8;
	[tilespmem:$0x1E810] =	vst v63  }
0x7f: {  	s11 =	simm.s32 $0x1DC00;
	s7 =	sshll.u32 s12, $0xB;
	s8 =	rddreg [dreg:$0xd]  }
0x80: {  	[tilespmem:s18], [sflag:$0x4] =	stream.indirect.gather [hbm4b:s29+s5], $0x8, s11, s5, $0xb8;
	[tilespmem:$0x1E810] =	vst v63  }
0x81: {  	s4 =	sadd.s32 s7, s8;
	s29 =	simm.s32 $0x1E400;
	s11 =	sshll.u32 s12, $0x1  }
0x82: {  	[tilespmem:s13], [sflag:$0x4] =	stream.indirect.gather [hbm4b:s14+s5], $0x8, s29, s5, $0xb8;
	[tilespmem:$0x1E810] =	vst v63  }
0x83: {  	p0 =	seq.s32 s12, $0xF;
	s4 =	sadd.s32 $0x400, s4;
	s8 =	sadd.s32 $0x2, s11  }
0x84: {  	[tilespmem:s19], [sflag:$0x4] =	stream.linear.gather [hbm4b:s4+s1], $0x2000, $0x38;
	[tilespmem:$0x1E810] =	vst v63  }
0x85: {  	s5 =	rddreg [dreg:$0x7];
	s4 =	sshll.u32 @!p0 s8, $0xA  }
0x86: {  	s5 =	sadd.s32 @!p0 s5, s4  }
0x87: {  	s11 =	rddreg [dreg:$0x4];
	s5 =	sshrl.u32 @!p0 s5, $0x3  }
0x88: {  	s14 =	simm.s32 @!p0 $0x1C000;
	s5 =	sadd.s32 @!p0 s11, s5;
	s11 =	simm.s32 @!p0 $0x0  }
0x89: {  	[tilespmem:s14], [sflag:$0x1] =	stream.linear.gather @!p0 [hbm4b:s5+s11], $0x400, $0x38;
	[tilespmem:$0x1E810] =	vst v63  }
0x8a: {  	s5 =	rddreg [dreg:$0x6]  }
0x8b: {  	s4 =	sadd.s32 @!p0 s5, s4  }
0x8c: {  	s5 =	rddreg [dreg:$0x5];
	s4 =	sshrl.u32 @!p0 s4, $0x3  }
0x8d: {  	s4 =	sadd.s32 @!p0 s5, s4;
	s5 =	simm.s32 @!p0 $0x1C800  }
0x8e: {  	[tilespmem:s5], [sflag:$0x1] =	stream.linear.gather @!p0 [hbm4b:s4+s11], $0x400, $0x38;
	[tilespmem:$0x1E810] =	vst v63  }
0x8f: {  	_ =	swait.ge [sflag:s31], $0x2000  }
0x90: {  	[sflag:s31] =	ssyncset.done $0x0  }
0x91: {  	[sflag:s31] =	ssyncadd.s32 $0xFFFFE000  }
0x92: {  	_ =	swait.ge [sflag:s31], $0x2000  }
0x93: {  	[sflag:s31] =	ssyncset.done $0x0  }
0x94: {  	[sflag:s31] =	ssyncadd.s32 $0xFFFFE000  }
0x95: {  	s14 =	simm.s32 $0x0;
	_ =	swait.ge [sflag:s31], $0x2000  }
0x96: {  	v5 =	vmov s14;
	[sflag:s31] =	ssyncset.done $0x0  }
0x97: {  	v5 =	vshll.u32 v5, $0x3;
	[sflag:s31] =	ssyncadd.s32 $0xFFFFE000  }
0x98: {  	v6 =	vor.u32 v1, v5;
	_ =	swait.ge [sflag:s31], $0x2000  }
0x99: {  	v6 =	vor.u32 v2, v6;
	[sflag:s31] =	ssyncset.done $0x0  }
0x9a: {  	v5 =	vor.u32 v3, v5;
	[sflag:s31] =	ssyncadd.s32 $0xFFFFE000  }
0x9b: {  	v18 =	vld [tilespmem:s3+$0x0]  }
0x9c: {  	v14 =	vld [tilespmem:s24+$0x0]  }
0x9d: {  	v15 =	vld [tilespmem:s25+$0x0]  }
0x9e: {  	v7 =	vor.u32 $0x2, v5;
	v6 =	vld.idx.msk [tilespmem:v6+s22+$0x0], $0xffff  }
0x9f: {  	v8 =	vor.u32 $0x7, v5;
	v9 =	vld.idx.msk [tilespmem:v5+s0+$0x0], $0xffff  }
0xa0: {  	v10 =	vld.idx.msk [tilespmem:v5+s2+$0x0], $0xffff  }
0xa1: {  	v11 =	vld.idx.msk [tilespmem:v5+s28+$0x0], $0xffff  }
0xa2: {  	v12 =	vor.u32 $0x1, v5;
	v13 =	vld.idx.msk [tilespmem:v5+s30+$0x0], $0xffff  }
0xa3: {  	v16 =	vor.u32 $0x6, v5;
	v17 =	vld.idx.msk [tilespmem:v7+s0+$0x0], $0xffff  }
0xa4: {  	v19 =	vld.idx.msk [tilespmem:v8+s2+$0x0], $0xffff  }
0xa5: {  	v20 =	vld.idx.msk [tilespmem:v8+s28+$0x0], $0xffff  }
0xa6: {  	v21 =	vor.u32 $0x5, v5;
	v8 =	vld.idx.msk [tilespmem:v8+s30+$0x0], $0xffff  }
0xa7: {  	v22 =	vld.idx.msk [tilespmem:v12+s0+$0x0], $0xffff  }
0xa8: {  	v23 =	vld.idx.msk [tilespmem:v16+s2+$0x0], $0xffff  }
0xa9: {  	v24 =	vor.u32 $0x4, v5;
	v25 =	vld.idx.msk [tilespmem:v16+s28+$0x0], $0xffff  }
0xaa: {  	v16 =	vld.idx.msk [tilespmem:v16+s30+$0x0], $0xffff  }
0xab: {  	v26 =	vld.idx.msk [tilespmem:v21+s2+$0x0], $0xffff  }
0xac: {  	v27 =	vld.idx.msk [tilespmem:v21+s28+$0x0], $0xffff  }
0xad: {  	v21 =	vld.idx.msk [tilespmem:v21+s30+$0x0], $0xffff  }
0xae: {  	v28 =	vld.idx.msk [tilespmem:v24+s2+$0x0], $0xffff  }
0xaf: {  	v29 =	vld.idx.msk [tilespmem:v24+s28+$0x0], $0xffff  }
0xb0: {  	s29 =	simm.s32 $0x2;
	v5 =	vor.u32 $0x3, v5;
	v33 =	vld.idx.msk [tilespmem:v7+s2+$0x0], $0xffff  }
0xb1: {  	v32 =	vmov s29;
	s4 =	simm.s32 $0x10;
	v35 =	vld.idx.msk [tilespmem:v12+s2+$0x0], $0xffff  }
0xb2: {  	v32 =	vshll.u32 v32, $0x3;
	v34 =	vmov s4;
	v36 =	vld.idx.msk [tilespmem:v12+s28+$0x0], $0xffff  }
0xb3: {  	v32 =	vor.u32 v1, v32;
	v34 =	vshll.u32 v34, $0x3;
	v12 =	vld.idx.msk [tilespmem:v12+s30+$0x0], $0xffff  }
0xb4: {  	v32 =	vor.u32 v2, v32;
	v34 =	vor.u32 v3, v34;
	v39 =	vld.idx.msk [tilespmem:v7+s28+$0x0], $0xffff;
	v37 =	vsub.f32 v14, v9  }
0xb5: {  	v38 =	vor.u32 $0x7, v34;
	v30 =	vld.idx.msk [tilespmem:v5+s2+$0x0], $0xffff;
	v11 =	vsub.f32 v10, v11;
	v13 =	vsub.f32 v10, v13  }
0xb6: {  	v42 =	vor.u32 $0x6, v34;
	v31 =	vld.idx.msk [tilespmem:v5+s28+$0x0], $0xffff;
	v17 =	vsub.f32 v18, v17;
	v20 =	vsub.f32 v19, v20  }
0xb7: {  	v41 =	vld.idx.msk [tilespmem:v7+s30+$0x0], $0xffff;
	s25 =	sadd.s32 $0x10, s25;
	v40 =	vand.u32 $0x3FFF, v6;
	v22 =	vsub.f32 v15, v22;
	v43 =	vsub.f32 v19, v8  }
0xb8: {  	v7 =	vld [tilespmem:s25+$0x0];
	v10 =	vor.u32 $0x5, v34;
	v25 =	vsub.f32 v23, v25;
	v23 =	vsub.f32 v23, v16  }
0xb9: {  	s14 =	sadd.s32 $0x10, s3;
	v19 =	vld.idx.msk [tilespmem:v5+s30+$0x0], $0xffff;
	v6 =	vor.u32 $0x2, v34;
	v27 =	vsub.f32 v26, v27;
	v21 =	vsub.f32 v26, v21  }
0xba: {  	v5 =	vld [tilespmem:s14+$0x0];
	v12 =	vsub.f32 v35, v12;
	v60 =	vmul.f32 v11, v11;
	v11 =	vsub.f32 v33, v39  }
0xbb: {  	s24 =	sadd.s32 $0x10, s24;
	v16 =	vld.idx.msk [tilespmem:v24+s30+$0x0], $0xffff;
	v13 =	vmul.f32 v13, v13;
	v24 =	vsub.f32 v30, v31;
	v31 =	vsub.f32 v35, v36  }
0xbc: {  	v9 =	vor.u32 $0x1, v34;
	v8 =	vld [tilespmem:s24+$0x0];
	v12 =	vmul.f32 v12, v12;
	v62 =	vmul.f32 v17, v17  }
0xbd: {  	v33 =	vsub.f32 v33, v41;
	v17 =	vmul.f32 v11, v11;
	v11 =	vld.idx.msk [tilespmem:v32+s22+$0x0], $0xffff;
	v31 =	vmul.f32 v31, v31  }
0xbe: {  	v26 =	vsub.f32 v28, v29;
	v29 =	vmul.f32 v37, v37;
	v13 =	vadd.f32 v12, v13;
	v59 =	vld.idx.msk [tilespmem:v40+s1+$0x0], $0xffff  }
0xbf: {  	v61 =	vld.idx.msk [tilespmem:v40+s20+$0x0], $0xffff;
	v19 =	vsub.f32 v30, v19;
	v30 =	vadd.f32 v31, v60;
	v31 =	vmul.f32 v33, v33  }
0xc0: {  	v22 =	vmul.f32 v22, v22;
	v12 =	vld.idx.msk [tilespmem:v34+s0+$0x0], $0xffff;
	v16 =	vsub.f32 v28, v16;
	v24 =	vmul.f32 v24, v24  }
0xc1: {  	v63 =	vld.idx.msk [tilespmem:v40+s21+$0x0], $0xffff;
	v19 =	vmul.f32 v19, v19;
	v17 =	vadd.f32 v17, v30;
	v28 =	vadd.f32 v31, v13  }
0xc2: {  	v26 =	vmul.f32 v26, v26;
	v27 =	vmul.f32 v27, v27;
	v29 =	vadd.f32 v22, v29;
	v22 =	vld.idx.msk [tilespmem:v42+s2+$0x0], $0xffff  }
0xc3: {  	v13 =	vld.idx.msk [tilespmem:v34+s2+$0x0], $0xffff;
	v17 =	vadd.f32 v24, v17;
	v19 =	vadd.f32 v19, v28;
	v24 =	vmul.f32 v16, v16  }
0xc4: {  	v25 =	vmul.f32 v25, v25;
	v30 =	vsub.f32 v14, v59;
	v14 =	vld.idx.msk [tilespmem:v34+s28+$0x0], $0xffff;
	v28 =	vsub.f32 v15, v61  }
0xc5: {  	v21 =	vmul.f32 v21, v21;
	v16 =	vld.idx.msk [tilespmem:v34+s30+$0x0], $0xffff;
	v26 =	vadd.f32 v26, v17;
	v19 =	vadd.f32 v24, v19  }
0xc6: {  	v15 =	vld.idx.msk [tilespmem:v6+s0+$0x0], $0xffff;
	v24 =	vmul.f32 v30, v30;
	v28 =	vmul.f32 v28, v28;
	v30 =	vsub.f32 v18, v63  }
0xc7: {  	v23 =	vmul.f32 v23, v23;
	v17 =	vld.idx.msk [tilespmem:v38+s2+$0x0], $0xffff;
	v26 =	vadd.f32 v27, v26;
	v27 =	vadd.f32 v21, v19  }
0xc8: {  	v20 =	vmul.f32 v20, v20;
	v18 =	vld.idx.msk [tilespmem:v38+s28+$0x0], $0xffff;
	v24 =	vadd.f32 v28, v24;
	v28 =	vmul.f32 v30, v30  }
0xc9: {  	v19 =	vld.idx.msk [tilespmem:v38+s30+$0x0], $0xffff;
	v25 =	vadd.f32 v25, v26;
	v23 =	vadd.f32 v23, v27;
	v27 =	vmul.f32 v43, v43  }
0xca: {  	v29 =	vadd.f32 v62, v29;
	v21 =	vld.idx.msk [tilespmem:v9+s0+$0x0], $0xffff;
	v24 =	vadd.f32 v28, v24  }
0xcb: {  	v26 =	vld.idx.msk [tilespmem:v42+s28+$0x0], $0xffff;
	v30 =	vadd.f32 v20, v25;
	v31 =	vadd.f32 v27, v23;
	v20 =	vor.u32 $0x4, v34  }
0xcc: {  	v27 =	vld.idx.msk [tilespmem:v42+s30+$0x0], $0xffff  }
0xcd: {  	v28 =	vor.u32 $0x3, v34;
	v25 =	vld.idx.msk [tilespmem:v10+s2+$0x0], $0xffff;
	v23 =	vsub.f32 v30, v24;
	v24 =	vsub.f32 v31, v29  }
0xce: {  	s3 =	simm.s32 $0x4;
	v29 =	vld.idx.msk [tilespmem:v10+s28+$0x0], $0xffff  }
.LBB2_7:
0xcf: {  	p1 =	sne.s32 s3, $0x7E;
	v30 =	vld.idx.msk [tilespmem:v10+s30+$0x0], $0xffff;
	v10 =	vmul.f32 v23, v23;
	v23 =	vmul.f32 v24, v24  }
0xd0: {  	v24 =	vld.idx.msk [tilespmem:v20+s2+$0x0], $0xffff  }
0xd1: {  	v31 =	vld.idx.msk [tilespmem:v20+s28+$0x0], $0xffff;
	v10 =	vadd.f32 v23, v10  }
0xd2: {  	v23 =	vld.idx.msk [tilespmem:v28+s2+$0x0], $0xffff  }
0xd3: {  	v32 =	vmov s3;
	s4 =	sadd.s32 $0x10, s4;
	v33 =	vld.idx.msk [tilespmem:v28+s28+$0x0], $0xffff;
	v4 =	vadd.f32 v10, v4  }
0xd4: {  	v32 =	vshll.u32 v32, $0x3;
	v10 =	vmov s4;
	v34 =	vld.idx.msk [tilespmem:v6+s2+$0x0], $0xffff  }
0xd5: {  	v32 =	vor.u32 v1, v32;
	v10 =	vshll.u32 v10, $0x3;
	v35 =	vld.idx.msk [tilespmem:v9+s2+$0x0], $0xffff  }
0xd6: {  	v12 =	vsub.f32 v8, v12;
	v32 =	vor.u32 v2, v32;
	v36 =	vor.u32 v3, v10;
	v37 =	vld.idx.msk [tilespmem:v9+s28+$0x0], $0xffff  }
0xd7: {  	v14 =	vsub.f32 v13, v14;
	v13 =	vsub.f32 v13, v16;
	v38 =	vor.u32 $0x7, v36;
	v16 =	vld.idx.msk [tilespmem:v9+s30+$0x0], $0xffff  }
0xd8: {  	v15 =	vsub.f32 v5, v15;
	v18 =	vsub.f32 v17, v18;
	v39 =	vor.u32 $0x6, v36;
	v40 =	vld.idx.msk [tilespmem:v6+s28+$0x0], $0xffff  }
0xd9: {  	v41 =	vand.u32 $0x3FFF, v11;
	v21 =	vsub.f32 v7, v21;
	v42 =	vsub.f32 v17, v19;
	v11 =	vld.idx.msk [tilespmem:v6+s30+$0x0], $0xffff  }
0xda: {  	s14 =	sadd.s32 $0x10, s14;
	v19 =	vsub.f32 v22, v26;
	v22 =	vsub.f32 v22, v27;
	v10 =	vor.u32 $0x5, v36;
	v17 =	vld.idx.msk [tilespmem:v28+s30+$0x0], $0xffff  }
0xdb: {  	v27 =	vsub.f32 v25, v29;
	v25 =	vsub.f32 v25, v30;
	v6 =	vor.u32 $0x2, v36;
	v26 =	vld [tilespmem:s14+$0x0]  }
0xdc: {  	s24 =	sadd.s32 $0x10, s24;
	v29 =	vsub.f32 v24, v31;
	v9 =	vor.u32 $0x1, v36;
	v28 =	vsub.f32 v23, v33;
	v20 =	vld.idx.msk [tilespmem:v20+s30+$0x0], $0xffff  }
0xdd: {  	v31 =	vmul.f32 v12, v12;
	v12 =	vsub.f32 v35, v37;
	v16 =	vsub.f32 v35, v16;
	v30 =	vld [tilespmem:s24+$0x0]  }
0xde: {  	s25 =	sadd.s32 $0x10, s25;
	v14 =	vmul.f32 v14, v14;
	v13 =	vmul.f32 v13, v13;
	v35 =	vsub.f32 v34, v40;
	v33 =	vld.idx.msk [tilespmem:v41+s1+$0x0], $0xffff  }
0xdf: {  	v12 =	vmul.f32 v12, v12;
	v16 =	vmul.f32 v16, v16;
	v34 =	vsub.f32 v34, v11;
	v37 =	vld [tilespmem:s25+$0x0]  }
0xe0: {  	v43 =	vmul.f32 v15, v15;
	v15 =	vmul.f32 v35, v35;
	v17 =	vsub.f32 v23, v17;
	v40 =	vld.idx.msk [tilespmem:v41+s20+$0x0], $0xffff  }
0xe1: {  	v14 =	vadd.f32 v12, v14;
	v13 =	vadd.f32 v16, v13;
	v16 =	vmul.f32 v34, v34;
	v11 =	vld.idx.msk [tilespmem:v32+s22+$0x0], $0xffff  }
0xe2: {  	v28 =	vmul.f32 v28, v28;
	v20 =	vsub.f32 v24, v20;
	v24 =	vmul.f32 v18, v18;
	v23 =	vld.idx.msk [tilespmem:v41+s21+$0x0], $0xffff  }
0xe3: {  	v15 =	vadd.f32 v15, v14;
	v17 =	vmul.f32 v17, v17;
	v16 =	vadd.f32 v16, v13;
	v12 =	vld.idx.msk [tilespmem:v36+s0+$0x0], $0xffff  }
0xe4: {  	v21 =	vmul.f32 v21, v21;
	v18 =	vmul.f32 v29, v29;
	v8 =	vsub.f32 v8, v33;
	v13 =	vld.idx.msk [tilespmem:v36+s2+$0x0], $0xffff  }
0xe5: {  	v28 =	vadd.f32 v28, v15;
	v20 =	vmul.f32 v20, v20;
	v17 =	vadd.f32 v17, v16;
	v14 =	vld.idx.msk [tilespmem:v36+s28+$0x0], $0xffff  }
0xe6: {  	v27 =	vmul.f32 v27, v27;
	v29 =	vmul.f32 v19, v19;
	v7 =	vsub.f32 v7, v40;
	v16 =	vld.idx.msk [tilespmem:v36+s30+$0x0], $0xffff  }
0xe7: {  	v25 =	vmul.f32 v25, v25;
	v19 =	vadd.f32 v18, v28;
	v20 =	vadd.f32 v20, v17;
	v15 =	vld.idx.msk [tilespmem:v6+s0+$0x0], $0xffff  }
0xe8: {  	v8 =	vmul.f32 v8, v8;
	v7 =	vmul.f32 v7, v7;
	v5 =	vsub.f32 v5, v23;
	v17 =	vld.idx.msk [tilespmem:v38+s2+$0x0], $0xffff  }
0xe9: {  	v22 =	vmul.f32 v22, v22;
	v23 =	vadd.f32 v27, v19;
	v20 =	vadd.f32 v25, v20;
	v18 =	vld.idx.msk [tilespmem:v38+s28+$0x0], $0xffff  }
0xea: {  	v32 =	vadd.f32 v21, v31;
	v33 =	vadd.f32 v7, v8;
	v28 =	vmul.f32 v5, v5;
	v19 =	vld.idx.msk [tilespmem:v38+s30+$0x0], $0xffff  }
0xeb: {  	v27 =	vmul.f32 v42, v42;
	v23 =	vadd.f32 v29, v23;
	v25 =	vadd.f32 v22, v20;
	v21 =	vld.idx.msk [tilespmem:v9+s0+$0x0], $0xffff  }
.Ltmp2:
0xec: {  	v31 =	vadd.f32 v43, v32;
	v8 =	vmovc v30;
	v29 =	vadd.f32 v28, v33;
	v5 =	vmov v26;
	v22 =	vld.idx.msk [tilespmem:v39+s2+$0x0], $0xffff;
	(pc) =	sbr.rel @p1 .LBB2_7-.Ltmp2, $4  }
0xed: {  	v20 =	vor.u32 $0x4, v36;
	v23 =	vadd.f32 v24, v23;
	v7 =	vmovc v37;
	v24 =	vadd.f32 v27, v25;
	v26 =	vld.idx.msk [tilespmem:v39+s28+$0x0], $0xffff  }
0xee: {  	v27 =	vld.idx.msk [tilespmem:v39+s30+$0x0], $0xffff  }
0xef: {  	v28 =	vor.u32 $0x3, v36;
	v23 =	vsub.f32 v23, v29;
	v24 =	vsub.f32 v24, v31;
	v25 =	vld.idx.msk [tilespmem:v10+s2+$0x0], $0xffff  }
0xf0: {  	s3 =	sadd.s32 $0x2, s3;
	v29 =	vld.idx.msk [tilespmem:v10+s28+$0x0], $0xffff  }
0xf1: {  	_ =	sdelay $0x3  }
0xf2: {  	v30 =	vld.idx.msk [tilespmem:v20+s2+$0x0], $0xffff  }
0xf3: {  	v32 =	vld.idx.msk [tilespmem:v28+s2+$0x0], $0xffff  }
0xf4: {  	v33 =	vld.idx.msk [tilespmem:v28+s28+$0x0], $0xffff  }
0xf5: {  	v34 =	vld.idx.msk [tilespmem:v6+s2+$0x0], $0xffff  }
0xf6: {  	v35 =	vld.idx.msk [tilespmem:v9+s2+$0x0], $0xffff  }
0xf7: {  	v14 =	vsub.f32 v13, v14;
	v62 =	vld.idx.msk [tilespmem:v9+s28+$0x0], $0xffff  }
0xf8: {  	v61 =	vsub.f32 v13, v16;
	v18 =	vsub.f32 v17, v18;
	v36 =	vld.idx.msk [tilespmem:v9+s30+$0x0], $0xffff  }
0xf9: {  	v63 =	vsub.f32 v17, v19;
	v12 =	vsub.f32 v8, v12;
	v39 =	vld.idx.msk [tilespmem:v6+s28+$0x0], $0xffff  }
0xfa: {  	v15 =	vsub.f32 v5, v15;
	v11 =	vand.u32 $0x3FFF, v11;
	v21 =	vsub.f32 v7, v21;
	v6 =	vld.idx.msk [tilespmem:v6+s30+$0x0], $0xffff  }
0xfb: {  	v40 =	vld.idx.msk [tilespmem:v28+s30+$0x0], $0xffff;
	v37 =	vsub.f32 v22, v26;
	v12 =	vmul.f32 v12, v12;
	v14 =	vmul.f32 v14, v14  }
0xfc: {  	v31 =	vld.idx.msk [tilespmem:v20+s28+$0x0], $0xffff;
	v38 =	vsub.f32 v22, v27;
	v13 =	vmul.f32 v61, v61;
	v15 =	vmul.f32 v15, v15  }
0xfd: {  	v44 =	vld.idx.msk [tilespmem:v20+s30+$0x0], $0xffff;
	v18 =	vmul.f32 v18, v18;
	v16 =	vsub.f32 v35, v62;
	v9 =	vsub.f32 v35, v36  }
0xfe: {  	v51 =	vmul.f32 v21, v21;
	v55 =	vmul.f32 v37, v37;
	v26 =	vsub.f32 v34, v39  }
0xff: {  	v10 =	vld.idx.msk [tilespmem:v10+s30+$0x0], $0xffff;
	v6 =	vsub.f32 v34, v6;
	v16 =	vmul.f32 v16, v16;
	v9 =	vmul.f32 v9, v9  }
0x100: {  	v42 =	vsub.f32 v32, v33;
	v45 =	vld.idx.msk [tilespmem:v11+s1+$0x0], $0xffff;
	v27 =	vsub.f32 v32, v40;
	v26 =	vmul.f32 v26, v26  }
0x101: {  	v46 =	vld.idx.msk [tilespmem:v11+s20+$0x0], $0xffff;
	v6 =	vmul.f32 v6, v6;
	v14 =	vadd.f32 v16, v14;
	v9 =	vadd.f32 v9, v13  }
0x102: {  	v43 =	vsub.f32 v30, v31;
	v48 =	vsub.f32 v30, v44;
	v47 =	vmul.f32 v42, v42  }
0x103: {  	v11 =	vld.idx.msk [tilespmem:v11+s21+$0x0], $0xffff;
	v49 =	vmul.f32 v27, v27;
	v14 =	vadd.f32 v26, v14;
	v6 =	vadd.f32 v6, v9  }
0x104: {  	v41 =	vsub.f32 v25, v29;
	v10 =	vsub.f32 v25, v10;
	v52 =	vmul.f32 v43, v43  }
0x105: {  	v53 =	vmul.f32 v48, v48;
	v13 =	vadd.f32 v47, v14;
	v6 =	vadd.f32 v49, v6  }
0x106: {  	v54 =	vmul.f32 v41, v41;
	v50 =	vsub.f32 v8, v45;
	v7 =	vsub.f32 v7, v46  }
0x107: {  	v56 =	vmul.f32 v10, v10;
	v13 =	vadd.f32 v52, v13;
	v6 =	vadd.f32 v53, v6  }
0x108: {  	v5 =	vsub.f32 v5, v11;
	v8 =	vmul.f32 v50, v50;
	v7 =	vmul.f32 v7, v7  }
0x109: {  	v58 =	vmul.f32 v38, v38;
	v57 =	vadd.f32 v54, v13;
	v6 =	vadd.f32 v56, v6  }
0x10a: {  	v59 =	vadd.f32 v51, v12;
	v5 =	vmul.f32 v5, v5;
	v7 =	vadd.f32 v7, v8  }
0x10b: {  	v60 =	vmul.f32 v63, v63;
	v10 =	vadd.f32 v55, v57;
	v6 =	vadd.f32 v58, v6  }
0x10c: {  	v5 =	vadd.f32 v5, v7;
	v7 =	vadd.f32 v15, v59  }
0x10d: {  	v61 =	vadd.f32 v18, v10;
	v6 =	vadd.f32 v60, v6  }
0x10e: {  	v63 =	vmul.f32 v24, v24  }
0x10f: {  	v62 =	vmul.f32 v23, v23;
	v5 =	vsub.f32 v61, v5;
	v6 =	vsub.f32 v6, v7;
	_ =	sdelay $0x1  }
.Ltmp3:
0x110: {  	v7 =	vadd.f32 v63, v62;
	v5 =	vmul.f32 v5, v5;
	v6 =	vmul.f32 v6, v6;
	(pc) =	sbr.rel @p0 .LBB2_12-.Ltmp3, $3  }
0x111: {  	_ = 	snop  }
0x112: {  	v4 =	vadd.f32 v7, v4;
	v5 =	vadd.f32 v6, v5;
	_ =	sdelay $0x1  }
0x113: {  	v4 =	vadd.f32 v5, v4  }
0x114: {  	s3 =	simm.s32 $0x0  }
0x115: {  	v5 =	vmov s3  }
0x116: {  	s25 =	simm.s32 $0x1;
	v5 =	vshll.u32 v5, $0x3  }
0x117: {  	_ =	swait.ge [sflag:s25], $0x400;
	v5 =	vor.u32 v1, v5  }
0x118: {  	[sflag:s25] =	ssyncset.done $0x0;
	v5 =	vor.u32 v2, v5  }
0x119: {  	[sflag:s25] =	ssyncadd.s32 $0xFFFFFC00  }
0x11a: {  	_ =	swait.ge [sflag:s25], $0x400  }
0x11b: {  	[sflag:s25] =	ssyncset.done $0x0  }
0x11c: {  	[sflag:s25] =	ssyncadd.s32 $0xFFFFFC00  }
0x11d: {  	v6 =	vld.idx.msk [tilespmem:v5+s22+$0x0], $0xffff  }
0x11e: {  	v7 =	vld.idx.msk [tilespmem:v5+s23+$0x0], $0xffff  }
0x11f: {  	s29 =	simm.s32 $0x2  }
0x120: {  	v5 =	vmov s29  }
0x121: {  	v5 =	vshll.u32 v5, $0x3  }
0x122: {  	s3 =	simm.s32 $0x1D000;
	v5 =	vor.u32 v1, v5;
	v6 =	vadd.s32 v0, v6  }
0x123: {  	s4 =	simm.s32 $0x1D800;
	v5 =	vor.u32 v2, v5;
	v8 =	vshra.s32 v7, $0x3;
	[tilespmem:s3+$0x0] =	vst v6  }
0x124: {  	s24 =	simm.s32 $0x1E000;
	s11 =	simm.s32 $0x4;
	s14 =	simm.s32 $0x1E010;
	v6 =	vand.u32 $0x3FFF, v7;
	[tilespmem:s4+$0x0] =	vst v7;
	v7 =	vand.u32 $0xFFFFC000, v8  }
.LBB2_10:
0x125: {  	s3 =	sadd.s32 $0x10, s3  }
0x126: {  	v6 =	vor.u32 v6, v7;
	s4 =	sadd.s32 $0x10, s4;
	s5 =	smov.u32 s11;
	s25 =	sadd.s32 $0x2, s11  }
0x127: {  	p0 =	sne.s32 s11, $0x7E;
	[tilespmem:s24+$0x0] =	vst v6;
	s24 =	smov.u32 s14  }
0x128: {  	v6 =	vld.idx.msk [tilespmem:v5+s22+$0x0], $0xffff  }
0x129: {  	v7 =	vld.idx.msk [tilespmem:v5+s23+$0x0], $0xffff;
	_ =	sdelay $0x1  }
0x12a: {  	v5 =	vmov s5  }
.Ltmp4:
0x12b: {  	v5 =	vshll.u32 v5, $0x3;
	(pc) =	sbr.rel @p0 .LBB2_10-.Ltmp4, $4  }
0x12c: {  	v5 =	vor.u32 v1, v5  }
0x12d: {  	v5 =	vor.u32 v2, v5;
	v6 =	vadd.s32 v0, v6  }
0x12e: {  	v8 =	vshra.s32 v7, $0x3;
	[tilespmem:s3+$0x0] =	vst v6;
	v6 =	vand.u32 $0x3FFF, v7  }
0x12f: {  	s14 =	sadd.s32 $0x10, s14;
	s11 =	smov.u32 s25;
	[tilespmem:s4+$0x0] =	vst v7;
	v7 =	vand.u32 $0xFFFFC000, v8  }
0x130: {  	_ =	sdelay $0x1  }
0x131: {  	v6 =	vor.u32 v6, v7  }
0x132: {  	[tilespmem:s24+$0x0] =	vst v6  }
0x133: {  	v6 =	vld.idx.msk [tilespmem:v5+s22+$0x0], $0xffff  }
0x134: {  	v5 =	vld.idx.msk [tilespmem:v5+s23+$0x0], $0xffff;
	_ =	sdelay $0x4  }
0x135: {  	s3 =	sadd.s32 $0x10, s3;
	v6 =	vadd.s32 v0, v6;
	v7 =	vshra.s32 v5, $0x3  }
0x136: {  	s4 =	sadd.s32 $0x10, s4;
	[tilespmem:s3+$0x0] =	vst v6;
	v6 =	vand.u32 $0x3FFF, v5;
	v7 =	vand.u32 $0xFFFFC000, v7  }
0x137: {  	[tilespmem:s4+$0x0] =	vst v5;
	v5 =	vor.u32 v6, v7  }
0x138: {  	s11 =	rddreg [dreg:$0x2];
	s5 =	simm.s32 $0x1D000;
	[tilespmem:s14+$0x0] =	vst v5;
	s14 =	simm.s32 $0x400  }
0x139: {  	[tilespmem:s28], [sflag:$0x3] =	stream.indirect.gather [hbm4b:s11+s14], $0x8, s5, s14, $0xb8;
	[tilespmem:$0x1E810] =	vst v63  }
0x13a: {  	s25 =	rddreg [dreg:$0x3];
	s24 =	simm.s32 $0x1D800  }
0x13b: {  	[tilespmem:s30], [sflag:$0x3] =	stream.indirect.gather [hbm4b:s11+s14], $0x8, s24, s14, $0xb8;
	[tilespmem:$0x1E810] =	vst v63  }
0x13c: {  	s29 =	simm.s32 $0x1E000;
	s5 =	sshll.u32 s8, $0xA;
	s8 =	rddreg [dreg:$0xd]  }
0x13d: {  	[tilespmem:s0], [sflag:$0x3] =	stream.indirect.gather [hbm4b:s25+s14], $0x8, s29, s14, $0xb8;
	[tilespmem:$0x1E810] =	vst v63  }
0x13e: {  	s11 =	sadd.s32 $0xC00, s7;
	s14 =	rddreg [dreg:$0x7]  }
0x13f: {  	s3 =	sadd.s32 s5, s8;
	s24 =	rddreg [dreg:$0x6];
	s4 =	sadd.s32 s14, s11  }
0x140: {  	[tilespmem:s2], [sflag:$0x3] =	stream.linear.gather [hbm4b:s3+s1], $0x2000, $0x38;
	[tilespmem:$0x1E810] =	vst v63  }
0x141: {  	s25 =	rddreg [dreg:$0x4];
	s4 =	sshrl.u32 s4, $0x3;
	s3 =	sadd.s32 s24, s11  }
0x142: {  	s29 =	rddreg [dreg:$0x5];
	s4 =	sadd.s32 s25, s4;
	s3 =	sshrl.u32 s3, $0x3  }
0x143: {  	[tilespmem:s9], [sflag:$0x2] =	stream.linear.gather [hbm4b:s4+s1], $0x400, $0x38;
	[tilespmem:$0x1E810] =	vst v63  }
0x144: {  	s3 =	sadd.s32 s29, s3  }
0x145: {  	[tilespmem:s10], [sflag:$0x2] =	stream.linear.gather [hbm4b:s3+s1], $0x400, $0x38;
	[tilespmem:$0x1E810] =	vst v63  }
.LBB2_12:
0x146: {  	_ =	swait.ge [sflag:s26], $0x2000  }
0x147: {  	[sflag:s26] =	ssyncset.done $0x0  }
0x148: {  	[sflag:s26] =	ssyncadd.s32 $0xFFFFE000  }
0x149: {  	_ =	swait.ge [sflag:s26], $0x2000  }
0x14a: {  	[sflag:s26] =	ssyncset.done $0x0  }
0x14b: {  	[sflag:s26] =	ssyncadd.s32 $0xFFFFE000  }
0x14c: {  	s3 =	simm.s32 $0x0;
	_ =	swait.ge [sflag:s26], $0x2000  }
0x14d: {  	v5 =	vmov s3;
	[sflag:s26] =	ssyncset.done $0x0  }
0x14e: {  	v5 =	vshll.u32 v5, $0x3;
	[sflag:s26] =	ssyncadd.s32 $0xFFFFE000  }
0x14f: {  	v6 =	vor.u32 v1, v5;
	_ =	swait.ge [sflag:s26], $0x2000  }
0x150: {  	v6 =	vor.u32 v2, v6;
	[sflag:s26] =	ssyncset.done $0x0  }
0x151: {  	v5 =	vor.u32 v3, v5;
	[sflag:s26] =	ssyncadd.s32 $0xFFFFE000  }
0x152: {  	s5 =	rddreg [dreg:$0x14];
	v18 =	vld [tilespmem:s6+$0x0]  }
0x153: {  	s7 =	rddreg [dreg:$0x13];
	v14 =	vld [tilespmem:s5+$0x0]  }
0x154: {  	v15 =	vld [tilespmem:s7+$0x0]  }
0x155: {  	v7 =	vor.u32 $0x2, v5;
	v6 =	vld.idx.msk [tilespmem:v6+s9+$0x0], $0xffff  }
0x156: {  	v8 =	vor.u32 $0x7, v5;
	v9 =	vld.idx.msk [tilespmem:v5+s13+$0x0], $0xffff  }
0x157: {  	v10 =	vld.idx.msk [tilespmem:v5+s19+$0x0], $0xffff  }
0x158: {  	v11 =	vld.idx.msk [tilespmem:v5+s16+$0x0], $0xffff  }
0x159: {  	v12 =	vor.u32 $0x1, v5;
	v13 =	vld.idx.msk [tilespmem:v5+s18+$0x0], $0xffff  }
0x15a: {  	v16 =	vor.u32 $0x6, v5;
	v17 =	vld.idx.msk [tilespmem:v7+s13+$0x0], $0xffff  }
0x15b: {  	v19 =	vld.idx.msk [tilespmem:v8+s19+$0x0], $0xffff  }
0x15c: {  	v20 =	vld.idx.msk [tilespmem:v8+s16+$0x0], $0xffff  }
0x15d: {  	v21 =	vor.u32 $0x5, v5;
	v8 =	vld.idx.msk [tilespmem:v8+s18+$0x0], $0xffff  }
0x15e: {  	v22 =	vld.idx.msk [tilespmem:v12+s13+$0x0], $0xffff  }
0x15f: {  	v23 =	vld.idx.msk [tilespmem:v16+s19+$0x0], $0xffff  }
0x160: {  	v24 =	vor.u32 $0x4, v5;
	v25 =	vld.idx.msk [tilespmem:v16+s16+$0x0], $0xffff  }
0x161: {  	v16 =	vld.idx.msk [tilespmem:v16+s18+$0x0], $0xffff  }
0x162: {  	v26 =	vld.idx.msk [tilespmem:v21+s19+$0x0], $0xffff  }
0x163: {  	v27 =	vld.idx.msk [tilespmem:v21+s16+$0x0], $0xffff  }
0x164: {  	v21 =	vld.idx.msk [tilespmem:v21+s18+$0x0], $0xffff  }
0x165: {  	v28 =	vld.idx.msk [tilespmem:v24+s19+$0x0], $0xffff  }
0x166: {  	v29 =	vld.idx.msk [tilespmem:v24+s16+$0x0], $0xffff  }
0x167: {  	s29 =	simm.s32 $0x2;
	v5 =	vor.u32 $0x3, v5;
	v33 =	vld.idx.msk [tilespmem:v7+s19+$0x0], $0xffff  }
0x168: {  	s4 =	simm.s32 $0x10;
	v32 =	vmov s29;
	v35 =	vld.idx.msk [tilespmem:v12+s19+$0x0], $0xffff  }
0x169: {  	v34 =	vmov s4;
	v32 =	vshll.u32 v32, $0x3;
	v36 =	vld.idx.msk [tilespmem:v12+s16+$0x0], $0xffff  }
0x16a: {  	v34 =	vshll.u32 v34, $0x3;
	v32 =	vor.u32 v1, v32;
	v12 =	vld.idx.msk [tilespmem:v12+s18+$0x0], $0xffff  }
0x16b: {  	v34 =	vor.u32 v3, v34;
	v32 =	vor.u32 v2, v32;
	v39 =	vld.idx.msk [tilespmem:v7+s16+$0x0], $0xffff;
	v37 =	vsub.f32 v14, v9  }
0x16c: {  	v38 =	vor.u32 $0x7, v34;
	v30 =	vld.idx.msk [tilespmem:v5+s19+$0x0], $0xffff;
	v11 =	vsub.f32 v10, v11;
	v13 =	vsub.f32 v10, v13  }
0x16d: {  	v42 =	vor.u32 $0x6, v34;
	v31 =	vld.idx.msk [tilespmem:v5+s16+$0x0], $0xffff;
	v17 =	vsub.f32 v18, v17;
	v20 =	vsub.f32 v19, v20  }
0x16e: {  	v41 =	vld.idx.msk [tilespmem:v7+s18+$0x0], $0xffff;
	s7 =	sadd.s32 $0x10, s7;
	v40 =	vand.u32 $0x3FFF, v6;
	v22 =	vsub.f32 v15, v22;
	v43 =	vsub.f32 v19, v8  }
0x16f: {  	v7 =	vld [tilespmem:s7+$0x0];
	v10 =	vor.u32 $0x5, v34;
	v25 =	vsub.f32 v23, v25;
	v23 =	vsub.f32 v23, v16  }
0x170: {  	s6 =	sadd.s32 $0x10, s6;
	v19 =	vld.idx.msk [tilespmem:v5+s18+$0x0], $0xffff;
	v6 =	vor.u32 $0x2, v34;
	v27 =	vsub.f32 v26, v27;
	v21 =	vsub.f32 v26, v21  }
0x171: {  	v5 =	vld [tilespmem:s6+$0x0];
	v12 =	vsub.f32 v35, v12;
	v60 =	vmul.f32 v11, v11;
	v11 =	vsub.f32 v33, v39  }
0x172: {  	s5 =	sadd.s32 $0x10, s5;
	v16 =	vld.idx.msk [tilespmem:v24+s18+$0x0], $0xffff;
	v13 =	vmul.f32 v13, v13;
	v24 =	vsub.f32 v30, v31;
	v31 =	vsub.f32 v35, v36  }
0x173: {  	v9 =	vor.u32 $0x1, v34;
	v8 =	vld [tilespmem:s5+$0x0];
	v12 =	vmul.f32 v12, v12;
	v62 =	vmul.f32 v17, v17  }
0x174: {  	v33 =	vsub.f32 v33, v41;
	v17 =	vmul.f32 v11, v11;
	v11 =	vld.idx.msk [tilespmem:v32+s9+$0x0], $0xffff;
	v31 =	vmul.f32 v31, v31  }
0x175: {  	v26 =	vsub.f32 v28, v29;
	v29 =	vmul.f32 v37, v37;
	v13 =	vadd.f32 v12, v13;
	v59 =	vld.idx.msk [tilespmem:v40+s1+$0x0], $0xffff  }
0x176: {  	v61 =	vld.idx.msk [tilespmem:v40+s20+$0x0], $0xffff;
	v19 =	vsub.f32 v30, v19;
	v30 =	vadd.f32 v31, v60;
	v31 =	vmul.f32 v33, v33  }
0x177: {  	v22 =	vmul.f32 v22, v22;
	v12 =	vld.idx.msk [tilespmem:v34+s13+$0x0], $0xffff;
	v16 =	vsub.f32 v28, v16;
	v24 =	vmul.f32 v24, v24  }
0x178: {  	v63 =	vld.idx.msk [tilespmem:v40+s21+$0x0], $0xffff;
	v19 =	vmul.f32 v19, v19;
	v17 =	vadd.f32 v17, v30;
	v28 =	vadd.f32 v31, v13  }
0x179: {  	v26 =	vmul.f32 v26, v26;
	v27 =	vmul.f32 v27, v27;
	v29 =	vadd.f32 v22, v29;
	v22 =	vld.idx.msk [tilespmem:v42+s19+$0x0], $0xffff  }
0x17a: {  	v13 =	vld.idx.msk [tilespmem:v34+s19+$0x0], $0xffff;
	v17 =	vadd.f32 v24, v17;
	v19 =	vadd.f32 v19, v28;
	v24 =	vmul.f32 v16, v16  }
0x17b: {  	v25 =	vmul.f32 v25, v25;
	v30 =	vsub.f32 v14, v59;
	v14 =	vld.idx.msk [tilespmem:v34+s16+$0x0], $0xffff;
	v28 =	vsub.f32 v15, v61  }
0x17c: {  	v21 =	vmul.f32 v21, v21;
	v16 =	vld.idx.msk [tilespmem:v34+s18+$0x0], $0xffff;
	v26 =	vadd.f32 v26, v17;
	v19 =	vadd.f32 v24, v19  }
0x17d: {  	v15 =	vld.idx.msk [tilespmem:v6+s13+$0x0], $0xffff;
	v24 =	vmul.f32 v30, v30;
	v28 =	vmul.f32 v28, v28;
	v30 =	vsub.f32 v18, v63  }
0x17e: {  	v23 =	vmul.f32 v23, v23;
	v17 =	vld.idx.msk [tilespmem:v38+s19+$0x0], $0xffff;
	v26 =	vadd.f32 v27, v26;
	v27 =	vadd.f32 v21, v19  }
0x17f: {  	v20 =	vmul.f32 v20, v20;
	v18 =	vld.idx.msk [tilespmem:v38+s16+$0x0], $0xffff;
	v24 =	vadd.f32 v28, v24;
	v28 =	vmul.f32 v30, v30  }
0x180: {  	v19 =	vld.idx.msk [tilespmem:v38+s18+$0x0], $0xffff;
	v25 =	vadd.f32 v25, v26;
	v23 =	vadd.f32 v23, v27;
	v27 =	vmul.f32 v43, v43  }
0x181: {  	v29 =	vadd.f32 v62, v29;
	v21 =	vld.idx.msk [tilespmem:v9+s13+$0x0], $0xffff;
	v24 =	vadd.f32 v28, v24  }
0x182: {  	v26 =	vld.idx.msk [tilespmem:v42+s16+$0x0], $0xffff;
	v30 =	vadd.f32 v20, v25;
	v31 =	vadd.f32 v27, v23;
	v20 =	vor.u32 $0x4, v34  }
0x183: {  	v27 =	vld.idx.msk [tilespmem:v42+s18+$0x0], $0xffff  }
0x184: {  	v28 =	vor.u32 $0x3, v34;
	v25 =	vld.idx.msk [tilespmem:v10+s19+$0x0], $0xffff;
	v23 =	vsub.f32 v30, v24;
	v24 =	vsub.f32 v31, v29  }
0x185: {  	s3 =	simm.s32 $0x4;
	v29 =	vld.idx.msk [tilespmem:v10+s16+$0x0], $0xffff  }
.LBB2_13:
0x186: {  	p0 =	sne.s32 s3, $0x7E;
	v30 =	vld.idx.msk [tilespmem:v10+s18+$0x0], $0xffff;
	v10 =	vmul.f32 v23, v23;
	v23 =	vmul.f32 v24, v24  }
0x187: {  	v24 =	vld.idx.msk [tilespmem:v20+s19+$0x0], $0xffff  }
0x188: {  	v31 =	vld.idx.msk [tilespmem:v20+s16+$0x0], $0xffff;
	v10 =	vadd.f32 v23, v10  }
0x189: {  	v23 =	vld.idx.msk [tilespmem:v28+s19+$0x0], $0xffff  }
0x18a: {  	v32 =	vmov s3;
	s4 =	sadd.s32 $0x10, s4;
	v33 =	vld.idx.msk [tilespmem:v28+s16+$0x0], $0xffff;
	v4 =	vadd.f32 v10, v4  }
0x18b: {  	v32 =	vshll.u32 v32, $0x3;
	v10 =	vmov s4;
	v34 =	vld.idx.msk [tilespmem:v6+s19+$0x0], $0xffff  }
0x18c: {  	v32 =	vor.u32 v1, v32;
	v10 =	vshll.u32 v10, $0x3;
	v35 =	vld.idx.msk [tilespmem:v9+s19+$0x0], $0xffff  }
0x18d: {  	v12 =	vsub.f32 v8, v12;
	v32 =	vor.u32 v2, v32;
	v36 =	vor.u32 v3, v10;
	v37 =	vld.idx.msk [tilespmem:v9+s16+$0x0], $0xffff  }
0x18e: {  	v14 =	vsub.f32 v13, v14;
	v13 =	vsub.f32 v13, v16;
	v38 =	vor.u32 $0x7, v36;
	v16 =	vld.idx.msk [tilespmem:v9+s18+$0x0], $0xffff  }
0x18f: {  	v15 =	vsub.f32 v5, v15;
	v18 =	vsub.f32 v17, v18;
	v39 =	vor.u32 $0x6, v36;
	v40 =	vld.idx.msk [tilespmem:v6+s16+$0x0], $0xffff  }
0x190: {  	v41 =	vand.u32 $0x3FFF, v11;
	v21 =	vsub.f32 v7, v21;
	v42 =	vsub.f32 v17, v19;
	v11 =	vld.idx.msk [tilespmem:v6+s18+$0x0], $0xffff  }
0x191: {  	s6 =	sadd.s32 $0x10, s6;
	v19 =	vsub.f32 v22, v26;
	v22 =	vsub.f32 v22, v27;
	v10 =	vor.u32 $0x5, v36;
	v17 =	vld.idx.msk [tilespmem:v28+s18+$0x0], $0xffff  }
0x192: {  	v27 =	vsub.f32 v25, v29;
	v25 =	vsub.f32 v25, v30;
	v6 =	vor.u32 $0x2, v36;
	v26 =	vld [tilespmem:s6+$0x0]  }
0x193: {  	s5 =	sadd.s32 $0x10, s5;
	v29 =	vsub.f32 v24, v31;
	v9 =	vor.u32 $0x1, v36;
	v28 =	vsub.f32 v23, v33;
	v20 =	vld.idx.msk [tilespmem:v20+s18+$0x0], $0xffff  }
0x194: {  	v31 =	vmul.f32 v12, v12;
	v12 =	vsub.f32 v35, v37;
	v16 =	vsub.f32 v35, v16;
	v30 =	vld [tilespmem:s5+$0x0]  }
0x195: {  	s7 =	sadd.s32 $0x10, s7;
	v14 =	vmul.f32 v14, v14;
	v13 =	vmul.f32 v13, v13;
	v35 =	vsub.f32 v34, v40;
	v33 =	vld.idx.msk [tilespmem:v41+s1+$0x0], $0xffff  }
0x196: {  	v12 =	vmul.f32 v12, v12;
	v16 =	vmul.f32 v16, v16;
	v34 =	vsub.f32 v34, v11;
	v37 =	vld [tilespmem:s7+$0x0]  }
0x197: {  	v43 =	vmul.f32 v15, v15;
	v15 =	vmul.f32 v35, v35;
	v17 =	vsub.f32 v23, v17;
	v40 =	vld.idx.msk [tilespmem:v41+s20+$0x0], $0xffff  }
0x198: {  	v14 =	vadd.f32 v12, v14;
	v13 =	vadd.f32 v16, v13;
	v16 =	vmul.f32 v34, v34;
	v11 =	vld.idx.msk [tilespmem:v32+s9+$0x0], $0xffff  }
0x199: {  	v28 =	vmul.f32 v28, v28;
	v20 =	vsub.f32 v24, v20;
	v24 =	vmul.f32 v18, v18;
	v23 =	vld.idx.msk [tilespmem:v41+s21+$0x0], $0xffff  }
0x19a: {  	v15 =	vadd.f32 v15, v14;
	v17 =	vmul.f32 v17, v17;
	v16 =	vadd.f32 v16, v13;
	v12 =	vld.idx.msk [tilespmem:v36+s13+$0x0], $0xffff  }
0x19b: {  	v21 =	vmul.f32 v21, v21;
	v18 =	vmul.f32 v29, v29;
	v8 =	vsub.f32 v8, v33;
	v13 =	vld.idx.msk [tilespmem:v36+s19+$0x0], $0xffff  }
0x19c: {  	v28 =	vadd.f32 v28, v15;
	v20 =	vmul.f32 v20, v20;
	v17 =	vadd.f32 v17, v16;
	v14 =	vld.idx.msk [tilespmem:v36+s16+$0x0], $0xffff  }
0x19d: {  	v27 =	vmul.f32 v27, v27;
	v29 =	vmul.f32 v19, v19;
	v7 =	vsub.f32 v7, v40;
	v16 =	vld.idx.msk [tilespmem:v36+s18+$0x0], $0xffff  }
0x19e: {  	v25 =	vmul.f32 v25, v25;
	v19 =	vadd.f32 v18, v28;
	v20 =	vadd.f32 v20, v17;
	v15 =	vld.idx.msk [tilespmem:v6+s13+$0x0], $0xffff  }
0x19f: {  	v8 =	vmul.f32 v8, v8;
	v7 =	vmul.f32 v7, v7;
	v5 =	vsub.f32 v5, v23;
	v17 =	vld.idx.msk [tilespmem:v38+s19+$0x0], $0xffff  }
0x1a0: {  	v22 =	vmul.f32 v22, v22;
	v23 =	vadd.f32 v27, v19;
	v20 =	vadd.f32 v25, v20;
	v18 =	vld.idx.msk [tilespmem:v38+s16+$0x0], $0xffff  }
0x1a1: {  	v32 =	vadd.f32 v21, v31;
	v33 =	vadd.f32 v7, v8;
	v28 =	vmul.f32 v5, v5;
	v19 =	vld.idx.msk [tilespmem:v38+s18+$0x0], $0xffff  }
0x1a2: {  	v27 =	vmul.f32 v42, v42;
	v23 =	vadd.f32 v29, v23;
	v25 =	vadd.f32 v22, v20;
	v21 =	vld.idx.msk [tilespmem:v9+s13+$0x0], $0xffff  }
.Ltmp5:
0x1a3: {  	v31 =	vadd.f32 v43, v32;
	v8 =	vmovc v30;
	v29 =	vadd.f32 v28, v33;
	v5 =	vmov v26;
	v22 =	vld.idx.msk [tilespmem:v39+s19+$0x0], $0xffff;
	(pc) =	sbr.rel @p0 .LBB2_13-.Ltmp5, $4  }
0x1a4: {  	v20 =	vor.u32 $0x4, v36;
	v23 =	vadd.f32 v24, v23;
	v7 =	vmovc v37;
	v24 =	vadd.f32 v27, v25;
	v26 =	vld.idx.msk [tilespmem:v39+s16+$0x0], $0xffff  }
0x1a5: {  	v27 =	vld.idx.msk [tilespmem:v39+s18+$0x0], $0xffff  }
0x1a6: {  	v28 =	vor.u32 $0x3, v36;
	v23 =	vsub.f32 v23, v29;
	v24 =	vsub.f32 v24, v31;
	v25 =	vld.idx.msk [tilespmem:v10+s19+$0x0], $0xffff  }
0x1a7: {  	s3 =	sadd.s32 $0x2, s3;
	v29 =	vld.idx.msk [tilespmem:v10+s16+$0x0], $0xffff  }
0x1a8: {  	_ =	sdelay $0x3  }
0x1a9: {  	v30 =	vld.idx.msk [tilespmem:v20+s19+$0x0], $0xffff  }
0x1aa: {  	v32 =	vld.idx.msk [tilespmem:v28+s19+$0x0], $0xffff  }
0x1ab: {  	v33 =	vld.idx.msk [tilespmem:v28+s16+$0x0], $0xffff  }
0x1ac: {  	v34 =	vld.idx.msk [tilespmem:v6+s19+$0x0], $0xffff  }
0x1ad: {  	v35 =	vld.idx.msk [tilespmem:v9+s19+$0x0], $0xffff  }
0x1ae: {  	v14 =	vsub.f32 v13, v14;
	v62 =	vld.idx.msk [tilespmem:v9+s16+$0x0], $0xffff  }
0x1af: {  	v61 =	vsub.f32 v13, v16;
	v18 =	vsub.f32 v17, v18;
	v36 =	vld.idx.msk [tilespmem:v9+s18+$0x0], $0xffff  }
0x1b0: {  	v63 =	vsub.f32 v17, v19;
	v12 =	vsub.f32 v8, v12;
	v39 =	vld.idx.msk [tilespmem:v6+s16+$0x0], $0xffff  }
0x1b1: {  	v15 =	vsub.f32 v5, v15;
	v11 =	vand.u32 $0x3FFF, v11;
	v21 =	vsub.f32 v7, v21;
	v6 =	vld.idx.msk [tilespmem:v6+s18+$0x0], $0xffff  }
0x1b2: {  	v40 =	vld.idx.msk [tilespmem:v28+s18+$0x0], $0xffff;
	v37 =	vsub.f32 v22, v26;
	v12 =	vmul.f32 v12, v12;
	v14 =	vmul.f32 v14, v14  }
0x1b3: {  	v31 =	vld.idx.msk [tilespmem:v20+s16+$0x0], $0xffff;
	v38 =	vsub.f32 v22, v27;
	v13 =	vmul.f32 v61, v61;
	v15 =	vmul.f32 v15, v15  }
0x1b4: {  	v44 =	vld.idx.msk [tilespmem:v20+s18+$0x0], $0xffff;
	v18 =	vmul.f32 v18, v18;
	v16 =	vsub.f32 v35, v62;
	v9 =	vsub.f32 v35, v36  }
0x1b5: {  	v51 =	vmul.f32 v21, v21;
	v55 =	vmul.f32 v37, v37;
	v26 =	vsub.f32 v34, v39  }
0x1b6: {  	v10 =	vld.idx.msk [tilespmem:v10+s18+$0x0], $0xffff;
	v6 =	vsub.f32 v34, v6;
	v16 =	vmul.f32 v16, v16;
	v9 =	vmul.f32 v9, v9  }
0x1b7: {  	v42 =	vsub.f32 v32, v33;
	v45 =	vld.idx.msk [tilespmem:v11+s1+$0x0], $0xffff;
	v27 =	vsub.f32 v32, v40;
	v26 =	vmul.f32 v26, v26  }
0x1b8: {  	v46 =	vld.idx.msk [tilespmem:v11+s20+$0x0], $0xffff;
	v6 =	vmul.f32 v6, v6;
	v14 =	vadd.f32 v16, v14;
	v9 =	vadd.f32 v9, v13  }
0x1b9: {  	v43 =	vsub.f32 v30, v31;
	v48 =	vsub.f32 v30, v44;
	v47 =	vmul.f32 v42, v42  }
0x1ba: {  	v11 =	vld.idx.msk [tilespmem:v11+s21+$0x0], $0xffff;
	v49 =	vmul.f32 v27, v27;
	v14 =	vadd.f32 v26, v14;
	v6 =	vadd.f32 v6, v9  }
0x1bb: {  	v41 =	vsub.f32 v25, v29;
	v10 =	vsub.f32 v25, v10;
	v52 =	vmul.f32 v43, v43  }
0x1bc: {  	v53 =	vmul.f32 v48, v48;
	v13 =	vadd.f32 v47, v14;
	v6 =	vadd.f32 v49, v6  }
0x1bd: {  	v54 =	vmul.f32 v41, v41;
	v50 =	vsub.f32 v8, v45;
	v7 =	vsub.f32 v7, v46  }
0x1be: {  	v56 =	vmul.f32 v10, v10;
	v13 =	vadd.f32 v52, v13;
	v6 =	vadd.f32 v53, v6  }
0x1bf: {  	v5 =	vsub.f32 v5, v11;
	v8 =	vmul.f32 v50, v50;
	v7 =	vmul.f32 v7, v7  }
0x1c0: {  	v58 =	vmul.f32 v38, v38;
	v57 =	vadd.f32 v54, v13;
	v6 =	vadd.f32 v56, v6  }
0x1c1: {  	v59 =	vadd.f32 v51, v12;
	v5 =	vmul.f32 v5, v5;
	v7 =	vadd.f32 v7, v8  }
0x1c2: {  	v60 =	vmul.f32 v63, v63;
	v10 =	vadd.f32 v55, v57;
	v6 =	vadd.f32 v58, v6  }
0x1c3: {  	v5 =	vadd.f32 v5, v7;
	v7 =	vadd.f32 v15, v59  }
0x1c4: {  	v61 =	vadd.f32 v18, v10;
	v6 =	vadd.f32 v60, v6  }
0x1c5: {  	v63 =	vmul.f32 v24, v24  }
0x1c6: {  	s12 =	sadd.s32 $0x1, s12;
	v62 =	vmul.f32 v23, v23;
	v5 =	vsub.f32 v61, v5;
	v6 =	vsub.f32 v6, v7  }
0x1c7: {  	p0 =	sne.s32 s12, $0x10  }
.Ltmp6:
0x1c8: {  	v7 =	vadd.f32 v63, v62;
	v5 =	vmul.f32 v5, v5;
	v6 =	vmul.f32 v6, v6;
	(pc) =	sbr.rel @p0 .LBB2_4-.Ltmp6, $3  }
0x1c9: {  	_ = 	snop  }
0x1ca: {  	v4 =	vadd.f32 v7, v4;
	v5 =	vadd.f32 v6, v5;
	_ =	sdelay $0x1  }
0x1cb: {  	s17 =	sadd.s32 $0x1, s17;
	s15 =	sadd.s32 $0x2, s15;
	v4 =	vadd.f32 v5, v4  }
0x1cc: {  	_ = 	snop  }
0x1cd: {  	s3 =	rddreg [dreg:$0x10];
	s4 =	simm.s32 $0x1E800;
	[tilespmem:$0x1E800] =	vst v4  }
0x1ce: {  	[hbm4b:s3+s1] =	stream.linear.scatter [tilespmem:s4], [sflag:$0x5], $0x10, $0x38;
	[tilespmem:$0x1E810] =	vst v63  }
0x1cf: {  	s4 =	simm.s32 $0x5  }
0x1d0: {  	_ =	swait.ge [sflag:s4], $0x10  }
0x1d1: {  	s5 =	rddreg [dreg:$0x12]  }
0x1d2: {  	s29 =	rddreg [dreg:$0x11];
	s5 =	sadd.s32 $0x1, s5  }
0x1d3: {  	p0 =	sne.s32 s5, s29  }
.Ltmp7:
0x1d4: {  	_ = 	snop;
	(pc) =	sbr.rel @p0 .LBB2_1-.Ltmp7, $3  }
0x1d5: {  	_ =	sdelay $0x1  }
0x1d6: {  	[sflag:s4] =	ssyncset.done $0x0  }
0x1d7: {  	[sflag:s4] =	ssyncadd.s32 $0xFFFFFFF0  }
0x1d8: {  	_ =	sfence.sel $0x180000  }
0x1d9: {  	[bflag:$0x0] =	sbarrier.arrive $0xFFFF  }
0x1da: {  	_ =	strace $0x9000004A  }
0x1db: {  	s0 =	stileid.u32;
	[bflag:$0x2] =	sbarrier.arrive $0xFFFF  }
0x1dc: {  	p0 =	sne.s32 s0, $0x0;
	s0 =	rddreg [dreg:$0x1]  }
0x1dd: {  	s0 =	sadd.s32 @!p0 $0x100000, s0  }
0x1de: {  	[sflag:s0] =	ssyncadd.tile.s32 @!p0 $0x1;
	_ =	shalt  }
.Lfunc_end2:
_tile_overlayer_lowered:
.L_overlay_start_2:
0x1df: {  	(tag) =	ssettag $0x2  }
0x1e0: {  	s0 =	rddreg [dreg:$0x0];
	s2 =	stileid.u32  }
0x1e1: {  	s1 =	rddreg [dreg:$0x1];
	p0 =	sne.s32 s2, $0x0  }
0x1e2: {  	s3 =	rddreg [dreg:$0x2];
	[bflag:$0x3] =	sbarrier.arrive $0xFFFF;
	s2 =	simm.s32 @!p0 $0x1C05  }
0x1e3: {  	[timem:s3], [sflag:s2] =	dma.local @!p0 [hbm:s0], s1  }
0x1e4: {  	s0 =	simm.s32 @!p0 $0x5  }
0x1e5: {  	_ =	swait.ge @!p0 [sflag:s0], s1  }
0x1e6: {  	s1 =	ssub.s32 @!p0 $0x0, s1;
	[sflag:s0] =	ssyncset.done @!p0 $0x0  }
0x1e7: {  	[sflag:s0] =	ssyncadd.s32 @!p0 s1  }
0x1e8: {  	[bflag:$0x3] =	sbarrier.arrive $0xFFFF  }
0x1e9: {  	_ =	shalt  }

</sc_bundles>
